<compile_context>
chip_gen: v7x
topology: tpu7x:2x2x1
jax: 0.10.2.dev20260603
libtpu: 0.0.44.dev20260713+nightly
codegen_flags: <defaults>
</compile_context>

<pallas_src>
import functools

import jax
import jax.numpy as jnp
from jax import lax
from jax.experimental import pallas as pl
from jax.experimental.pallas import tpu as pltpu
from jax.experimental.pallas import tpu_sc as plsc

_f32 = jnp.float32

_N = 15135
_BS = 4
_H = 32
_NP = 15360
_E = 242160
_P = 150000
_NCMT = 1387
_CP = 1408

_NC, _NS = 2, 16
_C = 128
_ECH = -(-_E // (_NC * _NS * _C))
_EW = _ECH * _C
_EP = _EW * _NC * _NS
_PCH = -(-_P // (_NC * _NS * _C))
_PW = _PCH * _C
_PP = _PW * _NC * _NS
_RZ = _NP // _NS
_CZ = _CP // _NS

_mesh = plsc.VectorSubcoreMesh(core_axis_name="c", subcore_axis_name="s")



@functools.partial(
    pl.kernel, mesh=_mesh,
    compiler_params=pltpu.CompilerParams(use_tc_tiling_on_sc=False),
    out_type=jax.ShapeDtypeStruct((_NC, _NS, _RZ), _f32),
    scratch_types=[
        pltpu.VMEM((_C,), jnp.int32),
        pltpu.VMEM((_C,), _f32),
        pltpu.VMEM((_RZ,), _f32),
        pltpu.VMEM_SHARED((_NP,), _f32),
        pltpu.SemaphoreType.DMA,
    ],
)
def _deg_sc(dstp, zflat, oflat, out, idx_d, ones_v, zb1, accd, sem):
    c = lax.axis_index("c")
    s = lax.axis_index("s")
    w = c * _NS + s
    pltpu.sync_copy(zflat, zb1)
    pltpu.sync_copy(oflat, ones_v)
    pltpu.sync_copy(zb1, accd.at[pl.ds(s * _RZ, _RZ)])
    plsc.subcore_barrier()

    @pl.loop(0, _ECH)
    def _(j):
        b = w * _EW + j * _C
        pltpu.sync_copy(dstp.at[pl.ds(b, _C)], idx_d)
        pltpu.sync_copy(ones_v, accd.at[idx_d], add=True)

    plsc.subcore_barrier()
    pltpu.sync_copy(accd.at[pl.ds(s * _RZ, _RZ)], out.at[c, s])


@functools.partial(
    pl.kernel, mesh=_mesh,
    compiler_params=pltpu.CompilerParams(use_tc_tiling_on_sc=False),
    out_type=[jax.ShapeDtypeStruct((_NC, _NS, _RZ, 64), _f32),
              jax.ShapeDtypeStruct((_NC, _NS, _RZ, 64), _f32)],
    scratch_types=[
        pltpu.VMEM((_C,), jnp.int32),
        pltpu.VMEM((_C,), jnp.int32),
        pltpu.VMEM((_C,), jnp.int32),
        pltpu.VMEM((_C,), jnp.int32),
        pltpu.VMEM((_C, 64), _f32),
        pltpu.VMEM((_C, 64), _f32),
        pltpu.VMEM((32, 64), _f32),
        pltpu.VMEM_SHARED((_NP, 64), _f32),
        pltpu.SemaphoreType.DMA,
        pltpu.SemaphoreType.DMA,
    ],
)
def _spmm_sc(ta, tb, srcp, dstp, zsmall, outa, outb,
             s0, d0, s1, d1, rows0, rows1, zb, acc, semg0, semg1):
    c = lax.axis_index("c")
    s = lax.axis_index("s")
    w = c * _NS + s
    base0 = w * _EW
    pltpu.sync_copy(zsmall, zb)

    def load_idx(j, is_, id_):
        b = base0 + j * _C
        pltpu.sync_copy(srcp.at[pl.ds(b, _C)], is_)
        pltpu.sync_copy(dstp.at[pl.ds(b, _C)], id_)

    half = _ECH // 2
    for table, out in ((ta, outa), (tb, outb)):
        @pl.loop(0, _RZ // 32)
        def _(i):
            pltpu.sync_copy(zb, acc.at[pl.ds(s * _RZ + i * 32, 32)])

        plsc.subcore_barrier()

        load_idx(0, s0, d0)
        pltpu.async_copy(table.at[s0], rows0, semg0)

        @pl.loop(0, half)
        def _(g):
            load_idx(2 * g + 1, s1, d1)
            pltpu.async_copy(table.at[s1], rows1, semg1)
            pltpu.make_async_copy(table.at[s0], rows0, semg0).wait()
            pltpu.sync_copy(rows0, acc.at[d0], add=True)

            @pl.when(g < half - 1)
            def _():
                load_idx(2 * g + 2, s0, d0)
                pltpu.async_copy(table.at[s0], rows0, semg0)

            pltpu.make_async_copy(table.at[s1], rows1, semg1).wait()
            pltpu.sync_copy(rows1, acc.at[d1], add=True)

        plsc.subcore_barrier()
        pltpu.sync_copy(acc.at[pl.ds(s * _RZ, _RZ)], out.at[c, s])


@functools.partial(
    pl.kernel, mesh=_mesh,
    compiler_params=pltpu.CompilerParams(use_tc_tiling_on_sc=False),
    out_type=jax.ShapeDtypeStruct((_NC, _NS, _CZ, 8), _f32),
    scratch_types=[
        pltpu.VMEM((_C,), jnp.int32),
        pltpu.VMEM((_C,), jnp.int32),
        pltpu.VMEM((_C, 8), _f32),
        pltpu.VMEM((_CZ, 8), _f32),
        pltpu.VMEM_SHARED((_CP, 8), _f32),
        pltpu.SemaphoreType.DMA,
    ],
)
def _pool_sc(y, rowp, colp, zpool, out, idx_r, idx_c, rows, zbp, accp, sem):
    c = lax.axis_index("c")
    s = lax.axis_index("s")
    w = c * _NS + s
    pltpu.sync_copy(zpool, zbp)
    pltpu.sync_copy(zbp, accp.at[pl.ds(s * _CZ, _CZ)])
    plsc.subcore_barrier()

    @pl.loop(0, _PCH)
    def _(j):
        b = w * _PW + j * _C
        pltpu.sync_copy(rowp.at[pl.ds(b, _C)], idx_r)
        pltpu.sync_copy(colp.at[pl.ds(b, _C)], idx_c)
        pltpu.async_copy(y.at[idx_r], rows, sem).wait()
        pltpu.sync_copy(rows, accp.at[idx_c], add=True)

    plsc.subcore_barrier()
    pltpu.sync_copy(accp.at[pl.ds(s * _CZ, _CZ)], out.at[c, s])



def _prep1(xtp, w1b, dega, degb):
    def body(x_ref, w_ref, da, db, o_ref):
        inv = lax.rsqrt(1.0 + da[...] + db[...])
        o_ref[...] = inv * jnp.dot(x_ref[...], w_ref[...],
                                   preferred_element_type=_f32)

    return pl.pallas_call(
        body,
        grid=(_NP // 128,),
        in_specs=[
            pl.BlockSpec((128, _BS * 16), lambda i: (i, 0)),
            pl.BlockSpec((_BS * 16, 128), lambda i: (0, 0)),
            pl.BlockSpec((128, 1), lambda i: (i, 0)),
            pl.BlockSpec((128, 1), lambda i: (i, 0)),
        ],
        out_specs=pl.BlockSpec((128, 128), lambda i: (i, 0)),
        out_shape=jax.ShapeDtypeStruct((_NP, 128), _f32),
    )(xtp, w1b, dega, degb)


def _prep23(acca, accb, msgp, dega, degb, wbig, btile):
    def body(aa, ab, mp, da, db, w_ref, b_ref, o_msg, o_xr):
        inv = lax.rsqrt(1.0 + da[...] + db[...])
        xr = jnp.maximum(inv * (aa[...] + ab[...] + mp[...]) + b_ref[...], 0.0)
        o_xr[...] = xr
        o_msg[...] = inv * jnp.dot(xr, w_ref[...], preferred_element_type=_f32)

    blk = pl.BlockSpec((128, 128), lambda i: (i, 0))
    return pl.pallas_call(
        body,
        grid=(_NP // 128,),
        in_specs=[
            blk, blk, blk,
            pl.BlockSpec((128, 1), lambda i: (i, 0)),
            pl.BlockSpec((128, 1), lambda i: (i, 0)),
            pl.BlockSpec((128, 128), lambda i: (0, 0)),
            pl.BlockSpec((1, 128), lambda i: (0, 0)),
        ],
        out_specs=[blk, blk],
        out_shape=[jax.ShapeDtypeStruct((_NP, 128), _f32),
                   jax.ShapeDtypeStruct((_NP, 128), _f32)],
    )(acca, accb, msgp, dega, degb, wbig, btile)


def _ykern(acca, accb, msg3, dega, degb, b3t, xr1, xr2, f1, f2, f3):
    def body(aa, ab, m3, da, db, b3, x1, x2, f1r, f2r, f3r, o_ref):
        i = pl.program_id(0)
        inv = lax.rsqrt(1.0 + da[...] + db[...])
        xr3 = jnp.maximum(inv * (aa[...] + ab[...] + m3[...]) + b3[...], 0.0)
        y = (jnp.dot(x1[...], f1r[...], preferred_element_type=_f32)
             + jnp.dot(x2[...], f2r[...], preferred_element_type=_f32)
             + jnp.dot(xr3, f3r[...], preferred_element_type=_f32))
        rowid = i * 128 + lax.broadcasted_iota(jnp.int32, (128, 8), 0)
        colid = lax.broadcasted_iota(jnp.int32, (128, 8), 1)
        o_ref[...] = y + jnp.where((rowid < _N) & (colid == 4), 1.0, 0.0)

    blk = pl.BlockSpec((128, 128), lambda i: (i, 0))
    fblk = pl.BlockSpec((128, 8), lambda i: (0, 0))
    return pl.pallas_call(
        body,
        grid=(_NP // 128,),
        in_specs=[
            blk, blk, blk,
            pl.BlockSpec((128, 1), lambda i: (i, 0)),
            pl.BlockSpec((128, 1), lambda i: (i, 0)),
            pl.BlockSpec((1, 128), lambda i: (0, 0)),
            blk, blk, fblk, fblk, fblk,
        ],
        out_specs=pl.BlockSpec((128, 8), lambda i: (i, 0)),
        out_shape=jax.ShapeDtypeStruct((_NP, 8), _f32),
    )(acca, accb, msg3, dega, degb, b3t, xr1, xr2, f1, f2, f3)


def _head(pa, pb, lin1p, l1b, l2w, l2b, fcb):
    def body(pa_r, pb_r, w1_r, b1_r, w2_r, b2_r, fb_r, o_ref):
        ps = pa_r[...] + pb_r[...]
        colid = lax.broadcasted_iota(jnp.int32, (_CP, 8), 1)
        is_cnt = (colid == 4).astype(_f32)
        cnt = jnp.maximum(jnp.sum(ps * is_cnt, axis=1, keepdims=True), 1.0)
        h = ps / cnt + fb_r[0, 0]
        z = lax.dot_general(h, w1_r[...], (((0,), (0,)), ((), ())),
                            preferred_element_type=_f32)
        z = jnp.maximum(z[0:_BS, :] + b1_r[...], 0.0)
        lg = jnp.dot(z, w2_r[...], preferred_element_type=_f32) + b2_r[...]
        m = jnp.max(lg, axis=1, keepdims=True)
        e = jnp.exp(lg - m)
        o_ref[...] = (lg - m) - jnp.log(jnp.sum(e, axis=1, keepdims=True))

    return pl.pallas_call(
        body,
        out_shape=jax.ShapeDtypeStruct((_BS, 2), _f32),
    )(pa, pb, lin1p, l1b, l2w, l2b, fcb)



def kernel(x, batch, edge_index, row, col, W1, b1, W2, b2, W3, b3,
           fc_w, fc_b, lin1_w, lin1_b, lin2_w, lin2_b):
    eye = jnp.eye(_BS, dtype=_f32)

    xt = jnp.transpose(x, (1, 0, 2)).reshape(_N, _BS * 16)
    xtp = jnp.pad(xt, ((0, _NP - _N), (0, 0)))

    srcp = jnp.pad(edge_index[0], (0, _EP - _E), constant_values=_N)
    dstp = jnp.pad(edge_index[1], (0, _EP - _E), constant_values=_N)
    rowp = jnp.pad(row, (0, _PP - _P), constant_values=_N)
    colp = jnp.pad(col, (0, _PP - _P), constant_values=_NCMT)

    w1b = jnp.kron(eye, W1)
    w2b = jnp.kron(eye, W2)
    w3b = jnp.kron(eye, W3)
    b1t = jnp.tile(b1, _BS)[None, :]
    b2t = jnp.tile(b2, _BS)[None, :]
    b3t = jnp.tile(b3, _BS)[None, :]
    fc3 = fc_w[:, 0].reshape(_H, 3)
    f1, f2, f3 = (jnp.pad(jnp.kron(eye, fc3[:, l:l + 1]), ((0, 0), (0, 4)))
                  for l in range(3))
    lin1p = jnp.pad(lin1_w, ((0, _CP - _NCMT), (0, 0)))

    zsmall = jnp.zeros((32, 64), _f32)
    zflat = jnp.zeros((_RZ,), _f32)
    oflat = jnp.ones((_C,), _f32)
    zpool = jnp.zeros((_CZ, 8), _f32)

    deg = _deg_sc(dstp, zflat, oflat)
    dega = deg[0].reshape(_NP, 1)
    degb = deg[1].reshape(_NP, 1)

    def spmm(msg):
        oa, ob = _spmm_sc(msg[:, :64], msg[:, 64:], srcp, dstp, zsmall)
        return [jnp.concatenate([oa[k].reshape(_NP, 64),
                                 ob[k].reshape(_NP, 64)], axis=1)
                for k in range(_NC)]

    msg1 = _prep1(xtp, w1b, dega, degb)
    a1 = spmm(msg1)
    msg2, xr1 = _prep23(a1[0], a1[1], msg1, dega, degb, w2b, b1t)
    a2 = spmm(msg2)
    msg3, xr2 = _prep23(a2[0], a2[1], msg2, dega, degb, w3b, b2t)
    a3 = spmm(msg3)
    y = _ykern(a3[0], a3[1], msg3, dega, degb, b3t, xr1, xr2,
               f1, f2, f3)
    pool = _pool_sc(y, rowp, colp, zpool)
    return _head(pool[0].reshape(_CP, 8), pool[1].reshape(_CP, 8),
                 lin1p, lin1_b[None, :], lin2_w, lin2_b[None, :],
                 fc_b.reshape(1, 1))

# --- scband reference (transcript-rebuilt; emitter-appended) ---
"""Pipeline reference for scband-gcnmodel-wpathways-89541478187036 (READ-ONLY COPY).

The authoritative reference and input builder live on the scoring server;
editing this copy changes nothing except your own understanding.
"""

import jax, jax.numpy as jnp
import numpy as np

N = 15135
BS = 4
F_IN = 16
H = 32
L = 3
E = 242160
P = 150000
N_CMT = 1387
H_FC = 128
N_CLS = 2


def setup_inputs(seed: int = 0) -> dict:
    key = jax.random.key(seed)
    ks = jax.random.split(key, 16)
    x = jax.random.normal(ks[0], (BS, N, F_IN), dtype=jnp.float32)
    batch = jnp.arange(BS, dtype=jnp.int32)
    edge_index = jax.random.randint(ks[1], (2, E), 0, N, dtype=jnp.int32)
    row = jax.random.randint(ks[2], (P,), 0, N, dtype=jnp.int32)
    col = jax.random.randint(ks[3], (P,), 0, N_CMT, dtype=jnp.int32)
    s = 0.1
    W1 = jax.random.normal(ks[4], (F_IN, H), dtype=jnp.float32) * s
    b1 = jnp.zeros((H,), jnp.float32)
    W2 = jax.random.normal(ks[5], (H, H), dtype=jnp.float32) * s
    b2 = jnp.zeros((H,), jnp.float32)
    W3 = jax.random.normal(ks[6], (H, H), dtype=jnp.float32) * s
    b3 = jnp.zeros((H,), jnp.float32)
    fc_w = jax.random.normal(ks[7], (L * H, 1), dtype=jnp.float32) * s
    fc_b = jnp.zeros((1,), jnp.float32)
    lin1_w = jax.random.normal(ks[8], (N_CMT, H_FC), dtype=jnp.float32) * s
    lin1_b = jnp.zeros((H_FC,), jnp.float32)
    lin2_w = jax.random.normal(ks[9], (H_FC, N_CLS), dtype=jnp.float32) * s
    lin2_b = jnp.zeros((N_CLS,), jnp.float32)
    return {"x": x, "batch": batch, "edge_index": edge_index, "row": row, "col": col,
            "W1": W1, "b1": b1, "W2": W2, "b2": b2, "W3": W3, "b3": b3,
            "fc_w": fc_w, "fc_b": fc_b, "lin1_w": lin1_w, "lin1_b": lin1_b,
            "lin2_w": lin2_w, "lin2_b": lin2_b}


def _gcn_conv(x, src, dst, w_norm, W, b):
    # x: [BS, N, F_in]; symmetric-normalized GCN conv with self loops already in src/dst
    xW = jnp.einsum('bnf,fh->bnh', x, W)
    msg = xW[:, src, :] * w_norm[None, :, None]
    out = jnp.zeros((x.shape[0], N, W.shape[1]), x.dtype).at[:, dst, :].add(msg)
    return out + b[None, None, :]


def _forward(x, edge_index, row, col, W1, b1, W2, b2, W3, b3, fc_w, fc_b, lin1_w, lin1_b, lin2_w, lin2_b):
    loop = jnp.arange(N, dtype=edge_index.dtype)
    src = jnp.concatenate([edge_index[0], loop])
    dst = jnp.concatenate([edge_index[1], loop])
    deg = jnp.zeros((N,), x.dtype).at[dst].add(1.0)
    inv_sqrt = jax.lax.rsqrt(deg)
    w_norm = inv_sqrt[src] * inv_sqrt[dst]
    x1 = jax.nn.relu(_gcn_conv(x, src, dst, w_norm, W1, b1))
    x2 = jax.nn.relu(_gcn_conv(x1, src, dst, w_norm, W2, b2))
    x3 = jax.nn.relu(_gcn_conv(x2, src, dst, w_norm, W3, b3))
    # mode == 'cat': torch.stack(xs, -1).view(bs, num_nodes, -1)
    xc = jnp.stack([x1, x2, x3], axis=-1).reshape(x.shape[0], N, H * L)
    # transpose to [N, BS, D], gather genes by pathway membership, scatter_mean into pathways
    xt = jnp.transpose(xc, (1, 0, 2))
    g = xt[row]
    sums = jnp.zeros((N_CMT, xt.shape[1], xt.shape[2]), x.dtype).at[col].add(g)
    cnt = jnp.zeros((N_CMT,), x.dtype).at[col].add(1.0)
    mean = sums / jnp.clip(cnt, 1.0, None)[:, None, None]
    h = jnp.transpose(mean, (1, 0, 2)).reshape(-1, H * L)
    h = (h @ fc_w + fc_b).reshape(-1, N_CMT)
    # dropout layers are identity in eval mode (training=False)
    h = jax.nn.relu(h @ lin1_w + lin1_b)
    logits = h @ lin2_w + lin2_b
    return jax.nn.log_softmax(logits, axis=-1)


def reference(x, batch, edge_index, row, col, W1, b1, W2, b2, W3, b3, fc_w, fc_b, lin1_w, lin1_b, lin2_w, lin2_b):
    # `batch` is accepted but unused, matching the torch forward signature
    return _forward(x, edge_index, row, col, W1, b1, W2, b2, W3, b3, fc_w, fc_b, lin1_w, lin1_b, lin2_w, lin2_b)

if __name__ == "__main__":
    import jax
    _d = setup_inputs()
    print(jax.jit(kernel)(*tuple(_d.values())))

</pallas_src>

<mosaic_0001>
#map = affine_map<(d0, d1) -> (0)>
#map1 = affine_map<(d0, d1) -> (0, 0, 0)>
module attributes {stable_mosaic.version = 14 : i64} {
  func.func @_deg_sc(%arg0: i32, %arg1: i32, %arg2: memref<245760xi32, #tpu.memory_space<hbm>>, %arg3: memref<960xf32, #tpu.memory_space<hbm>>, %arg4: memref<128xf32, #tpu.memory_space<hbm>>, %arg5: memref<2x16x960xf32, #tpu.memory_space<hbm>>, %arg6: memref<128xi32, #tpu.memory_space<vmem>>, %arg7: memref<128xf32, #tpu.memory_space<vmem>>, %arg8: memref<960xf32, #tpu.memory_space<vmem>>, %arg9: memref<15360xf32, #tpu.memory_space<vmem_shared>>, %arg10: memref<!tpu.dma_semaphore, #tpu.memory_space<semaphore_mem>>) attributes {dimension_semantics = [#tpu.dimension_semantics<core_parallel>, #tpu.dimension_semantics<subcore_parallel>], iteration_bounds = array<i64: 2, 16>, scalar_prefetch = 0 : i64, scratch_operands = 5 : i64, tpu.core_type = #tpu.core_type<sc_vector_subcore>, window_params = [{transform_indices = #map}, {transform_indices = #map}, {transform_indices = #map}, {transform_indices = #map1}]} {
    %mul3A = arith.constant 16 : i32
    %mul3A_0 = arith.muli %arg0, %mul3A : i32
    %add3A = arith.addi %mul3A_0, %arg1 : i32
    "tpu.region"() ({
      %run_scoped3A = tpu.sem_alloc : memref<!tpu.dma_semaphore, #tpu.memory_space<semaphore_mem>>
      tpu.enqueue_dma source(%arg3 : memref<960xf32, #tpu.memory_space<hbm>>) target(%arg8 : memref<960xf32, #tpu.memory_space<vmem>>) target_semaphore(%run_scoped3A : memref<!tpu.dma_semaphore, #tpu.memory_space<semaphore_mem>>)
      tpu.wait_dma2 semaphore(%run_scoped3A : memref<!tpu.dma_semaphore, #tpu.memory_space<semaphore_mem>>) src(%arg3 : memref<960xf32, #tpu.memory_space<hbm>>) dst(%arg8 : memref<960xf32, #tpu.memory_space<vmem>>)
      tpu.yield
    }) : () -> ()
    "tpu.region"() ({
      %run_scoped3A = tpu.sem_alloc : memref<!tpu.dma_semaphore, #tpu.memory_space<semaphore_mem>>
      tpu.enqueue_dma source(%arg4 : memref<128xf32, #tpu.memory_space<hbm>>) target(%arg7 : memref<128xf32, #tpu.memory_space<vmem>>) target_semaphore(%run_scoped3A : memref<!tpu.dma_semaphore, #tpu.memory_space<semaphore_mem>>)
      tpu.wait_dma2 semaphore(%run_scoped3A : memref<!tpu.dma_semaphore, #tpu.memory_space<semaphore_mem>>) src(%arg4 : memref<128xf32, #tpu.memory_space<hbm>>) dst(%arg7 : memref<128xf32, #tpu.memory_space<vmem>>)
      tpu.yield
    }) : () -> ()
    %mul3A_1 = arith.constant 960 : i32
    %mul3A_2 = arith.muli %arg1, %mul3A_1 : i32
    "tpu.region"() ({
      %run_scoped3A = tpu.sem_alloc : memref<!tpu.dma_semaphore, #tpu.memory_space<semaphore_mem>>
      %dma_start3A = tpu.memref_slice %arg9[%mul3A_2] : memref<15360xf32, #tpu.memory_space<vmem_shared>> -> memref<960xf32, #tpu.memory_space<vmem_shared>>
      %dma_start3A_10 = tpu.memref_slice %arg9[%mul3A_2] : memref<15360xf32, #tpu.memory_space<vmem_shared>> -> memref<960xf32, #tpu.memory_space<vmem_shared>>
      tpu.enqueue_dma source(%arg8 : memref<960xf32, #tpu.memory_space<vmem>>) target(%dma_start3A_10 : memref<960xf32, #tpu.memory_space<vmem_shared>>) target_semaphore(%run_scoped3A : memref<!tpu.dma_semaphore, #tpu.memory_space<semaphore_mem>>)
      %dma_wait3A = tpu.memref_slice %arg9[%mul3A_2] : memref<15360xf32, #tpu.memory_space<vmem_shared>> -> memref<960xf32, #tpu.memory_space<vmem_shared>>
      %dma_wait3A_11 = tpu.memref_slice %arg9[%mul3A_2] : memref<15360xf32, #tpu.memory_space<vmem_shared>> -> memref<960xf32, #tpu.memory_space<vmem_shared>>
      tpu.wait_dma2 semaphore(%run_scoped3A : memref<!tpu.dma_semaphore, #tpu.memory_space<semaphore_mem>>) src(%arg8 : memref<960xf32, #tpu.memory_space<vmem>>) dst(%dma_wait3A_11 : memref<960xf32, #tpu.memory_space<vmem_shared>>)
      tpu.yield
    }) : () -> ()
    %barrier3A = arith.constant 0 : index
    tpu.barrier barrier_id(%barrier3A)
    %scan3A = arith.constant 0 : i32
    %scan3A_3 = arith.constant 60 : i32
    %scan3A_4 = arith.addi %scan3A, %scan3A_3 : i32
    %scan3A_5 = arith.constant 1 : i32
    scf.for %scan3A_10 = %scan3A to %scan3A_4 step %scan3A_5  : i32 {
      %mul3A_11 = arith.constant 1 : i32
      %mul3A_12 = arith.muli %scan3A_10, %mul3A_11 : i32
      %add3A_13 = arith.constant 0 : i32
      %add3A_14 = arith.addi %add3A_13, %mul3A_12 : i32
      %mul3A_15 = arith.constant 7680 : i32
      %mul3A_16 = arith.muli %add3A, %mul3A_15 : i32
      %mul3A_17 = arith.constant 128 : i32
      %mul3A_18 = arith.muli %add3A_14, %mul3A_17 : i32
      %add3A_19 = arith.addi %mul3A_16, %mul3A_18 : i32
      "tpu.region"() ({
        %run_scoped3A = tpu.sem_alloc : memref<!tpu.dma_semaphore, #tpu.memory_space<semaphore_mem>>
        %dma_start3A = tpu.memref_slice %arg2[%add3A_19] : memref<245760xi32, #tpu.memory_space<hbm>> -> memref<128xi32, #tpu.memory_space<hbm>>
        %dma_start3A_20 = tpu.memref_slice %arg2[%add3A_19] : memref<245760xi32, #tpu.memory_space<hbm>> -> memref<128xi32, #tpu.memory_space<hbm>>
        tpu.enqueue_dma source(%dma_start3A_20 : memref<128xi32, #tpu.memory_space<hbm>>) target(%arg6 : memref<128xi32, #tpu.memory_space<vmem>>) target_semaphore(%run_scoped3A : memref<!tpu.dma_semaphore, #tpu.memory_space<semaphore_mem>>)
        %dma_wait3A = tpu.memref_slice %arg2[%add3A_19] : memref<245760xi32, #tpu.memory_space<hbm>> -> memref<128xi32, #tpu.memory_space<hbm>>
        %dma_wait3A_21 = tpu.memref_slice %arg2[%add3A_19] : memref<245760xi32, #tpu.memory_space<hbm>> -> memref<128xi32, #tpu.memory_space<hbm>>
        tpu.wait_dma2 semaphore(%run_scoped3A : memref<!tpu.dma_semaphore, #tpu.memory_space<semaphore_mem>>) src(%dma_wait3A_21 : memref<128xi32, #tpu.memory_space<hbm>>) dst(%arg6 : memref<128xi32, #tpu.memory_space<vmem>>)
        tpu.yield
      }) : () -> ()
      "tpu.region"() ({
        %run_scoped3A = tpu.sem_alloc : memref<!tpu.dma_semaphore, #tpu.memory_space<semaphore_mem>>
        %dma_start3A = arith.constant 0 : i32
        %dma_start3A_20 = tpu.memref_slice %arg9[%dma_start3A] : memref<15360xf32, #tpu.memory_space<vmem_shared>> -> memref<15360xf32, #tpu.memory_space<vmem_shared>>
        tpu.enqueue_indirect_dma source(%arg7 : memref<128xf32, #tpu.memory_space<vmem>>) target(%dma_start3A_20 : memref<15360xf32, #tpu.memory_space<vmem_shared>>) offsets(%arg6 : memref<128xi32, #tpu.memory_space<vmem>>) semaphore(%run_scoped3A : memref<!tpu.dma_semaphore, #tpu.memory_space<semaphore_mem>>) {add = true}
        %dma_wait3A = arith.constant 0 : i32
        %dma_wait3A_21 = tpu.memref_slice %arg9[%dma_wait3A] : memref<15360xf32, #tpu.memory_space<vmem_shared>> -> memref<15360xf32, #tpu.memory_space<vmem_shared>>
        tpu.wait_indirect_dma semaphore(%run_scoped3A : memref<!tpu.dma_semaphore, #tpu.memory_space<semaphore_mem>>) src(%arg7 : memref<128xf32, #tpu.memory_space<vmem>>) dst(%dma_wait3A_21 : memref<15360xf32, #tpu.memory_space<vmem_shared>>)
        tpu.yield
      }) : () -> ()
    }
    %scan3A_6 = arith.constant 60 : i32
    %barrier3A_7 = arith.constant 0 : index
    tpu.barrier barrier_id(%barrier3A_7)
    %mul3A_8 = arith.constant 960 : i32
    %mul3A_9 = arith.muli %arg1, %mul3A_8 : i32
    "tpu.region"() ({
      %run_scoped3A = tpu.sem_alloc : memref<!tpu.dma_semaphore, #tpu.memory_space<semaphore_mem>>
      %dma_start3A = arith.constant 0 : i32
      %dma_start3A_10 = tpu.memref_slice %arg5[%arg0, %arg1, %dma_start3A] : memref<2x16x960xf32, #tpu.memory_space<hbm>> -> memref<1x1x960xf32, #tpu.memory_space<hbm>>
      %dma_start3A_11 = tpu.memref_squeeze %dma_start3A_10 : memref<1x1x960xf32, #tpu.memory_space<hbm>> -> memref<960xf32, #tpu.memory_space<hbm>>
      %dma_start3A_12 = tpu.memref_slice %arg9[%mul3A_9] : memref<15360xf32, #tpu.memory_space<vmem_shared>> -> memref<960xf32, #tpu.memory_space<vmem_shared>>
      tpu.enqueue_dma source(%dma_start3A_12 : memref<960xf32, #tpu.memory_space<vmem_shared>>) target(%dma_start3A_11 : memref<960xf32, #tpu.memory_space<hbm>>) target_semaphore(%run_scoped3A : memref<!tpu.dma_semaphore, #tpu.memory_space<semaphore_mem>>)
      %dma_wait3A = arith.constant 0 : i32
      %dma_wait3A_13 = tpu.memref_slice %arg5[%arg0, %arg1, %dma_wait3A] : memref<2x16x960xf32, #tpu.memory_space<hbm>> -> memref<1x1x960xf32, #tpu.memory_space<hbm>>
      %dma_wait3A_14 = tpu.memref_squeeze %dma_wait3A_13 : memref<1x1x960xf32, #tpu.memory_space<hbm>> -> memref<960xf32, #tpu.memory_space<hbm>>
      %dma_wait3A_15 = tpu.memref_slice %arg9[%mul3A_9] : memref<15360xf32, #tpu.memory_space<vmem_shared>> -> memref<960xf32, #tpu.memory_space<vmem_shared>>
      tpu.wait_dma2 semaphore(%run_scoped3A : memref<!tpu.dma_semaphore, #tpu.memory_space<semaphore_mem>>) src(%dma_wait3A_15 : memref<960xf32, #tpu.memory_space<vmem_shared>>) dst(%dma_wait3A_14 : memref<960xf32, #tpu.memory_space<hbm>>)
      tpu.yield
    }) : () -> ()
    return
  }
}

#map = affine_map<(d0, d1) -> (0, 0)>
#map1 = affine_map<(d0, d1) -> (0)>
#map2 = affine_map<(d0, d1) -> (0, 0, 0, 0)>
module attributes {stable_mosaic.version = 14 : i64} {
  func.func @_spmm_sc(%arg0: i32, %arg1: i32, %arg2: memref<15360x64xf32, #tpu.memory_space<hbm>>, %arg3: memref<15360x64xf32, #tpu.memory_space<hbm>>, %arg4: memref<245760xi32, #tpu.memory_space<hbm>>, %arg5: memref<245760xi32, #tpu.memory_space<hbm>>, %arg6: memref<32x64xf32, #tpu.memory_space<hbm>>, %arg7: memref<2x16x960x64xf32, #tpu.memory_space<hbm>>, %arg8: memref<2x16x960x64xf32, #tpu.memory_space<hbm>>, %arg9: memref<128xi32, #tpu.memory_space<vmem>>, %arg10: memref<128xi32, #tpu.memory_space<vmem>>, %arg11: memref<128xi32, #tpu.memory_space<vmem>>, %arg12: memref<128xi32, #tpu.memory_space<vmem>>, %arg13: memref<128x64xf32, #tpu.memory_space<vmem>>, %arg14: memref<128x64xf32, #tpu.memory_space<vmem>>, %arg15: memref<32x64xf32, #tpu.memory_space<vmem>>, %arg16: memref<15360x64xf32, #tpu.memory_space<vmem_shared>>, %arg17: memref<!tpu.dma_semaphore, #tpu.memory_space<semaphore_mem>>, %arg18: memref<!tpu.dma_semaphore, #tpu.memory_space<semaphore_mem>>) attributes {dimension_semantics = [#tpu.dimension_semantics<core_parallel>, #tpu.dimension_semantics<subcore_parallel>], iteration_bounds = array<i64: 2, 16>, scalar_prefetch = 0 : i64, scratch_operands = 10 : i64, tpu.core_type = #tpu.core_type<sc_vector_subcore>, window_params = [{transform_indices = #map}, {transform_indices = #map}, {transform_indices = #map1}, {transform_indices = #map1}, {transform_indices = #map}, {transform_indices = #map2}, {transform_indices = #map2}]} {
    %mul3A = arith.constant 16 : i32
    %mul3A_0 = arith.muli %arg0, %mul3A : i32
    %add3A = arith.addi %mul3A_0, %arg1 : i32
    %mul3A_1 = arith.constant 7680 : i32
    %mul3A_2 = arith.muli %add3A, %mul3A_1 : i32
    "tpu.region"() ({
      %run_scoped3A = tpu.sem_alloc : memref<!tpu.dma_semaphore, #tpu.memory_space<semaphore_mem>>
      tpu.enqueue_dma source(%arg6 : memref<32x64xf32, #tpu.memory_space<hbm>>) target(%arg15 : memref<32x64xf32, #tpu.memory_space<vmem>>) target_semaphore(%run_scoped3A : memref<!tpu.dma_semaphore, #tpu.memory_space<semaphore_mem>>)
      tpu.wait_dma2 semaphore(%run_scoped3A : memref<!tpu.dma_semaphore, #tpu.memory_space<semaphore_mem>>) src(%arg6 : memref<32x64xf32, #tpu.memory_space<hbm>>) dst(%arg15 : memref<32x64xf32, #tpu.memory_space<vmem>>)
      tpu.yield
    }) : () -> ()
    %scan3A = arith.constant 0 : i32
    %scan3A_3 = arith.constant 30 : i32
    %scan3A_4 = arith.addi %scan3A, %scan3A_3 : i32
    %scan3A_5 = arith.constant 1 : i32
    scf.for %scan3A_38 = %scan3A to %scan3A_4 step %scan3A_5  : i32 {
      %mul3A_39 = arith.constant 1 : i32
      %mul3A_40 = arith.muli %scan3A_38, %mul3A_39 : i32
      %add3A_41 = arith.constant 0 : i32
      %add3A_42 = arith.addi %add3A_41, %mul3A_40 : i32
      %mul3A_43 = arith.constant 960 : i32
      %mul3A_44 = arith.muli %arg1, %mul3A_43 : i32
      %mul3A_45 = arith.constant 32 : i32
      %mul3A_46 = arith.muli %add3A_42, %mul3A_45 : i32
      %add3A_47 = arith.addi %mul3A_44, %mul3A_46 : i32
      "tpu.region"() ({
        %run_scoped3A = tpu.sem_alloc : memref<!tpu.dma_semaphore, #tpu.memory_space<semaphore_mem>>
        %dma_start3A_48 = arith.constant 0 : i32
        %dma_start3A_49 = tpu.memref_slice %arg16[%add3A_47, %dma_start3A_48] : memref<15360x64xf32, #tpu.memory_space<vmem_shared>> -> memref<32x64xf32, #tpu.memory_space<vmem_shared>>
        %dma_start3A_50 = arith.constant 0 : i32
        %dma_start3A_51 = tpu.memref_slice %arg16[%add3A_47, %dma_start3A_50] : memref<15360x64xf32, #tpu.memory_space<vmem_shared>> -> memref<32x64xf32, #tpu.memory_space<vmem_shared>>
        tpu.enqueue_dma source(%arg15 : memref<32x64xf32, #tpu.memory_space<vmem>>) target(%dma_start3A_51 : memref<32x64xf32, #tpu.memory_space<vmem_shared>>) target_semaphore(%run_scoped3A : memref<!tpu.dma_semaphore, #tpu.memory_space<semaphore_mem>>)
        %dma_wait3A = arith.constant 0 : i32
        %dma_wait3A_52 = tpu.memref_slice %arg16[%add3A_47, %dma_wait3A] : memref<15360x64xf32, #tpu.memory_space<vmem_shared>> -> memref<32x64xf32, #tpu.memory_space<vmem_shared>>
        %dma_wait3A_53 = arith.constant 0 : i32
        %dma_wait3A_54 = tpu.memref_slice %arg16[%add3A_47, %dma_wait3A_53] : memref<15360x64xf32, #tpu.memory_space<vmem_shared>> -> memref<32x64xf32, #tpu.memory_space<vmem_shared>>
        tpu.wait_dma2 semaphore(%run_scoped3A : memref<!tpu.dma_semaphore, #tpu.memory_space<semaphore_mem>>) src(%arg15 : memref<32x64xf32, #tpu.memory_space<vmem>>) dst(%dma_wait3A_54 : memref<32x64xf32, #tpu.memory_space<vmem_shared>>)
        tpu.yield
      }) : () -> ()
    }
    %scan3A_6 = arith.constant 30 : i32
    %barrier3A = arith.constant 0 : index
    tpu.barrier barrier_id(%barrier3A)
    %add3A_7 = arith.constant 0 : i32
    %add3A_8 = arith.addi %mul3A_2, %add3A_7 : i32
    "tpu.region"() ({
      %run_scoped3A = tpu.sem_alloc : memref<!tpu.dma_semaphore, #tpu.memory_space<semaphore_mem>>
      %dma_start3A_38 = tpu.memref_slice %arg4[%add3A_8] : memref<245760xi32, #tpu.memory_space<hbm>> -> memref<128xi32, #tpu.memory_space<hbm>>
      %dma_start3A_39 = tpu.memref_slice %arg4[%add3A_8] : memref<245760xi32, #tpu.memory_space<hbm>> -> memref<128xi32, #tpu.memory_space<hbm>>
      tpu.enqueue_dma source(%dma_start3A_39 : memref<128xi32, #tpu.memory_space<hbm>>) target(%arg9 : memref<128xi32, #tpu.memory_space<vmem>>) target_semaphore(%run_scoped3A : memref<!tpu.dma_semaphore, #tpu.memory_space<semaphore_mem>>)
      %dma_wait3A = tpu.memref_slice %arg4[%add3A_8] : memref<245760xi32, #tpu.memory_space<hbm>> -> memref<128xi32, #tpu.memory_space<hbm>>
      %dma_wait3A_40 = tpu.memref_slice %arg4[%add3A_8] : memref<245760xi32, #tpu.memory_space<hbm>> -> memref<128xi32, #tpu.memory_space<hbm>>
      tpu.wait_dma2 semaphore(%run_scoped3A : memref<!tpu.dma_semaphore, #tpu.memory_space<semaphore_mem>>) src(%dma_wait3A_40 : memref<128xi32, #tpu.memory_space<hbm>>) dst(%arg9 : memref<128xi32, #tpu.memory_space<vmem>>)
      tpu.yield
    }) : () -> ()
    "tpu.region"() ({
      %run_scoped3A = tpu.sem_alloc : memref<!tpu.dma_semaphore, #tpu.memory_space<semaphore_mem>>
      %dma_start3A_38 = tpu.memref_slice %arg5[%add3A_8] : memref<245760xi32, #tpu.memory_space<hbm>> -> memref<128xi32, #tpu.memory_space<hbm>>
      %dma_start3A_39 = tpu.memref_slice %arg5[%add3A_8] : memref<245760xi32, #tpu.memory_space<hbm>> -> memref<128xi32, #tpu.memory_space<hbm>>
      tpu.enqueue_dma source(%dma_start3A_39 : memref<128xi32, #tpu.memory_space<hbm>>) target(%arg10 : memref<128xi32, #tpu.memory_space<vmem>>) target_semaphore(%run_scoped3A : memref<!tpu.dma_semaphore, #tpu.memory_space<semaphore_mem>>)
      %dma_wait3A = tpu.memref_slice %arg5[%add3A_8] : memref<245760xi32, #tpu.memory_space<hbm>> -> memref<128xi32, #tpu.memory_space<hbm>>
      %dma_wait3A_40 = tpu.memref_slice %arg5[%add3A_8] : memref<245760xi32, #tpu.memory_space<hbm>> -> memref<128xi32, #tpu.memory_space<hbm>>
      tpu.wait_dma2 semaphore(%run_scoped3A : memref<!tpu.dma_semaphore, #tpu.memory_space<semaphore_mem>>) src(%dma_wait3A_40 : memref<128xi32, #tpu.memory_space<hbm>>) dst(%arg10 : memref<128xi32, #tpu.memory_space<vmem>>)
      tpu.yield
    }) : () -> ()
    %dma_start3A = arith.constant 0 : i32
    %dma_start3A_9 = arith.constant 0 : i32
    %dma_start3A_10 = tpu.memref_slice %arg2[%dma_start3A, %dma_start3A_9] : memref<15360x64xf32, #tpu.memory_space<hbm>> -> memref<15360x64xf32, #tpu.memory_space<hbm>>
    tpu.enqueue_indirect_dma source(%dma_start3A_10 : memref<15360x64xf32, #tpu.memory_space<hbm>>) target(%arg13 : memref<128x64xf32, #tpu.memory_space<vmem>>) offsets(%arg9 : memref<128xi32, #tpu.memory_space<vmem>>) semaphore(%arg17 : memref<!tpu.dma_semaphore, #tpu.memory_space<semaphore_mem>>)
    %scan3A_11 = arith.constant 0 : i32
    %scan3A_12 = arith.constant 30 : i32
    %scan3A_13 = arith.addi %scan3A_11, %scan3A_12 : i32
    %scan3A_14 = arith.constant 1 : i32
    scf.for %scan3A_38 = %scan3A_11 to %scan3A_13 step %scan3A_14  : i32 {
      %mul3A_39 = arith.constant 1 : i32
      %mul3A_40 = arith.muli %scan3A_38, %mul3A_39 : i32
      %add3A_41 = arith.constant 0 : i32
      %add3A_42 = arith.addi %add3A_41, %mul3A_40 : i32
      %mul3A_43 = arith.constant 2 : i32
      %mul3A_44 = arith.muli %mul3A_43, %add3A_42 : i32
      %add3A_45 = arith.constant 1 : i32
      %add3A_46 = arith.addi %mul3A_44, %add3A_45 : i32
      %mul3A_47 = arith.constant 128 : i32
      %mul3A_48 = arith.muli %add3A_46, %mul3A_47 : i32
      %add3A_49 = arith.addi %mul3A_2, %mul3A_48 : i32
      "tpu.region"() ({
        %run_scoped3A = tpu.sem_alloc : memref<!tpu.dma_semaphore, #tpu.memory_space<semaphore_mem>>
        %dma_start3A_60 = tpu.memref_slice %arg4[%add3A_49] : memref<245760xi32, #tpu.memory_space<hbm>> -> memref<128xi32, #tpu.memory_space<hbm>>
        %dma_start3A_61 = tpu.memref_slice %arg4[%add3A_49] : memref<245760xi32, #tpu.memory_space<hbm>> -> memref<128xi32, #tpu.memory_space<hbm>>
        tpu.enqueue_dma source(%dma_start3A_61 : memref<128xi32, #tpu.memory_space<hbm>>) target(%arg11 : memref<128xi32, #tpu.memory_space<vmem>>) target_semaphore(%run_scoped3A : memref<!tpu.dma_semaphore, #tpu.memory_space<semaphore_mem>>)
        %dma_wait3A_62 = tpu.memref_slice %arg4[%add3A_49] : memref<245760xi32, #tpu.memory_space<hbm>> -> memref<128xi32, #tpu.memory_space<hbm>>
        %dma_wait3A_63 = tpu.memref_slice %arg4[%add3A_49] : memref<245760xi32, #tpu.memory_space<hbm>> -> memref<128xi32, #tpu.memory_space<hbm>>
        tpu.wait_dma2 semaphore(%run_scoped3A : memref<!tpu.dma_semaphore, #tpu.memory_space<semaphore_mem>>) src(%dma_wait3A_63 : memref<128xi32, #tpu.memory_space<hbm>>) dst(%arg11 : memref<128xi32, #tpu.memory_space<vmem>>)
        tpu.yield
      }) : () -> ()
      "tpu.region"() ({
        %run_scoped3A = tpu.sem_alloc : memref<!tpu.dma_semaphore, #tpu.memory_space<semaphore_mem>>
        %dma_start3A_60 = tpu.memref_slice %arg5[%add3A_49] : memref<245760xi32, #tpu.memory_space<hbm>> -> memref<128xi32, #tpu.memory_space<hbm>>
        %dma_start3A_61 = tpu.memref_slice %arg5[%add3A_49] : memref<245760xi32, #tpu.memory_space<hbm>> -> memref<128xi32, #tpu.memory_space<hbm>>
        tpu.enqueue_dma source(%dma_start3A_61 : memref<128xi32, #tpu.memory_space<hbm>>) target(%arg12 : memref<128xi32, #tpu.memory_space<vmem>>) target_semaphore(%run_scoped3A : memref<!tpu.dma_semaphore, #tpu.memory_space<semaphore_mem>>)
        %dma_wait3A_62 = tpu.memref_slice %arg5[%add3A_49] : memref<245760xi32, #tpu.memory_space<hbm>> -> memref<128xi32, #tpu.memory_space<hbm>>
        %dma_wait3A_63 = tpu.memref_slice %arg5[%add3A_49] : memref<245760xi32, #tpu.memory_space<hbm>> -> memref<128xi32, #tpu.memory_space<hbm>>
        tpu.wait_dma2 semaphore(%run_scoped3A : memref<!tpu.dma_semaphore, #tpu.memory_space<semaphore_mem>>) src(%dma_wait3A_63 : memref<128xi32, #tpu.memory_space<hbm>>) dst(%arg12 : memref<128xi32, #tpu.memory_space<vmem>>)
        tpu.yield
      }) : () -> ()
      %dma_start3A_50 = arith.constant 0 : i32
      %dma_start3A_51 = arith.constant 0 : i32
      %dma_start3A_52 = tpu.memref_slice %arg2[%dma_start3A_50, %dma_start3A_51] : memref<15360x64xf32, #tpu.memory_space<hbm>> -> memref<15360x64xf32, #tpu.memory_space<hbm>>
      tpu.enqueue_indirect_dma source(%dma_start3A_52 : memref<15360x64xf32, #tpu.memory_space<hbm>>) target(%arg14 : memref<128x64xf32, #tpu.memory_space<vmem>>) offsets(%arg11 : memref<128xi32, #tpu.memory_space<vmem>>) semaphore(%arg18 : memref<!tpu.dma_semaphore, #tpu.memory_space<semaphore_mem>>)
      %dma_wait3A = arith.constant 0 : i32
      %dma_wait3A_53 = arith.constant 0 : i32
      %dma_wait3A_54 = tpu.memref_slice %arg2[%dma_wait3A, %dma_wait3A_53] : memref<15360x64xf32, #tpu.memory_space<hbm>> -> memref<15360x64xf32, #tpu.memory_space<hbm>>
      tpu.wait_indirect_dma semaphore(%arg17 : memref<!tpu.dma_semaphore, #tpu.memory_space<semaphore_mem>>) src(%dma_wait3A_54 : memref<15360x64xf32, #tpu.memory_space<hbm>>) dst(%arg13 : memref<128x64xf32, #tpu.memory_space<vmem>>)
      "tpu.region"() ({
        %run_scoped3A = tpu.sem_alloc : memref<!tpu.dma_semaphore, #tpu.memory_space<semaphore_mem>>
        %dma_start3A_60 = arith.constant 0 : i32
        %dma_start3A_61 = arith.constant 0 : i32
        %dma_start3A_62 = tpu.memref_slice %arg16[%dma_start3A_60, %dma_start3A_61] : memref<15360x64xf32, #tpu.memory_space<vmem_shared>> -> memref<15360x64xf32, #tpu.memory_space<vmem_shared>>
        tpu.enqueue_indirect_dma source(%arg13 : memref<128x64xf32, #tpu.memory_space<vmem>>) target(%dma_start3A_62 : memref<15360x64xf32, #tpu.memory_space<vmem_shared>>) offsets(%arg10 : memref<128xi32, #tpu.memory_space<vmem>>) semaphore(%run_scoped3A : memref<!tpu.dma_semaphore, #tpu.memory_space<semaphore_mem>>) {add = true}
        %dma_wait3A_63 = arith.constant 0 : i32
        %dma_wait3A_64 = arith.constant 0 : i32
        %dma_wait3A_65 = tpu.memref_slice %arg16[%dma_wait3A_63, %dma_wait3A_64] : memref<15360x64xf32, #tpu.memory_space<vmem_shared>> -> memref<15360x64xf32, #tpu.memory_space<vmem_shared>>
        tpu.wait_indirect_dma semaphore(%run_scoped3A : memref<!tpu.dma_semaphore, #tpu.memory_space<semaphore_mem>>) src(%arg13 : memref<128x64xf32, #tpu.memory_space<vmem>>) dst(%dma_wait3A_65 : memref<15360x64xf32, #tpu.memory_space<vmem_shared>>)
        tpu.yield
      }) : () -> ()
      %lt3A = arith.constant 29 : i32
      %lt3A_55 = arith.cmpi slt, %add3A_42, %lt3A : i32
      %convert_element_type3A = arith.extui %lt3A_55 : i1 to i32
      %cond3A = arith.constant 0 : i32
      %cond3A_56 = arith.cmpi ne, %convert_element_type3A, %cond3A : i32
      scf.if %cond3A_56 {
        %mul3A_60 = arith.constant 2 : i32
        %mul3A_61 = arith.muli %mul3A_60, %add3A_42 : i32
        %add3A_62 = arith.constant 2 : i32
        %add3A_63 = arith.addi %mul3A_61, %add3A_62 : i32
        %mul3A_64 = arith.constant 128 : i32
        %mul3A_65 = arith.muli %add3A_63, %mul3A_64 : i32
        %add3A_66 = arith.addi %mul3A_2, %mul3A_65 : i32
        "tpu.region"() ({
          %run_scoped3A = tpu.sem_alloc : memref<!tpu.dma_semaphore, #tpu.memory_space<semaphore_mem>>
          %dma_start3A_70 = tpu.memref_slice %arg4[%add3A_66] : memref<245760xi32, #tpu.memory_space<hbm>> -> memref<128xi32, #tpu.memory_space<hbm>>
          %dma_start3A_71 = tpu.memref_slice %arg4[%add3A_66] : memref<245760xi32, #tpu.memory_space<hbm>> -> memref<128xi32, #tpu.memory_space<hbm>>
          tpu.enqueue_dma source(%dma_start3A_71 : memref<128xi32, #tpu.memory_space<hbm>>) target(%arg9 : memref<128xi32, #tpu.memory_space<vmem>>) target_semaphore(%run_scoped3A : memref<!tpu.dma_semaphore, #tpu.memory_space<semaphore_mem>>)
          %dma_wait3A_72 = tpu.memref_slice %arg4[%add3A_66] : memref<245760xi32, #tpu.memory_space<hbm>> -> memref<128xi32, #tpu.memory_space<hbm>>
          %dma_wait3A_73 = tpu.memref_slice %arg4[%add3A_66] : memref<245760xi32, #tpu.memory_space<hbm>> -> memref<128xi32, #tpu.memory_space<hbm>>
          tpu.wait_dma2 semaphore(%run_scoped3A : memref<!tpu.dma_semaphore, #tpu.memory_space<semaphore_mem>>) src(%dma_wait3A_73 : memref<128xi32, #tpu.memory_space<hbm>>) dst(%arg9 : memref<128xi32, #tpu.memory_space<vmem>>)
          tpu.yield
        }) : () -> ()
        "tpu.region"() ({
          %run_scoped3A = tpu.sem_alloc : memref<!tpu.dma_semaphore, #tpu.memory_space<semaphore_mem>>
          %dma_start3A_70 = tpu.memref_slice %arg5[%add3A_66] : memref<245760xi32, #tpu.memory_space<hbm>> -> memref<128xi32, #tpu.memory_space<hbm>>
          %dma_start3A_71 = tpu.memref_slice %arg5[%add3A_66] : memref<245760xi32, #tpu.memory_space<hbm>> -> memref<128xi32, #tpu.memory_space<hbm>>
          tpu.enqueue_dma source(%dma_start3A_71 : memref<128xi32, #tpu.memory_space<hbm>>) target(%arg10 : memref<128xi32, #tpu.memory_space<vmem>>) target_semaphore(%run_scoped3A : memref<!tpu.dma_semaphore, #tpu.memory_space<semaphore_mem>>)
          %dma_wait3A_72 = tpu.memref_slice %arg5[%add3A_66] : memref<245760xi32, #tpu.memory_space<hbm>> -> memref<128xi32, #tpu.memory_space<hbm>>
          %dma_wait3A_73 = tpu.memref_slice %arg5[%add3A_66] : memref<245760xi32, #tpu.memory_space<hbm>> -> memref<128xi32, #tpu.memory_space<hbm>>
          tpu.wait_dma2 semaphore(%run_scoped3A : memref<!tpu.dma_semaphore, #tpu.memory_space<semaphore_mem>>) src(%dma_wait3A_73 : memref<128xi32, #tpu.memory_space<hbm>>) dst(%arg10 : memref<128xi32, #tpu.memory_space<vmem>>)
          tpu.yield
        }) : () -> ()
        %dma_start3A_67 = arith.constant 0 : i32
        %dma_start3A_68 = arith.constant 0 : i32
        %dma_start3A_69 = tpu.memref_slice %arg2[%dma_start3A_67, %dma_start3A_68] : memref<15360x64xf32, #tpu.memory_space<hbm>> -> memref<15360x64xf32, #tpu.memory_space<hbm>>
        tpu.enqueue_indirect_dma source(%dma_start3A_69 : memref<15360x64xf32, #tpu.memory_space<hbm>>) target(%arg13 : memref<128x64xf32, #tpu.memory_space<vmem>>) offsets(%arg9 : memref<128xi32, #tpu.memory_space<vmem>>) semaphore(%arg17 : memref<!tpu.dma_semaphore, #tpu.memory_space<semaphore_mem>>)
      } else {
      }
      %dma_wait3A_57 = arith.constant 0 : i32
      %dma_wait3A_58 = arith.constant 0 : i32
      %dma_wait3A_59 = tpu.memref_slice %arg2[%dma_wait3A_57, %dma_wait3A_58] : memref<15360x64xf32, #tpu.memory_space<hbm>> -> memref<15360x64xf32, #tpu.memory_space<hbm>>
      tpu.wait_indirect_dma semaphore(%arg18 : memref<!tpu.dma_semaphore, #tpu.memory_space<semaphore_mem>>) src(%dma_wait3A_59 : memref<15360x64xf32, #tpu.memory_space<hbm>>) dst(%arg14 : memref<128x64xf32, #tpu.memory_space<vmem>>)
      "tpu.region"() ({
        %run_scoped3A = tpu.sem_alloc : memref<!tpu.dma_semaphore, #tpu.memory_space<semaphore_mem>>
        %dma_start3A_60 = arith.constant 0 : i32
        %dma_start3A_61 = arith.constant 0 : i32
        %dma_start3A_62 = tpu.memref_slice %arg16[%dma_start3A_60, %dma_start3A_61] : memref<15360x64xf32, #tpu.memory_space<vmem_shared>> -> memref<15360x64xf32, #tpu.memory_space<vmem_shared>>
        tpu.enqueue_indirect_dma source(%arg14 : memref<128x64xf32, #tpu.memory_space<vmem>>) target(%dma_start3A_62 : memref<15360x64xf32, #tpu.memory_space<vmem_shared>>) offsets(%arg12 : memref<128xi32, #tpu.memory_space<vmem>>) semaphore(%run_scoped3A : memref<!tpu.dma_semaphore, #tpu.memory_space<semaphore_mem>>) {add = true}
        %dma_wait3A_63 = arith.constant 0 : i32
        %dma_wait3A_64 = arith.constant 0 : i32
        %dma_wait3A_65 = tpu.memref_slice %arg16[%dma_wait3A_63, %dma_wait3A_64] : memref<15360x64xf32, #tpu.memory_space<vmem_shared>> -> memref<15360x64xf32, #tpu.memory_space<vmem_shared>>
        tpu.wait_indirect_dma semaphore(%run_scoped3A : memref<!tpu.dma_semaphore, #tpu.memory_space<semaphore_mem>>) src(%arg14 : memref<128x64xf32, #tpu.memory_space<vmem>>) dst(%dma_wait3A_65 : memref<15360x64xf32, #tpu.memory_space<vmem_shared>>)
        tpu.yield
      }) : () -> ()
    }
    %scan3A_15 = arith.constant 30 : i32
    %barrier3A_16 = arith.constant 0 : index
    tpu.barrier barrier_id(%barrier3A_16)
    %mul3A_17 = arith.constant 960 : i32
    %mul3A_18 = arith.muli %arg1, %mul3A_17 : i32
    "tpu.region"() ({
      %run_scoped3A = tpu.sem_alloc : memref<!tpu.dma_semaphore, #tpu.memory_space<semaphore_mem>>
      %dma_start3A_38 = arith.constant 0 : i32
      %dma_start3A_39 = arith.constant 0 : i32
      %dma_start3A_40 = tpu.memref_slice %arg7[%arg0, %arg1, %dma_start3A_38, %dma_start3A_39] : memref<2x16x960x64xf32, #tpu.memory_space<hbm>> -> memref<1x1x960x64xf32, #tpu.memory_space<hbm>>
      %dma_start3A_41 = tpu.memref_squeeze %dma_start3A_40 : memref<1x1x960x64xf32, #tpu.memory_space<hbm>> -> memref<960x64xf32, #tpu.memory_space<hbm>>
      %dma_start3A_42 = arith.constant 0 : i32
      %dma_start3A_43 = tpu.memref_slice %arg16[%mul3A_18, %dma_start3A_42] : memref<15360x64xf32, #tpu.memory_space<vmem_shared>> -> memref<960x64xf32, #tpu.memory_space<vmem_shared>>
      tpu.enqueue_dma source(%dma_start3A_43 : memref<960x64xf32, #tpu.memory_space<vmem_shared>>) target(%dma_start3A_41 : memref<960x64xf32, #tpu.memory_space<hbm>>) target_semaphore(%run_scoped3A : memref<!tpu.dma_semaphore, #tpu.memory_space<semaphore_mem>>)
      %dma_wait3A = arith.constant 0 : i32
      %dma_wait3A_44 = arith.constant 0 : i32
      %dma_wait3A_45 = tpu.memref_slice %arg7[%arg0, %arg1, %dma_wait3A, %dma_wait3A_44] : memref<2x16x960x64xf32, #tpu.memory_space<hbm>> -> memref<1x1x960x64xf32, #tpu.memory_space<hbm>>
      %dma_wait3A_46 = tpu.memref_squeeze %dma_wait3A_45 : memref<1x1x960x64xf32, #tpu.memory_space<hbm>> -> memref<960x64xf32, #tpu.memory_space<hbm>>
      %dma_wait3A_47 = arith.constant 0 : i32
      %dma_wait3A_48 = tpu.memref_slice %arg16[%mul3A_18, %dma_wait3A_47] : memref<15360x64xf32, #tpu.memory_space<vmem_shared>> -> memref<960x64xf32, #tpu.memory_space<vmem_shared>>
      tpu.wait_dma2 semaphore(%run_scoped3A : memref<!tpu.dma_semaphore, #tpu.memory_space<semaphore_mem>>) src(%dma_wait3A_48 : memref<960x64xf32, #tpu.memory_space<vmem_shared>>) dst(%dma_wait3A_46 : memref<960x64xf32, #tpu.memory_space<hbm>>)
      tpu.yield
    }) : () -> ()
    %scan3A_19 = arith.constant 0 : i32
    %scan3A_20 = arith.constant 30 : i32
    %scan3A_21 = arith.addi %scan3A_19, %scan3A_20 : i32
    %scan3A_22 = arith.constant 1 : i32
    scf.for %scan3A_38 = %scan3A_19 to %scan3A_21 step %scan3A_22  : i32 {
      %mul3A_39 = arith.constant 1 : i32
      %mul3A_40 = arith.muli %scan3A_38, %mul3A_39 : i32
      %add3A_41 = arith.constant 0 : i32
      %add3A_42 = arith.addi %add3A_41, %mul3A_40 : i32
      %mul3A_43 = arith.constant 960 : i32
      %mul3A_44 = arith.muli %arg1, %mul3A_43 : i32
      %mul3A_45 = arith.constant 32 : i32
      %mul3A_46 = arith.muli %add3A_42, %mul3A_45 : i32
      %add3A_47 = arith.addi %mul3A_44, %mul3A_46 : i32
      "tpu.region"() ({
        %run_scoped3A = tpu.sem_alloc : memref<!tpu.dma_semaphore, #tpu.memory_space<semaphore_mem>>
        %dma_start3A_48 = arith.constant 0 : i32
        %dma_start3A_49 = tpu.memref_slice %arg16[%add3A_47, %dma_start3A_48] : memref<15360x64xf32, #tpu.memory_space<vmem_shared>> -> memref<32x64xf32, #tpu.memory_space<vmem_shared>>
        %dma_start3A_50 = arith.constant 0 : i32
        %dma_start3A_51 = tpu.memref_slice %arg16[%add3A_47, %dma_start3A_50] : memref<15360x64xf32, #tpu.memory_space<vmem_shared>> -> memref<32x64xf32, #tpu.memory_space<vmem_shared>>
        tpu.enqueue_dma source(%arg15 : memref<32x64xf32, #tpu.memory_space<vmem>>) target(%dma_start3A_51 : memref<32x64xf32, #tpu.memory_space<vmem_shared>>) target_semaphore(%run_scoped3A : memref<!tpu.dma_semaphore, #tpu.memory_space<semaphore_mem>>)
        %dma_wait3A = arith.constant 0 : i32
        %dma_wait3A_52 = tpu.memref_slice %arg16[%add3A_47, %dma_wait3A] : memref<15360x64xf32, #tpu.memory_space<vmem_shared>> -> memref<32x64xf32, #tpu.memory_space<vmem_shared>>
        %dma_wait3A_53 = arith.constant 0 : i32
        %dma_wait3A_54 = tpu.memref_slice %arg16[%add3A_47, %dma_wait3A_53] : memref<15360x64xf32, #tpu.memory_space<vmem_shared>> -> memref<32x64xf32, #tpu.memory_space<vmem_shared>>
        tpu.wait_dma2 semaphore(%run_scoped3A : memref<!tpu.dma_semaphore, #tpu.memory_space<semaphore_mem>>) src(%arg15 : memref<32x64xf32, #tpu.memory_space<vmem>>) dst(%dma_wait3A_54 : memref<32x64xf32, #tpu.memory_space<vmem_shared>>)
        tpu.yield
      }) : () -> ()
    }
    %scan3A_23 = arith.constant 30 : i32
    %barrier3A_24 = arith.constant 0 : index
    tpu.barrier barrier_id(%barrier3A_24)
    %add3A_25 = arith.constant 0 : i32
    %add3A_26 = arith.addi %mul3A_2, %add3A_25 : i32
    "tpu.region"() ({
      %run_scoped3A = tpu.sem_alloc : memref<!tpu.dma_semaphore, #tpu.memory_space<semaphore_mem>>
      %dma_start3A_38 = tpu.memref_slice %arg4[%add3A_26] : memref<245760xi32, #tpu.memory_space<hbm>> -> memref<128xi32, #tpu.memory_space<hbm>>
      %dma_start3A_39 = tpu.memref_slice %arg4[%add3A_26] : memref<245760xi32, #tpu.memory_space<hbm>> -> memref<128xi32, #tpu.memory_space<hbm>>
      tpu.enqueue_dma source(%dma_start3A_39 : memref<128xi32, #tpu.memory_space<hbm>>) target(%arg9 : memref<128xi32, #tpu.memory_space<vmem>>) target_semaphore(%run_scoped3A : memref<!tpu.dma_semaphore, #tpu.memory_space<semaphore_mem>>)
      %dma_wait3A = tpu.memref_slice %arg4[%add3A_26] : memref<245760xi32, #tpu.memory_space<hbm>> -> memref<128xi32, #tpu.memory_space<hbm>>
      %dma_wait3A_40 = tpu.memref_slice %arg4[%add3A_26] : memref<245760xi32, #tpu.memory_space<hbm>> -> memref<128xi32, #tpu.memory_space<hbm>>
      tpu.wait_dma2 semaphore(%run_scoped3A : memref<!tpu.dma_semaphore, #tpu.memory_space<semaphore_mem>>) src(%dma_wait3A_40 : memref<128xi32, #tpu.memory_space<hbm>>) dst(%arg9 : memref<128xi32, #tpu.memory_space<vmem>>)
      tpu.yield
    }) : () -> ()
    "tpu.region"() ({
      %run_scoped3A = tpu.sem_alloc : memref<!tpu.dma_semaphore, #tpu.memory_space<semaphore_mem>>
      %dma_start3A_38 = tpu.memref_slice %arg5[%add3A_26] : memref<245760xi32, #tpu.memory_space<hbm>> -> memref<128xi32, #tpu.memory_space<hbm>>
      %dma_start3A_39 = tpu.memref_slice %arg5[%add3A_26] : memref<245760xi32, #tpu.memory_space<hbm>> -> memref<128xi32, #tpu.memory_space<hbm>>
      tpu.enqueue_dma source(%dma_start3A_39 : memref<128xi32, #tpu.memory_space<hbm>>) target(%arg10 : memref<128xi32, #tpu.memory_space<vmem>>) target_semaphore(%run_scoped3A : memref<!tpu.dma_semaphore, #tpu.memory_space<semaphore_mem>>)
      %dma_wait3A = tpu.memref_slice %arg5[%add3A_26] : memref<245760xi32, #tpu.memory_space<hbm>> -> memref<128xi32, #tpu.memory_space<hbm>>
      %dma_wait3A_40 = tpu.memref_slice %arg5[%add3A_26] : memref<245760xi32, #tpu.memory_space<hbm>> -> memref<128xi32, #tpu.memory_space<hbm>>
      tpu.wait_dma2 semaphore(%run_scoped3A : memref<!tpu.dma_semaphore, #tpu.memory_space<semaphore_mem>>) src(%dma_wait3A_40 : memref<128xi32, #tpu.memory_space<hbm>>) dst(%arg10 : memref<128xi32, #tpu.memory_space<vmem>>)
      tpu.yield
    }) : () -> ()
    %dma_start3A_27 = arith.constant 0 : i32
    %dma_start3A_28 = arith.constant 0 : i32
    %dma_start3A_29 = tpu.memref_slice %arg3[%dma_start3A_27, %dma_start3A_28] : memref<15360x64xf32, #tpu.memory_space<hbm>> -> memref<15360x64xf32, #tpu.memory_space<hbm>>
    tpu.enqueue_indirect_dma source(%dma_start3A_29 : memref<15360x64xf32, #tpu.memory_space<hbm>>) target(%arg13 : memref<128x64xf32, #tpu.memory_space<vmem>>) offsets(%arg9 : memref<128xi32, #tpu.memory_space<vmem>>) semaphore(%arg17 : memref<!tpu.dma_semaphore, #tpu.memory_space<semaphore_mem>>)
    %scan3A_30 = arith.constant 0 : i32
    %scan3A_31 = arith.constant 30 : i32
    %scan3A_32 = arith.addi %scan3A_30, %scan3A_31 : i32
    %scan3A_33 = arith.constant 1 : i32
    scf.for %scan3A_38 = %scan3A_30 to %scan3A_32 step %scan3A_33  : i32 {
      %mul3A_39 = arith.constant 1 : i32
      %mul3A_40 = arith.muli %scan3A_38, %mul3A_39 : i32
      %add3A_41 = arith.constant 0 : i32
      %add3A_42 = arith.addi %add3A_41, %mul3A_40 : i32
      %mul3A_43 = arith.constant 2 : i32
      %mul3A_44 = arith.muli %mul3A_43, %add3A_42 : i32
      %add3A_45 = arith.constant 1 : i32
      %add3A_46 = arith.addi %mul3A_44, %add3A_45 : i32
      %mul3A_47 = arith.constant 128 : i32
      %mul3A_48 = arith.muli %add3A_46, %mul3A_47 : i32
      %add3A_49 = arith.addi %mul3A_2, %mul3A_48 : i32
      "tpu.region"() ({
        %run_scoped3A = tpu.sem_alloc : memref<!tpu.dma_semaphore, #tpu.memory_space<semaphore_mem>>
        %dma_start3A_60 = tpu.memref_slice %arg4[%add3A_49] : memref<245760xi32, #tpu.memory_space<hbm>> -> memref<128xi32, #tpu.memory_space<hbm>>
        %dma_start3A_61 = tpu.memref_slice %arg4[%add3A_49] : memref<245760xi32, #tpu.memory_space<hbm>> -> memref<128xi32, #tpu.memory_space<hbm>>
        tpu.enqueue_dma source(%dma_start3A_61 : memref<128xi32, #tpu.memory_space<hbm>>) target(%arg11 : memref<128xi32, #tpu.memory_space<vmem>>) target_semaphore(%run_scoped3A : memref<!tpu.dma_semaphore, #tpu.memory_space<semaphore_mem>>)
        %dma_wait3A_62 = tpu.memref_slice %arg4[%add3A_49] : memref<245760xi32, #tpu.memory_space<hbm>> -> memref<128xi32, #tpu.memory_space<hbm>>
        %dma_wait3A_63 = tpu.memref_slice %arg4[%add3A_49] : memref<245760xi32, #tpu.memory_space<hbm>> -> memref<128xi32, #tpu.memory_space<hbm>>
        tpu.wait_dma2 semaphore(%run_scoped3A : memref<!tpu.dma_semaphore, #tpu.memory_space<semaphore_mem>>) src(%dma_wait3A_63 : memref<128xi32, #tpu.memory_space<hbm>>) dst(%arg11 : memref<128xi32, #tpu.memory_space<vmem>>)
        tpu.yield
      }) : () -> ()
      "tpu.region"() ({
        %run_scoped3A = tpu.sem_alloc : memref<!tpu.dma_semaphore, #tpu.memory_space<semaphore_mem>>
        %dma_start3A_60 = tpu.memref_slice %arg5[%add3A_49] : memref<245760xi32, #tpu.memory_space<hbm>> -> memref<128xi32, #tpu.memory_space<hbm>>
        %dma_start3A_61 = tpu.memref_slice %arg5[%add3A_49] : memref<245760xi32, #tpu.memory_space<hbm>> -> memref<128xi32, #tpu.memory_space<hbm>>
        tpu.enqueue_dma source(%dma_start3A_61 : memref<128xi32, #tpu.memory_space<hbm>>) target(%arg12 : memref<128xi32, #tpu.memory_space<vmem>>) target_semaphore(%run_scoped3A : memref<!tpu.dma_semaphore, #tpu.memory_space<semaphore_mem>>)
        %dma_wait3A_62 = tpu.memref_slice %arg5[%add3A_49] : memref<245760xi32, #tpu.memory_space<hbm>> -> memref<128xi32, #tpu.memory_space<hbm>>
        %dma_wait3A_63 = tpu.memref_slice %arg5[%add3A_49] : memref<245760xi32, #tpu.memory_space<hbm>> -> memref<128xi32, #tpu.memory_space<hbm>>
        tpu.wait_dma2 semaphore(%run_scoped3A : memref<!tpu.dma_semaphore, #tpu.memory_space<semaphore_mem>>) src(%dma_wait3A_63 : memref<128xi32, #tpu.memory_space<hbm>>) dst(%arg12 : memref<128xi32, #tpu.memory_space<vmem>>)
        tpu.yield
      }) : () -> ()
      %dma_start3A_50 = arith.constant 0 : i32
      %dma_start3A_51 = arith.constant 0 : i32
      %dma_start3A_52 = tpu.memref_slice %arg3[%dma_start3A_50, %dma_start3A_51] : memref<15360x64xf32, #tpu.memory_space<hbm>> -> memref<15360x64xf32, #tpu.memory_space<hbm>>
      tpu.enqueue_indirect_dma source(%dma_start3A_52 : memref<15360x64xf32, #tpu.memory_space<hbm>>) target(%arg14 : memref<128x64xf32, #tpu.memory_space<vmem>>) offsets(%arg11 : memref<128xi32, #tpu.memory_space<vmem>>) semaphore(%arg18 : memref<!tpu.dma_semaphore, #tpu.memory_space<semaphore_mem>>)
      %dma_wait3A = arith.constant 0 : i32
      %dma_wait3A_53 = arith.constant 0 : i32
      %dma_wait3A_54 = tpu.memref_slice %arg3[%dma_wait3A, %dma_wait3A_53] : memref<15360x64xf32, #tpu.memory_space<hbm>> -> memref<15360x64xf32, #tpu.memory_space<hbm>>
      tpu.wait_indirect_dma semaphore(%arg17 : memref<!tpu.dma_semaphore, #tpu.memory_space<semaphore_mem>>) src(%dma_wait3A_54 : memref<15360x64xf32, #tpu.memory_space<hbm>>) dst(%arg13 : memref<128x64xf32, #tpu.memory_space<vmem>>)
      "tpu.region"() ({
        %run_scoped3A = tpu.sem_alloc : memref<!tpu.dma_semaphore, #tpu.memory_space<semaphore_mem>>
        %dma_start3A_60 = arith.constant 0 : i32
        %dma_start3A_61 = arith.constant 0 : i32
        %dma_start3A_62 = tpu.memref_slice %arg16[%dma_start3A_60, %dma_start3A_61] : memref<15360x64xf32, #tpu.memory_space<vmem_shared>> -> memref<15360x64xf32, #tpu.memory_space<vmem_shared>>
        tpu.enqueue_indirect_dma source(%arg13 : memref<128x64xf32, #tpu.memory_space<vmem>>) target(%dma_start3A_62 : memref<15360x64xf32, #tpu.memory_space<vmem_shared>>) offsets(%arg10 : memref<128xi32, #tpu.memory_space<vmem>>) semaphore(%run_scoped3A : memref<!tpu.dma_semaphore, #tpu.memory_space<semaphore_mem>>) {add = true}
        %dma_wait3A_63 = arith.constant 0 : i32
        %dma_wait3A_64 = arith.constant 0 : i32
        %dma_wait3A_65 = tpu.memref_slice %arg16[%dma_wait3A_63, %dma_wait3A_64] : memref<15360x64xf32, #tpu.memory_space<vmem_shared>> -> memref<15360x64xf32, #tpu.memory_space<vmem_shared>>
        tpu.wait_indirect_dma semaphore(%run_scoped3A : memref<!tpu.dma_semaphore, #tpu.memory_space<semaphore_mem>>) src(%arg13 : memref<128x64xf32, #tpu.memory_space<vmem>>) dst(%dma_wait3A_65 : memref<15360x64xf32, #tpu.memory_space<vmem_shared>>)
        tpu.yield
      }) : () -> ()
      %lt3A = arith.constant 29 : i32
      %lt3A_55 = arith.cmpi slt, %add3A_42, %lt3A : i32
      %convert_element_type3A = arith.extui %lt3A_55 : i1 to i32
      %cond3A = arith.constant 0 : i32
      %cond3A_56 = arith.cmpi ne, %convert_element_type3A, %cond3A : i32
      scf.if %cond3A_56 {
        %mul3A_60 = arith.constant 2 : i32
        %mul3A_61 = arith.muli %mul3A_60, %add3A_42 : i32
        %add3A_62 = arith.constant 2 : i32
        %add3A_63 = arith.addi %mul3A_61, %add3A_62 : i32
        %mul3A_64 = arith.constant 128 : i32
        %mul3A_65 = arith.muli %add3A_63, %mul3A_64 : i32
        %add3A_66 = arith.addi %mul3A_2, %mul3A_65 : i32
        "tpu.region"() ({
          %run_scoped3A = tpu.sem_alloc : memref<!tpu.dma_semaphore, #tpu.memory_space<semaphore_mem>>
          %dma_start3A_70 = tpu.memref_slice %arg4[%add3A_66] : memref<245760xi32, #tpu.memory_space<hbm>> -> memref<128xi32, #tpu.memory_space<hbm>>
          %dma_start3A_71 = tpu.memref_slice %arg4[%add3A_66] : memref<245760xi32, #tpu.memory_space<hbm>> -> memref<128xi32, #tpu.memory_space<hbm>>
          tpu.enqueue_dma source(%dma_start3A_71 : memref<128xi32, #tpu.memory_space<hbm>>) target(%arg9 : memref<128xi32, #tpu.memory_space<vmem>>) target_semaphore(%run_scoped3A : memref<!tpu.dma_semaphore, #tpu.memory_space<semaphore_mem>>)
          %dma_wait3A_72 = tpu.memref_slice %arg4[%add3A_66] : memref<245760xi32, #tpu.memory_space<hbm>> -> memref<128xi32, #tpu.memory_space<hbm>>
          %dma_wait3A_73 = tpu.memref_slice %arg4[%add3A_66] : memref<245760xi32, #tpu.memory_space<hbm>> -> memref<128xi32, #tpu.memory_space<hbm>>
          tpu.wait_dma2 semaphore(%run_scoped3A : memref<!tpu.dma_semaphore, #tpu.memory_space<semaphore_mem>>) src(%dma_wait3A_73 : memref<128xi32, #tpu.memory_space<hbm>>) dst(%arg9 : memref<128xi32, #tpu.memory_space<vmem>>)
          tpu.yield
        }) : () -> ()
        "tpu.region"() ({
          %run_scoped3A = tpu.sem_alloc : memref<!tpu.dma_semaphore, #tpu.memory_space<semaphore_mem>>
          %dma_start3A_70 = tpu.memref_slice %arg5[%add3A_66] : memref<245760xi32, #tpu.memory_space<hbm>> -> memref<128xi32, #tpu.memory_space<hbm>>
          %dma_start3A_71 = tpu.memref_slice %arg5[%add3A_66] : memref<245760xi32, #tpu.memory_space<hbm>> -> memref<128xi32, #tpu.memory_space<hbm>>
          tpu.enqueue_dma source(%dma_start3A_71 : memref<128xi32, #tpu.memory_space<hbm>>) target(%arg10 : memref<128xi32, #tpu.memory_space<vmem>>) target_semaphore(%run_scoped3A : memref<!tpu.dma_semaphore, #tpu.memory_space<semaphore_mem>>)
          %dma_wait3A_72 = tpu.memref_slice %arg5[%add3A_66] : memref<245760xi32, #tpu.memory_space<hbm>> -> memref<128xi32, #tpu.memory_space<hbm>>
          %dma_wait3A_73 = tpu.memref_slice %arg5[%add3A_66] : memref<245760xi32, #tpu.memory_space<hbm>> -> memref<128xi32, #tpu.memory_space<hbm>>
          tpu.wait_dma2 semaphore(%run_scoped3A : memref<!tpu.dma_semaphore, #tpu.memory_space<semaphore_mem>>) src(%dma_wait3A_73 : memref<128xi32, #tpu.memory_space<hbm>>) dst(%arg10 : memref<128xi32, #tpu.memory_space<vmem>>)
          tpu.yield
        }) : () -> ()
        %dma_start3A_67 = arith.constant 0 : i32
        %dma_start3A_68 = arith.constant 0 : i32
        %dma_start3A_69 = tpu.memref_slice %arg3[%dma_start3A_67, %dma_start3A_68] : memref<15360x64xf32, #tpu.memory_space<hbm>> -> memref<15360x64xf32, #tpu.memory_space<hbm>>
        tpu.enqueue_indirect_dma source(%dma_start3A_69 : memref<15360x64xf32, #tpu.memory_space<hbm>>) target(%arg13 : memref<128x64xf32, #tpu.memory_space<vmem>>) offsets(%arg9 : memref<128xi32, #tpu.memory_space<vmem>>) semaphore(%arg17 : memref<!tpu.dma_semaphore, #tpu.memory_space<semaphore_mem>>)
      } else {
      }
      %dma_wait3A_57 = arith.constant 0 : i32
      %dma_wait3A_58 = arith.constant 0 : i32
      %dma_wait3A_59 = tpu.memref_slice %arg3[%dma_wait3A_57, %dma_wait3A_58] : memref<15360x64xf32, #tpu.memory_space<hbm>> -> memref<15360x64xf32, #tpu.memory_space<hbm>>
      tpu.wait_indirect_dma semaphore(%arg18 : memref<!tpu.dma_semaphore, #tpu.memory_space<semaphore_mem>>) src(%dma_wait3A_59 : memref<15360x64xf32, #tpu.memory_space<hbm>>) dst(%arg14 : memref<128x64xf32, #tpu.memory_space<vmem>>)
      "tpu.region"() ({
        %run_scoped3A = tpu.sem_alloc : memref<!tpu.dma_semaphore, #tpu.memory_space<semaphore_mem>>
        %dma_start3A_60 = arith.constant 0 : i32
        %dma_start3A_61 = arith.constant 0 : i32
        %dma_start3A_62 = tpu.memref_slice %arg16[%dma_start3A_60, %dma_start3A_61] : memref<15360x64xf32, #tpu.memory_space<vmem_shared>> -> memref<15360x64xf32, #tpu.memory_space<vmem_shared>>
        tpu.enqueue_indirect_dma source(%arg14 : memref<128x64xf32, #tpu.memory_space<vmem>>) target(%dma_start3A_62 : memref<15360x64xf32, #tpu.memory_space<vmem_shared>>) offsets(%arg12 : memref<128xi32, #tpu.memory_space<vmem>>) semaphore(%run_scoped3A : memref<!tpu.dma_semaphore, #tpu.memory_space<semaphore_mem>>) {add = true}
        %dma_wait3A_63 = arith.constant 0 : i32
        %dma_wait3A_64 = arith.constant 0 : i32
        %dma_wait3A_65 = tpu.memref_slice %arg16[%dma_wait3A_63, %dma_wait3A_64] : memref<15360x64xf32, #tpu.memory_space<vmem_shared>> -> memref<15360x64xf32, #tpu.memory_space<vmem_shared>>
        tpu.wait_indirect_dma semaphore(%run_scoped3A : memref<!tpu.dma_semaphore, #tpu.memory_space<semaphore_mem>>) src(%arg14 : memref<128x64xf32, #tpu.memory_space<vmem>>) dst(%dma_wait3A_65 : memref<15360x64xf32, #tpu.memory_space<vmem_shared>>)
        tpu.yield
      }) : () -> ()
    }
    %scan3A_34 = arith.constant 30 : i32
    %barrier3A_35 = arith.constant 0 : index
    tpu.barrier barrier_id(%barrier3A_35)
    %mul3A_36 = arith.constant 960 : i32
    %mul3A_37 = arith.muli %arg1, %mul3A_36 : i32
    "tpu.region"() ({
      %run_scoped3A = tpu.sem_alloc : memref<!tpu.dma_semaphore, #tpu.memory_space<semaphore_mem>>
      %dma_start3A_38 = arith.constant 0 : i32
      %dma_start3A_39 = arith.constant 0 : i32
      %dma_start3A_40 = tpu.memref_slice %arg8[%arg0, %arg1, %dma_start3A_38, %dma_start3A_39] : memref<2x16x960x64xf32, #tpu.memory_space<hbm>> -> memref<1x1x960x64xf32, #tpu.memory_space<hbm>>
      %dma_start3A_41 = tpu.memref_squeeze %dma_start3A_40 : memref<1x1x960x64xf32, #tpu.memory_space<hbm>> -> memref<960x64xf32, #tpu.memory_space<hbm>>
      %dma_start3A_42 = arith.constant 0 : i32
      %dma_start3A_43 = tpu.memref_slice %arg16[%mul3A_37, %dma_start3A_42] : memref<15360x64xf32, #tpu.memory_space<vmem_shared>> -> memref<960x64xf32, #tpu.memory_space<vmem_shared>>
      tpu.enqueue_dma source(%dma_start3A_43 : memref<960x64xf32, #tpu.memory_space<vmem_shared>>) target(%dma_start3A_41 : memref<960x64xf32, #tpu.memory_space<hbm>>) target_semaphore(%run_scoped3A : memref<!tpu.dma_semaphore, #tpu.memory_space<semaphore_mem>>)
      %dma_wait3A = arith.constant 0 : i32
      %dma_wait3A_44 = arith.constant 0 : i32
      %dma_wait3A_45 = tpu.memref_slice %arg8[%arg0, %arg1, %dma_wait3A, %dma_wait3A_44] : memref<2x16x960x64xf32, #tpu.memory_space<hbm>> -> memref<1x1x960x64xf32, #tpu.memory_space<hbm>>
      %dma_wait3A_46 = tpu.memref_squeeze %dma_wait3A_45 : memref<1x1x960x64xf32, #tpu.memory_space<hbm>> -> memref<960x64xf32, #tpu.memory_space<hbm>>
      %dma_wait3A_47 = arith.constant 0 : i32
      %dma_wait3A_48 = tpu.memref_slice %arg16[%mul3A_37, %dma_wait3A_47] : memref<15360x64xf32, #tpu.memory_space<vmem_shared>> -> memref<960x64xf32, #tpu.memory_space<vmem_shared>>
      tpu.wait_dma2 semaphore(%run_scoped3A : memref<!tpu.dma_semaphore, #tpu.memory_space<semaphore_mem>>) src(%dma_wait3A_48 : memref<960x64xf32, #tpu.memory_space<vmem_shared>>) dst(%dma_wait3A_46 : memref<960x64xf32, #tpu.memory_space<hbm>>)
      tpu.yield
    }) : () -> ()
    return
  }
}

#map = affine_map<(d0, d1) -> (0, 0)>
#map1 = affine_map<(d0, d1) -> (0)>
#map2 = affine_map<(d0, d1) -> (0, 0, 0, 0)>
module attributes {stable_mosaic.version = 14 : i64} {
  func.func @_spmm_sc(%arg0: i32, %arg1: i32, %arg2: memref<15360x64xf32, #tpu.memory_space<hbm>>, %arg3: memref<15360x64xf32, #tpu.memory_space<hbm>>, %arg4: memref<245760xi32, #tpu.memory_space<hbm>>, %arg5: memref<245760xi32, #tpu.memory_space<hbm>>, %arg6: memref<32x64xf32, #tpu.memory_space<hbm>>, %arg7: memref<2x16x960x64xf32, #tpu.memory_space<hbm>>, %arg8: memref<2x16x960x64xf32, #tpu.memory_space<hbm>>, %arg9: memref<128xi32, #tpu.memory_space<vmem>>, %arg10: memref<128xi32, #tpu.memory_space<vmem>>, %arg11: memref<128xi32, #tpu.memory_space<vmem>>, %arg12: memref<128xi32, #tpu.memory_space<vmem>>, %arg13: memref<128x64xf32, #tpu.memory_space<vmem>>, %arg14: memref<128x64xf32, #tpu.memory_space<vmem>>, %arg15: memref<32x64xf32, #tpu.memory_space<vmem>>, %arg16: memref<15360x64xf32, #tpu.memory_space<vmem_shared>>, %arg17: memref<!tpu.dma_semaphore, #tpu.memory_space<semaphore_mem>>, %arg18: memref<!tpu.dma_semaphore, #tpu.memory_space<semaphore_mem>>) attributes {dimension_semantics = [#tpu.dimension_semantics<core_parallel>, #tpu.dimension_semantics<subcore_parallel>], iteration_bounds = array<i64: 2, 16>, scalar_prefetch = 0 : i64, scratch_operands = 10 : i64, tpu.core_type = #tpu.core_type<sc_vector_subcore>, window_params = [{transform_indices = #map}, {transform_indices = #map}, {transform_indices = #map1}, {transform_indices = #map1}, {transform_indices = #map}, {transform_indices = #map2}, {transform_indices = #map2}]} {
    %mul3A = arith.constant 16 : i32
    %mul3A_0 = arith.muli %arg0, %mul3A : i32
    %add3A = arith.addi %mul3A_0, %arg1 : i32
    %mul3A_1 = arith.constant 7680 : i32
    %mul3A_2 = arith.muli %add3A, %mul3A_1 : i32
    "tpu.region"() ({
      %run_scoped3A = tpu.sem_alloc : memref<!tpu.dma_semaphore, #tpu.memory_space<semaphore_mem>>
      tpu.enqueue_dma source(%arg6 : memref<32x64xf32, #tpu.memory_space<hbm>>) target(%arg15 : memref<32x64xf32, #tpu.memory_space<vmem>>) target_semaphore(%run_scoped3A : memref<!tpu.dma_semaphore, #tpu.memory_space<semaphore_mem>>)
      tpu.wait_dma2 semaphore(%run_scoped3A : memref<!tpu.dma_semaphore, #tpu.memory_space<semaphore_mem>>) src(%arg6 : memref<32x64xf32, #tpu.memory_space<hbm>>) dst(%arg15 : memref<32x64xf32, #tpu.memory_space<vmem>>)
      tpu.yield
    }) : () -> ()
    %scan3A = arith.constant 0 : i32
    %scan3A_3 = arith.constant 30 : i32
    %scan3A_4 = arith.addi %scan3A, %scan3A_3 : i32
    %scan3A_5 = arith.constant 1 : i32
    scf.for %scan3A_38 = %scan3A to %scan3A_4 step %scan3A_5  : i32 {
      %mul3A_39 = arith.constant 1 : i32
      %mul3A_40 = arith.muli %scan3A_38, %mul3A_39 : i32
      %add3A_41 = arith.constant 0 : i32
      %add3A_42 = arith.addi %add3A_41, %mul3A_40 : i32
      %mul3A_43 = arith.constant 960 : i32
      %mul3A_44 = arith.muli %arg1, %mul3A_43 : i32
      %mul3A_45 = arith.constant 32 : i32
      %mul3A_46 = arith.muli %add3A_42, %mul3A_45 : i32
      %add3A_47 = arith.addi %mul3A_44, %mul3A_46 : i32
      "tpu.region"() ({
        %run_scoped3A = tpu.sem_alloc : memref<!tpu.dma_semaphore, #tpu.memory_space<semaphore_mem>>
        %dma_start3A_48 = arith.constant 0 : i32
        %dma_start3A_49 = tpu.memref_slice %arg16[%add3A_47, %dma_start3A_48] : memref<15360x64xf32, #tpu.memory_space<vmem_shared>> -> memref<32x64xf32, #tpu.memory_space<vmem_shared>>
        %dma_start3A_50 = arith.constant 0 : i32
        %dma_start3A_51 = tpu.memref_slice %arg16[%add3A_47, %dma_start3A_50] : memref<15360x64xf32, #tpu.memory_space<vmem_shared>> -> memref<32x64xf32, #tpu.memory_space<vmem_shared>>
        tpu.enqueue_dma source(%arg15 : memref<32x64xf32, #tpu.memory_space<vmem>>) target(%dma_start3A_51 : memref<32x64xf32, #tpu.memory_space<vmem_shared>>) target_semaphore(%run_scoped3A : memref<!tpu.dma_semaphore, #tpu.memory_space<semaphore_mem>>)
        %dma_wait3A = arith.constant 0 : i32
        %dma_wait3A_52 = tpu.memref_slice %arg16[%add3A_47, %dma_wait3A] : memref<15360x64xf32, #tpu.memory_space<vmem_shared>> -> memref<32x64xf32, #tpu.memory_space<vmem_shared>>
        %dma_wait3A_53 = arith.constant 0 : i32
        %dma_wait3A_54 = tpu.memref_slice %arg16[%add3A_47, %dma_wait3A_53] : memref<15360x64xf32, #tpu.memory_space<vmem_shared>> -> memref<32x64xf32, #tpu.memory_space<vmem_shared>>
        tpu.wait_dma2 semaphore(%run_scoped3A : memref<!tpu.dma_semaphore, #tpu.memory_space<semaphore_mem>>) src(%arg15 : memref<32x64xf32, #tpu.memory_space<vmem>>) dst(%dma_wait3A_54 : memref<32x64xf32, #tpu.memory_space<vmem_shared>>)
        tpu.yield
      }) : () -> ()
    }
    %scan3A_6 = arith.constant 30 : i32
    %barrier3A = arith.constant 0 : index
    tpu.barrier barrier_id(%barrier3A)
    %add3A_7 = arith.constant 0 : i32
    %add3A_8 = arith.addi %mul3A_2, %add3A_7 : i32
    "tpu.region"() ({
      %run_scoped3A = tpu.sem_alloc : memref<!tpu.dma_semaphore, #tpu.memory_space<semaphore_mem>>
      %dma_start3A_38 = tpu.memref_slice %arg4[%add3A_8] : memref<245760xi32, #tpu.memory_space<hbm>> -> memref<128xi32, #tpu.memory_space<hbm>>
      %dma_start3A_39 = tpu.memref_slice %arg4[%add3A_8] : memref<245760xi32, #tpu.memory_space<hbm>> -> memref<128xi32, #tpu.memory_space<hbm>>
      tpu.enqueue_dma source(%dma_start3A_39 : memref<128xi32, #tpu.memory_space<hbm>>) target(%arg9 : memref<128xi32, #tpu.memory_space<vmem>>) target_semaphore(%run_scoped3A : memref<!tpu.dma_semaphore, #tpu.memory_space<semaphore_mem>>)
      %dma_wait3A = tpu.memref_slice %arg4[%add3A_8] : memref<245760xi32, #tpu.memory_space<hbm>> -> memref<128xi32, #tpu.memory_space<hbm>>
      %dma_wait3A_40 = tpu.memref_slice %arg4[%add3A_8] : memref<245760xi32, #tpu.memory_space<hbm>> -> memref<128xi32, #tpu.memory_space<hbm>>
      tpu.wait_dma2 semaphore(%run_scoped3A : memref<!tpu.dma_semaphore, #tpu.memory_space<semaphore_mem>>) src(%dma_wait3A_40 : memref<128xi32, #tpu.memory_space<hbm>>) dst(%arg9 : memref<128xi32, #tpu.memory_space<vmem>>)
      tpu.yield
    }) : () -> ()
    "tpu.region"() ({
      %run_scoped3A = tpu.sem_alloc : memref<!tpu.dma_semaphore, #tpu.memory_space<semaphore_mem>>
      %dma_start3A_38 = tpu.memref_slice %arg5[%add3A_8] : memref<245760xi32, #tpu.memory_space<hbm>> -> memref<128xi32, #tpu.memory_space<hbm>>
      %dma_start3A_39 = tpu.memref_slice %arg5[%add3A_8] : memref<245760xi32, #tpu.memory_space<hbm>> -> memref<128xi32, #tpu.memory_space<hbm>>
      tpu.enqueue_dma source(%dma_start3A_39 : memref<128xi32, #tpu.memory_space<hbm>>) target(%arg10 : memref<128xi32, #tpu.memory_space<vmem>>) target_semaphore(%run_scoped3A : memref<!tpu.dma_semaphore, #tpu.memory_space<semaphore_mem>>)
      %dma_wait3A = tpu.memref_slice %arg5[%add3A_8] : memref<245760xi32, #tpu.memory_space<hbm>> -> memref<128xi32, #tpu.memory_space<hbm>>
      %dma_wait3A_40 = tpu.memref_slice %arg5[%add3A_8] : memref<245760xi32, #tpu.memory_space<hbm>> -> memref<128xi32, #tpu.memory_space<hbm>>
      tpu.wait_dma2 semaphore(%run_scoped3A : memref<!tpu.dma_semaphore, #tpu.memory_space<semaphore_mem>>) src(%dma_wait3A_40 : memref<128xi32, #tpu.memory_space<hbm>>) dst(%arg10 : memref<128xi32, #tpu.memory_space<vmem>>)
      tpu.yield
    }) : () -> ()
    %dma_start3A = arith.constant 0 : i32
    %dma_start3A_9 = arith.constant 0 : i32
    %dma_start3A_10 = tpu.memref_slice %arg2[%dma_start3A, %dma_start3A_9] : memref<15360x64xf32, #tpu.memory_space<hbm>> -> memref<15360x64xf32, #tpu.memory_space<hbm>>
    tpu.enqueue_indirect_dma source(%dma_start3A_10 : memref<15360x64xf32, #tpu.memory_space<hbm>>) target(%arg13 : memref<128x64xf32, #tpu.memory_space<vmem>>) offsets(%arg9 : memref<128xi32, #tpu.memory_space<vmem>>) semaphore(%arg17 : memref<!tpu.dma_semaphore, #tpu.memory_space<semaphore_mem>>)
    %scan3A_11 = arith.constant 0 : i32
    %scan3A_12 = arith.constant 30 : i32
    %scan3A_13 = arith.addi %scan3A_11, %scan3A_12 : i32
    %scan3A_14 = arith.constant 1 : i32
    scf.for %scan3A_38 = %scan3A_11 to %scan3A_13 step %scan3A_14  : i32 {
      %mul3A_39 = arith.constant 1 : i32
      %mul3A_40 = arith.muli %scan3A_38, %mul3A_39 : i32
      %add3A_41 = arith.constant 0 : i32
      %add3A_42 = arith.addi %add3A_41, %mul3A_40 : i32
      %mul3A_43 = arith.constant 2 : i32
      %mul3A_44 = arith.muli %mul3A_43, %add3A_42 : i32
      %add3A_45 = arith.constant 1 : i32
      %add3A_46 = arith.addi %mul3A_44, %add3A_45 : i32
      %mul3A_47 = arith.constant 128 : i32
      %mul3A_48 = arith.muli %add3A_46, %mul3A_47 : i32
      %add3A_49 = arith.addi %mul3A_2, %mul3A_48 : i32
      "tpu.region"() ({
        %run_scoped3A = tpu.sem_alloc : memref<!tpu.dma_semaphore, #tpu.memory_space<semaphore_mem>>
        %dma_start3A_60 = tpu.memref_slice %arg4[%add3A_49] : memref<245760xi32, #tpu.memory_space<hbm>> -> memref<128xi32, #tpu.memory_space<hbm>>
        %dma_start3A_61 = tpu.memref_slice %arg4[%add3A_49] : memref<245760xi32, #tpu.memory_space<hbm>> -> memref<128xi32, #tpu.memory_space<hbm>>
        tpu.enqueue_dma source(%dma_start3A_61 : memref<128xi32, #tpu.memory_space<hbm>>) target(%arg11 : memref<128xi32, #tpu.memory_space<vmem>>) target_semaphore(%run_scoped3A : memref<!tpu.dma_semaphore, #tpu.memory_space<semaphore_mem>>)
        %dma_wait3A_62 = tpu.memref_slice %arg4[%add3A_49] : memref<245760xi32, #tpu.memory_space<hbm>> -> memref<128xi32, #tpu.memory_space<hbm>>
        %dma_wait3A_63 = tpu.memref_slice %arg4[%add3A_49] : memref<245760xi32, #tpu.memory_space<hbm>> -> memref<128xi32, #tpu.memory_space<hbm>>
        tpu.wait_dma2 semaphore(%run_scoped3A : memref<!tpu.dma_semaphore, #tpu.memory_space<semaphore_mem>>) src(%dma_wait3A_63 : memref<128xi32, #tpu.memory_space<hbm>>) dst(%arg11 : memref<128xi32, #tpu.memory_space<vmem>>)
        tpu.yield
      }) : () -> ()
      "tpu.region"() ({
        %run_scoped3A = tpu.sem_alloc : memref<!tpu.dma_semaphore, #tpu.memory_space<semaphore_mem>>
        %dma_start3A_60 = tpu.memref_slice %arg5[%add3A_49] : memref<245760xi32, #tpu.memory_space<hbm>> -> memref<128xi32, #tpu.memory_space<hbm>>
        %dma_start3A_61 = tpu.memref_slice %arg5[%add3A_49] : memref<245760xi32, #tpu.memory_space<hbm>> -> memref<128xi32, #tpu.memory_space<hbm>>
        tpu.enqueue_dma source(%dma_start3A_61 : memref<128xi32, #tpu.memory_space<hbm>>) target(%arg12 : memref<128xi32, #tpu.memory_space<vmem>>) target_semaphore(%run_scoped3A : memref<!tpu.dma_semaphore, #tpu.memory_space<semaphore_mem>>)
        %dma_wait3A_62 = tpu.memref_slice %arg5[%add3A_49] : memref<245760xi32, #tpu.memory_space<hbm>> -> memref<128xi32, #tpu.memory_space<hbm>>
        %dma_wait3A_63 = tpu.memref_slice %arg5[%add3A_49] : memref<245760xi32, #tpu.memory_space<hbm>> -> memref<128xi32, #tpu.memory_space<hbm>>
        tpu.wait_dma2 semaphore(%run_scoped3A : memref<!tpu.dma_semaphore, #tpu.memory_space<semaphore_mem>>) src(%dma_wait3A_63 : memref<128xi32, #tpu.memory_space<hbm>>) dst(%arg12 : memref<128xi32, #tpu.memory_space<vmem>>)
        tpu.yield
      }) : () -> ()
      %dma_start3A_50 = arith.constant 0 : i32
      %dma_start3A_51 = arith.constant 0 : i32
      %dma_start3A_52 = tpu.memref_slice %arg2[%dma_start3A_50, %dma_start3A_51] : memref<15360x64xf32, #tpu.memory_space<hbm>> -> memref<15360x64xf32, #tpu.memory_space<hbm>>
      tpu.enqueue_indirect_dma source(%dma_start3A_52 : memref<15360x64xf32, #tpu.memory_space<hbm>>) target(%arg14 : memref<128x64xf32, #tpu.memory_space<vmem>>) offsets(%arg11 : memref<128xi32, #tpu.memory_space<vmem>>) semaphore(%arg18 : memref<!tpu.dma_semaphore, #tpu.memory_space<semaphore_mem>>)
      %dma_wait3A = arith.constant 0 : i32
      %dma_wait3A_53 = arith.constant 0 : i32
      %dma_wait3A_54 = tpu.memref_slice %arg2[%dma_wait3A, %dma_wait3A_53] : memref<15360x64xf32, #tpu.memory_space<hbm>> -> memref<15360x64xf32, #tpu.memory_space<hbm>>
      tpu.wait_indirect_dma semaphore(%arg17 : memref<!tpu.dma_semaphore, #tpu.memory_space<semaphore_mem>>) src(%dma_wait3A_54 : memref<15360x64xf32, #tpu.memory_space<hbm>>) dst(%arg13 : memref<128x64xf32, #tpu.memory_space<vmem>>)
      "tpu.region"() ({
        %run_scoped3A = tpu.sem_alloc : memref<!tpu.dma_semaphore, #tpu.memory_space<semaphore_mem>>
        %dma_start3A_60 = arith.constant 0 : i32
        %dma_start3A_61 = arith.constant 0 : i32
        %dma_start3A_62 = tpu.memref_slice %arg16[%dma_start3A_60, %dma_start3A_61] : memref<15360x64xf32, #tpu.memory_space<vmem_shared>> -> memref<15360x64xf32, #tpu.memory_space<vmem_shared>>
        tpu.enqueue_indirect_dma source(%arg13 : memref<128x64xf32, #tpu.memory_space<vmem>>) target(%dma_start3A_62 : memref<15360x64xf32, #tpu.memory_space<vmem_shared>>) offsets(%arg10 : memref<128xi32, #tpu.memory_space<vmem>>) semaphore(%run_scoped3A : memref<!tpu.dma_semaphore, #tpu.memory_space<semaphore_mem>>) {add = true}
        %dma_wait3A_63 = arith.constant 0 : i32
        %dma_wait3A_64 = arith.constant 0 : i32
        %dma_wait3A_65 = tpu.memref_slice %arg16[%dma_wait3A_63, %dma_wait3A_64] : memref<15360x64xf32, #tpu.memory_space<vmem_shared>> -> memref<15360x64xf32, #tpu.memory_space<vmem_shared>>
        tpu.wait_indirect_dma semaphore(%run_scoped3A : memref<!tpu.dma_semaphore, #tpu.memory_space<semaphore_mem>>) src(%arg13 : memref<128x64xf32, #tpu.memory_space<vmem>>) dst(%dma_wait3A_65 : memref<15360x64xf32, #tpu.memory_space<vmem_shared>>)
        tpu.yield
      }) : () -> ()
      %lt3A = arith.constant 29 : i32
      %lt3A_55 = arith.cmpi slt, %add3A_42, %lt3A : i32
      %convert_element_type3A = arith.extui %lt3A_55 : i1 to i32
      %cond3A = arith.constant 0 : i32
      %cond3A_56 = arith.cmpi ne, %convert_element_type3A, %cond3A : i32
      scf.if %cond3A_56 {
        %mul3A_60 = arith.constant 2 : i32
        %mul3A_61 = arith.muli %mul3A_60, %add3A_42 : i32
        %add3A_62 = arith.constant 2 : i32
        %add3A_63 = arith.addi %mul3A_61, %add3A_62 : i32
        %mul3A_64 = arith.constant 128 : i32
        %mul3A_65 = arith.muli %add3A_63, %mul3A_64 : i32
        %add3A_66 = arith.addi %mul3A_2, %mul3A_65 : i32
        "tpu.region"() ({
          %run_scoped3A = tpu.sem_alloc : memref<!tpu.dma_semaphore, #tpu.memory_space<semaphore_mem>>
          %dma_start3A_70 = tpu.memref_slice %arg4[%add3A_66] : memref<245760xi32, #tpu.memory_space<hbm>> -> memref<128xi32, #tpu.memory_space<hbm>>
          %dma_start3A_71 = tpu.memref_slice %arg4[%add3A_66] : memref<245760xi32, #tpu.memory_space<hbm>> -> memref<128xi32, #tpu.memory_space<hbm>>
          tpu.enqueue_dma source(%dma_start3A_71 : memref<128xi32, #tpu.memory_space<hbm>>) target(%arg9 : memref<128xi32, #tpu.memory_space<vmem>>) target_semaphore(%run_scoped3A : memref<!tpu.dma_semaphore, #tpu.memory_space<semaphore_mem>>)
          %dma_wait3A_72 = tpu.memref_slice %arg4[%add3A_66] : memref<245760xi32, #tpu.memory_space<hbm>> -> memref<128xi32, #tpu.memory_space<hbm>>
          %dma_wait3A_73 = tpu.memref_slice %arg4[%add3A_66] : memref<245760xi32, #tpu.memory_space<hbm>> -> memref<128xi32, #tpu.memory_space<hbm>>
          tpu.wait_dma2 semaphore(%run_scoped3A : memref<!tpu.dma_semaphore, #tpu.memory_space<semaphore_mem>>) src(%dma_wait3A_73 : memref<128xi32, #tpu.memory_space<hbm>>) dst(%arg9 : memref<128xi32, #tpu.memory_space<vmem>>)
          tpu.yield
        }) : () -> ()
        "tpu.region"() ({
          %run_scoped3A = tpu.sem_alloc : memref<!tpu.dma_semaphore, #tpu.memory_space<semaphore_mem>>
          %dma_start3A_70 = tpu.memref_slice %arg5[%add3A_66] : memref<245760xi32, #tpu.memory_space<hbm>> -> memref<128xi32, #tpu.memory_space<hbm>>
          %dma_start3A_71 = tpu.memref_slice %arg5[%add3A_66] : memref<245760xi32, #tpu.memory_space<hbm>> -> memref<128xi32, #tpu.memory_space<hbm>>
          tpu.enqueue_dma source(%dma_start3A_71 : memref<128xi32, #tpu.memory_space<hbm>>) target(%arg10 : memref<128xi32, #tpu.memory_space<vmem>>) target_semaphore(%run_scoped3A : memref<!tpu.dma_semaphore, #tpu.memory_space<semaphore_mem>>)
          %dma_wait3A_72 = tpu.memref_slice %arg5[%add3A_66] : memref<245760xi32, #tpu.memory_space<hbm>> -> memref<128xi32, #tpu.memory_space<hbm>>
          %dma_wait3A_73 = tpu.memref_slice %arg5[%add3A_66] : memref<245760xi32, #tpu.memory_space<hbm>> -> memref<128xi32, #tpu.memory_space<hbm>>
          tpu.wait_dma2 semaphore(%run_scoped3A : memref<!tpu.dma_semaphore, #tpu.memory_space<semaphore_mem>>) src(%dma_wait3A_73 : memref<128xi32, #tpu.memory_space<hbm>>) dst(%arg10 : memref<128xi32, #tpu.memory_space<vmem>>)
          tpu.yield
        }) : () -> ()
        %dma_start3A_67 = arith.constant 0 : i32
        %dma_start3A_68 = arith.constant 0 : i32
        %dma_start3A_69 = tpu.memref_slice %arg2[%dma_start3A_67, %dma_start3A_68] : memref<15360x64xf32, #tpu.memory_space<hbm>> -> memref<15360x64xf32, #tpu.memory_space<hbm>>
        tpu.enqueue_indirect_dma source(%dma_start3A_69 : memref<15360x64xf32, #tpu.memory_space<hbm>>) target(%arg13 : memref<128x64xf32, #tpu.memory_space<vmem>>) offsets(%arg9 : memref<128xi32, #tpu.memory_space<vmem>>) semaphore(%arg17 : memref<!tpu.dma_semaphore, #tpu.memory_space<semaphore_mem>>)
      } else {
      }
      %dma_wait3A_57 = arith.constant 0 : i32
      %dma_wait3A_58 = arith.constant 0 : i32
      %dma_wait3A_59 = tpu.memref_slice %arg2[%dma_wait3A_57, %dma_wait3A_58] : memref<15360x64xf32, #tpu.memory_space<hbm>> -> memref<15360x64xf32, #tpu.memory_space<hbm>>
      tpu.wait_indirect_dma semaphore(%arg18 : memref<!tpu.dma_semaphore, #tpu.memory_space<semaphore_mem>>) src(%dma_wait3A_59 : memref<15360x64xf32, #tpu.memory_space<hbm>>) dst(%arg14 : memref<128x64xf32, #tpu.memory_space<vmem>>)
      "tpu.region"() ({
        %run_scoped3A = tpu.sem_alloc : memref<!tpu.dma_semaphore, #tpu.memory_space<semaphore_mem>>
        %dma_start3A_60 = arith.constant 0 : i32
        %dma_start3A_61 = arith.constant 0 : i32
        %dma_start3A_62 = tpu.memref_slice %arg16[%dma_start3A_60, %dma_start3A_61] : memref<15360x64xf32, #tpu.memory_space<vmem_shared>> -> memref<15360x64xf32, #tpu.memory_space<vmem_shared>>
        tpu.enqueue_indirect_dma source(%arg14 : memref<128x64xf32, #tpu.memory_space<vmem>>) target(%dma_start3A_62 : memref<15360x64xf32, #tpu.memory_space<vmem_shared>>) offsets(%arg12 : memref<128xi32, #tpu.memory_space<vmem>>) semaphore(%run_scoped3A : memref<!tpu.dma_semaphore, #tpu.memory_space<semaphore_mem>>) {add = true}
        %dma_wait3A_63 = arith.constant 0 : i32
        %dma_wait3A_64 = arith.constant 0 : i32
        %dma_wait3A_65 = tpu.memref_slice %arg16[%dma_wait3A_63, %dma_wait3A_64] : memref<15360x64xf32, #tpu.memory_space<vmem_shared>> -> memref<15360x64xf32, #tpu.memory_space<vmem_shared>>
        tpu.wait_indirect_dma semaphore(%run_scoped3A : memref<!tpu.dma_semaphore, #tpu.memory_space<semaphore_mem>>) src(%arg14 : memref<128x64xf32, #tpu.memory_space<vmem>>) dst(%dma_wait3A_65 : memref<15360x64xf32, #tpu.memory_space<vmem_shared>>)
        tpu.yield
      }) : () -> ()
    }
    %scan3A_15 = arith.constant 30 : i32
    %barrier3A_16 = arith.constant 0 : index
    tpu.barrier barrier_id(%barrier3A_16)
    %mul3A_17 = arith.constant 960 : i32
    %mul3A_18 = arith.muli %arg1, %mul3A_17 : i32
    "tpu.region"() ({
      %run_scoped3A = tpu.sem_alloc : memref<!tpu.dma_semaphore, #tpu.memory_space<semaphore_mem>>
      %dma_start3A_38 = arith.constant 0 : i32
      %dma_start3A_39 = arith.constant 0 : i32
      %dma_start3A_40 = tpu.memref_slice %arg7[%arg0, %arg1, %dma_start3A_38, %dma_start3A_39] : memref<2x16x960x64xf32, #tpu.memory_space<hbm>> -> memref<1x1x960x64xf32, #tpu.memory_space<hbm>>
      %dma_start3A_41 = tpu.memref_squeeze %dma_start3A_40 : memref<1x1x960x64xf32, #tpu.memory_space<hbm>> -> memref<960x64xf32, #tpu.memory_space<hbm>>
      %dma_start3A_42 = arith.constant 0 : i32
      %dma_start3A_43 = tpu.memref_slice %arg16[%mul3A_18, %dma_start3A_42] : memref<15360x64xf32, #tpu.memory_space<vmem_shared>> -> memref<960x64xf32, #tpu.memory_space<vmem_shared>>
      tpu.enqueue_dma source(%dma_start3A_43 : memref<960x64xf32, #tpu.memory_space<vmem_shared>>) target(%dma_start3A_41 : memref<960x64xf32, #tpu.memory_space<hbm>>) target_semaphore(%run_scoped3A : memref<!tpu.dma_semaphore, #tpu.memory_space<semaphore_mem>>)
      %dma_wait3A = arith.constant 0 : i32
      %dma_wait3A_44 = arith.constant 0 : i32
      %dma_wait3A_45 = tpu.memref_slice %arg7[%arg0, %arg1, %dma_wait3A, %dma_wait3A_44] : memref<2x16x960x64xf32, #tpu.memory_space<hbm>> -> memref<1x1x960x64xf32, #tpu.memory_space<hbm>>
      %dma_wait3A_46 = tpu.memref_squeeze %dma_wait3A_45 : memref<1x1x960x64xf32, #tpu.memory_space<hbm>> -> memref<960x64xf32, #tpu.memory_space<hbm>>
      %dma_wait3A_47 = arith.constant 0 : i32
      %dma_wait3A_48 = tpu.memref_slice %arg16[%mul3A_18, %dma_wait3A_47] : memref<15360x64xf32, #tpu.memory_space<vmem_shared>> -> memref<960x64xf32, #tpu.memory_space<vmem_shared>>
      tpu.wait_dma2 semaphore(%run_scoped3A : memref<!tpu.dma_semaphore, #tpu.memory_space<semaphore_mem>>) src(%dma_wait3A_48 : memref<960x64xf32, #tpu.memory_space<vmem_shared>>) dst(%dma_wait3A_46 : memref<960x64xf32, #tpu.memory_space<hbm>>)
      tpu.yield
    }) : () -> ()
    %scan3A_19 = arith.constant 0 : i32
    %scan3A_20 = arith.constant 30 : i32
    %scan3A_21 = arith.addi %scan3A_19, %scan3A_20 : i32
    %scan3A_22 = arith.constant 1 : i32
    scf.for %scan3A_38 = %scan3A_19 to %scan3A_21 step %scan3A_22  : i32 {
      %mul3A_39 = arith.constant 1 : i32
      %mul3A_40 = arith.muli %scan3A_38, %mul3A_39 : i32
      %add3A_41 = arith.constant 0 : i32
      %add3A_42 = arith.addi %add3A_41, %mul3A_40 : i32
      %mul3A_43 = arith.constant 960 : i32
      %mul3A_44 = arith.muli %arg1, %mul3A_43 : i32
      %mul3A_45 = arith.constant 32 : i32
      %mul3A_46 = arith.muli %add3A_42, %mul3A_45 : i32
      %add3A_47 = arith.addi %mul3A_44, %mul3A_46 : i32
      "tpu.region"() ({
        %run_scoped3A = tpu.sem_alloc : memref<!tpu.dma_semaphore, #tpu.memory_space<semaphore_mem>>
        %dma_start3A_48 = arith.constant 0 : i32
        %dma_start3A_49 = tpu.memref_slice %arg16[%add3A_47, %dma_start3A_48] : memref<15360x64xf32, #tpu.memory_space<vmem_shared>> -> memref<32x64xf32, #tpu.memory_space<vmem_shared>>
        %dma_start3A_50 = arith.constant 0 : i32
        %dma_start3A_51 = tpu.memref_slice %arg16[%add3A_47, %dma_start3A_50] : memref<15360x64xf32, #tpu.memory_space<vmem_shared>> -> memref<32x64xf32, #tpu.memory_space<vmem_shared>>
        tpu.enqueue_dma source(%arg15 : memref<32x64xf32, #tpu.memory_space<vmem>>) target(%dma_start3A_51 : memref<32x64xf32, #tpu.memory_space<vmem_shared>>) target_semaphore(%run_scoped3A : memref<!tpu.dma_semaphore, #tpu.memory_space<semaphore_mem>>)
        %dma_wait3A = arith.constant 0 : i32
        %dma_wait3A_52 = tpu.memref_slice %arg16[%add3A_47, %dma_wait3A] : memref<15360x64xf32, #tpu.memory_space<vmem_shared>> -> memref<32x64xf32, #tpu.memory_space<vmem_shared>>
        %dma_wait3A_53 = arith.constant 0 : i32
        %dma_wait3A_54 = tpu.memref_slice %arg16[%add3A_47, %dma_wait3A_53] : memref<15360x64xf32, #tpu.memory_space<vmem_shared>> -> memref<32x64xf32, #tpu.memory_space<vmem_shared>>
        tpu.wait_dma2 semaphore(%run_scoped3A : memref<!tpu.dma_semaphore, #tpu.memory_space<semaphore_mem>>) src(%arg15 : memref<32x64xf32, #tpu.memory_space<vmem>>) dst(%dma_wait3A_54 : memref<32x64xf32, #tpu.memory_space<vmem_shared>>)
        tpu.yield
      }) : () -> ()
    }
    %scan3A_23 = arith.constant 30 : i32
    %barrier3A_24 = arith.constant 0 : index
    tpu.barrier barrier_id(%barrier3A_24)
    %add3A_25 = arith.constant 0 : i32
    %add3A_26 = arith.addi %mul3A_2, %add3A_25 : i32
    "tpu.region"() ({
      %run_scoped3A = tpu.sem_alloc : memref<!tpu.dma_semaphore, #tpu.memory_space<semaphore_mem>>
      %dma_start3A_38 = tpu.memref_slice %arg4[%add3A_26] : memref<245760xi32, #tpu.memory_space<hbm>> -> memref<128xi32, #tpu.memory_space<hbm>>
      %dma_start3A_39 = tpu.memref_slice %arg4[%add3A_26] : memref<245760xi32, #tpu.memory_space<hbm>> -> memref<128xi32, #tpu.memory_space<hbm>>
      tpu.enqueue_dma source(%dma_start3A_39 : memref<128xi32, #tpu.memory_space<hbm>>) target(%arg9 : memref<128xi32, #tpu.memory_space<vmem>>) target_semaphore(%run_scoped3A : memref<!tpu.dma_semaphore, #tpu.memory_space<semaphore_mem>>)
      %dma_wait3A = tpu.memref_slice %arg4[%add3A_26] : memref<245760xi32, #tpu.memory_space<hbm>> -> memref<128xi32, #tpu.memory_space<hbm>>
      %dma_wait3A_40 = tpu.memref_slice %arg4[%add3A_26] : memref<245760xi32, #tpu.memory_space<hbm>> -> memref<128xi32, #tpu.memory_space<hbm>>
      tpu.wait_dma2 semaphore(%run_scoped3A : memref<!tpu.dma_semaphore, #tpu.memory_space<semaphore_mem>>) src(%dma_wait3A_40 : memref<128xi32, #tpu.memory_space<hbm>>) dst(%arg9 : memref<128xi32, #tpu.memory_space<vmem>>)
      tpu.yield
    }) : () -> ()
    "tpu.region"() ({
      %run_scoped3A = tpu.sem_alloc : memref<!tpu.dma_semaphore, #tpu.memory_space<semaphore_mem>>
      %dma_start3A_38 = tpu.memref_slice %arg5[%add3A_26] : memref<245760xi32, #tpu.memory_space<hbm>> -> memref<128xi32, #tpu.memory_space<hbm>>
      %dma_start3A_39 = tpu.memref_slice %arg5[%add3A_26] : memref<245760xi32, #tpu.memory_space<hbm>> -> memref<128xi32, #tpu.memory_space<hbm>>
      tpu.enqueue_dma source(%dma_start3A_39 : memref<128xi32, #tpu.memory_space<hbm>>) target(%arg10 : memref<128xi32, #tpu.memory_space<vmem>>) target_semaphore(%run_scoped3A : memref<!tpu.dma_semaphore, #tpu.memory_space<semaphore_mem>>)
      %dma_wait3A = tpu.memref_slice %arg5[%add3A_26] : memref<245760xi32, #tpu.memory_space<hbm>> -> memref<128xi32, #tpu.memory_space<hbm>>
      %dma_wait3A_40 = tpu.memref_slice %arg5[%add3A_26] : memref<245760xi32, #tpu.memory_space<hbm>> -> memref<128xi32, #tpu.memory_space<hbm>>
      tpu.wait_dma2 semaphore(%run_scoped3A : memref<!tpu.dma_semaphore, #tpu.memory_space<semaphore_mem>>) src(%dma_wait3A_40 : memref<128xi32, #tpu.memory_space<hbm>>) dst(%arg10 : memref<128xi32, #tpu.memory_space<vmem>>)
      tpu.yield
    }) : () -> ()
    %dma_start3A_27 = arith.constant 0 : i32
    %dma_start3A_28 = arith.constant 0 : i32
    %dma_start3A_29 = tpu.memref_slice %arg3[%dma_start3A_27, %dma_start3A_28] : memref<15360x64xf32, #tpu.memory_space<hbm>> -> memref<15360x64xf32, #tpu.memory_space<hbm>>
    tpu.enqueue_indirect_dma source(%dma_start3A_29 : memref<15360x64xf32, #tpu.memory_space<hbm>>) target(%arg13 : memref<128x64xf32, #tpu.memory_space<vmem>>) offsets(%arg9 : memref<128xi32, #tpu.memory_space<vmem>>) semaphore(%arg17 : memref<!tpu.dma_semaphore, #tpu.memory_space<semaphore_mem>>)
    %scan3A_30 = arith.constant 0 : i32
    %scan3A_31 = arith.constant 30 : i32
    %scan3A_32 = arith.addi %scan3A_30, %scan3A_31 : i32
    %scan3A_33 = arith.constant 1 : i32
    scf.for %scan3A_38 = %scan3A_30 to %scan3A_32 step %scan3A_33  : i32 {
      %mul3A_39 = arith.constant 1 : i32
      %mul3A_40 = arith.muli %scan3A_38, %mul3A_39 : i32
      %add3A_41 = arith.constant 0 : i32
      %add3A_42 = arith.addi %add3A_41, %mul3A_40 : i32
      %mul3A_43 = arith.constant 2 : i32
      %mul3A_44 = arith.muli %mul3A_43, %add3A_42 : i32
      %add3A_45 = arith.constant 1 : i32
      %add3A_46 = arith.addi %mul3A_44, %add3A_45 : i32
      %mul3A_47 = arith.constant 128 : i32
      %mul3A_48 = arith.muli %add3A_46, %mul3A_47 : i32
      %add3A_49 = arith.addi %mul3A_2, %mul3A_48 : i32
      "tpu.region"() ({
        %run_scoped3A = tpu.sem_alloc : memref<!tpu.dma_semaphore, #tpu.memory_space<semaphore_mem>>
        %dma_start3A_60 = tpu.memref_slice %arg4[%add3A_49] : memref<245760xi32, #tpu.memory_space<hbm>> -> memref<128xi32, #tpu.memory_space<hbm>>
        %dma_start3A_61 = tpu.memref_slice %arg4[%add3A_49] : memref<245760xi32, #tpu.memory_space<hbm>> -> memref<128xi32, #tpu.memory_space<hbm>>
        tpu.enqueue_dma source(%dma_start3A_61 : memref<128xi32, #tpu.memory_space<hbm>>) target(%arg11 : memref<128xi32, #tpu.memory_space<vmem>>) target_semaphore(%run_scoped3A : memref<!tpu.dma_semaphore, #tpu.memory_space<semaphore_mem>>)
        %dma_wait3A_62 = tpu.memref_slice %arg4[%add3A_49] : memref<245760xi32, #tpu.memory_space<hbm>> -> memref<128xi32, #tpu.memory_space<hbm>>
        %dma_wait3A_63 = tpu.memref_slice %arg4[%add3A_49] : memref<245760xi32, #tpu.memory_space<hbm>> -> memref<128xi32, #tpu.memory_space<hbm>>
        tpu.wait_dma2 semaphore(%run_scoped3A : memref<!tpu.dma_semaphore, #tpu.memory_space<semaphore_mem>>) src(%dma_wait3A_63 : memref<128xi32, #tpu.memory_space<hbm>>) dst(%arg11 : memref<128xi32, #tpu.memory_space<vmem>>)
        tpu.yield
      }) : () -> ()
      "tpu.region"() ({
        %run_scoped3A = tpu.sem_alloc : memref<!tpu.dma_semaphore, #tpu.memory_space<semaphore_mem>>
        %dma_start3A_60 = tpu.memref_slice %arg5[%add3A_49] : memref<245760xi32, #tpu.memory_space<hbm>> -> memref<128xi32, #tpu.memory_space<hbm>>
        %dma_start3A_61 = tpu.memref_slice %arg5[%add3A_49] : memref<245760xi32, #tpu.memory_space<hbm>> -> memref<128xi32, #tpu.memory_space<hbm>>
        tpu.enqueue_dma source(%dma_start3A_61 : memref<128xi32, #tpu.memory_space<hbm>>) target(%arg12 : memref<128xi32, #tpu.memory_space<vmem>>) target_semaphore(%run_scoped3A : memref<!tpu.dma_semaphore, #tpu.memory_space<semaphore_mem>>)
        %dma_wait3A_62 = tpu.memref_slice %arg5[%add3A_49] : memref<245760xi32, #tpu.memory_space<hbm>> -> memref<128xi32, #tpu.memory_space<hbm>>
        %dma_wait3A_63 = tpu.memref_slice %arg5[%add3A_49] : memref<245760xi32, #tpu.memory_space<hbm>> -> memref<128xi32, #tpu.memory_space<hbm>>
        tpu.wait_dma2 semaphore(%run_scoped3A : memref<!tpu.dma_semaphore, #tpu.memory_space<semaphore_mem>>) src(%dma_wait3A_63 : memref<128xi32, #tpu.memory_space<hbm>>) dst(%arg12 : memref<128xi32, #tpu.memory_space<vmem>>)
        tpu.yield
      }) : () -> ()
      %dma_start3A_50 = arith.constant 0 : i32
      %dma_start3A_51 = arith.constant 0 : i32
      %dma_start3A_52 = tpu.memref_slice %arg3[%dma_start3A_50, %dma_start3A_51] : memref<15360x64xf32, #tpu.memory_space<hbm>> -> memref<15360x64xf32, #tpu.memory_space<hbm>>
      tpu.enqueue_indirect_dma source(%dma_start3A_52 : memref<15360x64xf32, #tpu.memory_space<hbm>>) target(%arg14 : memref<128x64xf32, #tpu.memory_space<vmem>>) offsets(%arg11 : memref<128xi32, #tpu.memory_space<vmem>>) semaphore(%arg18 : memref<!tpu.dma_semaphore, #tpu.memory_space<semaphore_mem>>)
      %dma_wait3A = arith.constant 0 : i32
      %dma_wait3A_53 = arith.constant 0 : i32
      %dma_wait3A_54 = tpu.memref_slice %arg3[%dma_wait3A, %dma_wait3A_53] : memref<15360x64xf32, #tpu.memory_space<hbm>> -> memref<15360x64xf32, #tpu.memory_space<hbm>>
      tpu.wait_indirect_dma semaphore(%arg17 : memref<!tpu.dma_semaphore, #tpu.memory_space<semaphore_mem>>) src(%dma_wait3A_54 : memref<15360x64xf32, #tpu.memory_space<hbm>>) dst(%arg13 : memref<128x64xf32, #tpu.memory_space<vmem>>)
      "tpu.region"() ({
        %run_scoped3A = tpu.sem_alloc : memref<!tpu.dma_semaphore, #tpu.memory_space<semaphore_mem>>
        %dma_start3A_60 = arith.constant 0 : i32
        %dma_start3A_61 = arith.constant 0 : i32
        %dma_start3A_62 = tpu.memref_slice %arg16[%dma_start3A_60, %dma_start3A_61] : memref<15360x64xf32, #tpu.memory_space<vmem_shared>> -> memref<15360x64xf32, #tpu.memory_space<vmem_shared>>
        tpu.enqueue_indirect_dma source(%arg13 : memref<128x64xf32, #tpu.memory_space<vmem>>) target(%dma_start3A_62 : memref<15360x64xf32, #tpu.memory_space<vmem_shared>>) offsets(%arg10 : memref<128xi32, #tpu.memory_space<vmem>>) semaphore(%run_scoped3A : memref<!tpu.dma_semaphore, #tpu.memory_space<semaphore_mem>>) {add = true}
        %dma_wait3A_63 = arith.constant 0 : i32
        %dma_wait3A_64 = arith.constant 0 : i32
        %dma_wait3A_65 = tpu.memref_slice %arg16[%dma_wait3A_63, %dma_wait3A_64] : memref<15360x64xf32, #tpu.memory_space<vmem_shared>> -> memref<15360x64xf32, #tpu.memory_space<vmem_shared>>
        tpu.wait_indirect_dma semaphore(%run_scoped3A : memref<!tpu.dma_semaphore, #tpu.memory_space<semaphore_mem>>) src(%arg13 : memref<128x64xf32, #tpu.memory_space<vmem>>) dst(%dma_wait3A_65 : memref<15360x64xf32, #tpu.memory_space<vmem_shared>>)
        tpu.yield
      }) : () -> ()
      %lt3A = arith.constant 29 : i32
      %lt3A_55 = arith.cmpi slt, %add3A_42, %lt3A : i32
      %convert_element_type3A = arith.extui %lt3A_55 : i1 to i32
      %cond3A = arith.constant 0 : i32
      %cond3A_56 = arith.cmpi ne, %convert_element_type3A, %cond3A : i32
      scf.if %cond3A_56 {
        %mul3A_60 = arith.constant 2 : i32
        %mul3A_61 = arith.muli %mul3A_60, %add3A_42 : i32
        %add3A_62 = arith.constant 2 : i32
        %add3A_63 = arith.addi %mul3A_61, %add3A_62 : i32
        %mul3A_64 = arith.constant 128 : i32
        %mul3A_65 = arith.muli %add3A_63, %mul3A_64 : i32
        %add3A_66 = arith.addi %mul3A_2, %mul3A_65 : i32
        "tpu.region"() ({
          %run_scoped3A = tpu.sem_alloc : memref<!tpu.dma_semaphore, #tpu.memory_space<semaphore_mem>>
          %dma_start3A_70 = tpu.memref_slice %arg4[%add3A_66] : memref<245760xi32, #tpu.memory_space<hbm>> -> memref<128xi32, #tpu.memory_space<hbm>>
          %dma_start3A_71 = tpu.memref_slice %arg4[%add3A_66] : memref<245760xi32, #tpu.memory_space<hbm>> -> memref<128xi32, #tpu.memory_space<hbm>>
          tpu.enqueue_dma source(%dma_start3A_71 : memref<128xi32, #tpu.memory_space<hbm>>) target(%arg9 : memref<128xi32, #tpu.memory_space<vmem>>) target_semaphore(%run_scoped3A : memref<!tpu.dma_semaphore, #tpu.memory_space<semaphore_mem>>)
          %dma_wait3A_72 = tpu.memref_slice %arg4[%add3A_66] : memref<245760xi32, #tpu.memory_space<hbm>> -> memref<128xi32, #tpu.memory_space<hbm>>
          %dma_wait3A_73 = tpu.memref_slice %arg4[%add3A_66] : memref<245760xi32, #tpu.memory_space<hbm>> -> memref<128xi32, #tpu.memory_space<hbm>>
          tpu.wait_dma2 semaphore(%run_scoped3A : memref<!tpu.dma_semaphore, #tpu.memory_space<semaphore_mem>>) src(%dma_wait3A_73 : memref<128xi32, #tpu.memory_space<hbm>>) dst(%arg9 : memref<128xi32, #tpu.memory_space<vmem>>)
          tpu.yield
        }) : () -> ()
        "tpu.region"() ({
          %run_scoped3A = tpu.sem_alloc : memref<!tpu.dma_semaphore, #tpu.memory_space<semaphore_mem>>
          %dma_start3A_70 = tpu.memref_slice %arg5[%add3A_66] : memref<245760xi32, #tpu.memory_space<hbm>> -> memref<128xi32, #tpu.memory_space<hbm>>
          %dma_start3A_71 = tpu.memref_slice %arg5[%add3A_66] : memref<245760xi32, #tpu.memory_space<hbm>> -> memref<128xi32, #tpu.memory_space<hbm>>
          tpu.enqueue_dma source(%dma_start3A_71 : memref<128xi32, #tpu.memory_space<hbm>>) target(%arg10 : memref<128xi32, #tpu.memory_space<vmem>>) target_semaphore(%run_scoped3A : memref<!tpu.dma_semaphore, #tpu.memory_space<semaphore_mem>>)
          %dma_wait3A_72 = tpu.memref_slice %arg5[%add3A_66] : memref<245760xi32, #tpu.memory_space<hbm>> -> memref<128xi32, #tpu.memory_space<hbm>>
          %dma_wait3A_73 = tpu.memref_slice %arg5[%add3A_66] : memref<245760xi32, #tpu.memory_space<hbm>> -> memref<128xi32, #tpu.memory_space<hbm>>
          tpu.wait_dma2 semaphore(%run_scoped3A : memref<!tpu.dma_semaphore, #tpu.memory_space<semaphore_mem>>) src(%dma_wait3A_73 : memref<128xi32, #tpu.memory_space<hbm>>) dst(%arg10 : memref<128xi32, #tpu.memory_space<vmem>>)
          tpu.yield
        }) : () -> ()
        %dma_start3A_67 = arith.constant 0 : i32
        %dma_start3A_68 = arith.constant 0 : i32
        %dma_start3A_69 = tpu.memref_slice %arg3[%dma_start3A_67, %dma_start3A_68] : memref<15360x64xf32, #tpu.memory_space<hbm>> -> memref<15360x64xf32, #tpu.memory_space<hbm>>
        tpu.enqueue_indirect_dma source(%dma_start3A_69 : memref<15360x64xf32, #tpu.memory_space<hbm>>) target(%arg13 : memref<128x64xf32, #tpu.memory_space<vmem>>) offsets(%arg9 : memref<128xi32, #tpu.memory_space<vmem>>) semaphore(%arg17 : memref<!tpu.dma_semaphore, #tpu.memory_space<semaphore_mem>>)
      } else {
      }
      %dma_wait3A_57 = arith.constant 0 : i32
      %dma_wait3A_58 = arith.constant 0 : i32
      %dma_wait3A_59 = tpu.memref_slice %arg3[%dma_wait3A_57, %dma_wait3A_58] : memref<15360x64xf32, #tpu.memory_space<hbm>> -> memref<15360x64xf32, #tpu.memory_space<hbm>>
      tpu.wait_indirect_dma semaphore(%arg18 : memref<!tpu.dma_semaphore, #tpu.memory_space<semaphore_mem>>) src(%dma_wait3A_59 : memref<15360x64xf32, #tpu.memory_space<hbm>>) dst(%arg14 : memref<128x64xf32, #tpu.memory_space<vmem>>)
      "tpu.region"() ({
        %run_scoped3A = tpu.sem_alloc : memref<!tpu.dma_semaphore, #tpu.memory_space<semaphore_mem>>
        %dma_start3A_60 = arith.constant 0 : i32
        %dma_start3A_61 = arith.constant 0 : i32
        %dma_start3A_62 = tpu.memref_slice %arg16[%dma_start3A_60, %dma_start3A_61] : memref<15360x64xf32, #tpu.memory_space<vmem_shared>> -> memref<15360x64xf32, #tpu.memory_space<vmem_shared>>
        tpu.enqueue_indirect_dma source(%arg14 : memref<128x64xf32, #tpu.memory_space<vmem>>) target(%dma_start3A_62 : memref<15360x64xf32, #tpu.memory_space<vmem_shared>>) offsets(%arg12 : memref<128xi32, #tpu.memory_space<vmem>>) semaphore(%run_scoped3A : memref<!tpu.dma_semaphore, #tpu.memory_space<semaphore_mem>>) {add = true}
        %dma_wait3A_63 = arith.constant 0 : i32
        %dma_wait3A_64 = arith.constant 0 : i32
        %dma_wait3A_65 = tpu.memref_slice %arg16[%dma_wait3A_63, %dma_wait3A_64] : memref<15360x64xf32, #tpu.memory_space<vmem_shared>> -> memref<15360x64xf32, #tpu.memory_space<vmem_shared>>
        tpu.wait_indirect_dma semaphore(%run_scoped3A : memref<!tpu.dma_semaphore, #tpu.memory_space<semaphore_mem>>) src(%arg14 : memref<128x64xf32, #tpu.memory_space<vmem>>) dst(%dma_wait3A_65 : memref<15360x64xf32, #tpu.memory_space<vmem_shared>>)
        tpu.yield
      }) : () -> ()
    }
    %scan3A_34 = arith.constant 30 : i32
    %barrier3A_35 = arith.constant 0 : index
    tpu.barrier barrier_id(%barrier3A_35)
    %mul3A_36 = arith.constant 960 : i32
    %mul3A_37 = arith.muli %arg1, %mul3A_36 : i32
    "tpu.region"() ({
      %run_scoped3A = tpu.sem_alloc : memref<!tpu.dma_semaphore, #tpu.memory_space<semaphore_mem>>
      %dma_start3A_38 = arith.constant 0 : i32
      %dma_start3A_39 = arith.constant 0 : i32
      %dma_start3A_40 = tpu.memref_slice %arg8[%arg0, %arg1, %dma_start3A_38, %dma_start3A_39] : memref<2x16x960x64xf32, #tpu.memory_space<hbm>> -> memref<1x1x960x64xf32, #tpu.memory_space<hbm>>
      %dma_start3A_41 = tpu.memref_squeeze %dma_start3A_40 : memref<1x1x960x64xf32, #tpu.memory_space<hbm>> -> memref<960x64xf32, #tpu.memory_space<hbm>>
      %dma_start3A_42 = arith.constant 0 : i32
      %dma_start3A_43 = tpu.memref_slice %arg16[%mul3A_37, %dma_start3A_42] : memref<15360x64xf32, #tpu.memory_space<vmem_shared>> -> memref<960x64xf32, #tpu.memory_space<vmem_shared>>
      tpu.enqueue_dma source(%dma_start3A_43 : memref<960x64xf32, #tpu.memory_space<vmem_shared>>) target(%dma_start3A_41 : memref<960x64xf32, #tpu.memory_space<hbm>>) target_semaphore(%run_scoped3A : memref<!tpu.dma_semaphore, #tpu.memory_space<semaphore_mem>>)
      %dma_wait3A = arith.constant 0 : i32
      %dma_wait3A_44 = arith.constant 0 : i32
      %dma_wait3A_45 = tpu.memref_slice %arg8[%arg0, %arg1, %dma_wait3A, %dma_wait3A_44] : memref<2x16x960x64xf32, #tpu.memory_space<hbm>> -> memref<1x1x960x64xf32, #tpu.memory_space<hbm>>
      %dma_wait3A_46 = tpu.memref_squeeze %dma_wait3A_45 : memref<1x1x960x64xf32, #tpu.memory_space<hbm>> -> memref<960x64xf32, #tpu.memory_space<hbm>>
      %dma_wait3A_47 = arith.constant 0 : i32
      %dma_wait3A_48 = tpu.memref_slice %arg16[%mul3A_37, %dma_wait3A_47] : memref<15360x64xf32, #tpu.memory_space<vmem_shared>> -> memref<960x64xf32, #tpu.memory_space<vmem_shared>>
      tpu.wait_dma2 semaphore(%run_scoped3A : memref<!tpu.dma_semaphore, #tpu.memory_space<semaphore_mem>>) src(%dma_wait3A_48 : memref<960x64xf32, #tpu.memory_space<vmem_shared>>) dst(%dma_wait3A_46 : memref<960x64xf32, #tpu.memory_space<hbm>>)
      tpu.yield
    }) : () -> ()
    return
  }
}

#map = affine_map<(d0, d1) -> (0, 0)>
#map1 = affine_map<(d0, d1) -> (0)>
#map2 = affine_map<(d0, d1) -> (0, 0, 0, 0)>
module attributes {stable_mosaic.version = 14 : i64} {
  func.func @_spmm_sc(%arg0: i32, %arg1: i32, %arg2: memref<15360x64xf32, #tpu.memory_space<hbm>>, %arg3: memref<15360x64xf32, #tpu.memory_space<hbm>>, %arg4: memref<245760xi32, #tpu.memory_space<hbm>>, %arg5: memref<245760xi32, #tpu.memory_space<hbm>>, %arg6: memref<32x64xf32, #tpu.memory_space<hbm>>, %arg7: memref<2x16x960x64xf32, #tpu.memory_space<hbm>>, %arg8: memref<2x16x960x64xf32, #tpu.memory_space<hbm>>, %arg9: memref<128xi32, #tpu.memory_space<vmem>>, %arg10: memref<128xi32, #tpu.memory_space<vmem>>, %arg11: memref<128xi32, #tpu.memory_space<vmem>>, %arg12: memref<128xi32, #tpu.memory_space<vmem>>, %arg13: memref<128x64xf32, #tpu.memory_space<vmem>>, %arg14: memref<128x64xf32, #tpu.memory_space<vmem>>, %arg15: memref<32x64xf32, #tpu.memory_space<vmem>>, %arg16: memref<15360x64xf32, #tpu.memory_space<vmem_shared>>, %arg17: memref<!tpu.dma_semaphore, #tpu.memory_space<semaphore_mem>>, %arg18: memref<!tpu.dma_semaphore, #tpu.memory_space<semaphore_mem>>) attributes {dimension_semantics = [#tpu.dimension_semantics<core_parallel>, #tpu.dimension_semantics<subcore_parallel>], iteration_bounds = array<i64: 2, 16>, scalar_prefetch = 0 : i64, scratch_operands = 10 : i64, tpu.core_type = #tpu.core_type<sc_vector_subcore>, window_params = [{transform_indices = #map}, {transform_indices = #map}, {transform_indices = #map1}, {transform_indices = #map1}, {transform_indices = #map}, {transform_indices = #map2}, {transform_indices = #map2}]} {
    %mul3A = arith.constant 16 : i32
    %mul3A_0 = arith.muli %arg0, %mul3A : i32
    %add3A = arith.addi %mul3A_0, %arg1 : i32
    %mul3A_1 = arith.constant 7680 : i32
    %mul3A_2 = arith.muli %add3A, %mul3A_1 : i32
    "tpu.region"() ({
      %run_scoped3A = tpu.sem_alloc : memref<!tpu.dma_semaphore, #tpu.memory_space<semaphore_mem>>
      tpu.enqueue_dma source(%arg6 : memref<32x64xf32, #tpu.memory_space<hbm>>) target(%arg15 : memref<32x64xf32, #tpu.memory_space<vmem>>) target_semaphore(%run_scoped3A : memref<!tpu.dma_semaphore, #tpu.memory_space<semaphore_mem>>)
      tpu.wait_dma2 semaphore(%run_scoped3A : memref<!tpu.dma_semaphore, #tpu.memory_space<semaphore_mem>>) src(%arg6 : memref<32x64xf32, #tpu.memory_space<hbm>>) dst(%arg15 : memref<32x64xf32, #tpu.memory_space<vmem>>)
      tpu.yield
    }) : () -> ()
    %scan3A = arith.constant 0 : i32
    %scan3A_3 = arith.constant 30 : i32
    %scan3A_4 = arith.addi %scan3A, %scan3A_3 : i32
    %scan3A_5 = arith.constant 1 : i32
    scf.for %scan3A_38 = %scan3A to %scan3A_4 step %scan3A_5  : i32 {
      %mul3A_39 = arith.constant 1 : i32
      %mul3A_40 = arith.muli %scan3A_38, %mul3A_39 : i32
      %add3A_41 = arith.constant 0 : i32
      %add3A_42 = arith.addi %add3A_41, %mul3A_40 : i32
      %mul3A_43 = arith.constant 960 : i32
      %mul3A_44 = arith.muli %arg1, %mul3A_43 : i32
      %mul3A_45 = arith.constant 32 : i32
      %mul3A_46 = arith.muli %add3A_42, %mul3A_45 : i32
      %add3A_47 = arith.addi %mul3A_44, %mul3A_46 : i32
      "tpu.region"() ({
        %run_scoped3A = tpu.sem_alloc : memref<!tpu.dma_semaphore, #tpu.memory_space<semaphore_mem>>
        %dma_start3A_48 = arith.constant 0 : i32
        %dma_start3A_49 = tpu.memref_slice %arg16[%add3A_47, %dma_start3A_48] : memref<15360x64xf32, #tpu.memory_space<vmem_shared>> -> memref<32x64xf32, #tpu.memory_space<vmem_shared>>
        %dma_start3A_50 = arith.constant 0 : i32
        %dma_start3A_51 = tpu.memref_slice %arg16[%add3A_47, %dma_start3A_50] : memref<15360x64xf32, #tpu.memory_space<vmem_shared>> -> memref<32x64xf32, #tpu.memory_space<vmem_shared>>
        tpu.enqueue_dma source(%arg15 : memref<32x64xf32, #tpu.memory_space<vmem>>) target(%dma_start3A_51 : memref<32x64xf32, #tpu.memory_space<vmem_shared>>) target_semaphore(%run_scoped3A : memref<!tpu.dma_semaphore, #tpu.memory_space<semaphore_mem>>)
        %dma_wait3A = arith.constant 0 : i32
        %dma_wait3A_52 = tpu.memref_slice %arg16[%add3A_47, %dma_wait3A] : memref<15360x64xf32, #tpu.memory_space<vmem_shared>> -> memref<32x64xf32, #tpu.memory_space<vmem_shared>>
        %dma_wait3A_53 = arith.constant 0 : i32
        %dma_wait3A_54 = tpu.memref_slice %arg16[%add3A_47, %dma_wait3A_53] : memref<15360x64xf32, #tpu.memory_space<vmem_shared>> -> memref<32x64xf32, #tpu.memory_space<vmem_shared>>
        tpu.wait_dma2 semaphore(%run_scoped3A : memref<!tpu.dma_semaphore, #tpu.memory_space<semaphore_mem>>) src(%arg15 : memref<32x64xf32, #tpu.memory_space<vmem>>) dst(%dma_wait3A_54 : memref<32x64xf32, #tpu.memory_space<vmem_shared>>)
        tpu.yield
      }) : () -> ()
    }
    %scan3A_6 = arith.constant 30 : i32
    %barrier3A = arith.constant 0 : index
    tpu.barrier barrier_id(%barrier3A)
    %add3A_7 = arith.constant 0 : i32
    %add3A_8 = arith.addi %mul3A_2, %add3A_7 : i32
    "tpu.region"() ({
      %run_scoped3A = tpu.sem_alloc : memref<!tpu.dma_semaphore, #tpu.memory_space<semaphore_mem>>
      %dma_start3A_38 = tpu.memref_slice %arg4[%add3A_8] : memref<245760xi32, #tpu.memory_space<hbm>> -> memref<128xi32, #tpu.memory_space<hbm>>
      %dma_start3A_39 = tpu.memref_slice %arg4[%add3A_8] : memref<245760xi32, #tpu.memory_space<hbm>> -> memref<128xi32, #tpu.memory_space<hbm>>
      tpu.enqueue_dma source(%dma_start3A_39 : memref<128xi32, #tpu.memory_space<hbm>>) target(%arg9 : memref<128xi32, #tpu.memory_space<vmem>>) target_semaphore(%run_scoped3A : memref<!tpu.dma_semaphore, #tpu.memory_space<semaphore_mem>>)
      %dma_wait3A = tpu.memref_slice %arg4[%add3A_8] : memref<245760xi32, #tpu.memory_space<hbm>> -> memref<128xi32, #tpu.memory_space<hbm>>
      %dma_wait3A_40 = tpu.memref_slice %arg4[%add3A_8] : memref<245760xi32, #tpu.memory_space<hbm>> -> memref<128xi32, #tpu.memory_space<hbm>>
      tpu.wait_dma2 semaphore(%run_scoped3A : memref<!tpu.dma_semaphore, #tpu.memory_space<semaphore_mem>>) src(%dma_wait3A_40 : memref<128xi32, #tpu.memory_space<hbm>>) dst(%arg9 : memref<128xi32, #tpu.memory_space<vmem>>)
      tpu.yield
    }) : () -> ()
    "tpu.region"() ({
      %run_scoped3A = tpu.sem_alloc : memref<!tpu.dma_semaphore, #tpu.memory_space<semaphore_mem>>
      %dma_start3A_38 = tpu.memref_slice %arg5[%add3A_8] : memref<245760xi32, #tpu.memory_space<hbm>> -> memref<128xi32, #tpu.memory_space<hbm>>
      %dma_start3A_39 = tpu.memref_slice %arg5[%add3A_8] : memref<245760xi32, #tpu.memory_space<hbm>> -> memref<128xi32, #tpu.memory_space<hbm>>
      tpu.enqueue_dma source(%dma_start3A_39 : memref<128xi32, #tpu.memory_space<hbm>>) target(%arg10 : memref<128xi32, #tpu.memory_space<vmem>>) target_semaphore(%run_scoped3A : memref<!tpu.dma_semaphore, #tpu.memory_space<semaphore_mem>>)
      %dma_wait3A = tpu.memref_slice %arg5[%add3A_8] : memref<245760xi32, #tpu.memory_space<hbm>> -> memref<128xi32, #tpu.memory_space<hbm>>
      %dma_wait3A_40 = tpu.memref_slice %arg5[%add3A_8] : memref<245760xi32, #tpu.memory_space<hbm>> -> memref<128xi32, #tpu.memory_space<hbm>>
      tpu.wait_dma2 semaphore(%run_scoped3A : memref<!tpu.dma_semaphore, #tpu.memory_space<semaphore_mem>>) src(%dma_wait3A_40 : memref<128xi32, #tpu.memory_space<hbm>>) dst(%arg10 : memref<128xi32, #tpu.memory_space<vmem>>)
      tpu.yield
    }) : () -> ()
    %dma_start3A = arith.constant 0 : i32
    %dma_start3A_9 = arith.constant 0 : i32
    %dma_start3A_10 = tpu.memref_slice %arg2[%dma_start3A, %dma_start3A_9] : memref<15360x64xf32, #tpu.memory_space<hbm>> -> memref<15360x64xf32, #tpu.memory_space<hbm>>
    tpu.enqueue_indirect_dma source(%dma_start3A_10 : memref<15360x64xf32, #tpu.memory_space<hbm>>) target(%arg13 : memref<128x64xf32, #tpu.memory_space<vmem>>) offsets(%arg9 : memref<128xi32, #tpu.memory_space<vmem>>) semaphore(%arg17 : memref<!tpu.dma_semaphore, #tpu.memory_space<semaphore_mem>>)
    %scan3A_11 = arith.constant 0 : i32
    %scan3A_12 = arith.constant 30 : i32
    %scan3A_13 = arith.addi %scan3A_11, %scan3A_12 : i32
    %scan3A_14 = arith.constant 1 : i32
    scf.for %scan3A_38 = %scan3A_11 to %scan3A_13 step %scan3A_14  : i32 {
      %mul3A_39 = arith.constant 1 : i32
      %mul3A_40 = arith.muli %scan3A_38, %mul3A_39 : i32
      %add3A_41 = arith.constant 0 : i32
      %add3A_42 = arith.addi %add3A_41, %mul3A_40 : i32
      %mul3A_43 = arith.constant 2 : i32
      %mul3A_44 = arith.muli %mul3A_43, %add3A_42 : i32
      %add3A_45 = arith.constant 1 : i32
      %add3A_46 = arith.addi %mul3A_44, %add3A_45 : i32
      %mul3A_47 = arith.constant 128 : i32
      %mul3A_48 = arith.muli %add3A_46, %mul3A_47 : i32
      %add3A_49 = arith.addi %mul3A_2, %mul3A_48 : i32
      "tpu.region"() ({
        %run_scoped3A = tpu.sem_alloc : memref<!tpu.dma_semaphore, #tpu.memory_space<semaphore_mem>>
        %dma_start3A_60 = tpu.memref_slice %arg4[%add3A_49] : memref<245760xi32, #tpu.memory_space<hbm>> -> memref<128xi32, #tpu.memory_space<hbm>>
        %dma_start3A_61 = tpu.memref_slice %arg4[%add3A_49] : memref<245760xi32, #tpu.memory_space<hbm>> -> memref<128xi32, #tpu.memory_space<hbm>>
        tpu.enqueue_dma source(%dma_start3A_61 : memref<128xi32, #tpu.memory_space<hbm>>) target(%arg11 : memref<128xi32, #tpu.memory_space<vmem>>) target_semaphore(%run_scoped3A : memref<!tpu.dma_semaphore, #tpu.memory_space<semaphore_mem>>)
        %dma_wait3A_62 = tpu.memref_slice %arg4[%add3A_49] : memref<245760xi32, #tpu.memory_space<hbm>> -> memref<128xi32, #tpu.memory_space<hbm>>
        %dma_wait3A_63 = tpu.memref_slice %arg4[%add3A_49] : memref<245760xi32, #tpu.memory_space<hbm>> -> memref<128xi32, #tpu.memory_space<hbm>>
        tpu.wait_dma2 semaphore(%run_scoped3A : memref<!tpu.dma_semaphore, #tpu.memory_space<semaphore_mem>>) src(%dma_wait3A_63 : memref<128xi32, #tpu.memory_space<hbm>>) dst(%arg11 : memref<128xi32, #tpu.memory_space<vmem>>)
        tpu.yield
      }) : () -> ()
      "tpu.region"() ({
        %run_scoped3A = tpu.sem_alloc : memref<!tpu.dma_semaphore, #tpu.memory_space<semaphore_mem>>
        %dma_start3A_60 = tpu.memref_slice %arg5[%add3A_49] : memref<245760xi32, #tpu.memory_space<hbm>> -> memref<128xi32, #tpu.memory_space<hbm>>
        %dma_start3A_61 = tpu.memref_slice %arg5[%add3A_49] : memref<245760xi32, #tpu.memory_space<hbm>> -> memref<128xi32, #tpu.memory_space<hbm>>
        tpu.enqueue_dma source(%dma_start3A_61 : memref<128xi32, #tpu.memory_space<hbm>>) target(%arg12 : memref<128xi32, #tpu.memory_space<vmem>>) target_semaphore(%run_scoped3A : memref<!tpu.dma_semaphore, #tpu.memory_space<semaphore_mem>>)
        %dma_wait3A_62 = tpu.memref_slice %arg5[%add3A_49] : memref<245760xi32, #tpu.memory_space<hbm>> -> memref<128xi32, #tpu.memory_space<hbm>>
        %dma_wait3A_63 = tpu.memref_slice %arg5[%add3A_49] : memref<245760xi32, #tpu.memory_space<hbm>> -> memref<128xi32, #tpu.memory_space<hbm>>
        tpu.wait_dma2 semaphore(%run_scoped3A : memref<!tpu.dma_semaphore, #tpu.memory_space<semaphore_mem>>) src(%dma_wait3A_63 : memref<128xi32, #tpu.memory_space<hbm>>) dst(%arg12 : memref<128xi32, #tpu.memory_space<vmem>>)
        tpu.yield
      }) : () -> ()
      %dma_start3A_50 = arith.constant 0 : i32
      %dma_start3A_51 = arith.constant 0 : i32
      %dma_start3A_52 = tpu.memref_slice %arg2[%dma_start3A_50, %dma_start3A_51] : memref<15360x64xf32, #tpu.memory_space<hbm>> -> memref<15360x64xf32, #tpu.memory_space<hbm>>
      tpu.enqueue_indirect_dma source(%dma_start3A_52 : memref<15360x64xf32, #tpu.memory_space<hbm>>) target(%arg14 : memref<128x64xf32, #tpu.memory_space<vmem>>) offsets(%arg11 : memref<128xi32, #tpu.memory_space<vmem>>) semaphore(%arg18 : memref<!tpu.dma_semaphore, #tpu.memory_space<semaphore_mem>>)
      %dma_wait3A = arith.constant 0 : i32
      %dma_wait3A_53 = arith.constant 0 : i32
      %dma_wait3A_54 = tpu.memref_slice %arg2[%dma_wait3A, %dma_wait3A_53] : memref<15360x64xf32, #tpu.memory_space<hbm>> -> memref<15360x64xf32, #tpu.memory_space<hbm>>
      tpu.wait_indirect_dma semaphore(%arg17 : memref<!tpu.dma_semaphore, #tpu.memory_space<semaphore_mem>>) src(%dma_wait3A_54 : memref<15360x64xf32, #tpu.memory_space<hbm>>) dst(%arg13 : memref<128x64xf32, #tpu.memory_space<vmem>>)
      "tpu.region"() ({
        %run_scoped3A = tpu.sem_alloc : memref<!tpu.dma_semaphore, #tpu.memory_space<semaphore_mem>>
        %dma_start3A_60 = arith.constant 0 : i32
        %dma_start3A_61 = arith.constant 0 : i32
        %dma_start3A_62 = tpu.memref_slice %arg16[%dma_start3A_60, %dma_start3A_61] : memref<15360x64xf32, #tpu.memory_space<vmem_shared>> -> memref<15360x64xf32, #tpu.memory_space<vmem_shared>>
        tpu.enqueue_indirect_dma source(%arg13 : memref<128x64xf32, #tpu.memory_space<vmem>>) target(%dma_start3A_62 : memref<15360x64xf32, #tpu.memory_space<vmem_shared>>) offsets(%arg10 : memref<128xi32, #tpu.memory_space<vmem>>) semaphore(%run_scoped3A : memref<!tpu.dma_semaphore, #tpu.memory_space<semaphore_mem>>) {add = true}
        %dma_wait3A_63 = arith.constant 0 : i32
        %dma_wait3A_64 = arith.constant 0 : i32
        %dma_wait3A_65 = tpu.memref_slice %arg16[%dma_wait3A_63, %dma_wait3A_64] : memref<15360x64xf32, #tpu.memory_space<vmem_shared>> -> memref<15360x64xf32, #tpu.memory_space<vmem_shared>>
        tpu.wait_indirect_dma semaphore(%run_scoped3A : memref<!tpu.dma_semaphore, #tpu.memory_space<semaphore_mem>>) src(%arg13 : memref<128x64xf32, #tpu.memory_space<vmem>>) dst(%dma_wait3A_65 : memref<15360x64xf32, #tpu.memory_space<vmem_shared>>)
        tpu.yield
      }) : () -> ()
      %lt3A = arith.constant 29 : i32
      %lt3A_55 = arith.cmpi slt, %add3A_42, %lt3A : i32
      %convert_element_type3A = arith.extui %lt3A_55 : i1 to i32
      %cond3A = arith.constant 0 : i32
      %cond3A_56 = arith.cmpi ne, %convert_element_type3A, %cond3A : i32
      scf.if %cond3A_56 {
        %mul3A_60 = arith.constant 2 : i32
        %mul3A_61 = arith.muli %mul3A_60, %add3A_42 : i32
        %add3A_62 = arith.constant 2 : i32
        %add3A_63 = arith.addi %mul3A_61, %add3A_62 : i32
        %mul3A_64 = arith.constant 128 : i32
        %mul3A_65 = arith.muli %add3A_63, %mul3A_64 : i32
        %add3A_66 = arith.addi %mul3A_2, %mul3A_65 : i32
        "tpu.region"() ({
          %run_scoped3A = tpu.sem_alloc : memref<!tpu.dma_semaphore, #tpu.memory_space<semaphore_mem>>
          %dma_start3A_70 = tpu.memref_slice %arg4[%add3A_66] : memref<245760xi32, #tpu.memory_space<hbm>> -> memref<128xi32, #tpu.memory_space<hbm>>
          %dma_start3A_71 = tpu.memref_slice %arg4[%add3A_66] : memref<245760xi32, #tpu.memory_space<hbm>> -> memref<128xi32, #tpu.memory_space<hbm>>
          tpu.enqueue_dma source(%dma_start3A_71 : memref<128xi32, #tpu.memory_space<hbm>>) target(%arg9 : memref<128xi32, #tpu.memory_space<vmem>>) target_semaphore(%run_scoped3A : memref<!tpu.dma_semaphore, #tpu.memory_space<semaphore_mem>>)
          %dma_wait3A_72 = tpu.memref_slice %arg4[%add3A_66] : memref<245760xi32, #tpu.memory_space<hbm>> -> memref<128xi32, #tpu.memory_space<hbm>>
          %dma_wait3A_73 = tpu.memref_slice %arg4[%add3A_66] : memref<245760xi32, #tpu.memory_space<hbm>> -> memref<128xi32, #tpu.memory_space<hbm>>
          tpu.wait_dma2 semaphore(%run_scoped3A : memref<!tpu.dma_semaphore, #tpu.memory_space<semaphore_mem>>) src(%dma_wait3A_73 : memref<128xi32, #tpu.memory_space<hbm>>) dst(%arg9 : memref<128xi32, #tpu.memory_space<vmem>>)
          tpu.yield
        }) : () -> ()
        "tpu.region"() ({
          %run_scoped3A = tpu.sem_alloc : memref<!tpu.dma_semaphore, #tpu.memory_space<semaphore_mem>>
          %dma_start3A_70 = tpu.memref_slice %arg5[%add3A_66] : memref<245760xi32, #tpu.memory_space<hbm>> -> memref<128xi32, #tpu.memory_space<hbm>>
          %dma_start3A_71 = tpu.memref_slice %arg5[%add3A_66] : memref<245760xi32, #tpu.memory_space<hbm>> -> memref<128xi32, #tpu.memory_space<hbm>>
          tpu.enqueue_dma source(%dma_start3A_71 : memref<128xi32, #tpu.memory_space<hbm>>) target(%arg10 : memref<128xi32, #tpu.memory_space<vmem>>) target_semaphore(%run_scoped3A : memref<!tpu.dma_semaphore, #tpu.memory_space<semaphore_mem>>)
          %dma_wait3A_72 = tpu.memref_slice %arg5[%add3A_66] : memref<245760xi32, #tpu.memory_space<hbm>> -> memref<128xi32, #tpu.memory_space<hbm>>
          %dma_wait3A_73 = tpu.memref_slice %arg5[%add3A_66] : memref<245760xi32, #tpu.memory_space<hbm>> -> memref<128xi32, #tpu.memory_space<hbm>>
          tpu.wait_dma2 semaphore(%run_scoped3A : memref<!tpu.dma_semaphore, #tpu.memory_space<semaphore_mem>>) src(%dma_wait3A_73 : memref<128xi32, #tpu.memory_space<hbm>>) dst(%arg10 : memref<128xi32, #tpu.memory_space<vmem>>)
          tpu.yield
        }) : () -> ()
        %dma_start3A_67 = arith.constant 0 : i32
        %dma_start3A_68 = arith.constant 0 : i32
        %dma_start3A_69 = tpu.memref_slice %arg2[%dma_start3A_67, %dma_start3A_68] : memref<15360x64xf32, #tpu.memory_space<hbm>> -> memref<15360x64xf32, #tpu.memory_space<hbm>>
        tpu.enqueue_indirect_dma source(%dma_start3A_69 : memref<15360x64xf32, #tpu.memory_space<hbm>>) target(%arg13 : memref<128x64xf32, #tpu.memory_space<vmem>>) offsets(%arg9 : memref<128xi32, #tpu.memory_space<vmem>>) semaphore(%arg17 : memref<!tpu.dma_semaphore, #tpu.memory_space<semaphore_mem>>)
      } else {
      }
      %dma_wait3A_57 = arith.constant 0 : i32
      %dma_wait3A_58 = arith.constant 0 : i32
      %dma_wait3A_59 = tpu.memref_slice %arg2[%dma_wait3A_57, %dma_wait3A_58] : memref<15360x64xf32, #tpu.memory_space<hbm>> -> memref<15360x64xf32, #tpu.memory_space<hbm>>
      tpu.wait_indirect_dma semaphore(%arg18 : memref<!tpu.dma_semaphore, #tpu.memory_space<semaphore_mem>>) src(%dma_wait3A_59 : memref<15360x64xf32, #tpu.memory_space<hbm>>) dst(%arg14 : memref<128x64xf32, #tpu.memory_space<vmem>>)
      "tpu.region"() ({
        %run_scoped3A = tpu.sem_alloc : memref<!tpu.dma_semaphore, #tpu.memory_space<semaphore_mem>>
        %dma_start3A_60 = arith.constant 0 : i32
        %dma_start3A_61 = arith.constant 0 : i32
        %dma_start3A_62 = tpu.memref_slice %arg16[%dma_start3A_60, %dma_start3A_61] : memref<15360x64xf32, #tpu.memory_space<vmem_shared>> -> memref<15360x64xf32, #tpu.memory_space<vmem_shared>>
        tpu.enqueue_indirect_dma source(%arg14 : memref<128x64xf32, #tpu.memory_space<vmem>>) target(%dma_start3A_62 : memref<15360x64xf32, #tpu.memory_space<vmem_shared>>) offsets(%arg12 : memref<128xi32, #tpu.memory_space<vmem>>) semaphore(%run_scoped3A : memref<!tpu.dma_semaphore, #tpu.memory_space<semaphore_mem>>) {add = true}
        %dma_wait3A_63 = arith.constant 0 : i32
        %dma_wait3A_64 = arith.constant 0 : i32
        %dma_wait3A_65 = tpu.memref_slice %arg16[%dma_wait3A_63, %dma_wait3A_64] : memref<15360x64xf32, #tpu.memory_space<vmem_shared>> -> memref<15360x64xf32, #tpu.memory_space<vmem_shared>>
        tpu.wait_indirect_dma semaphore(%run_scoped3A : memref<!tpu.dma_semaphore, #tpu.memory_space<semaphore_mem>>) src(%arg14 : memref<128x64xf32, #tpu.memory_space<vmem>>) dst(%dma_wait3A_65 : memref<15360x64xf32, #tpu.memory_space<vmem_shared>>)
        tpu.yield
      }) : () -> ()
    }
    %scan3A_15 = arith.constant 30 : i32
    %barrier3A_16 = arith.constant 0 : index
    tpu.barrier barrier_id(%barrier3A_16)
    %mul3A_17 = arith.constant 960 : i32
    %mul3A_18 = arith.muli %arg1, %mul3A_17 : i32
    "tpu.region"() ({
      %run_scoped3A = tpu.sem_alloc : memref<!tpu.dma_semaphore, #tpu.memory_space<semaphore_mem>>
      %dma_start3A_38 = arith.constant 0 : i32
      %dma_start3A_39 = arith.constant 0 : i32
      %dma_start3A_40 = tpu.memref_slice %arg7[%arg0, %arg1, %dma_start3A_38, %dma_start3A_39] : memref<2x16x960x64xf32, #tpu.memory_space<hbm>> -> memref<1x1x960x64xf32, #tpu.memory_space<hbm>>
      %dma_start3A_41 = tpu.memref_squeeze %dma_start3A_40 : memref<1x1x960x64xf32, #tpu.memory_space<hbm>> -> memref<960x64xf32, #tpu.memory_space<hbm>>
      %dma_start3A_42 = arith.constant 0 : i32
      %dma_start3A_43 = tpu.memref_slice %arg16[%mul3A_18, %dma_start3A_42] : memref<15360x64xf32, #tpu.memory_space<vmem_shared>> -> memref<960x64xf32, #tpu.memory_space<vmem_shared>>
      tpu.enqueue_dma source(%dma_start3A_43 : memref<960x64xf32, #tpu.memory_space<vmem_shared>>) target(%dma_start3A_41 : memref<960x64xf32, #tpu.memory_space<hbm>>) target_semaphore(%run_scoped3A : memref<!tpu.dma_semaphore, #tpu.memory_space<semaphore_mem>>)
      %dma_wait3A = arith.constant 0 : i32
      %dma_wait3A_44 = arith.constant 0 : i32
      %dma_wait3A_45 = tpu.memref_slice %arg7[%arg0, %arg1, %dma_wait3A, %dma_wait3A_44] : memref<2x16x960x64xf32, #tpu.memory_space<hbm>> -> memref<1x1x960x64xf32, #tpu.memory_space<hbm>>
      %dma_wait3A_46 = tpu.memref_squeeze %dma_wait3A_45 : memref<1x1x960x64xf32, #tpu.memory_space<hbm>> -> memref<960x64xf32, #tpu.memory_space<hbm>>
      %dma_wait3A_47 = arith.constant 0 : i32
      %dma_wait3A_48 = tpu.memref_slice %arg16[%mul3A_18, %dma_wait3A_47] : memref<15360x64xf32, #tpu.memory_space<vmem_shared>> -> memref<960x64xf32, #tpu.memory_space<vmem_shared>>
      tpu.wait_dma2 semaphore(%run_scoped3A : memref<!tpu.dma_semaphore, #tpu.memory_space<semaphore_mem>>) src(%dma_wait3A_48 : memref<960x64xf32, #tpu.memory_space<vmem_shared>>) dst(%dma_wait3A_46 : memref<960x64xf32, #tpu.memory_space<hbm>>)
      tpu.yield
    }) : () -> ()
    %scan3A_19 = arith.constant 0 : i32
    %scan3A_20 = arith.constant 30 : i32
    %scan3A_21 = arith.addi %scan3A_19, %scan3A_20 : i32
    %scan3A_22 = arith.constant 1 : i32
    scf.for %scan3A_38 = %scan3A_19 to %scan3A_21 step %scan3A_22  : i32 {
      %mul3A_39 = arith.constant 1 : i32
      %mul3A_40 = arith.muli %scan3A_38, %mul3A_39 : i32
      %add3A_41 = arith.constant 0 : i32
      %add3A_42 = arith.addi %add3A_41, %mul3A_40 : i32
      %mul3A_43 = arith.constant 960 : i32
      %mul3A_44 = arith.muli %arg1, %mul3A_43 : i32
      %mul3A_45 = arith.constant 32 : i32
      %mul3A_46 = arith.muli %add3A_42, %mul3A_45 : i32
      %add3A_47 = arith.addi %mul3A_44, %mul3A_46 : i32
      "tpu.region"() ({
        %run_scoped3A = tpu.sem_alloc : memref<!tpu.dma_semaphore, #tpu.memory_space<semaphore_mem>>
        %dma_start3A_48 = arith.constant 0 : i32
        %dma_start3A_49 = tpu.memref_slice %arg16[%add3A_47, %dma_start3A_48] : memref<15360x64xf32, #tpu.memory_space<vmem_shared>> -> memref<32x64xf32, #tpu.memory_space<vmem_shared>>
        %dma_start3A_50 = arith.constant 0 : i32
        %dma_start3A_51 = tpu.memref_slice %arg16[%add3A_47, %dma_start3A_50] : memref<15360x64xf32, #tpu.memory_space<vmem_shared>> -> memref<32x64xf32, #tpu.memory_space<vmem_shared>>
        tpu.enqueue_dma source(%arg15 : memref<32x64xf32, #tpu.memory_space<vmem>>) target(%dma_start3A_51 : memref<32x64xf32, #tpu.memory_space<vmem_shared>>) target_semaphore(%run_scoped3A : memref<!tpu.dma_semaphore, #tpu.memory_space<semaphore_mem>>)
        %dma_wait3A = arith.constant 0 : i32
        %dma_wait3A_52 = tpu.memref_slice %arg16[%add3A_47, %dma_wait3A] : memref<15360x64xf32, #tpu.memory_space<vmem_shared>> -> memref<32x64xf32, #tpu.memory_space<vmem_shared>>
        %dma_wait3A_53 = arith.constant 0 : i32
        %dma_wait3A_54 = tpu.memref_slice %arg16[%add3A_47, %dma_wait3A_53] : memref<15360x64xf32, #tpu.memory_space<vmem_shared>> -> memref<32x64xf32, #tpu.memory_space<vmem_shared>>
        tpu.wait_dma2 semaphore(%run_scoped3A : memref<!tpu.dma_semaphore, #tpu.memory_space<semaphore_mem>>) src(%arg15 : memref<32x64xf32, #tpu.memory_space<vmem>>) dst(%dma_wait3A_54 : memref<32x64xf32, #tpu.memory_space<vmem_shared>>)
        tpu.yield
      }) : () -> ()
    }
    %scan3A_23 = arith.constant 30 : i32
    %barrier3A_24 = arith.constant 0 : index
    tpu.barrier barrier_id(%barrier3A_24)
    %add3A_25 = arith.constant 0 : i32
    %add3A_26 = arith.addi %mul3A_2, %add3A_25 : i32
    "tpu.region"() ({
      %run_scoped3A = tpu.sem_alloc : memref<!tpu.dma_semaphore, #tpu.memory_space<semaphore_mem>>
      %dma_start3A_38 = tpu.memref_slice %arg4[%add3A_26] : memref<245760xi32, #tpu.memory_space<hbm>> -> memref<128xi32, #tpu.memory_space<hbm>>
      %dma_start3A_39 = tpu.memref_slice %arg4[%add3A_26] : memref<245760xi32, #tpu.memory_space<hbm>> -> memref<128xi32, #tpu.memory_space<hbm>>
      tpu.enqueue_dma source(%dma_start3A_39 : memref<128xi32, #tpu.memory_space<hbm>>) target(%arg9 : memref<128xi32, #tpu.memory_space<vmem>>) target_semaphore(%run_scoped3A : memref<!tpu.dma_semaphore, #tpu.memory_space<semaphore_mem>>)
      %dma_wait3A = tpu.memref_slice %arg4[%add3A_26] : memref<245760xi32, #tpu.memory_space<hbm>> -> memref<128xi32, #tpu.memory_space<hbm>>
      %dma_wait3A_40 = tpu.memref_slice %arg4[%add3A_26] : memref<245760xi32, #tpu.memory_space<hbm>> -> memref<128xi32, #tpu.memory_space<hbm>>
      tpu.wait_dma2 semaphore(%run_scoped3A : memref<!tpu.dma_semaphore, #tpu.memory_space<semaphore_mem>>) src(%dma_wait3A_40 : memref<128xi32, #tpu.memory_space<hbm>>) dst(%arg9 : memref<128xi32, #tpu.memory_space<vmem>>)
      tpu.yield
    }) : () -> ()
    "tpu.region"() ({
      %run_scoped3A = tpu.sem_alloc : memref<!tpu.dma_semaphore, #tpu.memory_space<semaphore_mem>>
      %dma_start3A_38 = tpu.memref_slice %arg5[%add3A_26] : memref<245760xi32, #tpu.memory_space<hbm>> -> memref<128xi32, #tpu.memory_space<hbm>>
      %dma_start3A_39 = tpu.memref_slice %arg5[%add3A_26] : memref<245760xi32, #tpu.memory_space<hbm>> -> memref<128xi32, #tpu.memory_space<hbm>>
      tpu.enqueue_dma source(%dma_start3A_39 : memref<128xi32, #tpu.memory_space<hbm>>) target(%arg10 : memref<128xi32, #tpu.memory_space<vmem>>) target_semaphore(%run_scoped3A : memref<!tpu.dma_semaphore, #tpu.memory_space<semaphore_mem>>)
      %dma_wait3A = tpu.memref_slice %arg5[%add3A_26] : memref<245760xi32, #tpu.memory_space<hbm>> -> memref<128xi32, #tpu.memory_space<hbm>>
      %dma_wait3A_40 = tpu.memref_slice %arg5[%add3A_26] : memref<245760xi32, #tpu.memory_space<hbm>> -> memref<128xi32, #tpu.memory_space<hbm>>
      tpu.wait_dma2 semaphore(%run_scoped3A : memref<!tpu.dma_semaphore, #tpu.memory_space<semaphore_mem>>) src(%dma_wait3A_40 : memref<128xi32, #tpu.memory_space<hbm>>) dst(%arg10 : memref<128xi32, #tpu.memory_space<vmem>>)
      tpu.yield
    }) : () -> ()
    %dma_start3A_27 = arith.constant 0 : i32
    %dma_start3A_28 = arith.constant 0 : i32
    %dma_start3A_29 = tpu.memref_slice %arg3[%dma_start3A_27, %dma_start3A_28] : memref<15360x64xf32, #tpu.memory_space<hbm>> -> memref<15360x64xf32, #tpu.memory_space<hbm>>
    tpu.enqueue_indirect_dma source(%dma_start3A_29 : memref<15360x64xf32, #tpu.memory_space<hbm>>) target(%arg13 : memref<128x64xf32, #tpu.memory_space<vmem>>) offsets(%arg9 : memref<128xi32, #tpu.memory_space<vmem>>) semaphore(%arg17 : memref<!tpu.dma_semaphore, #tpu.memory_space<semaphore_mem>>)
    %scan3A_30 = arith.constant 0 : i32
    %scan3A_31 = arith.constant 30 : i32
    %scan3A_32 = arith.addi %scan3A_30, %scan3A_31 : i32
    %scan3A_33 = arith.constant 1 : i32
    scf.for %scan3A_38 = %scan3A_30 to %scan3A_32 step %scan3A_33  : i32 {
      %mul3A_39 = arith.constant 1 : i32
      %mul3A_40 = arith.muli %scan3A_38, %mul3A_39 : i32
      %add3A_41 = arith.constant 0 : i32
      %add3A_42 = arith.addi %add3A_41, %mul3A_40 : i32
      %mul3A_43 = arith.constant 2 : i32
      %mul3A_44 = arith.muli %mul3A_43, %add3A_42 : i32
      %add3A_45 = arith.constant 1 : i32
      %add3A_46 = arith.addi %mul3A_44, %add3A_45 : i32
      %mul3A_47 = arith.constant 128 : i32
      %mul3A_48 = arith.muli %add3A_46, %mul3A_47 : i32
      %add3A_49 = arith.addi %mul3A_2, %mul3A_48 : i32
      "tpu.region"() ({
        %run_scoped3A = tpu.sem_alloc : memref<!tpu.dma_semaphore, #tpu.memory_space<semaphore_mem>>
        %dma_start3A_60 = tpu.memref_slice %arg4[%add3A_49] : memref<245760xi32, #tpu.memory_space<hbm>> -> memref<128xi32, #tpu.memory_space<hbm>>
        %dma_start3A_61 = tpu.memref_slice %arg4[%add3A_49] : memref<245760xi32, #tpu.memory_space<hbm>> -> memref<128xi32, #tpu.memory_space<hbm>>
        tpu.enqueue_dma source(%dma_start3A_61 : memref<128xi32, #tpu.memory_space<hbm>>) target(%arg11 : memref<128xi32, #tpu.memory_space<vmem>>) target_semaphore(%run_scoped3A : memref<!tpu.dma_semaphore, #tpu.memory_space<semaphore_mem>>)
        %dma_wait3A_62 = tpu.memref_slice %arg4[%add3A_49] : memref<245760xi32, #tpu.memory_space<hbm>> -> memref<128xi32, #tpu.memory_space<hbm>>
        %dma_wait3A_63 = tpu.memref_slice %arg4[%add3A_49] : memref<245760xi32, #tpu.memory_space<hbm>> -> memref<128xi32, #tpu.memory_space<hbm>>
        tpu.wait_dma2 semaphore(%run_scoped3A : memref<!tpu.dma_semaphore, #tpu.memory_space<semaphore_mem>>) src(%dma_wait3A_63 : memref<128xi32, #tpu.memory_space<hbm>>) dst(%arg11 : memref<128xi32, #tpu.memory_space<vmem>>)
        tpu.yield
      }) : () -> ()
      "tpu.region"() ({
        %run_scoped3A = tpu.sem_alloc : memref<!tpu.dma_semaphore, #tpu.memory_space<semaphore_mem>>
        %dma_start3A_60 = tpu.memref_slice %arg5[%add3A_49] : memref<245760xi32, #tpu.memory_space<hbm>> -> memref<128xi32, #tpu.memory_space<hbm>>
        %dma_start3A_61 = tpu.memref_slice %arg5[%add3A_49] : memref<245760xi32, #tpu.memory_space<hbm>> -> memref<128xi32, #tpu.memory_space<hbm>>
        tpu.enqueue_dma source(%dma_start3A_61 : memref<128xi32, #tpu.memory_space<hbm>>) target(%arg12 : memref<128xi32, #tpu.memory_space<vmem>>) target_semaphore(%run_scoped3A : memref<!tpu.dma_semaphore, #tpu.memory_space<semaphore_mem>>)
        %dma_wait3A_62 = tpu.memref_slice %arg5[%add3A_49] : memref<245760xi32, #tpu.memory_space<hbm>> -> memref<128xi32, #tpu.memory_space<hbm>>
        %dma_wait3A_63 = tpu.memref_slice %arg5[%add3A_49] : memref<245760xi32, #tpu.memory_space<hbm>> -> memref<128xi32, #tpu.memory_space<hbm>>
        tpu.wait_dma2 semaphore(%run_scoped3A : memref<!tpu.dma_semaphore, #tpu.memory_space<semaphore_mem>>) src(%dma_wait3A_63 : memref<128xi32, #tpu.memory_space<hbm>>) dst(%arg12 : memref<128xi32, #tpu.memory_space<vmem>>)
        tpu.yield
      }) : () -> ()
      %dma_start3A_50 = arith.constant 0 : i32
      %dma_start3A_51 = arith.constant 0 : i32
      %dma_start3A_52 = tpu.memref_slice %arg3[%dma_start3A_50, %dma_start3A_51] : memref<15360x64xf32, #tpu.memory_space<hbm>> -> memref<15360x64xf32, #tpu.memory_space<hbm>>
      tpu.enqueue_indirect_dma source(%dma_start3A_52 : memref<15360x64xf32, #tpu.memory_space<hbm>>) target(%arg14 : memref<128x64xf32, #tpu.memory_space<vmem>>) offsets(%arg11 : memref<128xi32, #tpu.memory_space<vmem>>) semaphore(%arg18 : memref<!tpu.dma_semaphore, #tpu.memory_space<semaphore_mem>>)
      %dma_wait3A = arith.constant 0 : i32
      %dma_wait3A_53 = arith.constant 0 : i32
      %dma_wait3A_54 = tpu.memref_slice %arg3[%dma_wait3A, %dma_wait3A_53] : memref<15360x64xf32, #tpu.memory_space<hbm>> -> memref<15360x64xf32, #tpu.memory_space<hbm>>
      tpu.wait_indirect_dma semaphore(%arg17 : memref<!tpu.dma_semaphore, #tpu.memory_space<semaphore_mem>>) src(%dma_wait3A_54 : memref<15360x64xf32, #tpu.memory_space<hbm>>) dst(%arg13 : memref<128x64xf32, #tpu.memory_space<vmem>>)
      "tpu.region"() ({
        %run_scoped3A = tpu.sem_alloc : memref<!tpu.dma_semaphore, #tpu.memory_space<semaphore_mem>>
        %dma_start3A_60 = arith.constant 0 : i32
        %dma_start3A_61 = arith.constant 0 : i32
        %dma_start3A_62 = tpu.memref_slice %arg16[%dma_start3A_60, %dma_start3A_61] : memref<15360x64xf32, #tpu.memory_space<vmem_shared>> -> memref<15360x64xf32, #tpu.memory_space<vmem_shared>>
        tpu.enqueue_indirect_dma source(%arg13 : memref<128x64xf32, #tpu.memory_space<vmem>>) target(%dma_start3A_62 : memref<15360x64xf32, #tpu.memory_space<vmem_shared>>) offsets(%arg10 : memref<128xi32, #tpu.memory_space<vmem>>) semaphore(%run_scoped3A : memref<!tpu.dma_semaphore, #tpu.memory_space<semaphore_mem>>) {add = true}
        %dma_wait3A_63 = arith.constant 0 : i32
        %dma_wait3A_64 = arith.constant 0 : i32
        %dma_wait3A_65 = tpu.memref_slice %arg16[%dma_wait3A_63, %dma_wait3A_64] : memref<15360x64xf32, #tpu.memory_space<vmem_shared>> -> memref<15360x64xf32, #tpu.memory_space<vmem_shared>>
        tpu.wait_indirect_dma semaphore(%run_scoped3A : memref<!tpu.dma_semaphore, #tpu.memory_space<semaphore_mem>>) src(%arg13 : memref<128x64xf32, #tpu.memory_space<vmem>>) dst(%dma_wait3A_65 : memref<15360x64xf32, #tpu.memory_space<vmem_shared>>)
        tpu.yield
      }) : () -> ()
      %lt3A = arith.constant 29 : i32
      %lt3A_55 = arith.cmpi slt, %add3A_42, %lt3A : i32
      %convert_element_type3A = arith.extui %lt3A_55 : i1 to i32
      %cond3A = arith.constant 0 : i32
      %cond3A_56 = arith.cmpi ne, %convert_element_type3A, %cond3A : i32
      scf.if %cond3A_56 {
        %mul3A_60 = arith.constant 2 : i32
        %mul3A_61 = arith.muli %mul3A_60, %add3A_42 : i32
        %add3A_62 = arith.constant 2 : i32
        %add3A_63 = arith.addi %mul3A_61, %add3A_62 : i32
        %mul3A_64 = arith.constant 128 : i32
        %mul3A_65 = arith.muli %add3A_63, %mul3A_64 : i32
        %add3A_66 = arith.addi %mul3A_2, %mul3A_65 : i32
        "tpu.region"() ({
          %run_scoped3A = tpu.sem_alloc : memref<!tpu.dma_semaphore, #tpu.memory_space<semaphore_mem>>
          %dma_start3A_70 = tpu.memref_slice %arg4[%add3A_66] : memref<245760xi32, #tpu.memory_space<hbm>> -> memref<128xi32, #tpu.memory_space<hbm>>
          %dma_start3A_71 = tpu.memref_slice %arg4[%add3A_66] : memref<245760xi32, #tpu.memory_space<hbm>> -> memref<128xi32, #tpu.memory_space<hbm>>
          tpu.enqueue_dma source(%dma_start3A_71 : memref<128xi32, #tpu.memory_space<hbm>>) target(%arg9 : memref<128xi32, #tpu.memory_space<vmem>>) target_semaphore(%run_scoped3A : memref<!tpu.dma_semaphore, #tpu.memory_space<semaphore_mem>>)
          %dma_wait3A_72 = tpu.memref_slice %arg4[%add3A_66] : memref<245760xi32, #tpu.memory_space<hbm>> -> memref<128xi32, #tpu.memory_space<hbm>>
          %dma_wait3A_73 = tpu.memref_slice %arg4[%add3A_66] : memref<245760xi32, #tpu.memory_space<hbm>> -> memref<128xi32, #tpu.memory_space<hbm>>
          tpu.wait_dma2 semaphore(%run_scoped3A : memref<!tpu.dma_semaphore, #tpu.memory_space<semaphore_mem>>) src(%dma_wait3A_73 : memref<128xi32, #tpu.memory_space<hbm>>) dst(%arg9 : memref<128xi32, #tpu.memory_space<vmem>>)
          tpu.yield
        }) : () -> ()
        "tpu.region"() ({
          %run_scoped3A = tpu.sem_alloc : memref<!tpu.dma_semaphore, #tpu.memory_space<semaphore_mem>>
          %dma_start3A_70 = tpu.memref_slice %arg5[%add3A_66] : memref<245760xi32, #tpu.memory_space<hbm>> -> memref<128xi32, #tpu.memory_space<hbm>>
          %dma_start3A_71 = tpu.memref_slice %arg5[%add3A_66] : memref<245760xi32, #tpu.memory_space<hbm>> -> memref<128xi32, #tpu.memory_space<hbm>>
          tpu.enqueue_dma source(%dma_start3A_71 : memref<128xi32, #tpu.memory_space<hbm>>) target(%arg10 : memref<128xi32, #tpu.memory_space<vmem>>) target_semaphore(%run_scoped3A : memref<!tpu.dma_semaphore, #tpu.memory_space<semaphore_mem>>)
          %dma_wait3A_72 = tpu.memref_slice %arg5[%add3A_66] : memref<245760xi32, #tpu.memory_space<hbm>> -> memref<128xi32, #tpu.memory_space<hbm>>
          %dma_wait3A_73 = tpu.memref_slice %arg5[%add3A_66] : memref<245760xi32, #tpu.memory_space<hbm>> -> memref<128xi32, #tpu.memory_space<hbm>>
          tpu.wait_dma2 semaphore(%run_scoped3A : memref<!tpu.dma_semaphore, #tpu.memory_space<semaphore_mem>>) src(%dma_wait3A_73 : memref<128xi32, #tpu.memory_space<hbm>>) dst(%arg10 : memref<128xi32, #tpu.memory_space<vmem>>)
          tpu.yield
        }) : () -> ()
        %dma_start3A_67 = arith.constant 0 : i32
        %dma_start3A_68 = arith.constant 0 : i32
        %dma_start3A_69 = tpu.memref_slice %arg3[%dma_start3A_67, %dma_start3A_68] : memref<15360x64xf32, #tpu.memory_space<hbm>> -> memref<15360x64xf32, #tpu.memory_space<hbm>>
        tpu.enqueue_indirect_dma source(%dma_start3A_69 : memref<15360x64xf32, #tpu.memory_space<hbm>>) target(%arg13 : memref<128x64xf32, #tpu.memory_space<vmem>>) offsets(%arg9 : memref<128xi32, #tpu.memory_space<vmem>>) semaphore(%arg17 : memref<!tpu.dma_semaphore, #tpu.memory_space<semaphore_mem>>)
      } else {
      }
      %dma_wait3A_57 = arith.constant 0 : i32
      %dma_wait3A_58 = arith.constant 0 : i32
      %dma_wait3A_59 = tpu.memref_slice %arg3[%dma_wait3A_57, %dma_wait3A_58] : memref<15360x64xf32, #tpu.memory_space<hbm>> -> memref<15360x64xf32, #tpu.memory_space<hbm>>
      tpu.wait_indirect_dma semaphore(%arg18 : memref<!tpu.dma_semaphore, #tpu.memory_space<semaphore_mem>>) src(%dma_wait3A_59 : memref<15360x64xf32, #tpu.memory_space<hbm>>) dst(%arg14 : memref<128x64xf32, #tpu.memory_space<vmem>>)
      "tpu.region"() ({
        %run_scoped3A = tpu.sem_alloc : memref<!tpu.dma_semaphore, #tpu.memory_space<semaphore_mem>>
        %dma_start3A_60 = arith.constant 0 : i32
        %dma_start3A_61 = arith.constant 0 : i32
        %dma_start3A_62 = tpu.memref_slice %arg16[%dma_start3A_60, %dma_start3A_61] : memref<15360x64xf32, #tpu.memory_space<vmem_shared>> -> memref<15360x64xf32, #tpu.memory_space<vmem_shared>>
        tpu.enqueue_indirect_dma source(%arg14 : memref<128x64xf32, #tpu.memory_space<vmem>>) target(%dma_start3A_62 : memref<15360x64xf32, #tpu.memory_space<vmem_shared>>) offsets(%arg12 : memref<128xi32, #tpu.memory_space<vmem>>) semaphore(%run_scoped3A : memref<!tpu.dma_semaphore, #tpu.memory_space<semaphore_mem>>) {add = true}
        %dma_wait3A_63 = arith.constant 0 : i32
        %dma_wait3A_64 = arith.constant 0 : i32
        %dma_wait3A_65 = tpu.memref_slice %arg16[%dma_wait3A_63, %dma_wait3A_64] : memref<15360x64xf32, #tpu.memory_space<vmem_shared>> -> memref<15360x64xf32, #tpu.memory_space<vmem_shared>>
        tpu.wait_indirect_dma semaphore(%run_scoped3A : memref<!tpu.dma_semaphore, #tpu.memory_space<semaphore_mem>>) src(%arg14 : memref<128x64xf32, #tpu.memory_space<vmem>>) dst(%dma_wait3A_65 : memref<15360x64xf32, #tpu.memory_space<vmem_shared>>)
        tpu.yield
      }) : () -> ()
    }
    %scan3A_34 = arith.constant 30 : i32
    %barrier3A_35 = arith.constant 0 : index
    tpu.barrier barrier_id(%barrier3A_35)
    %mul3A_36 = arith.constant 960 : i32
    %mul3A_37 = arith.muli %arg1, %mul3A_36 : i32
    "tpu.region"() ({
      %run_scoped3A = tpu.sem_alloc : memref<!tpu.dma_semaphore, #tpu.memory_space<semaphore_mem>>
      %dma_start3A_38 = arith.constant 0 : i32
      %dma_start3A_39 = arith.constant 0 : i32
      %dma_start3A_40 = tpu.memref_slice %arg8[%arg0, %arg1, %dma_start3A_38, %dma_start3A_39] : memref<2x16x960x64xf32, #tpu.memory_space<hbm>> -> memref<1x1x960x64xf32, #tpu.memory_space<hbm>>
      %dma_start3A_41 = tpu.memref_squeeze %dma_start3A_40 : memref<1x1x960x64xf32, #tpu.memory_space<hbm>> -> memref<960x64xf32, #tpu.memory_space<hbm>>
      %dma_start3A_42 = arith.constant 0 : i32
      %dma_start3A_43 = tpu.memref_slice %arg16[%mul3A_37, %dma_start3A_42] : memref<15360x64xf32, #tpu.memory_space<vmem_shared>> -> memref<960x64xf32, #tpu.memory_space<vmem_shared>>
      tpu.enqueue_dma source(%dma_start3A_43 : memref<960x64xf32, #tpu.memory_space<vmem_shared>>) target(%dma_start3A_41 : memref<960x64xf32, #tpu.memory_space<hbm>>) target_semaphore(%run_scoped3A : memref<!tpu.dma_semaphore, #tpu.memory_space<semaphore_mem>>)
      %dma_wait3A = arith.constant 0 : i32
      %dma_wait3A_44 = arith.constant 0 : i32
      %dma_wait3A_45 = tpu.memref_slice %arg8[%arg0, %arg1, %dma_wait3A, %dma_wait3A_44] : memref<2x16x960x64xf32, #tpu.memory_space<hbm>> -> memref<1x1x960x64xf32, #tpu.memory_space<hbm>>
      %dma_wait3A_46 = tpu.memref_squeeze %dma_wait3A_45 : memref<1x1x960x64xf32, #tpu.memory_space<hbm>> -> memref<960x64xf32, #tpu.memory_space<hbm>>
      %dma_wait3A_47 = arith.constant 0 : i32
      %dma_wait3A_48 = tpu.memref_slice %arg16[%mul3A_37, %dma_wait3A_47] : memref<15360x64xf32, #tpu.memory_space<vmem_shared>> -> memref<960x64xf32, #tpu.memory_space<vmem_shared>>
      tpu.wait_dma2 semaphore(%run_scoped3A : memref<!tpu.dma_semaphore, #tpu.memory_space<semaphore_mem>>) src(%dma_wait3A_48 : memref<960x64xf32, #tpu.memory_space<vmem_shared>>) dst(%dma_wait3A_46 : memref<960x64xf32, #tpu.memory_space<hbm>>)
      tpu.yield
    }) : () -> ()
    return
  }
}

#map = affine_map<(d0, d1) -> (0, 0)>
#map1 = affine_map<(d0, d1) -> (0)>
#map2 = affine_map<(d0, d1) -> (0, 0, 0, 0)>
module attributes {stable_mosaic.version = 14 : i64} {
  func.func @_pool_sc(%arg0: i32, %arg1: i32, %arg2: memref<15360x8xf32, #tpu.memory_space<hbm>>, %arg3: memref<151552xi32, #tpu.memory_space<hbm>>, %arg4: memref<151552xi32, #tpu.memory_space<hbm>>, %arg5: memref<88x8xf32, #tpu.memory_space<hbm>>, %arg6: memref<2x16x88x8xf32, #tpu.memory_space<hbm>>, %arg7: memref<128xi32, #tpu.memory_space<vmem>>, %arg8: memref<128xi32, #tpu.memory_space<vmem>>, %arg9: memref<128x8xf32, #tpu.memory_space<vmem>>, %arg10: memref<88x8xf32, #tpu.memory_space<vmem>>, %arg11: memref<1408x8xf32, #tpu.memory_space<vmem_shared>>, %arg12: memref<!tpu.dma_semaphore, #tpu.memory_space<semaphore_mem>>) attributes {dimension_semantics = [#tpu.dimension_semantics<core_parallel>, #tpu.dimension_semantics<subcore_parallel>], iteration_bounds = array<i64: 2, 16>, scalar_prefetch = 0 : i64, scratch_operands = 6 : i64, tpu.core_type = #tpu.core_type<sc_vector_subcore>, window_params = [{transform_indices = #map}, {transform_indices = #map1}, {transform_indices = #map1}, {transform_indices = #map}, {transform_indices = #map2}]} {
    %mul3A = arith.constant 16 : i32
    %mul3A_0 = arith.muli %arg0, %mul3A : i32
    %add3A = arith.addi %mul3A_0, %arg1 : i32
    "tpu.region"() ({
      %run_scoped3A = tpu.sem_alloc : memref<!tpu.dma_semaphore, #tpu.memory_space<semaphore_mem>>
      tpu.enqueue_dma source(%arg5 : memref<88x8xf32, #tpu.memory_space<hbm>>) target(%arg10 : memref<88x8xf32, #tpu.memory_space<vmem>>) target_semaphore(%run_scoped3A : memref<!tpu.dma_semaphore, #tpu.memory_space<semaphore_mem>>)
      tpu.wait_dma2 semaphore(%run_scoped3A : memref<!tpu.dma_semaphore, #tpu.memory_space<semaphore_mem>>) src(%arg5 : memref<88x8xf32, #tpu.memory_space<hbm>>) dst(%arg10 : memref<88x8xf32, #tpu.memory_space<vmem>>)
      tpu.yield
    }) : () -> ()
    %mul3A_1 = arith.constant 88 : i32
    %mul3A_2 = arith.muli %arg1, %mul3A_1 : i32
    "tpu.region"() ({
      %run_scoped3A = tpu.sem_alloc : memref<!tpu.dma_semaphore, #tpu.memory_space<semaphore_mem>>
      %dma_start3A = arith.constant 0 : i32
      %dma_start3A_10 = tpu.memref_slice %arg11[%mul3A_2, %dma_start3A] : memref<1408x8xf32, #tpu.memory_space<vmem_shared>> -> memref<88x8xf32, #tpu.memory_space<vmem_shared>>
      %dma_start3A_11 = arith.constant 0 : i32
      %dma_start3A_12 = tpu.memref_slice %arg11[%mul3A_2, %dma_start3A_11] : memref<1408x8xf32, #tpu.memory_space<vmem_shared>> -> memref<88x8xf32, #tpu.memory_space<vmem_shared>>
      tpu.enqueue_dma source(%arg10 : memref<88x8xf32, #tpu.memory_space<vmem>>) target(%dma_start3A_12 : memref<88x8xf32, #tpu.memory_space<vmem_shared>>) target_semaphore(%run_scoped3A : memref<!tpu.dma_semaphore, #tpu.memory_space<semaphore_mem>>)
      %dma_wait3A = arith.constant 0 : i32
      %dma_wait3A_13 = tpu.memref_slice %arg11[%mul3A_2, %dma_wait3A] : memref<1408x8xf32, #tpu.memory_space<vmem_shared>> -> memref<88x8xf32, #tpu.memory_space<vmem_shared>>
      %dma_wait3A_14 = arith.constant 0 : i32
      %dma_wait3A_15 = tpu.memref_slice %arg11[%mul3A_2, %dma_wait3A_14] : memref<1408x8xf32, #tpu.memory_space<vmem_shared>> -> memref<88x8xf32, #tpu.memory_space<vmem_shared>>
      tpu.wait_dma2 semaphore(%run_scoped3A : memref<!tpu.dma_semaphore, #tpu.memory_space<semaphore_mem>>) src(%arg10 : memref<88x8xf32, #tpu.memory_space<vmem>>) dst(%dma_wait3A_15 : memref<88x8xf32, #tpu.memory_space<vmem_shared>>)
      tpu.yield
    }) : () -> ()
    %barrier3A = arith.constant 0 : index
    tpu.barrier barrier_id(%barrier3A)
    %scan3A = arith.constant 0 : i32
    %scan3A_3 = arith.constant 37 : i32
    %scan3A_4 = arith.addi %scan3A, %scan3A_3 : i32
    %scan3A_5 = arith.constant 1 : i32
    scf.for %scan3A_10 = %scan3A to %scan3A_4 step %scan3A_5  : i32 {
      %mul3A_11 = arith.constant 1 : i32
      %mul3A_12 = arith.muli %scan3A_10, %mul3A_11 : i32
      %add3A_13 = arith.constant 0 : i32
      %add3A_14 = arith.addi %add3A_13, %mul3A_12 : i32
      %mul3A_15 = arith.constant 4736 : i32
      %mul3A_16 = arith.muli %add3A, %mul3A_15 : i32
      %mul3A_17 = arith.constant 128 : i32
      %mul3A_18 = arith.muli %add3A_14, %mul3A_17 : i32
      %add3A_19 = arith.addi %mul3A_16, %mul3A_18 : i32
      "tpu.region"() ({
        %run_scoped3A = tpu.sem_alloc : memref<!tpu.dma_semaphore, #tpu.memory_space<semaphore_mem>>
        %dma_start3A_24 = tpu.memref_slice %arg3[%add3A_19] : memref<151552xi32, #tpu.memory_space<hbm>> -> memref<128xi32, #tpu.memory_space<hbm>>
        %dma_start3A_25 = tpu.memref_slice %arg3[%add3A_19] : memref<151552xi32, #tpu.memory_space<hbm>> -> memref<128xi32, #tpu.memory_space<hbm>>
        tpu.enqueue_dma source(%dma_start3A_25 : memref<128xi32, #tpu.memory_space<hbm>>) target(%arg7 : memref<128xi32, #tpu.memory_space<vmem>>) target_semaphore(%run_scoped3A : memref<!tpu.dma_semaphore, #tpu.memory_space<semaphore_mem>>)
        %dma_wait3A_26 = tpu.memref_slice %arg3[%add3A_19] : memref<151552xi32, #tpu.memory_space<hbm>> -> memref<128xi32, #tpu.memory_space<hbm>>
        %dma_wait3A_27 = tpu.memref_slice %arg3[%add3A_19] : memref<151552xi32, #tpu.memory_space<hbm>> -> memref<128xi32, #tpu.memory_space<hbm>>
        tpu.wait_dma2 semaphore(%run_scoped3A : memref<!tpu.dma_semaphore, #tpu.memory_space<semaphore_mem>>) src(%dma_wait3A_27 : memref<128xi32, #tpu.memory_space<hbm>>) dst(%arg7 : memref<128xi32, #tpu.memory_space<vmem>>)
        tpu.yield
      }) : () -> ()
      "tpu.region"() ({
        %run_scoped3A = tpu.sem_alloc : memref<!tpu.dma_semaphore, #tpu.memory_space<semaphore_mem>>
        %dma_start3A_24 = tpu.memref_slice %arg4[%add3A_19] : memref<151552xi32, #tpu.memory_space<hbm>> -> memref<128xi32, #tpu.memory_space<hbm>>
        %dma_start3A_25 = tpu.memref_slice %arg4[%add3A_19] : memref<151552xi32, #tpu.memory_space<hbm>> -> memref<128xi32, #tpu.memory_space<hbm>>
        tpu.enqueue_dma source(%dma_start3A_25 : memref<128xi32, #tpu.memory_space<hbm>>) target(%arg8 : memref<128xi32, #tpu.memory_space<vmem>>) target_semaphore(%run_scoped3A : memref<!tpu.dma_semaphore, #tpu.memory_space<semaphore_mem>>)
        %dma_wait3A_26 = tpu.memref_slice %arg4[%add3A_19] : memref<151552xi32, #tpu.memory_space<hbm>> -> memref<128xi32, #tpu.memory_space<hbm>>
        %dma_wait3A_27 = tpu.memref_slice %arg4[%add3A_19] : memref<151552xi32, #tpu.memory_space<hbm>> -> memref<128xi32, #tpu.memory_space<hbm>>
        tpu.wait_dma2 semaphore(%run_scoped3A : memref<!tpu.dma_semaphore, #tpu.memory_space<semaphore_mem>>) src(%dma_wait3A_27 : memref<128xi32, #tpu.memory_space<hbm>>) dst(%arg8 : memref<128xi32, #tpu.memory_space<vmem>>)
        tpu.yield
      }) : () -> ()
      %dma_start3A = arith.constant 0 : i32
      %dma_start3A_20 = arith.constant 0 : i32
      %dma_start3A_21 = tpu.memref_slice %arg2[%dma_start3A, %dma_start3A_20] : memref<15360x8xf32, #tpu.memory_space<hbm>> -> memref<15360x8xf32, #tpu.memory_space<hbm>>
      tpu.enqueue_indirect_dma source(%dma_start3A_21 : memref<15360x8xf32, #tpu.memory_space<hbm>>) target(%arg9 : memref<128x8xf32, #tpu.memory_space<vmem>>) offsets(%arg7 : memref<128xi32, #tpu.memory_space<vmem>>) semaphore(%arg12 : memref<!tpu.dma_semaphore, #tpu.memory_space<semaphore_mem>>)
      %dma_wait3A = arith.constant 0 : i32
      %dma_wait3A_22 = arith.constant 0 : i32
      %dma_wait3A_23 = tpu.memref_slice %arg2[%dma_wait3A, %dma_wait3A_22] : memref<15360x8xf32, #tpu.memory_space<hbm>> -> memref<15360x8xf32, #tpu.memory_space<hbm>>
      tpu.wait_indirect_dma semaphore(%arg12 : memref<!tpu.dma_semaphore, #tpu.memory_space<semaphore_mem>>) src(%dma_wait3A_23 : memref<15360x8xf32, #tpu.memory_space<hbm>>) dst(%arg9 : memref<128x8xf32, #tpu.memory_space<vmem>>)
      "tpu.region"() ({
        %run_scoped3A = tpu.sem_alloc : memref<!tpu.dma_semaphore, #tpu.memory_space<semaphore_mem>>
        %dma_start3A_24 = arith.constant 0 : i32
        %dma_start3A_25 = arith.constant 0 : i32
        %dma_start3A_26 = tpu.memref_slice %arg11[%dma_start3A_24, %dma_start3A_25] : memref<1408x8xf32, #tpu.memory_space<vmem_shared>> -> memref<1408x8xf32, #tpu.memory_space<vmem_shared>>
        tpu.enqueue_indirect_dma source(%arg9 : memref<128x8xf32, #tpu.memory_space<vmem>>) target(%dma_start3A_26 : memref<1408x8xf32, #tpu.memory_space<vmem_shared>>) offsets(%arg8 : memref<128xi32, #tpu.memory_space<vmem>>) semaphore(%run_scoped3A : memref<!tpu.dma_semaphore, #tpu.memory_space<semaphore_mem>>) {add = true}
        %dma_wait3A_27 = arith.constant 0 : i32
        %dma_wait3A_28 = arith.constant 0 : i32
        %dma_wait3A_29 = tpu.memref_slice %arg11[%dma_wait3A_27, %dma_wait3A_28] : memref<1408x8xf32, #tpu.memory_space<vmem_shared>> -> memref<1408x8xf32, #tpu.memory_space<vmem_shared>>
        tpu.wait_indirect_dma semaphore(%run_scoped3A : memref<!tpu.dma_semaphore, #tpu.memory_space<semaphore_mem>>) src(%arg9 : memref<128x8xf32, #tpu.memory_space<vmem>>) dst(%dma_wait3A_29 : memref<1408x8xf32, #tpu.memory_space<vmem_shared>>)
        tpu.yield
      }) : () -> ()
    }
    %scan3A_6 = arith.constant 37 : i32
    %barrier3A_7 = arith.constant 0 : index
    tpu.barrier barrier_id(%barrier3A_7)
    %mul3A_8 = arith.constant 88 : i32
    %mul3A_9 = arith.muli %arg1, %mul3A_8 : i32
    "tpu.region"() ({
      %run_scoped3A = tpu.sem_alloc : memref<!tpu.dma_semaphore, #tpu.memory_space<semaphore_mem>>
      %dma_start3A = arith.constant 0 : i32
      %dma_start3A_10 = arith.constant 0 : i32
      %dma_start3A_11 = tpu.memref_slice %arg6[%arg0, %arg1, %dma_start3A, %dma_start3A_10] : memref<2x16x88x8xf32, #tpu.memory_space<hbm>> -> memref<1x1x88x8xf32, #tpu.memory_space<hbm>>
      %dma_start3A_12 = tpu.memref_squeeze %dma_start3A_11 : memref<1x1x88x8xf32, #tpu.memory_space<hbm>> -> memref<88x8xf32, #tpu.memory_space<hbm>>
      %dma_start3A_13 = arith.constant 0 : i32
      %dma_start3A_14 = tpu.memref_slice %arg11[%mul3A_9, %dma_start3A_13] : memref<1408x8xf32, #tpu.memory_space<vmem_shared>> -> memref<88x8xf32, #tpu.memory_space<vmem_shared>>
      tpu.enqueue_dma source(%dma_start3A_14 : memref<88x8xf32, #tpu.memory_space<vmem_shared>>) target(%dma_start3A_12 : memref<88x8xf32, #tpu.memory_space<hbm>>) target_semaphore(%run_scoped3A : memref<!tpu.dma_semaphore, #tpu.memory_space<semaphore_mem>>)
      %dma_wait3A = arith.constant 0 : i32
      %dma_wait3A_15 = arith.constant 0 : i32
      %dma_wait3A_16 = tpu.memref_slice %arg6[%arg0, %arg1, %dma_wait3A, %dma_wait3A_15] : memref<2x16x88x8xf32, #tpu.memory_space<hbm>> -> memref<1x1x88x8xf32, #tpu.memory_space<hbm>>
      %dma_wait3A_17 = tpu.memref_squeeze %dma_wait3A_16 : memref<1x1x88x8xf32, #tpu.memory_space<hbm>> -> memref<88x8xf32, #tpu.memory_space<hbm>>
      %dma_wait3A_18 = arith.constant 0 : i32
      %dma_wait3A_19 = tpu.memref_slice %arg11[%mul3A_9, %dma_wait3A_18] : memref<1408x8xf32, #tpu.memory_space<vmem_shared>> -> memref<88x8xf32, #tpu.memory_space<vmem_shared>>
      tpu.wait_dma2 semaphore(%run_scoped3A : memref<!tpu.dma_semaphore, #tpu.memory_space<semaphore_mem>>) src(%dma_wait3A_19 : memref<88x8xf32, #tpu.memory_space<vmem_shared>>) dst(%dma_wait3A_17 : memref<88x8xf32, #tpu.memory_space<hbm>>)
      tpu.yield
    }) : () -> ()
    return
  }
}

module attributes {stable_mosaic.version = 14 : i64} {
  func.func @body(%arg0: i32, %arg1: memref<128x64xf32, #tpu.memory_space<vmem>>, %arg2: memref<64x128xf32, #tpu.memory_space<vmem>>, %arg3: memref<128x1xf32, #tpu.memory_space<vmem>>, %arg4: memref<128x1xf32, #tpu.memory_space<vmem>>, %arg5: memref<128x128xf32, #tpu.memory_space<vmem>>) attributes {dimension_semantics = [#tpu.dimension_semantics<arbitrary>], iteration_bounds = array<i64: 120>, scalar_prefetch = 0 : i64, scratch_operands = 0 : i64, tpu.core_type = #tpu.core_type<tc>, window_params = [{transform_indices = @transform_0, window_bounds = array<i64: 128, 64>}, {pipeline_mode = #tpu.pipeline_mode<synchronous>, transform_indices = @transform_1, window_bounds = array<i64: 64, 128>}, {transform_indices = @transform_2, window_bounds = array<i64: 128, 1>}, {transform_indices = @transform_3, window_bounds = array<i64: 128, 1>}, {transform_indices = @transform_4, window_bounds = array<i64: 128, 128>}]} {
    %get3A = arith.constant 0 : index
    %get3A_0 = arith.constant 0 : index
    %get3A_1 = vector.load %arg3[%get3A, %get3A_0] : memref<128x1xf32, #tpu.memory_space<vmem>>, vector<128x1xf32>
    %add3A = arith.constant 1.000000e+00 : f32
    %add3A_2 = vector.broadcast %add3A : f32 to vector<128x1xf32>
    %add3A_3 = arith.addf %add3A_2, %get3A_1 : vector<128x1xf32>
    %get3A_4 = arith.constant 0 : index
    %get3A_5 = arith.constant 0 : index
    %get3A_6 = vector.load %arg4[%get3A_4, %get3A_5] : memref<128x1xf32, #tpu.memory_space<vmem>>, vector<128x1xf32>
    %add3A_7 = arith.addf %add3A_3, %get3A_6 : vector<128x1xf32>
    %rsqrt3A = math.rsqrt %add3A_7 : vector<128x1xf32>
    %get3A_8 = arith.constant 0 : index
    %get3A_9 = arith.constant 0 : index
    %get3A_10 = vector.load %arg1[%get3A_8, %get3A_9] : memref<128x64xf32, #tpu.memory_space<vmem>>, vector<128x64xf32>
    %get3A_11 = arith.constant 0 : index
    %get3A_12 = arith.constant 0 : index
    %get3A_13 = vector.load %arg2[%get3A_11, %get3A_12] : memref<64x128xf32, #tpu.memory_space<vmem>>, vector<64x128xf32>
    %dot_general3A = arith.constant dense<0.000000e+00> : vector<128x128xf32>
    %dot_general3A_14 = tpu.matmul %get3A_10, %get3A_13, %dot_general3A {dimension_numbers = #tpu.dot_dimension_numbers<[1], [0], [0], [1], [0, 0, 1, 1], [], []>, transpose_lhs_hint = false} : vector<128x64xf32>, vector<64x128xf32>, vector<128x128xf32> -> vector<128x128xf32>
    %mul3A = vector.broadcast %rsqrt3A : vector<128x1xf32> to vector<128x128xf32>
    %mul3A_15 = arith.mulf %mul3A, %dot_general3A_14 : vector<128x128xf32>
    %swap3A = arith.constant 0 : index
    %swap3A_16 = arith.constant 0 : index
    %swap3A_17 = vector.load %arg5[%swap3A, %swap3A_16] : memref<128x128xf32, #tpu.memory_space<vmem>>, vector<128x128xf32>
    tpu.vector_store %arg5[%swap3A, %swap3A_16], %mul3A_15 {strides = array<i32>} : memref<128x128xf32, #tpu.memory_space<vmem>>, vector<128x128xf32>,
    return
  }
  func.func @transform_0(%arg0: i32) -> (i32, i32) {
    %c0_i32 = arith.constant 0 : i32
    %c0_i32_0 = arith.constant 0 : i32
    return %arg0, %c0_i32 : i32, i32
  }
  func.func @transform_1(%arg0: i32) -> (i32, i32) {
    %c0_i32 = arith.constant 0 : i32
    %c0_i32_0 = arith.constant 0 : i32
    %c0_i32_1 = arith.constant 0 : i32
    return %c0_i32, %c0_i32_0 : i32, i32
  }
  func.func @transform_2(%arg0: i32) -> (i32, i32) {
    %c0_i32 = arith.constant 0 : i32
    %c0_i32_0 = arith.constant 0 : i32
    return %arg0, %c0_i32 : i32, i32
  }
  func.func @transform_3(%arg0: i32) -> (i32, i32) {
    %c0_i32 = arith.constant 0 : i32
    %c0_i32_0 = arith.constant 0 : i32
    return %arg0, %c0_i32 : i32, i32
  }
  func.func @transform_4(%arg0: i32) -> (i32, i32) {
    %c0_i32 = arith.constant 0 : i32
    %c0_i32_0 = arith.constant 0 : i32
    return %arg0, %c0_i32 : i32, i32
  }
}

module attributes {stable_mosaic.version = 14 : i64} {
  func.func @body(%arg0: i32, %arg1: memref<128x128xf32, #tpu.memory_space<vmem>>, %arg2: memref<128x128xf32, #tpu.memory_space<vmem>>, %arg3: memref<128x128xf32, #tpu.memory_space<vmem>>, %arg4: memref<128x1xf32, #tpu.memory_space<vmem>>, %arg5: memref<128x1xf32, #tpu.memory_space<vmem>>, %arg6: memref<128x128xf32, #tpu.memory_space<vmem>>, %arg7: memref<1x128xf32, #tpu.memory_space<vmem>>, %arg8: memref<128x128xf32, #tpu.memory_space<vmem>>, %arg9: memref<128x128xf32, #tpu.memory_space<vmem>>) attributes {dimension_semantics = [#tpu.dimension_semantics<arbitrary>], iteration_bounds = array<i64: 120>, scalar_prefetch = 0 : i64, scratch_operands = 0 : i64, tpu.core_type = #tpu.core_type<tc>, window_params = [{transform_indices = @transform_0, window_bounds = array<i64: 128, 128>}, {transform_indices = @transform_1, window_bounds = array<i64: 128, 128>}, {transform_indices = @transform_2, window_bounds = array<i64: 128, 128>}, {transform_indices = @transform_3, window_bounds = array<i64: 128, 1>}, {transform_indices = @transform_4, window_bounds = array<i64: 128, 1>}, {pipeline_mode = #tpu.pipeline_mode<synchronous>, transform_indices = @transform_5, window_bounds = array<i64: 128, 128>}, {pipeline_mode = #tpu.pipeline_mode<synchronous>, transform_indices = @transform_6, window_bounds = array<i64: 1, 128>}, {transform_indices = @transform_7, window_bounds = array<i64: 128, 128>}, {transform_indices = @transform_8, window_bounds = array<i64: 128, 128>}]} {
    %get3A = arith.constant 0 : index
    %get3A_0 = arith.constant 0 : index
    %get3A_1 = vector.load %arg4[%get3A, %get3A_0] : memref<128x1xf32, #tpu.memory_space<vmem>>, vector<128x1xf32>
    %add3A = arith.constant 1.000000e+00 : f32
    %add3A_2 = vector.broadcast %add3A : f32 to vector<128x1xf32>
    %add3A_3 = arith.addf %add3A_2, %get3A_1 : vector<128x1xf32>
    %get3A_4 = arith.constant 0 : index
    %get3A_5 = arith.constant 0 : index
    %get3A_6 = vector.load %arg5[%get3A_4, %get3A_5] : memref<128x1xf32, #tpu.memory_space<vmem>>, vector<128x1xf32>
    %add3A_7 = arith.addf %add3A_3, %get3A_6 : vector<128x1xf32>
    %rsqrt3A = math.rsqrt %add3A_7 : vector<128x1xf32>
    %get3A_8 = arith.constant 0 : index
    %get3A_9 = arith.constant 0 : index
    %get3A_10 = vector.load %arg1[%get3A_8, %get3A_9] : memref<128x128xf32, #tpu.memory_space<vmem>>, vector<128x128xf32>
    %get3A_11 = arith.constant 0 : index
    %get3A_12 = arith.constant 0 : index
    %get3A_13 = vector.load %arg2[%get3A_11, %get3A_12] : memref<128x128xf32, #tpu.memory_space<vmem>>, vector<128x128xf32>
    %add3A_14 = arith.addf %get3A_10, %get3A_13 : vector<128x128xf32>
    %get3A_15 = arith.constant 0 : index
    %get3A_16 = arith.constant 0 : index
    %get3A_17 = vector.load %arg3[%get3A_15, %get3A_16] : memref<128x128xf32, #tpu.memory_space<vmem>>, vector<128x128xf32>
    %add3A_18 = arith.addf %add3A_14, %get3A_17 : vector<128x128xf32>
    %mul3A = vector.broadcast %rsqrt3A : vector<128x1xf32> to vector<128x128xf32>
    %mul3A_19 = arith.mulf %mul3A, %add3A_18 : vector<128x128xf32>
    %get3A_20 = arith.constant 0 : index
    %get3A_21 = arith.constant 0 : index
    %get3A_22 = vector.load %arg7[%get3A_20, %get3A_21] : memref<1x128xf32, #tpu.memory_space<vmem>>, vector<1x128xf32>
    %add3A_23 = vector.broadcast %get3A_22 : vector<1x128xf32> to vector<128x128xf32>
    %add3A_24 = arith.addf %mul3A_19, %add3A_23 : vector<128x128xf32>
    %max3A = arith.constant 0.000000e+00 : f32
    %max3A_25 = vector.broadcast %max3A : f32 to vector<128x128xf32>
    %max3A_26 = arith.maximumf %add3A_24, %max3A_25 : vector<128x128xf32>
    %swap3A = arith.constant 0 : index
    %swap3A_27 = arith.constant 0 : index
    %swap3A_28 = vector.load %arg9[%swap3A, %swap3A_27] : memref<128x128xf32, #tpu.memory_space<vmem>>, vector<128x128xf32>
    tpu.vector_store %arg9[%swap3A, %swap3A_27], %max3A_26 {strides = array<i32>} : memref<128x128xf32, #tpu.memory_space<vmem>>, vector<128x128xf32>,
    %get3A_29 = arith.constant 0 : index
    %get3A_30 = arith.constant 0 : index
    %get3A_31 = vector.load %arg6[%get3A_29, %get3A_30] : memref<128x128xf32, #tpu.memory_space<vmem>>, vector<128x128xf32>
    %dot_general3A = arith.constant dense<0.000000e+00> : vector<128x128xf32>
    %dot_general3A_32 = tpu.matmul %max3A_26, %get3A_31, %dot_general3A {dimension_numbers = #tpu.dot_dimension_numbers<[1], [0], [0], [1], [0, 0, 1, 1], [], []>, transpose_lhs_hint = false} : vector<128x128xf32>, vector<128x128xf32>, vector<128x128xf32> -> vector<128x128xf32>
    %mul3A_33 = vector.broadcast %rsqrt3A : vector<128x1xf32> to vector<128x128xf32>
    %mul3A_34 = arith.mulf %mul3A_33, %dot_general3A_32 : vector<128x128xf32>
    %swap3A_35 = arith.constant 0 : index
    %swap3A_36 = arith.constant 0 : index
    %swap3A_37 = vector.load %arg8[%swap3A_35, %swap3A_36] : memref<128x128xf32, #tpu.memory_space<vmem>>, vector<128x128xf32>
    tpu.vector_store %arg8[%swap3A_35, %swap3A_36], %mul3A_34 {strides = array<i32>} : memref<128x128xf32, #tpu.memory_space<vmem>>, vector<128x128xf32>,
    return
  }
  func.func @transform_0(%arg0: i32) -> (i32, i32) {
    %c0_i32 = arith.constant 0 : i32
    %c0_i32_0 = arith.constant 0 : i32
    return %arg0, %c0_i32 : i32, i32
  }
  func.func @transform_1(%arg0: i32) -> (i32, i32) {
    %c0_i32 = arith.constant 0 : i32
    %c0_i32_0 = arith.constant 0 : i32
    return %arg0, %c0_i32 : i32, i32
  }
  func.func @transform_2(%arg0: i32) -> (i32, i32) {
    %c0_i32 = arith.constant 0 : i32
    %c0_i32_0 = arith.constant 0 : i32
    return %arg0, %c0_i32 : i32, i32
  }
  func.func @transform_3(%arg0: i32) -> (i32, i32) {
    %c0_i32 = arith.constant 0 : i32
    %c0_i32_0 = arith.constant 0 : i32
    return %arg0, %c0_i32 : i32, i32
  }
  func.func @transform_4(%arg0: i32) -> (i32, i32) {
    %c0_i32 = arith.constant 0 : i32
    %c0_i32_0 = arith.constant 0 : i32
    return %arg0, %c0_i32 : i32, i32
  }
  func.func @transform_5(%arg0: i32) -> (i32, i32) {
    %c0_i32 = arith.constant 0 : i32
    %c0_i32_0 = arith.constant 0 : i32
    %c0_i32_1 = arith.constant 0 : i32
    return %c0_i32, %c0_i32_0 : i32, i32
  }
  func.func @transform_6(%arg0: i32) -> (i32, i32) {
    %c0_i32 = arith.constant 0 : i32
    %c0_i32_0 = arith.constant 0 : i32
    %c0_i32_1 = arith.constant 0 : i32
    return %c0_i32, %c0_i32_0 : i32, i32
  }
  func.func @transform_7(%arg0: i32) -> (i32, i32) {
    %c0_i32 = arith.constant 0 : i32
    %c0_i32_0 = arith.constant 0 : i32
    return %arg0, %c0_i32 : i32, i32
  }
  func.func @transform_8(%arg0: i32) -> (i32, i32) {
    %c0_i32 = arith.constant 0 : i32
    %c0_i32_0 = arith.constant 0 : i32
    return %arg0, %c0_i32 : i32, i32
  }
}

module attributes {stable_mosaic.version = 14 : i64} {
  func.func @body(%arg0: i32, %arg1: memref<128x128xf32, #tpu.memory_space<vmem>>, %arg2: memref<128x128xf32, #tpu.memory_space<vmem>>, %arg3: memref<128x128xf32, #tpu.memory_space<vmem>>, %arg4: memref<128x1xf32, #tpu.memory_space<vmem>>, %arg5: memref<128x1xf32, #tpu.memory_space<vmem>>, %arg6: memref<1x128xf32, #tpu.memory_space<vmem>>, %arg7: memref<128x128xf32, #tpu.memory_space<vmem>>, %arg8: memref<128x128xf32, #tpu.memory_space<vmem>>, %arg9: memref<128x8xf32, #tpu.memory_space<vmem>>, %arg10: memref<128x8xf32, #tpu.memory_space<vmem>>, %arg11: memref<128x8xf32, #tpu.memory_space<vmem>>, %arg12: memref<128x8xf32, #tpu.memory_space<vmem>>) attributes {dimension_semantics = [#tpu.dimension_semantics<arbitrary>], iteration_bounds = array<i64: 120>, scalar_prefetch = 0 : i64, scratch_operands = 0 : i64, tpu.core_type = #tpu.core_type<tc>, window_params = [{transform_indices = @transform_0, window_bounds = array<i64: 128, 128>}, {transform_indices = @transform_1, window_bounds = array<i64: 128, 128>}, {transform_indices = @transform_2, window_bounds = array<i64: 128, 128>}, {transform_indices = @transform_3, window_bounds = array<i64: 128, 1>}, {transform_indices = @transform_4, window_bounds = array<i64: 128, 1>}, {pipeline_mode = #tpu.pipeline_mode<synchronous>, transform_indices = @transform_5, window_bounds = array<i64: 1, 128>}, {transform_indices = @transform_6, window_bounds = array<i64: 128, 128>}, {transform_indices = @transform_7, window_bounds = array<i64: 128, 128>}, {pipeline_mode = #tpu.pipeline_mode<synchronous>, transform_indices = @transform_8, window_bounds = array<i64: 128, 8>}, {pipeline_mode = #tpu.pipeline_mode<synchronous>, transform_indices = @transform_9, window_bounds = array<i64: 128, 8>}, {pipeline_mode = #tpu.pipeline_mode<synchronous>, transform_indices = @transform_10, window_bounds = array<i64: 128, 8>}, {transform_indices = @transform_11, window_bounds = array<i64: 128, 8>}]} {
    %get3A = arith.constant 0 : index
    %get3A_0 = arith.constant 0 : index
    %get3A_1 = vector.load %arg4[%get3A, %get3A_0] : memref<128x1xf32, #tpu.memory_space<vmem>>, vector<128x1xf32>
    %add3A = arith.constant 1.000000e+00 : f32
    %add3A_2 = vector.broadcast %add3A : f32 to vector<128x1xf32>
    %add3A_3 = arith.addf %add3A_2, %get3A_1 : vector<128x1xf32>
    %get3A_4 = arith.constant 0 : index
    %get3A_5 = arith.constant 0 : index
    %get3A_6 = vector.load %arg5[%get3A_4, %get3A_5] : memref<128x1xf32, #tpu.memory_space<vmem>>, vector<128x1xf32>
    %add3A_7 = arith.addf %add3A_3, %get3A_6 : vector<128x1xf32>
    %rsqrt3A = math.rsqrt %add3A_7 : vector<128x1xf32>
    %get3A_8 = arith.constant 0 : index
    %get3A_9 = arith.constant 0 : index
    %get3A_10 = vector.load %arg1[%get3A_8, %get3A_9] : memref<128x128xf32, #tpu.memory_space<vmem>>, vector<128x128xf32>
    %get3A_11 = arith.constant 0 : index
    %get3A_12 = arith.constant 0 : index
    %get3A_13 = vector.load %arg2[%get3A_11, %get3A_12] : memref<128x128xf32, #tpu.memory_space<vmem>>, vector<128x128xf32>
    %add3A_14 = arith.addf %get3A_10, %get3A_13 : vector<128x128xf32>
    %get3A_15 = arith.constant 0 : index
    %get3A_16 = arith.constant 0 : index
    %get3A_17 = vector.load %arg3[%get3A_15, %get3A_16] : memref<128x128xf32, #tpu.memory_space<vmem>>, vector<128x128xf32>
    %add3A_18 = arith.addf %add3A_14, %get3A_17 : vector<128x128xf32>
    %mul3A = vector.broadcast %rsqrt3A : vector<128x1xf32> to vector<128x128xf32>
    %mul3A_19 = arith.mulf %mul3A, %add3A_18 : vector<128x128xf32>
    %get3A_20 = arith.constant 0 : index
    %get3A_21 = arith.constant 0 : index
    %get3A_22 = vector.load %arg6[%get3A_20, %get3A_21] : memref<1x128xf32, #tpu.memory_space<vmem>>, vector<1x128xf32>
    %add3A_23 = vector.broadcast %get3A_22 : vector<1x128xf32> to vector<128x128xf32>
    %add3A_24 = arith.addf %mul3A_19, %add3A_23 : vector<128x128xf32>
    %max3A = arith.constant 0.000000e+00 : f32
    %max3A_25 = vector.broadcast %max3A : f32 to vector<128x128xf32>
    %max3A_26 = arith.maximumf %add3A_24, %max3A_25 : vector<128x128xf32>
    %get3A_27 = arith.constant 0 : index
    %get3A_28 = arith.constant 0 : index
    %get3A_29 = vector.load %arg7[%get3A_27, %get3A_28] : memref<128x128xf32, #tpu.memory_space<vmem>>, vector<128x128xf32>
    %get3A_30 = arith.constant 0 : index
    %get3A_31 = arith.constant 0 : index
    %get3A_32 = vector.load %arg9[%get3A_30, %get3A_31] : memref<128x8xf32, #tpu.memory_space<vmem>>, vector<128x8xf32>
    %dot_general3A = arith.constant dense<0.000000e+00> : vector<128x8xf32>
    %dot_general3A_33 = tpu.matmul %get3A_29, %get3A_32, %dot_general3A {dimension_numbers = #tpu.dot_dimension_numbers<[1], [0], [0], [1], [0, 0, 1, 1], [], []>, transpose_lhs_hint = false} : vector<128x128xf32>, vector<128x8xf32>, vector<128x8xf32> -> vector<128x8xf32>
    %get3A_34 = arith.constant 0 : index
    %get3A_35 = arith.constant 0 : index
    %get3A_36 = vector.load %arg8[%get3A_34, %get3A_35] : memref<128x128xf32, #tpu.memory_space<vmem>>, vector<128x128xf32>
    %get3A_37 = arith.constant 0 : index
    %get3A_38 = arith.constant 0 : index
    %get3A_39 = vector.load %arg10[%get3A_37, %get3A_38] : memref<128x8xf32, #tpu.memory_space<vmem>>, vector<128x8xf32>
    %dot_general3A_40 = arith.constant dense<0.000000e+00> : vector<128x8xf32>
    %dot_general3A_41 = tpu.matmul %get3A_36, %get3A_39, %dot_general3A_40 {dimension_numbers = #tpu.dot_dimension_numbers<[1], [0], [0], [1], [0, 0, 1, 1], [], []>, transpose_lhs_hint = false} : vector<128x128xf32>, vector<128x8xf32>, vector<128x8xf32> -> vector<128x8xf32>
    %add3A_42 = arith.addf %dot_general3A_33, %dot_general3A_41 : vector<128x8xf32>
    %get3A_43 = arith.constant 0 : index
    %get3A_44 = arith.constant 0 : index
    %get3A_45 = vector.load %arg11[%get3A_43, %get3A_44] : memref<128x8xf32, #tpu.memory_space<vmem>>, vector<128x8xf32>
    %dot_general3A_46 = arith.constant dense<0.000000e+00> : vector<128x8xf32>
    %dot_general3A_47 = tpu.matmul %max3A_26, %get3A_45, %dot_general3A_46 {dimension_numbers = #tpu.dot_dimension_numbers<[1], [0], [0], [1], [0, 0, 1, 1], [], []>, transpose_lhs_hint = false} : vector<128x128xf32>, vector<128x8xf32>, vector<128x8xf32> -> vector<128x8xf32>
    %add3A_48 = arith.addf %add3A_42, %dot_general3A_47 : vector<128x8xf32>
    %mul3A_49 = arith.constant 128 : i32
    %mul3A_50 = arith.muli %arg0, %mul3A_49 : i32
    %iota3A = tpu.iota {dimensions = array<i32: 0>} : vector<128x8xi32>
    %add3A_51 = vector.broadcast %mul3A_50 : i32 to vector<128x8xi32>
    %add3A_52 = arith.addi %add3A_51, %iota3A : vector<128x8xi32>
    %iota3A_53 = tpu.iota {dimensions = array<i32: 1>} : vector<128x8xi32>
    %lt3A = arith.constant 15135 : i32
    %lt3A_54 = vector.broadcast %lt3A : i32 to vector<128x8xi32>
    %lt3A_55 = arith.cmpi slt, %add3A_52, %lt3A_54 : vector<128x8xi32>
    %eq3A = arith.constant 4 : i32
    %eq3A_56 = vector.broadcast %eq3A : i32 to vector<128x8xi32>
    %eq3A_57 = arith.cmpi eq, %iota3A_53, %eq3A_56 : vector<128x8xi32>
    %and3A = arith.andi %lt3A_55, %eq3A_57 : vector<128x8xi1>
    %jit3A = arith.constant 1.000000e+00 : f32
    %jit3A_58 = arith.constant 0.000000e+00 : f32
    %broadcast_in_dim3A = vector.broadcast %jit3A : f32 to vector<128x8xf32>
    %broadcast_in_dim3A_59 = vector.broadcast %jit3A_58 : f32 to vector<128x8xf32>
    %select_n3A = arith.select %and3A, %broadcast_in_dim3A, %broadcast_in_dim3A_59 : vector<128x8xi1>, vector<128x8xf32>
    %add3A_60 = arith.addf %add3A_48, %select_n3A : vector<128x8xf32>
    %swap3A = arith.constant 0 : index
    %swap3A_61 = arith.constant 0 : index
    %swap3A_62 = vector.load %arg12[%swap3A, %swap3A_61] : memref<128x8xf32, #tpu.memory_space<vmem>>, vector<128x8xf32>
    tpu.vector_store %arg12[%swap3A, %swap3A_61], %add3A_60 {strides = array<i32>} : memref<128x8xf32, #tpu.memory_space<vmem>>, vector<128x8xf32>,
    return
  }
  func.func @transform_0(%arg0: i32) -> (i32, i32) {
    %c0_i32 = arith.constant 0 : i32
    %c0_i32_0 = arith.constant 0 : i32
    return %arg0, %c0_i32 : i32, i32
  }
  func.func @transform_1(%arg0: i32) -> (i32, i32) {
    %c0_i32 = arith.constant 0 : i32
    %c0_i32_0 = arith.constant 0 : i32
    return %arg0, %c0_i32 : i32, i32
  }
  func.func @transform_2(%arg0: i32) -> (i32, i32) {
    %c0_i32 = arith.constant 0 : i32
    %c0_i32_0 = arith.constant 0 : i32
    return %arg0, %c0_i32 : i32, i32
  }
  func.func @transform_3(%arg0: i32) -> (i32, i32) {
    %c0_i32 = arith.constant 0 : i32
    %c0_i32_0 = arith.constant 0 : i32
    return %arg0, %c0_i32 : i32, i32
  }
  func.func @transform_4(%arg0: i32) -> (i32, i32) {
    %c0_i32 = arith.constant 0 : i32
    %c0_i32_0 = arith.constant 0 : i32
    return %arg0, %c0_i32 : i32, i32
  }
  func.func @transform_5(%arg0: i32) -> (i32, i32) {
    %c0_i32 = arith.constant 0 : i32
    %c0_i32_0 = arith.constant 0 : i32
    %c0_i32_1 = arith.constant 0 : i32
    return %c0_i32, %c0_i32_0 : i32, i32
  }
  func.func @transform_6(%arg0: i32) -> (i32, i32) {
    %c0_i32 = arith.constant 0 : i32
    %c0_i32_0 = arith.constant 0 : i32
    return %arg0, %c0_i32 : i32, i32
  }
  func.func @transform_7(%arg0: i32) -> (i32, i32) {
    %c0_i32 = arith.constant 0 : i32
    %c0_i32_0 = arith.constant 0 : i32
    return %arg0, %c0_i32 : i32, i32
  }
  func.func @transform_8(%arg0: i32) -> (i32, i32) {
    %c0_i32 = arith.constant 0 : i32
    %c0_i32_0 = arith.constant 0 : i32
    %c0_i32_1 = arith.constant 0 : i32
    return %c0_i32, %c0_i32_0 : i32, i32
  }
  func.func @transform_9(%arg0: i32) -> (i32, i32) {
    %c0_i32 = arith.constant 0 : i32
    %c0_i32_0 = arith.constant 0 : i32
    %c0_i32_1 = arith.constant 0 : i32
    return %c0_i32, %c0_i32_0 : i32, i32
  }
  func.func @transform_10(%arg0: i32) -> (i32, i32) {
    %c0_i32 = arith.constant 0 : i32
    %c0_i32_0 = arith.constant 0 : i32
    %c0_i32_1 = arith.constant 0 : i32
    return %c0_i32, %c0_i32_0 : i32, i32
  }
  func.func @transform_11(%arg0: i32) -> (i32, i32) {
    %c0_i32 = arith.constant 0 : i32
    %c0_i32_0 = arith.constant 0 : i32
    return %arg0, %c0_i32 : i32, i32
  }
}

module attributes {stable_mosaic.version = 14 : i64} {
  func.func @body(%arg0: memref<1408x8xf32, #tpu.memory_space<vmem>>, %arg1: memref<1408x8xf32, #tpu.memory_space<vmem>>, %arg2: memref<1408x128xf32, #tpu.memory_space<vmem>>, %arg3: memref<1x128xf32, #tpu.memory_space<vmem>>, %arg4: memref<128x2xf32, #tpu.memory_space<vmem>>, %arg5: memref<1x2xf32, #tpu.memory_space<vmem>>, %arg6: memref<1x1xf32, #tpu.memory_space<vmem>>, %arg7: memref<4x2xf32, #tpu.memory_space<vmem>>) attributes {dimension_semantics = [], scalar_prefetch = 0 : i64, scratch_operands = 0 : i64, tpu.core_type = #tpu.core_type<tc>} {
    %get3A = arith.constant 0 : index
    %get3A_0 = arith.constant 0 : index
    %get3A_1 = vector.load %arg0[%get3A, %get3A_0] : memref<1408x8xf32, #tpu.memory_space<vmem>>, vector<1408x8xf32>
    %get3A_2 = arith.constant 0 : index
    %get3A_3 = arith.constant 0 : index
    %get3A_4 = vector.load %arg1[%get3A_2, %get3A_3] : memref<1408x8xf32, #tpu.memory_space<vmem>>, vector<1408x8xf32>
    %add3A = arith.addf %get3A_1, %get3A_4 : vector<1408x8xf32>
    %iota3A = tpu.iota {dimensions = array<i32: 1>} : vector<1408x8xi32>
    %eq3A = arith.constant 4 : i32
    %eq3A_5 = vector.broadcast %eq3A : i32 to vector<1408x8xi32>
    %eq3A_6 = arith.cmpi eq, %iota3A, %eq3A_5 : vector<1408x8xi32>
    %convert_element_type3A = arith.extui %eq3A_6 : vector<1408x8xi1> to vector<1408x8xi32>
    %convert_element_type3A_7 = arith.sitofp %convert_element_type3A : vector<1408x8xi32> to vector<1408x8xf32>
    %mul3A = arith.mulf %add3A, %convert_element_type3A_7 : vector<1408x8xf32>
    %reduce_sum3A = arith.constant dense<0.000000e+00> : vector<1408xf32>
    %reduce_sum3A_8 = vector.multi_reduction <add>, %mul3A, %reduce_sum3A [1] : vector<1408x8xf32> to vector<1408xf32>
    %broadcast_in_dim3A = vector.shape_cast %reduce_sum3A_8 : vector<1408xf32> to vector<1408x1xf32>
    %max3A = arith.constant 1.000000e+00 : f32
    %max3A_9 = vector.broadcast %max3A : f32 to vector<1408x1xf32>
    %max3A_10 = arith.maximumf %broadcast_in_dim3A, %max3A_9 : vector<1408x1xf32>
    %div3A = vector.broadcast %max3A_10 : vector<1408x1xf32> to vector<1408x8xf32>
    %div3A_11 = arith.divf %add3A, %div3A : vector<1408x8xf32>
    %get3A_12 = arith.constant 0 : index
    %get3A_13 = arith.constant 0 : index
    %get3A_14 = vector.load %arg6[%get3A_12, %get3A_13] : memref<1x1xf32, #tpu.memory_space<vmem>>, vector<1x1xf32>
    %get3A_15 = vector.extract %get3A_14[0, 0] : f32 from vector<1x1xf32>
    %add3A_16 = vector.broadcast %get3A_15 : f32 to vector<1408x8xf32>
    %add3A_17 = arith.addf %div3A_11, %add3A_16 : vector<1408x8xf32>
    %get3A_18 = arith.constant 0 : index
    %get3A_19 = arith.constant 0 : index
    %get3A_20 = vector.load %arg2[%get3A_18, %get3A_19] : memref<1408x128xf32, #tpu.memory_space<vmem>>, vector<1408x128xf32>
    %dot_general3A = arith.constant dense<0.000000e+00> : vector<8x128xf32>
    %dot_general3A_21 = tpu.matmul %add3A_17, %get3A_20, %dot_general3A {dimension_numbers = #tpu.dot_dimension_numbers<[0], [0], [1], [1], [0, 1, 1, 1], [], []>, transpose_lhs_hint = false} : vector<1408x8xf32>, vector<1408x128xf32>, vector<8x128xf32> -> vector<8x128xf32>
    %slice3A = vector.extract_strided_slice %dot_general3A_21 {offsets = [0, 0], sizes = [4, 128], strides = [1, 1]} : vector<8x128xf32> to vector<4x128xf32>
    %get3A_22 = arith.constant 0 : index
    %get3A_23 = arith.constant 0 : index
    %get3A_24 = vector.load %arg3[%get3A_22, %get3A_23] : memref<1x128xf32, #tpu.memory_space<vmem>>, vector<1x128xf32>
    %add3A_25 = vector.broadcast %get3A_24 : vector<1x128xf32> to vector<4x128xf32>
    %add3A_26 = arith.addf %slice3A, %add3A_25 : vector<4x128xf32>
    %max3A_27 = arith.constant 0.000000e+00 : f32
    %max3A_28 = vector.broadcast %max3A_27 : f32 to vector<4x128xf32>
    %max3A_29 = arith.maximumf %add3A_26, %max3A_28 : vector<4x128xf32>
    %get3A_30 = arith.constant 0 : index
    %get3A_31 = arith.constant 0 : index
    %get3A_32 = vector.load %arg4[%get3A_30, %get3A_31] : memref<128x2xf32, #tpu.memory_space<vmem>>, vector<128x2xf32>
    %dot_general3A_33 = arith.constant dense<0.000000e+00> : vector<4x2xf32>
    %dot_general3A_34 = tpu.matmul %max3A_29, %get3A_32, %dot_general3A_33 {dimension_numbers = #tpu.dot_dimension_numbers<[1], [0], [0], [1], [0, 0, 1, 1], [], []>, transpose_lhs_hint = false} : vector<4x128xf32>, vector<128x2xf32>, vector<4x2xf32> -> vector<4x2xf32>
    %get3A_35 = arith.constant 0 : index
    %get3A_36 = arith.constant 0 : index
    %get3A_37 = vector.load %arg5[%get3A_35, %get3A_36] : memref<1x2xf32, #tpu.memory_space<vmem>>, vector<1x2xf32>
    %add3A_38 = vector.broadcast %get3A_37 : vector<1x2xf32> to vector<4x2xf32>
    %add3A_39 = arith.addf %dot_general3A_34, %add3A_38 : vector<4x2xf32>
    %reduce_max3A = arith.constant dense<0xFF800000> : vector<4xf32>
    %reduce_max3A_40 = vector.multi_reduction <maximumf>, %add3A_39, %reduce_max3A [1] : vector<4x2xf32> to vector<4xf32>
    %broadcast_in_dim3A_41 = vector.shape_cast %reduce_max3A_40 : vector<4xf32> to vector<4x1xf32>
    %sub3A = vector.broadcast %broadcast_in_dim3A_41 : vector<4x1xf32> to vector<4x2xf32>
    %sub3A_42 = arith.subf %add3A_39, %sub3A : vector<4x2xf32>
    %exp3A = math.exp %sub3A_42 : vector<4x2xf32>
    %sub3A_43 = vector.broadcast %broadcast_in_dim3A_41 : vector<4x1xf32> to vector<4x2xf32>
    %sub3A_44 = arith.subf %add3A_39, %sub3A_43 : vector<4x2xf32>
    %reduce_sum3A_45 = arith.constant dense<0.000000e+00> : vector<4xf32>
    %reduce_sum3A_46 = vector.multi_reduction <add>, %exp3A, %reduce_sum3A_45 [1] : vector<4x2xf32> to vector<4xf32>
    %broadcast_in_dim3A_47 = vector.shape_cast %reduce_sum3A_46 : vector<4xf32> to vector<4x1xf32>
    %log3A = math.log %broadcast_in_dim3A_47 : vector<4x1xf32>
    %sub3A_48 = vector.broadcast %log3A : vector<4x1xf32> to vector<4x2xf32>
    %sub3A_49 = arith.subf %sub3A_44, %sub3A_48 : vector<4x2xf32>
    %swap3A = arith.constant 0 : index
    %swap3A_50 = arith.constant 0 : index
    %swap3A_51 = vector.load %arg7[%swap3A, %swap3A_50] : memref<4x2xf32, #tpu.memory_space<vmem>>, vector<4x2xf32>
    tpu.vector_store %arg7[%swap3A, %swap3A_50], %sub3A_49 {strides = array<i32>} : memref<4x2xf32, #tpu.memory_space<vmem>>, vector<4x2xf32>,
    return
  }
}

</mosaic_0001>

<sc_bundles>
// kernel: kernel.12.cloned.1.call-start
scs
__scs_entry_jumppad:
0x0: {  	(pc) =	sbr.rel $0x88, $3  }
0x1: {  	(tag) =	ssettag $0x0;
	lr =	simm.s32 $0x1  }
0x2: {  	[smem:$0x3F91] =	sst lr;
	_ =	strace $0xD0000000  }
0x3: {  	_ = 	snop  }
0x4: {  	_ = 	snop  }
0x5: {  	_ = 	snop  }
0x6: {  	_ = 	snop  }
0x7: {  	_ = 	snop  }
__scs_overlays_trampoline_lowered:
0x8: {  	[smem:$0x3FA0] =	sst s0  }
0x9: {  	[smem:$0x3FA1] =	sst s1  }
0xa: {  	[smem:$0x3FA2] =	sst s2  }
0xb: {  	[smem:$0x3FA3] =	sst s3  }
0xc: {  	[smem:$0x3FA4] =	sst s4  }
0xd: {  	[smem:$0x3FA5] =	sst s5  }
0xe: {  	[smem:$0x3FA6] =	sst s6  }
0xf: {  	[smem:$0x3FA7] =	sst s7  }
0x10: {  	[smem:$0x3FA8] =	sst s8  }
0x11: {  	[smem:$0x3FA9] =	sst s9;
	s0 =	simm.s32 @!p0 $0x0  }
0x12: {  	s1 =	sld [smem:$0x3F8F];
	s0 =	simm.s32 @p0 $0x1  }
0x13: {  	[smem:$0x3FAA] =	sst s0;
	s0 =	simm.s32 @!p1 $0x0  }
0x14: {  	s2 =	sld [smem:$0x3F8E];
	s0 =	simm.s32 @p1 $0x1  }
0x15: {  	[smem:$0x3FAB] =	sst s0;
	s0 =	simm.s32 @!p2 $0x0  }
0x16: {  	s3 =	sld [smem:$0x3FDB];
	s0 =	simm.s32 @p2 $0x1  }
0x17: {  	s4 =	simm.s32 $0x1BF5;
	[smem:$0x3FAD] =	sst s0  }
0x18: {  	s0 =	sld [smem:$0x3F90];
	_ =	swait.ge [sflag:s4], $0x0  }
0x19: {  	s7 =	sld [smem:$0x3F91]  }
0x1a: {  	s8 =	sadd.s32 $0xFFFFE003, lr  }
0x1b: {  	s9 =	sadd.s32 $0xFFFFFEF7, lr;
	s5 =	simm.s32 $0xFFFFFFFF;
	p2 =	slt.u32 s8, $0xFFFFF086  }
0x1c: {  	p1 =	slt.u32 s9, $0xF7A;
	s5 =	simm.s32 @!p2 $0x0  }
0x1d: {  	s5 =	simm.s32 @p1 $0x1;
	p0 =	seq.s32 s7, s2  }
0x1e: {  	s7 =	smul.u32 @!p0 $0xF7A, s2;
	p2 =	seq.s32 @!p0 s5, $0x0  }
0x1f: {  	s9 =	smul.u32 $0xF7A, s1;
	s8 =	simm.s32 @!p0 $0x1BF5;
	p2 =	por !p2, p0  }
0x20: {  	[sflag:s8] =	ssyncset.s32 @!p0 $0xFFFFF086;
	s6 =	sadd.s32 @!p0 s3, s7;
	s7 =	simm.s32 @!p0 $0x108  }
0x21: {  	s3 =	sadd.s32 s3, s9;
	s6 =	sadd.s32 @!p0 $0x88, s6;
	s7 =	simm.s32 @p2 $0x1082  }
0x22: {  	[simem:s7], [sflag:s8] =	dma.local @!p0 [hbm:s6], $0xF7A  }
0x23: {  	s9 =	sor.u32 $0xD0000000, s2;
	s6 =	simm.s32 $0x108;
	_ =	swait.ge @!p0 [sflag:s8], $0x0  }
0x24: {  	s3 =	sadd.s32 $0x88, s3;
	s6 =	simm.s32 @!p1 $0x1082;
	[sflag:s4] =	ssyncset.s32 $0xFFFFF086  }
0x25: {  	[simem:s6], [sflag:s4] =	dma.local [hbm:s3], $0xF7A  }
0x26: {  	[smem:$0x3F91] =	sst s1;
	(tag) =	ssettag s2;
	_ =	strace s9  }
0x27: {  	s1 =	sld [smem:$0x3FA1]  }
0x28: {  	s2 =	sld [smem:$0x3FA2]  }
0x29: {  	s4 =	sld [smem:$0x3FA4]  }
0x2a: {  	p0 =	seq.s32 s5, $0x0;
	s5 =	sld [smem:$0x3FA5]  }
0x2b: {  	s6 =	sld [smem:$0x3FA6]  }
0x2c: {  	s7 =	sld [smem:$0x3FA7]  }
0x2d: {  	s3 =	simm.s32 $0x108;
	s8 =	sld [smem:$0x3FA8]  }
0x2e: {  	s3 =	simm.s32 @!p0 $0x1082;
	s9 =	sld [smem:$0x3FA9]  }
0x2f: {  	lr =	sadd.s32 s0, s3;
	s0 =	sld [smem:$0x3FA0]  }
0x30: {  	s3 =	sld [smem:$0x3FA3]  }
0x31: {  	[smem:$0x3FAC] =	sst s10  }
0x32: {  	s10 =	sld [smem:$0x3FAA];
	_ =	sdelay $0x3  }
0x33: {  	p0 =	seq.s32 s10, $0x1;
	s10 =	sld [smem:$0x3FAC];
	_ =	sdelay $0x3  }
0x34: {  	[smem:$0x3FAC] =	sst s10  }
0x35: {  	s10 =	sld [smem:$0x3FAB];
	_ =	sdelay $0x3  }
0x36: {  	p1 =	seq.s32 s10, $0x1;
	s10 =	sld [smem:$0x3FAC];
	_ =	sdelay $0x3  }
0x37: {  	[smem:$0x3FAC] =	sst s10  }
0x38: {  	s10 =	sld [smem:$0x3FAD]  }
0x39: {  	_ = 	snop;
	(pc) =	sbr.ind lr, $3  }
0x3a: {  	_ = 	snop  }
0x3b: {  	_ = 	snop  }
0x3c: {  	p2 =	seq.s32 s10, $0x1;
	s10 =	sld [smem:$0x3FAC]  }
0x3d: {  	_ =	shalt  }
0x3e: {  	_ =	shalt  }
0x3f: {  	_ =	shalt  }
0x40: {  	_ =	shalt  }
0x41: {  	_ =	shalt  }
0x42: {  	_ =	shalt  }
0x43: {  	_ =	shalt  }
0x44: {  	_ =	shalt  }
0x45: {  	_ =	shalt  }
0x46: {  	_ =	shalt  }
0x47: {  	_ =	shalt  }
0x48: {  	_ =	shalt  }
0x49: {  	_ =	shalt  }
0x4a: {  	_ =	shalt  }
0x4b: {  	_ =	shalt  }
0x4c: {  	_ =	shalt  }
0x4d: {  	_ =	shalt  }
0x4e: {  	_ =	shalt  }
0x4f: {  	_ =	shalt  }
0x50: {  	_ =	shalt  }
0x51: {  	_ =	shalt  }
0x52: {  	_ =	shalt  }
0x53: {  	_ =	shalt  }
0x54: {  	_ =	shalt  }
0x55: {  	_ =	shalt  }
0x56: {  	_ =	shalt  }
0x57: {  	_ =	shalt  }
0x58: {  	_ =	shalt  }
0x59: {  	_ =	shalt  }
0x5a: {  	_ =	shalt  }
0x5b: {  	_ =	shalt  }
0x5c: {  	_ =	shalt  }
0x5d: {  	_ =	shalt  }
0x5e: {  	_ =	shalt  }
0x5f: {  	_ =	shalt  }
0x60: {  	_ =	shalt  }
0x61: {  	_ =	shalt  }
0x62: {  	_ =	shalt  }
0x63: {  	_ =	shalt  }
0x64: {  	_ =	shalt  }
0x65: {  	_ =	shalt  }
0x66: {  	_ =	shalt  }
0x67: {  	_ =	shalt  }
0x68: {  	_ =	shalt  }
0x69: {  	_ =	shalt  }
0x6a: {  	_ =	shalt  }
0x6b: {  	_ =	shalt  }
0x6c: {  	_ =	shalt  }
0x6d: {  	_ =	shalt  }
0x6e: {  	_ =	shalt  }
0x6f: {  	_ =	shalt  }
0x70: {  	_ =	shalt  }
0x71: {  	_ =	shalt  }
0x72: {  	_ =	shalt  }
0x73: {  	_ =	shalt  }
0x74: {  	_ =	shalt  }
0x75: {  	_ =	shalt  }
0x76: {  	_ =	shalt  }
0x77: {  	_ =	shalt  }
0x78: {  	_ =	shalt  }
0x79: {  	_ =	shalt  }
0x7a: {  	_ =	shalt  }
0x7b: {  	_ =	shalt  }
0x7c: {  	_ =	shalt  }
0x7d: {  	_ =	shalt  }
0x7e: {  	_ =	shalt  }
0x7f: {  	_ =	shalt  }
0x80: {  	_ =	shalt  }
0x81: {  	_ =	shalt  }
0x82: {  	_ =	shalt  }
0x83: {  	_ =	shalt  }
0x84: {  	_ =	shalt  }
0x85: {  	_ =	shalt  }
0x86: {  	_ =	shalt  }
0x87: {  	_ =	shalt  }
.Lfunc_end0:
.L_simem_size_0:
called_computation_lowered:
.L_overlay_start_0:
0x88: {  	s2 =	sld [smem:$0x3FD9]  }
0x89: {  	s3 =	sld [smem:$0x3FFE];
	_ =	sdelay $0x1  }
0x8a: {  	s1 =	srdreg.scid  }
0x8b: {  	s0 =	sand.u32 $0x1, s1  }
0x8c: {  	s17 =	sshll.u32 s0, $0xA;
	s2 =	sadd.s32 s3, s2  }
0x8d: {  	s2 =	sadd.s32 s2, s17  }
0x8e: {  	[smem:$0x3FB8] =	sst s2  }
0x8f: {  	_ = 	snop  }
0x90: {  	s2 =	sld [smem:$0x3FD0];
	(tm) =	ssettm $0x1  }
0x91: {  	s18 =	sld [smem:$0x3FFB];
	_ =	sdelay $0x3  }
0x92: {  	_ =	strace s18  }
0x93: {  	s3 =	sld [smem:$0x3FFC];
	_ =	sdelay $0x3  }
0x94: {  	_ =	strace s3  }
0x95: {  	s3 =	sld [smem:$0x3FFD];
	_ =	sdelay $0x3  }
0x96: {  	_ =	strace s3  }
0x97: {  	_ =	strace $0x8FFFFFFF  }
0x98: {  	s19 =	sld [smem:$0x3FDB];
	_ =	sdelay $0x1  }
0x99: {  	s4 =	simm.s32 $_scs_section_size  }
0x9a: {  	s5 =	simm.s32 $_size__tile_overlayer_lowered;
	s6 =	simm.s32 $_tile_overlayer_lowered  }
0x9b: {  	s22 =	simm.s32 $0x1BFF;
	s21 =	sshll.u32 s6, $0x1;
	s3 =	sadd.s32 s4, s19  }
0x9c: {  	s7 =	simm.s32 $0x0;
	s20 =	sshll.u32 s5, $0x1;
	s5 =	sadd.s32 s21, s3  }
0x9d: {  	[timem:s7], [sflag:s22] =	dma.local [hbm:s5], s20  }
0x9e: {  	_ =	swait.ge [sflag:s22], s20  }
0x9f: {  	s4 =	ssub.s32 $0x0, s20;
	[sflag:s22] =	ssyncset.done $0x0  }
0xa0: {  	[sflag:s22] =	ssyncadd.s32 s4;
	_ =	sdelay $0x1  }
0xa1: {  	s23 =	simm.s32 $0x1B8B  }
0xa2: {  	_ =	swait.ge [sflag:s23], $0x1  }
0xa3: {  	[sflag:s23] =	ssyncset.done $0x0  }
0xa4: {  	s25 =	simm.s32 $0x1B8E;
	s24 =	sld [smem:$0x3FFE];
	[sflag:s23] =	ssyncadd.s32 $0xFFFFFFFF  }
0xa5: {  	s26 =	simm.s32 $execute0_lowered;
	[smem:$0x3FD2] =	sst s25  }
0xa6: {  	s5 =	sshll.u32 s26, $0x1;
	_ =	strace $0x80000046;
	[dreg:$0x1] =	wrdreg $0xFFFFFFFF  }
0xa7: {  	s28 =	simm.s32 $_size_execute0_lowered;
	s3 =	sadd.s32 s3, s5;
	[dreg:$0x0] =	wrdreg $0x0  }
0xa8: {  	s5 =	sshll.u32 s28, $0x1;
	[dreg:$0x2] =	wrdreg s3  }
0xa9: {  	[dreg:$0x3] =	wrdreg s5  }
0xaa: {  	[dreg:$0x4] =	wrdreg $0xC0  }
0xab: {  	_ =	task [dreg:s7], $0x5FFFF  }
0xac: {  	[dreg:$0x1] =	wrdreg $0xFFFFFFFF  }
0xad: {  	[dreg:$0x0] =	wrdreg $0x60  }
0xae: {  	[dreg:$0x2] =	wrdreg s24  }
0xaf: {  	[dreg:$0x3] =	wrdreg s2  }
0xb0: {  	[dreg:$0x4] =	wrdreg $0x4C00  }
0xb1: {  	[dreg:$0x5] =	wrdreg $0x9  }
0xb2: {  	_ =	task.clear_ibuf [dreg:s7], $0x6FFFF;
	_ =	strace $0x90000046  }
0xb3: {  	s29 =	simm.s32 $0x9;
	_ =	strace $0x80000048  }
0xb4: {  	_ =	swait.ge [sflag:s29], $0x1  }
0xb5: {  	[sflag:s29] =	ssyncadd.s32 $0xFFFFFFFF  }
0xb6: {  	_ =	strace $0x90000048  }
0xb7: {  	_ =	sfence  }
0xb8: {  	s30 =	sld [smem:$0x0];
	_ =	sdelay $0x2  }
0xb9: {  	s31 =	sshll.u32 s1, $0xD;
	s1 =	sshrl.u32 s1, $0x2  }
0xba: {  	s3 =	sand.u32 $0x4000, s31;
	s1 =	sadd.s32 s1, s30  }
0xbb: {  	s0 =	sor.u32 s3, s0;
	s1 =	sshll.u32 s1, $0x11  }
0xbc: {  	s0 =	sor.u32 s1, s0  }
0xbd: {  	s0 =	sadd.s32 $0x8F2B, s0  }
0xbe: {  	[sflag:s0] =	ssyncadd.remote.s32 $0x1  }
0xbf: {  	_ =	sfence.sel $0xFFFF  }
0xc0: {  	[dreg:$0x0] =	wrdreg $0xFFFFFFFF;
	(pc) =	sbr.abs _section_cstart, $3  }
0xc1: {  	[dreg:$0x1] =	wrdreg $0xFFFFFFFF  }
0xc2: {  	_ =	task.clear_ibuf [dreg:s7], $0x2FFFF;
	_ =	strace $0x9FFFFFFF  }
0xc3: {  	(tm) =	ssettm $0x7FFFFFFF  }
tec
execute0_lowered:
.L_overlay_start_1:
0x0: {  	(tag) =	ssettag $0x1  }
0x1: {  	s6 =	rddreg [dreg:$0x0]  }
0x2: {  	s2 =	rddreg [dreg:$0x1]  }
0x3: {  	s0 =	srdreg.scid;
	s3 =	rddreg [dreg:$0x2]  }
0x4: {  	s1 =	rddreg [dreg:$0x3];
	s5 =	sand.u32 $0x1, s0  }
0x5: {  	s0 =	stileid.u32;
	s7 =	smul.u32 $0x1E000, s5  }
0x6: {  	s4 =	simm.s32 $0x0;
	s11 =	simm.s32 $0x1;
	s8 =	smul.u32 $0x1E00, s0  }
0x7: {  	s12 =	simm.s32 $0x80;
	[smem:$0x7FF] =	sst s4;
	s9 =	smul.u32 $0x3C0, s0  }
0x8: {  	s15 =	simm.s32 $0x0;
	s10 =	smul.u32 $0x3C00, s5;
	_ =	strace $0x80000047  }
0x9: {  	s30 =	ssub.s32 $0x2, s5;
	s5 =	sadd.s32 $0xC800, s6;
	s13 =	sshll.u32 s0, $0x6  }
0xa: {  	s31 =	sshrl.u32 s30, $0x1;
	s13 =	sor.u32 $0x1C01, s13;
	s7 =	sadd.s32 s8, s7  }
0xb: {  	s26 =	sadd.s32 s9, s10;
	s8 =	ssub.s32 s30, s31;
	s10 =	simm.s32 $0x100  }
0xc: {  	s7 =	sshrl.u32 s7, $0x3;
	s29 =	sshrl.u32 s26, $0x3;
	s8 =	smax.u32 s8, $0x1  }
0xd: {  	s28 =	sadd.s32 s7, s6;
	s7 =	sadd.s32 s29, s6;
	s6 =	sadd.s32 s9, s3  }
0xe: {  	s7 =	sadd.s32 $0xCA00, s7;
	s9 =	sadd.s32 $0x5000, s28;
	s14 =	sshrl.u32 s6, $0x3  }
.LBB2_1:
0xf: {  	[tilespmem:s10], [sflag:$0x1] =	stream.linear.gather [hbm4b:s5+s4], $0x3C0, $0x38;
	[tilespmem:$0x880] =	vst v63  }
0x10: {  	_ =	swait.ge [sflag:s11], $0x3C0  }
0x11: {  	[sflag:s11] =	ssyncset.done $0x0  }
0x12: {  	[sflag:s11] =	ssyncadd.s32 $0xFFFFFC40  }
0x13: {  	[tilespmem:s12], [sflag:$0x1] =	stream.linear.gather [hbm4b:s2+s4], $0x80, $0x38;
	[tilespmem:$0x880] =	vst v63  }
0x14: {  	_ =	swait.ge [sflag:s11], $0x80  }
0x15: {  	[sflag:s11] =	ssyncset.done $0x0  }
0x16: {  	[sflag:s11] =	ssyncadd.s32 $0xFFFFFF80  }
0x17: {  	[spmem:s6] =	stream.linear.scatter [tilespmem:s10], [sflag:$0x1], $0x3C0, $0x38;
	[tilespmem:$0x880] =	vst v63  }
0x18: {  	_ =	swait.ge [sflag:s11], $0x3C0  }
0x19: {  	[sflag:s11] =	ssyncset.done $0x0  }
0x1a: {  	[sflag:s11] =	ssyncadd.s32 $0xFFFFFC40  }
0x1b: {  	s16 =	sadd.s32 $0x0, s9;
	[bflag:$0x0] =	sbarrier.arrive $0xFFFF  }
0x1c: {  	[tilespmem:s4], [sflag:$0x1] =	stream.linear.gather [hbm4b:s16+s4], $0x80, $0x38;
	[tilespmem:$0x880] =	vst v63  }
0x1d: {  	_ =	swait.ge [sflag:s11], $0x80  }
0x1e: {  	[sflag:s11] =	ssyncset.done $0x0  }
0x1f: {  	[sflag:s11] =	ssyncadd.s32 $0xFFFFFF80  }
0x20: {  	[spmem:s3] =	stream.indirect.scatter.add.f32 [tilespmem:s12], [sflag:$0x1], $0x1, s4, s12, $0xb8;
	[tilespmem:$0x880] =	vst v63  }
0x21: {  	_ =	swait.ge [sflag:s11], $0x80  }
0x22: {  	s17 =	simm.s32 $0x20;
	s16 =	simm.s32 $0x10;
	[sflag:s11] =	ssyncset.done $0x0  }
.LBB2_2:
0x23: {  	s18 =	sadd.s32 s16, s9  }
0x24: {  	[sflag:s11] =	ssyncadd.s32 $0xFFFFFF80;
	s16 =	smov.u32 s17;
	s19 =	sadd.s32 $0x10, s17  }
0x25: {  	[tilespmem:s4], [sflag:$0x1] =	stream.linear.gather [hbm4b:s18+s4], $0x80, $0x38;
	[tilespmem:$0x880] =	vst v63  }
0x26: {  	p0 =	sne.s32 s17, $0x3B0;
	_ =	swait.ge [sflag:s11], $0x80  }
.Ltmp0:
0x27: {  	[sflag:s11] =	ssyncset.done $0x0;
	(pc) =	sbr.rel @p0 .LBB2_2-.Ltmp0, $4  }
0x28: {  	[sflag:s11] =	ssyncadd.s32 $0xFFFFFF80  }
0x29: {  	[spmem:s3] =	stream.indirect.scatter.add.f32 [tilespmem:s12], [sflag:$0x1], $0x1, s4, s12, $0xb8;
	[tilespmem:$0x880] =	vst v63  }
0x2a: {  	_ =	swait.ge [sflag:s11], $0x80  }
0x2b: {  	s17 =	smov.u32 s19;
	[sflag:s11] =	ssyncset.done $0x0  }
0x2c: {  	s16 =	sadd.s32 s16, s9;
	[sflag:s11] =	ssyncadd.s32 $0xFFFFFF80  }
0x2d: {  	[tilespmem:s4], [sflag:$0x1] =	stream.linear.gather [hbm4b:s16+s4], $0x80, $0x38;
	[tilespmem:$0x880] =	vst v63  }
0x2e: {  	_ =	swait.ge [sflag:s11], $0x80  }
0x2f: {  	[sflag:s11] =	ssyncset.done $0x0  }
0x30: {  	[sflag:s11] =	ssyncadd.s32 $0xFFFFFF80  }
0x31: {  	[spmem:s3] =	stream.indirect.scatter.add.f32 [tilespmem:s12], [sflag:$0x1], $0x1, s4, s12, $0xb8;
	[tilespmem:$0x880] =	vst v63  }
0x32: {  	_ =	swait.ge [sflag:s11], $0x80  }
0x33: {  	s15 =	sadd.s32 $0x1, s15;
	[sflag:s11] =	ssyncset.done $0x0  }
0x34: {  	p0 =	sne.s32 s15, s8;
	[sflag:s11] =	ssyncadd.s32 $0xFFFFFF80  }
.Ltmp1:
0x35: {  	[bflag:$0x0] =	sbarrier.arrive $0xFFFF;
	(pc) =	sbr.rel @p0 .LBB2_1-.Ltmp1, $4  }
0x36: {  	[hbm:s7], [sflag:s13] =	dma.local [spmem:s14], $0x78  }
0x37: {  	_ =	swait.ge [sflag:s11], $0x78  }
0x38: {  	[sflag:s11] =	ssyncset.done $0x0  }
0x39: {  	[sflag:s11] =	ssyncadd.s32 $0xFFFFFF88  }
0x3a: {  	_ =	sfence.sel $0x180000  }
0x3b: {  	[bflag:$0x0] =	sbarrier.arrive $0xFFFF  }
0x3c: {  	p0 =	sne.s32 s0, $0x0;
	_ =	strace $0x90000047  }
0x3d: {  	s0 =	sadd.s32 @!p0 $0x100000, s1;
	[bflag:$0x2] =	sbarrier.arrive $0xFFFF  }
0x3e: {  	[sflag:s0] =	ssyncadd.tile.s32 @!p0 $0x1;
	_ =	shalt  }
.Lfunc_end2:
_tile_overlayer_lowered:
.L_overlay_start_2:
0x3f: {  	(tag) =	ssettag $0x2  }
0x40: {  	s0 =	rddreg [dreg:$0x0];
	s2 =	stileid.u32  }
0x41: {  	s1 =	rddreg [dreg:$0x1];
	p0 =	sne.s32 s2, $0x0  }
0x42: {  	s3 =	rddreg [dreg:$0x2];
	[bflag:$0x3] =	sbarrier.arrive $0xFFFF;
	s2 =	simm.s32 @!p0 $0x1C01  }
0x43: {  	[timem:s3], [sflag:s2] =	dma.local @!p0 [hbm:s0], s1  }
0x44: {  	s0 =	simm.s32 @!p0 $0x1  }
0x45: {  	_ =	swait.ge @!p0 [sflag:s0], s1  }
0x46: {  	s1 =	ssub.s32 @!p0 $0x0, s1;
	[sflag:s0] =	ssyncset.done @!p0 $0x0  }
0x47: {  	[sflag:s0] =	ssyncadd.s32 @!p0 s1  }
0x48: {  	[bflag:$0x3] =	sbarrier.arrive $0xFFFF  }
0x49: {  	_ =	shalt  }

// kernel: kernel.15.cloned.1.call-start
scs
__scs_entry_jumppad:
0x0: {  	(pc) =	sbr.rel $0x88, $3  }
0x1: {  	(tag) =	ssettag $0x0;
	lr =	simm.s32 $0x1  }
0x2: {  	[smem:$0x3F91] =	sst lr;
	_ =	strace $0xD0000000  }
0x3: {  	_ = 	snop  }
0x4: {  	_ = 	snop  }
0x5: {  	_ = 	snop  }
0x6: {  	_ = 	snop  }
0x7: {  	_ = 	snop  }
__scs_overlays_trampoline_lowered:
0x8: {  	[smem:$0x3FA0] =	sst s0  }
0x9: {  	[smem:$0x3FA1] =	sst s1  }
0xa: {  	[smem:$0x3FA2] =	sst s2  }
0xb: {  	[smem:$0x3FA3] =	sst s3  }
0xc: {  	[smem:$0x3FA4] =	sst s4  }
0xd: {  	[smem:$0x3FA5] =	sst s5  }
0xe: {  	[smem:$0x3FA6] =	sst s6  }
0xf: {  	[smem:$0x3FA7] =	sst s7  }
0x10: {  	[smem:$0x3FA8] =	sst s8  }
0x11: {  	[smem:$0x3FA9] =	sst s9;
	s0 =	simm.s32 @!p0 $0x0  }
0x12: {  	s1 =	sld [smem:$0x3F8F];
	s0 =	simm.s32 @p0 $0x1  }
0x13: {  	[smem:$0x3FAA] =	sst s0;
	s0 =	simm.s32 @!p1 $0x0  }
0x14: {  	s2 =	sld [smem:$0x3F8E];
	s0 =	simm.s32 @p1 $0x1  }
0x15: {  	[smem:$0x3FAB] =	sst s0;
	s0 =	simm.s32 @!p2 $0x0  }
0x16: {  	s3 =	sld [smem:$0x3FDB];
	s0 =	simm.s32 @p2 $0x1  }
0x17: {  	s4 =	simm.s32 $0x1BF5;
	[smem:$0x3FAD] =	sst s0  }
0x18: {  	s0 =	sld [smem:$0x3F90];
	_ =	swait.ge [sflag:s4], $0x0  }
0x19: {  	s7 =	sld [smem:$0x3F91]  }
0x1a: {  	s8 =	sadd.s32 $0xFFFFE003, lr  }
0x1b: {  	s9 =	sadd.s32 $0xFFFFFEF7, lr;
	s5 =	simm.s32 $0xFFFFFFFF;
	p2 =	slt.u32 s8, $0xFFFFF086  }
0x1c: {  	p1 =	slt.u32 s9, $0xF7A;
	s5 =	simm.s32 @!p2 $0x0  }
0x1d: {  	s5 =	simm.s32 @p1 $0x1;
	p0 =	seq.s32 s7, s2  }
0x1e: {  	s7 =	smul.u32 @!p0 $0xF7A, s2;
	p2 =	seq.s32 @!p0 s5, $0x0  }
0x1f: {  	s9 =	smul.u32 $0xF7A, s1;
	s8 =	simm.s32 @!p0 $0x1BF5;
	p2 =	por !p2, p0  }
0x20: {  	[sflag:s8] =	ssyncset.s32 @!p0 $0xFFFFF086;
	s6 =	sadd.s32 @!p0 s3, s7;
	s7 =	simm.s32 @!p0 $0x108  }
0x21: {  	s3 =	sadd.s32 s3, s9;
	s6 =	sadd.s32 @!p0 $0x88, s6;
	s7 =	simm.s32 @p2 $0x1082  }
0x22: {  	[simem:s7], [sflag:s8] =	dma.local @!p0 [hbm:s6], $0xF7A  }
0x23: {  	s9 =	sor.u32 $0xD0000000, s2;
	s6 =	simm.s32 $0x108;
	_ =	swait.ge @!p0 [sflag:s8], $0x0  }
0x24: {  	s3 =	sadd.s32 $0x88, s3;
	s6 =	simm.s32 @!p1 $0x1082;
	[sflag:s4] =	ssyncset.s32 $0xFFFFF086  }
0x25: {  	[simem:s6], [sflag:s4] =	dma.local [hbm:s3], $0xF7A  }
0x26: {  	[smem:$0x3F91] =	sst s1;
	(tag) =	ssettag s2;
	_ =	strace s9  }
0x27: {  	s1 =	sld [smem:$0x3FA1]  }
0x28: {  	s2 =	sld [smem:$0x3FA2]  }
0x29: {  	s4 =	sld [smem:$0x3FA4]  }
0x2a: {  	p0 =	seq.s32 s5, $0x0;
	s5 =	sld [smem:$0x3FA5]  }
0x2b: {  	s6 =	sld [smem:$0x3FA6]  }
0x2c: {  	s7 =	sld [smem:$0x3FA7]  }
0x2d: {  	s3 =	simm.s32 $0x108;
	s8 =	sld [smem:$0x3FA8]  }
0x2e: {  	s3 =	simm.s32 @!p0 $0x1082;
	s9 =	sld [smem:$0x3FA9]  }
0x2f: {  	lr =	sadd.s32 s0, s3;
	s0 =	sld [smem:$0x3FA0]  }
0x30: {  	s3 =	sld [smem:$0x3FA3]  }
0x31: {  	[smem:$0x3FAC] =	sst s10  }
0x32: {  	s10 =	sld [smem:$0x3FAA];
	_ =	sdelay $0x3  }
0x33: {  	p0 =	seq.s32 s10, $0x1;
	s10 =	sld [smem:$0x3FAC];
	_ =	sdelay $0x3  }
0x34: {  	[smem:$0x3FAC] =	sst s10  }
0x35: {  	s10 =	sld [smem:$0x3FAB];
	_ =	sdelay $0x3  }
0x36: {  	p1 =	seq.s32 s10, $0x1;
	s10 =	sld [smem:$0x3FAC];
	_ =	sdelay $0x3  }
0x37: {  	[smem:$0x3FAC] =	sst s10  }
0x38: {  	s10 =	sld [smem:$0x3FAD]  }
0x39: {  	_ = 	snop;
	(pc) =	sbr.ind lr, $3  }
0x3a: {  	_ = 	snop  }
0x3b: {  	_ = 	snop  }
0x3c: {  	p2 =	seq.s32 s10, $0x1;
	s10 =	sld [smem:$0x3FAC]  }
0x3d: {  	_ =	shalt  }
0x3e: {  	_ =	shalt  }
0x3f: {  	_ =	shalt  }
0x40: {  	_ =	shalt  }
0x41: {  	_ =	shalt  }
0x42: {  	_ =	shalt  }
0x43: {  	_ =	shalt  }
0x44: {  	_ =	shalt  }
0x45: {  	_ =	shalt  }
0x46: {  	_ =	shalt  }
0x47: {  	_ =	shalt  }
0x48: {  	_ =	shalt  }
0x49: {  	_ =	shalt  }
0x4a: {  	_ =	shalt  }
0x4b: {  	_ =	shalt  }
0x4c: {  	_ =	shalt  }
0x4d: {  	_ =	shalt  }
0x4e: {  	_ =	shalt  }
0x4f: {  	_ =	shalt  }
0x50: {  	_ =	shalt  }
0x51: {  	_ =	shalt  }
0x52: {  	_ =	shalt  }
0x53: {  	_ =	shalt  }
0x54: {  	_ =	shalt  }
0x55: {  	_ =	shalt  }
0x56: {  	_ =	shalt  }
0x57: {  	_ =	shalt  }
0x58: {  	_ =	shalt  }
0x59: {  	_ =	shalt  }
0x5a: {  	_ =	shalt  }
0x5b: {  	_ =	shalt  }
0x5c: {  	_ =	shalt  }
0x5d: {  	_ =	shalt  }
0x5e: {  	_ =	shalt  }
0x5f: {  	_ =	shalt  }
0x60: {  	_ =	shalt  }
0x61: {  	_ =	shalt  }
0x62: {  	_ =	shalt  }
0x63: {  	_ =	shalt  }
0x64: {  	_ =	shalt  }
0x65: {  	_ =	shalt  }
0x66: {  	_ =	shalt  }
0x67: {  	_ =	shalt  }
0x68: {  	_ =	shalt  }
0x69: {  	_ =	shalt  }
0x6a: {  	_ =	shalt  }
0x6b: {  	_ =	shalt  }
0x6c: {  	_ =	shalt  }
0x6d: {  	_ =	shalt  }
0x6e: {  	_ =	shalt  }
0x6f: {  	_ =	shalt  }
0x70: {  	_ =	shalt  }
0x71: {  	_ =	shalt  }
0x72: {  	_ =	shalt  }
0x73: {  	_ =	shalt  }
0x74: {  	_ =	shalt  }
0x75: {  	_ =	shalt  }
0x76: {  	_ =	shalt  }
0x77: {  	_ =	shalt  }
0x78: {  	_ =	shalt  }
0x79: {  	_ =	shalt  }
0x7a: {  	_ =	shalt  }
0x7b: {  	_ =	shalt  }
0x7c: {  	_ =	shalt  }
0x7d: {  	_ =	shalt  }
0x7e: {  	_ =	shalt  }
0x7f: {  	_ =	shalt  }
0x80: {  	_ =	shalt  }
0x81: {  	_ =	shalt  }
0x82: {  	_ =	shalt  }
0x83: {  	_ =	shalt  }
0x84: {  	_ =	shalt  }
0x85: {  	_ =	shalt  }
0x86: {  	_ =	shalt  }
0x87: {  	_ =	shalt  }
.Lfunc_end0:
.L_simem_size_0:
called_computation.1_lowered:
.L_overlay_start_0:
0x88: {  	s2 =	sld [smem:$0x3FD9]  }
0x89: {  	s3 =	sld [smem:$0x3FFE];
	_ =	sdelay $0x1  }
0x8a: {  	s1 =	srdreg.scid  }
0x8b: {  	s0 =	sand.u32 $0x1, s1  }
0x8c: {  	s16 =	sshll.u32 s0, $0xA;
	s2 =	sadd.s32 s3, s2  }
0x8d: {  	s2 =	sadd.s32 s2, s16  }
0x8e: {  	[smem:$0x3FB8] =	sst s2  }
0x8f: {  	_ = 	snop  }
0x90: {  	(tm) =	ssettm $0x1  }
0x91: {  	s17 =	sld [smem:$0x3FFB];
	_ =	sdelay $0x3  }
0x92: {  	_ =	strace s17  }
0x93: {  	s2 =	sld [smem:$0x3FFC];
	_ =	sdelay $0x3  }
0x94: {  	_ =	strace s2  }
0x95: {  	s2 =	sld [smem:$0x3FFD];
	_ =	sdelay $0x3  }
0x96: {  	_ =	strace s2  }
0x97: {  	_ =	strace $0x8FFFFFFF  }
0x98: {  	s18 =	sld [smem:$0x3FDB];
	_ =	sdelay $0x1  }
0x99: {  	s19 =	simm.s32 $_scs_section_size  }
0x9a: {  	s4 =	simm.s32 $_size__tile_overlayer_lowered;
	s5 =	simm.s32 $_tile_overlayer_lowered  }
0x9b: {  	s22 =	simm.s32 $0x1BFF;
	s21 =	sshll.u32 s5, $0x1;
	s2 =	sadd.s32 s19, s18  }
0x9c: {  	s6 =	simm.s32 $0x0;
	s20 =	sshll.u32 s4, $0x1;
	s4 =	sadd.s32 s21, s2  }
0x9d: {  	[timem:s6], [sflag:s22] =	dma.local [hbm:s4], s20  }
0x9e: {  	_ =	swait.ge [sflag:s22], s20  }
0x9f: {  	s3 =	ssub.s32 $0x0, s20;
	[sflag:s22] =	ssyncset.done $0x0  }
0xa0: {  	[sflag:s22] =	ssyncadd.s32 s3;
	_ =	sdelay $0x1  }
0xa1: {  	s23 =	simm.s32 $0x1B8B  }
0xa2: {  	_ =	swait.ge [sflag:s23], $0x1  }
0xa3: {  	[sflag:s23] =	ssyncset.done $0x0  }
0xa4: {  	s25 =	simm.s32 $0x1B8E;
	s24 =	sld [smem:$0x3FFE];
	[sflag:s23] =	ssyncadd.s32 $0xFFFFFFFF  }
0xa5: {  	s26 =	simm.s32 $execute0_lowered;
	[smem:$0x3FD2] =	sst s25  }
0xa6: {  	s4 =	sshll.u32 s26, $0x1;
	_ =	strace $0x80000049;
	[dreg:$0x1] =	wrdreg $0xFFFFFFFF  }
0xa7: {  	s28 =	simm.s32 $_size_execute0_lowered;
	s2 =	sadd.s32 s2, s4;
	[dreg:$0x0] =	wrdreg $0x0  }
0xa8: {  	s4 =	sshll.u32 s28, $0x1;
	[dreg:$0x2] =	wrdreg s2  }
0xa9: {  	[dreg:$0x3] =	wrdreg s4  }
0xaa: {  	[dreg:$0x4] =	wrdreg $0xC0  }
0xab: {  	_ =	task [dreg:s6], $0x5FFFF  }
0xac: {  	[dreg:$0x1] =	wrdreg $0xFFFFFFFF  }
0xad: {  	[dreg:$0x0] =	wrdreg $0x60  }
0xae: {  	[dreg:$0x2] =	wrdreg s24  }
0xaf: {  	[dreg:$0x3] =	wrdreg $0x4A000  }
0xb0: {  	[dreg:$0x4] =	wrdreg $0x9  }
0xb1: {  	_ =	task.clear_ibuf [dreg:s6], $0x5FFFF;
	_ =	strace $0x90000049  }
0xb2: {  	s29 =	simm.s32 $0x9;
	_ =	strace $0x8000004B  }
0xb3: {  	_ =	swait.ge [sflag:s29], $0x1  }
0xb4: {  	[sflag:s29] =	ssyncadd.s32 $0xFFFFFFFF  }
0xb5: {  	_ =	strace $0x9000004B  }
0xb6: {  	_ =	sfence  }
0xb7: {  	s30 =	sld [smem:$0x0];
	_ =	sdelay $0x2  }
0xb8: {  	s31 =	sshll.u32 s1, $0xD;
	s1 =	sshrl.u32 s1, $0x2  }
0xb9: {  	s3 =	sand.u32 $0x4000, s31;
	s1 =	sadd.s32 s1, s30  }
0xba: {  	s0 =	sor.u32 s3, s0;
	s1 =	sshll.u32 s1, $0x11  }
0xbb: {  	s0 =	sor.u32 s1, s0  }
0xbc: {  	s0 =	sadd.s32 $0x8F2B, s0  }
0xbd: {  	[sflag:s0] =	ssyncadd.remote.s32 $0x1  }
0xbe: {  	_ =	sfence.sel $0xFFFF  }
0xbf: {  	[dreg:$0x0] =	wrdreg $0xFFFFFFFF;
	(pc) =	sbr.abs _section_cstart, $3  }
0xc0: {  	[dreg:$0x1] =	wrdreg $0xFFFFFFFF  }
0xc1: {  	_ =	task.clear_ibuf [dreg:s6], $0x2FFFF;
	_ =	strace $0x9FFFFFFF  }
0xc2: {  	(tm) =	ssettm $0x7FFFFFFF  }
0xc3: {  	_ =	shalt  }
tec
execute0_lowered:
.L_overlay_start_1:
0x0: {  	(tag) =	ssettag $0x1  }
0x1: {  	s0 =	rddreg [dreg:$0x0]  }
0x2: {  	s1 =	rddreg [dreg:$0x1];
	s2 =	srdreg.scid  }
0x3: {  	s3 =	simm.s32 $0x0;
	s11 =	stileid.u32;
	s19 =	simm.s32 $0x4200  }
0x4: {  	s28 =	simm.s32 $0x2;
	s29 =	simm.s32 $0x0;
	s2 =	sand.u32 $0x1, s2  }
0x5: {  	[smem:$0x7FF] =	sst s3;
	s7 =	smul.u32 $0xF000, s11;
	s4 =	sadd.s32 $0xE7400, s0  }
0x6: {  	s5 =	sadd.s32 $0xC9400, s0;
	s18 =	sadd.s32 $0xDC00, s0;
	s9 =	smul.u32 $0x3C000, s11  }
0x7: {  	s17 =	sadd.s32 $0x5000, s0;
	s20 =	sadd.s32 $0xC800, s0;
	s13 =	smul.u32 $0x1E00, s11  }
0x8: {  	s6 =	smul.u32 $0xF0000, s2;
	_ =	strace $0x8000004A;
	[dreg:$0x3] =	wrdreg s20  }
0x9: {  	s21 =	sshll.u32 s2, $0x4;
	s8 =	ssub.s32 $0x2, s2;
	s2 =	smul.u32 $0x1E000, s2  }
0xa: {  	s20 =	simm.s32 $0x3;
	s22 =	sshrl.u32 s8, $0x1;
	s23 =	sshrl.u32 s9, $0x2  }
0xb: {  	s6 =	sadd.s32 s7, s6;
	s7 =	sor.u32 s11, s21;
	s2 =	sadd.s32 s13, s2  }
0xc: {  	s21 =	simm.s32 $0x80;
	s6 =	sshrl.u32 s6, $0x3;
	s10 =	smul.u32 $0x1E00, s7  }
0xd: {  	s7 =	sadd.s32 s23, s1;
	s26 =	sor.u32 $0x100, s2;
	s2 =	sor.u32 $0x80, s2  }
0xe: {  	s23 =	simm.s32 $0x100;
	s0 =	sadd.s32 s6, s0;
	s6 =	ssub.s32 s8, s22  }
0xf: {  	s30 =	sshrl.u32 s26, $0x3;
	s31 =	sshrl.u32 s2, $0x3;
	s22 =	simm.s32 $0x200  }
0x10: {  	s26 =	simm.s32 $0x1;
	s12 =	sshrl.u32 s10, $0x3;
	s24 =	sadd.s32 $0x105400, s0  }
0x11: {  	s0 =	sadd.s32 $0x141400, s0;
	s15 =	sadd.s32 s30, s17;
	s16 =	sadd.s32 s30, s18  }
0x12: {  	s8 =	sadd.s32 s18, s12;
	s9 =	sadd.s32 s17, s12;
	[dreg:$0x4] =	wrdreg s24  }
0x13: {  	[dreg:$0x5] =	wrdreg s0;
	s25 =	sadd.s32 $0x3B0, s12;
	s12 =	smax.u32 s6, $0x1  }
0x14: {  	s24 =	simm.s32 $0x180;
	s13 =	sadd.s32 s18, s25;
	s14 =	sadd.s32 s17, s25  }
0x15: {  	s17 =	sadd.s32 s31, s17;
	s18 =	sadd.s32 s31, s18;
	s25 =	simm.s32 $0x2200  }
.LBB2_1:
0x16: {  	s0 =	rddreg [dreg:$0x3]  }
0x17: {  	[tilespmem:s19], [sflag:$0x3] =	stream.linear.gather [hbm4b:s0+s3], $0x800, $0x38;
	[tilespmem:$0x13A00] =	vst v63  }
0x18: {  	_ =	swait.ge [sflag:s20], $0x800  }
0x19: {  	[sflag:s20] =	ssyncset.done $0x0  }
0x1a: {  	s31 =	sadd.s32 $0x0, s7;
	[sflag:s20] =	ssyncadd.s32 $0xFFFFF800  }
0x1b: {  	[spmem:s31] =	stream.linear.scatter [tilespmem:s19], [sflag:$0x3], $0x800, $0x38;
	[tilespmem:$0x13A00] =	vst v63  }
0x1c: {  	s0 =	simm.s32 $0x2000;
	_ =	swait.ge [sflag:s20], $0x800  }
.LBB2_2:
0x1d: {  	s2 =	sshra.s32 s0, $0x2;
	[sflag:s20] =	ssyncset.done $0x0;
	p0 =	sne.s32 s0, $0x3A000  }
.Ltmp0:
0x1e: {  	s2 =	sadd.s32 s2, s7;
	[sflag:s20] =	ssyncadd.s32 $0xFFFFF800;
	(pc) =	sbr.rel @p0 .LBB2_2-.Ltmp0, $3  }
0x1f: {  	[spmem:s2] =	stream.linear.scatter [tilespmem:s19], [sflag:$0x3], $0x800, $0x38;
	[tilespmem:$0x13A00] =	vst v63  }
0x20: {  	s0 =	sadd.s32 $0x2000, s0;
	_ =	sdelay $0x1  }
0x21: {  	_ =	swait.ge [sflag:s20], $0x800  }
0x22: {  	[sflag:s20] =	ssyncset.done $0x0  }
0x23: {  	[sflag:s20] =	ssyncadd.s32 $0xFFFFF800  }
0x24: {  	s0 =	simm.s32 $0x0;
	[bflag:$0x0] =	sbarrier.arrive $0xFFFF  }
0x25: {  	[tilespmem:s0], [sflag:$0x3] =	stream.linear.gather [hbm4b:s8+s0], $0x80, $0x38;
	[tilespmem:$0x13A00] =	vst v63  }
0x26: {  	_ =	swait.ge [sflag:s20], $0x80  }
0x27: {  	[sflag:s20] =	ssyncset.done $0x0  }
0x28: {  	[sflag:s20] =	ssyncadd.s32 $0xFFFFFF80  }
0x29: {  	[tilespmem:s21], [sflag:$0x3] =	stream.linear.gather [hbm4b:s9+s0], $0x80, $0x38;
	[tilespmem:$0x13A00] =	vst v63  }
0x2a: {  	_ =	swait.ge [sflag:s20], $0x80  }
0x2b: {  	[sflag:s20] =	ssyncset.done $0x0  }
0x2c: {  	[sflag:s20] =	ssyncadd.s32 $0xFFFFFF80  }
0x2d: {  	[tilespmem:s22], [sflag:$0x1] =	stream.indirect.gather [hbm4b:s4+s21], $0x40, s0, s21, $0xb8;
	[tilespmem:$0x13A00] =	vst v63  }
0x2e: {  	s6 =	sadd.s32 $0x0, s18  }
0x2f: {  	[tilespmem:s23], [sflag:$0x3] =	stream.linear.gather [hbm4b:s6+s3], $0x80, $0x38;
	[tilespmem:$0x13A00] =	vst v63  }
0x30: {  	_ =	swait.ge [sflag:s20], $0x80  }
0x31: {  	[sflag:s20] =	ssyncset.done $0x0  }
0x32: {  	s10 =	sadd.s32 $0x0, s17;
	[sflag:s20] =	ssyncadd.s32 $0xFFFFFF80  }
0x33: {  	[tilespmem:s24], [sflag:$0x3] =	stream.linear.gather [hbm4b:s10+s3], $0x80, $0x38;
	[tilespmem:$0x13A00] =	vst v63  }
0x34: {  	_ =	swait.ge [sflag:s20], $0x80  }
0x35: {  	[sflag:s20] =	ssyncset.done $0x0  }
0x36: {  	[sflag:s20] =	ssyncadd.s32 $0xFFFFFF80  }
0x37: {  	[tilespmem:s25], [sflag:$0x2] =	stream.indirect.gather [hbm4b:s4+s21], $0x40, s23, s21, $0xb8;
	[tilespmem:$0x13A00] =	vst v63  }
0x38: {  	_ =	swait.ge [sflag:s26], $0x2000  }
0x39: {  	[sflag:s26] =	ssyncset.done $0x0  }
0x3a: {  	[sflag:s26] =	ssyncadd.s32 $0xFFFFE000  }
0x3b: {  	[spmem:s1] =	stream.indirect.scatter.add.f32 [tilespmem:s22], [sflag:$0x3], $0x40, s21, s21, $0xb8;
	[tilespmem:$0x13A00] =	vst v63  }
0x3c: {  	_ =	swait.ge [sflag:s20], $0x2000  }
0x3d: {  	[sflag:s20] =	ssyncset.done $0x0  }
0x3e: {  	s11 =	sadd.s32 $0x0, s16;
	[sflag:s20] =	ssyncadd.s32 $0xFFFFE000  }
0x3f: {  	[tilespmem:s3], [sflag:$0x3] =	stream.linear.gather [hbm4b:s11+s3], $0x80, $0x38;
	[tilespmem:$0x13A00] =	vst v63  }
0x40: {  	_ =	swait.ge [sflag:s20], $0x80  }
0x41: {  	[sflag:s20] =	ssyncset.done $0x0  }
0x42: {  	s31 =	sadd.s32 $0x0, s15;
	[sflag:s20] =	ssyncadd.s32 $0xFFFFFF80  }
0x43: {  	[tilespmem:s21], [sflag:$0x3] =	stream.linear.gather [hbm4b:s31+s3], $0x80, $0x38;
	[tilespmem:$0x13A00] =	vst v63  }
0x44: {  	_ =	swait.ge [sflag:s20], $0x80  }
0x45: {  	[sflag:s20] =	ssyncset.done $0x0  }
0x46: {  	[sflag:s20] =	ssyncadd.s32 $0xFFFFFF80  }
0x47: {  	[tilespmem:s22], [sflag:$0x1] =	stream.indirect.gather [hbm4b:s4+s21], $0x40, s3, s21, $0xb8;
	[tilespmem:$0x13A00] =	vst v63  }
0x48: {  	_ =	swait.ge [sflag:s28], $0x2000  }
0x49: {  	[sflag:s28] =	ssyncset.done $0x0  }
0x4a: {  	[sflag:s28] =	ssyncadd.s32 $0xFFFFE000  }
0x4b: {  	[spmem:s1] =	stream.indirect.scatter.add.f32 [tilespmem:s25], [sflag:$0x3], $0x40, s24, s21, $0xb8;
	[tilespmem:$0x13A00] =	vst v63  }
0x4c: {  	_ =	swait.ge [sflag:s20], $0x2000  }
0x4d: {  	s30 =	simm.s32 $0x20;
	s2 =	simm.s32 $0x40;
	[sflag:s20] =	ssyncset.done $0x0  }
.LBB2_4:
0x4e: {  	s6 =	sadd.s32 s30, s18  }
0x4f: {  	[sflag:s20] =	ssyncadd.s32 $0xFFFFE000;
	s31 =	smov.u32 s2;
	s0 =	sadd.s32 $0x20, s2  }
0x50: {  	[tilespmem:s23], [sflag:$0x3] =	stream.linear.gather [hbm4b:s6+s3], $0x80, $0x38;
	[tilespmem:$0x13A00] =	vst v63  }
0x51: {  	p0 =	sne.s32 s2, $0x380;
	_ =	swait.ge [sflag:s20], $0x80  }
0x52: {  	[sflag:s20] =	ssyncset.done $0x0  }
0x53: {  	s2 =	sadd.s32 s30, s17;
	[sflag:s20] =	ssyncadd.s32 $0xFFFFFF80  }
0x54: {  	[tilespmem:s24], [sflag:$0x3] =	stream.linear.gather [hbm4b:s2+s3], $0x80, $0x38;
	[tilespmem:$0x13A00] =	vst v63  }
0x55: {  	_ =	swait.ge [sflag:s20], $0x80  }
0x56: {  	[sflag:s20] =	ssyncset.done $0x0  }
0x57: {  	[sflag:s20] =	ssyncadd.s32 $0xFFFFFF80  }
0x58: {  	[tilespmem:s25], [sflag:$0x2] =	stream.indirect.gather [hbm4b:s4+s21], $0x40, s23, s21, $0xb8;
	[tilespmem:$0x13A00] =	vst v63  }
0x59: {  	_ =	swait.ge [sflag:s26], $0x2000  }
0x5a: {  	[sflag:s26] =	ssyncset.done $0x0  }
0x5b: {  	[sflag:s26] =	ssyncadd.s32 $0xFFFFE000  }
0x5c: {  	[spmem:s1] =	stream.indirect.scatter.add.f32 [tilespmem:s22], [sflag:$0x3], $0x40, s21, s21, $0xb8;
	[tilespmem:$0x13A00] =	vst v63  }
0x5d: {  	_ =	swait.ge [sflag:s20], $0x2000  }
0x5e: {  	[sflag:s20] =	ssyncset.done $0x0  }
0x5f: {  	s2 =	sadd.s32 s30, s16;
	[sflag:s20] =	ssyncadd.s32 $0xFFFFE000  }
0x60: {  	[tilespmem:s3], [sflag:$0x3] =	stream.linear.gather [hbm4b:s2+s3], $0x80, $0x38;
	[tilespmem:$0x13A00] =	vst v63  }
0x61: {  	_ =	swait.ge [sflag:s20], $0x80  }
0x62: {  	[sflag:s20] =	ssyncset.done $0x0  }
0x63: {  	s2 =	sadd.s32 s30, s15;
	s30 =	smov.u32 s31;
	[sflag:s20] =	ssyncadd.s32 $0xFFFFFF80  }
0x64: {  	[tilespmem:s21], [sflag:$0x3] =	stream.linear.gather [hbm4b:s2+s3], $0x80, $0x38;
	[tilespmem:$0x13A00] =	vst v63  }
0x65: {  	_ =	swait.ge [sflag:s20], $0x80  }
0x66: {  	[sflag:s20] =	ssyncset.done $0x0  }
0x67: {  	[sflag:s20] =	ssyncadd.s32 $0xFFFFFF80  }
0x68: {  	[tilespmem:s22], [sflag:$0x1] =	stream.indirect.gather [hbm4b:s4+s21], $0x40, s3, s21, $0xb8;
	[tilespmem:$0x13A00] =	vst v63  }
0x69: {  	_ =	swait.ge [sflag:s28], $0x2000  }
.Ltmp1:
0x6a: {  	[sflag:s28] =	ssyncset.done $0x0;
	(pc) =	sbr.rel @p0 .LBB2_4-.Ltmp1, $4  }
0x6b: {  	[sflag:s28] =	ssyncadd.s32 $0xFFFFE000  }
0x6c: {  	[spmem:s1] =	stream.indirect.scatter.add.f32 [tilespmem:s25], [sflag:$0x3], $0x40, s24, s21, $0xb8;
	[tilespmem:$0x13A00] =	vst v63  }
0x6d: {  	_ =	swait.ge [sflag:s20], $0x2000  }
0x6e: {  	s2 =	smov.u32 s0;
	[sflag:s20] =	ssyncset.done $0x0  }
0x6f: {  	s0 =	sadd.s32 s30, s18;
	[sflag:s20] =	ssyncadd.s32 $0xFFFFE000  }
0x70: {  	[tilespmem:s23], [sflag:$0x3] =	stream.linear.gather [hbm4b:s0+s3], $0x80, $0x38;
	[tilespmem:$0x13A00] =	vst v63  }
0x71: {  	_ =	swait.ge [sflag:s20], $0x80  }
0x72: {  	[sflag:s20] =	ssyncset.done $0x0  }
0x73: {  	s6 =	sadd.s32 s30, s17;
	[sflag:s20] =	ssyncadd.s32 $0xFFFFFF80  }
0x74: {  	[tilespmem:s24], [sflag:$0x3] =	stream.linear.gather [hbm4b:s6+s3], $0x80, $0x38;
	[tilespmem:$0x13A00] =	vst v63  }
0x75: {  	_ =	swait.ge [sflag:s20], $0x80  }
0x76: {  	[sflag:s20] =	ssyncset.done $0x0  }
0x77: {  	[sflag:s20] =	ssyncadd.s32 $0xFFFFFF80  }
0x78: {  	[tilespmem:s25], [sflag:$0x2] =	stream.indirect.gather [hbm4b:s4+s21], $0x40, s23, s21, $0xb8;
	[tilespmem:$0x13A00] =	vst v63  }
0x79: {  	_ =	swait.ge [sflag:s26], $0x2000  }
0x7a: {  	[sflag:s26] =	ssyncset.done $0x0  }
0x7b: {  	[sflag:s26] =	ssyncadd.s32 $0xFFFFE000  }
0x7c: {  	[spmem:s1] =	stream.indirect.scatter.add.f32 [tilespmem:s22], [sflag:$0x3], $0x40, s21, s21, $0xb8;
	[tilespmem:$0x13A00] =	vst v63  }
0x7d: {  	_ =	swait.ge [sflag:s20], $0x2000  }
0x7e: {  	[sflag:s20] =	ssyncset.done $0x0  }
0x7f: {  	s10 =	sadd.s32 s30, s16;
	[sflag:s20] =	ssyncadd.s32 $0xFFFFE000  }
0x80: {  	[tilespmem:s3], [sflag:$0x3] =	stream.linear.gather [hbm4b:s10+s3], $0x80, $0x38;
	[tilespmem:$0x13A00] =	vst v63  }
0x81: {  	_ =	swait.ge [sflag:s20], $0x80  }
0x82: {  	[sflag:s20] =	ssyncset.done $0x0  }
0x83: {  	s11 =	sadd.s32 s30, s15;
	[sflag:s20] =	ssyncadd.s32 $0xFFFFFF80  }
0x84: {  	[tilespmem:s21], [sflag:$0x3] =	stream.linear.gather [hbm4b:s11+s3], $0x80, $0x38;
	[tilespmem:$0x13A00] =	vst v63  }
0x85: {  	_ =	swait.ge [sflag:s20], $0x80  }
0x86: {  	[sflag:s20] =	ssyncset.done $0x0  }
0x87: {  	[sflag:s20] =	ssyncadd.s32 $0xFFFFFF80  }
0x88: {  	[tilespmem:s22], [sflag:$0x1] =	stream.indirect.gather [hbm4b:s4+s21], $0x40, s3, s21, $0xb8;
	[tilespmem:$0x13A00] =	vst v63  }
0x89: {  	_ =	swait.ge [sflag:s28], $0x2000  }
0x8a: {  	[sflag:s28] =	ssyncset.done $0x0  }
0x8b: {  	[sflag:s28] =	ssyncadd.s32 $0xFFFFE000  }
0x8c: {  	[spmem:s1] =	stream.indirect.scatter.add.f32 [tilespmem:s25], [sflag:$0x3], $0x40, s24, s21, $0xb8;
	[tilespmem:$0x13A00] =	vst v63  }
0x8d: {  	_ =	swait.ge [sflag:s20], $0x2000  }
0x8e: {  	[sflag:s20] =	ssyncset.done $0x0  }
0x8f: {  	s2 =	simm.s32 $0x0;
	[sflag:s20] =	ssyncadd.s32 $0xFFFFE000  }
0x90: {  	[tilespmem:s23], [sflag:$0x3] =	stream.linear.gather [hbm4b:s13+s2], $0x80, $0x38;
	[tilespmem:$0x13A00] =	vst v63  }
0x91: {  	_ =	swait.ge [sflag:s20], $0x80  }
0x92: {  	[sflag:s20] =	ssyncset.done $0x0  }
0x93: {  	[sflag:s20] =	ssyncadd.s32 $0xFFFFFF80  }
0x94: {  	[tilespmem:s24], [sflag:$0x3] =	stream.linear.gather [hbm4b:s14+s2], $0x80, $0x38;
	[tilespmem:$0x13A00] =	vst v63  }
0x95: {  	_ =	swait.ge [sflag:s20], $0x80  }
0x96: {  	[sflag:s20] =	ssyncset.done $0x0  }
0x97: {  	[sflag:s20] =	ssyncadd.s32 $0xFFFFFF80  }
0x98: {  	[tilespmem:s25], [sflag:$0x2] =	stream.indirect.gather [hbm4b:s4+s21], $0x40, s23, s21, $0xb8;
	[tilespmem:$0x13A00] =	vst v63  }
0x99: {  	_ =	swait.ge [sflag:s26], $0x2000  }
0x9a: {  	[sflag:s26] =	ssyncset.done $0x0  }
0x9b: {  	[sflag:s26] =	ssyncadd.s32 $0xFFFFE000  }
0x9c: {  	[spmem:s1] =	stream.indirect.scatter.add.f32 [tilespmem:s22], [sflag:$0x3], $0x40, s21, s21, $0xb8;
	[tilespmem:$0x13A00] =	vst v63  }
0x9d: {  	_ =	swait.ge [sflag:s20], $0x2000  }
0x9e: {  	[sflag:s20] =	ssyncset.done $0x0  }
0x9f: {  	[sflag:s20] =	ssyncadd.s32 $0xFFFFE000  }
0xa0: {  	_ =	swait.ge [sflag:s28], $0x2000  }
0xa1: {  	[sflag:s28] =	ssyncset.done $0x0  }
0xa2: {  	[sflag:s28] =	ssyncadd.s32 $0xFFFFE000  }
0xa3: {  	[spmem:s1] =	stream.indirect.scatter.add.f32 [tilespmem:s25], [sflag:$0x3], $0x40, s24, s21, $0xb8;
	[tilespmem:$0x13A00] =	vst v63  }
0xa4: {  	_ =	swait.ge [sflag:s20], $0x2000  }
0xa5: {  	[sflag:s20] =	ssyncset.done $0x0  }
0xa6: {  	s6 =	stileid.u32;
	[sflag:s20] =	ssyncadd.s32 $0xFFFFE000  }
0xa7: {  	s0 =	sshll.u32 s6, $0x6;
	[bflag:$0x0] =	sbarrier.arrive $0xFFFF  }
0xa8: {  	s31 =	sshrl.u32 s7, $0x3;
	s30 =	sor.u32 $0x1C03, s0;
	s10 =	rddreg [dreg:$0x4]  }
0xa9: {  	[hbm:s10], [sflag:s30] =	dma.local [spmem:s31], $0x1E00  }
0xaa: {  	_ =	swait.ge [sflag:s20], $0x1E00  }
0xab: {  	[sflag:s20] =	ssyncset.done $0x0  }
0xac: {  	s11 =	sadd.s32 $0x0, s7;
	[sflag:s20] =	ssyncadd.s32 $0xFFFFE200  }
0xad: {  	[spmem:s11] =	stream.linear.scatter [tilespmem:s19], [sflag:$0x3], $0x800, $0x38;
	[tilespmem:$0x13A00] =	vst v63  }
0xae: {  	s0 =	simm.s32 $0x2000;
	_ =	swait.ge [sflag:s20], $0x800  }
.LBB2_6:
0xaf: {  	s2 =	sshra.s32 s0, $0x2;
	[sflag:s20] =	ssyncset.done $0x0;
	p0 =	sne.s32 s0, $0x3A000  }
.Ltmp2:
0xb0: {  	s2 =	sadd.s32 s2, s7;
	[sflag:s20] =	ssyncadd.s32 $0xFFFFF800;
	(pc) =	sbr.rel @p0 .LBB2_6-.Ltmp2, $3  }
0xb1: {  	[spmem:s2] =	stream.linear.scatter [tilespmem:s19], [sflag:$0x3], $0x800, $0x38;
	[tilespmem:$0x13A00] =	vst v63  }
0xb2: {  	s0 =	sadd.s32 $0x2000, s0;
	_ =	sdelay $0x1  }
0xb3: {  	_ =	swait.ge [sflag:s20], $0x800  }
0xb4: {  	[sflag:s20] =	ssyncset.done $0x0  }
0xb5: {  	[sflag:s20] =	ssyncadd.s32 $0xFFFFF800  }
0xb6: {  	s0 =	simm.s32 $0x0;
	[bflag:$0x0] =	sbarrier.arrive $0xFFFF  }
0xb7: {  	[tilespmem:s0], [sflag:$0x3] =	stream.linear.gather [hbm4b:s8+s0], $0x80, $0x38;
	[tilespmem:$0x13A00] =	vst v63  }
0xb8: {  	_ =	swait.ge [sflag:s20], $0x80  }
0xb9: {  	[sflag:s20] =	ssyncset.done $0x0  }
0xba: {  	[sflag:s20] =	ssyncadd.s32 $0xFFFFFF80  }
0xbb: {  	[tilespmem:s21], [sflag:$0x3] =	stream.linear.gather [hbm4b:s9+s0], $0x80, $0x38;
	[tilespmem:$0x13A00] =	vst v63  }
0xbc: {  	_ =	swait.ge [sflag:s20], $0x80  }
0xbd: {  	[sflag:s20] =	ssyncset.done $0x0  }
0xbe: {  	[sflag:s20] =	ssyncadd.s32 $0xFFFFFF80  }
0xbf: {  	[tilespmem:s22], [sflag:$0x1] =	stream.indirect.gather [hbm4b:s5+s21], $0x40, s0, s21, $0xb8;
	[tilespmem:$0x13A00] =	vst v63  }
0xc0: {  	s2 =	sadd.s32 $0x0, s18  }
0xc1: {  	[tilespmem:s23], [sflag:$0x3] =	stream.linear.gather [hbm4b:s2+s3], $0x80, $0x38;
	[tilespmem:$0x13A00] =	vst v63  }
0xc2: {  	_ =	swait.ge [sflag:s20], $0x80  }
0xc3: {  	[sflag:s20] =	ssyncset.done $0x0  }
0xc4: {  	s6 =	sadd.s32 $0x0, s17;
	[sflag:s20] =	ssyncadd.s32 $0xFFFFFF80  }
0xc5: {  	[tilespmem:s24], [sflag:$0x3] =	stream.linear.gather [hbm4b:s6+s3], $0x80, $0x38;
	[tilespmem:$0x13A00] =	vst v63  }
0xc6: {  	_ =	swait.ge [sflag:s20], $0x80  }
0xc7: {  	[sflag:s20] =	ssyncset.done $0x0  }
0xc8: {  	[sflag:s20] =	ssyncadd.s32 $0xFFFFFF80  }
0xc9: {  	[tilespmem:s25], [sflag:$0x2] =	stream.indirect.gather [hbm4b:s5+s21], $0x40, s23, s21, $0xb8;
	[tilespmem:$0x13A00] =	vst v63  }
0xca: {  	_ =	swait.ge [sflag:s26], $0x2000  }
0xcb: {  	[sflag:s26] =	ssyncset.done $0x0  }
0xcc: {  	[sflag:s26] =	ssyncadd.s32 $0xFFFFE000  }
0xcd: {  	[spmem:s1] =	stream.indirect.scatter.add.f32 [tilespmem:s22], [sflag:$0x3], $0x40, s21, s21, $0xb8;
	[tilespmem:$0x13A00] =	vst v63  }
0xce: {  	_ =	swait.ge [sflag:s20], $0x2000  }
0xcf: {  	[sflag:s20] =	ssyncset.done $0x0  }
0xd0: {  	s10 =	sadd.s32 $0x0, s16;
	[sflag:s20] =	ssyncadd.s32 $0xFFFFE000  }
0xd1: {  	[tilespmem:s3], [sflag:$0x3] =	stream.linear.gather [hbm4b:s10+s3], $0x80, $0x38;
	[tilespmem:$0x13A00] =	vst v63  }
0xd2: {  	_ =	swait.ge [sflag:s20], $0x80  }
0xd3: {  	[sflag:s20] =	ssyncset.done $0x0  }
0xd4: {  	s11 =	sadd.s32 $0x0, s15;
	[sflag:s20] =	ssyncadd.s32 $0xFFFFFF80  }
0xd5: {  	[tilespmem:s21], [sflag:$0x3] =	stream.linear.gather [hbm4b:s11+s3], $0x80, $0x38;
	[tilespmem:$0x13A00] =	vst v63  }
0xd6: {  	_ =	swait.ge [sflag:s20], $0x80  }
0xd7: {  	[sflag:s20] =	ssyncset.done $0x0  }
0xd8: {  	[sflag:s20] =	ssyncadd.s32 $0xFFFFFF80  }
0xd9: {  	[tilespmem:s22], [sflag:$0x1] =	stream.indirect.gather [hbm4b:s5+s21], $0x40, s3, s21, $0xb8;
	[tilespmem:$0x13A00] =	vst v63  }
0xda: {  	_ =	swait.ge [sflag:s28], $0x2000  }
0xdb: {  	[sflag:s28] =	ssyncset.done $0x0  }
0xdc: {  	[sflag:s28] =	ssyncadd.s32 $0xFFFFE000  }
0xdd: {  	[spmem:s1] =	stream.indirect.scatter.add.f32 [tilespmem:s25], [sflag:$0x3], $0x40, s24, s21, $0xb8;
	[tilespmem:$0x13A00] =	vst v63  }
0xde: {  	_ =	swait.ge [sflag:s20], $0x2000  }
0xdf: {  	s0 =	simm.s32 $0x20;
	s2 =	simm.s32 $0x40;
	[sflag:s20] =	ssyncset.done $0x0  }
.LBB2_8:
0xe0: {  	s10 =	sadd.s32 s0, s18  }
0xe1: {  	[sflag:s20] =	ssyncadd.s32 $0xFFFFE000;
	s11 =	smov.u32 s2;
	s6 =	sadd.s32 $0x20, s2  }
0xe2: {  	[tilespmem:s23], [sflag:$0x3] =	stream.linear.gather [hbm4b:s10+s3], $0x80, $0x38;
	[tilespmem:$0x13A00] =	vst v63  }
0xe3: {  	p0 =	sne.s32 s2, $0x380;
	_ =	swait.ge [sflag:s20], $0x80  }
0xe4: {  	[sflag:s20] =	ssyncset.done $0x0  }
0xe5: {  	s2 =	sadd.s32 s0, s17;
	[sflag:s20] =	ssyncadd.s32 $0xFFFFFF80  }
0xe6: {  	[tilespmem:s24], [sflag:$0x3] =	stream.linear.gather [hbm4b:s2+s3], $0x80, $0x38;
	[tilespmem:$0x13A00] =	vst v63  }
0xe7: {  	_ =	swait.ge [sflag:s20], $0x80  }
0xe8: {  	[sflag:s20] =	ssyncset.done $0x0  }
0xe9: {  	[sflag:s20] =	ssyncadd.s32 $0xFFFFFF80  }
0xea: {  	[tilespmem:s25], [sflag:$0x2] =	stream.indirect.gather [hbm4b:s5+s21], $0x40, s23, s21, $0xb8;
	[tilespmem:$0x13A00] =	vst v63  }
0xeb: {  	_ =	swait.ge [sflag:s26], $0x2000  }
0xec: {  	[sflag:s26] =	ssyncset.done $0x0  }
0xed: {  	[sflag:s26] =	ssyncadd.s32 $0xFFFFE000  }
0xee: {  	[spmem:s1] =	stream.indirect.scatter.add.f32 [tilespmem:s22], [sflag:$0x3], $0x40, s21, s21, $0xb8;
	[tilespmem:$0x13A00] =	vst v63  }
0xef: {  	_ =	swait.ge [sflag:s20], $0x2000  }
0xf0: {  	[sflag:s20] =	ssyncset.done $0x0  }
0xf1: {  	s2 =	sadd.s32 s0, s16;
	[sflag:s20] =	ssyncadd.s32 $0xFFFFE000  }
0xf2: {  	[tilespmem:s3], [sflag:$0x3] =	stream.linear.gather [hbm4b:s2+s3], $0x80, $0x38;
	[tilespmem:$0x13A00] =	vst v63  }
0xf3: {  	_ =	swait.ge [sflag:s20], $0x80  }
0xf4: {  	[sflag:s20] =	ssyncset.done $0x0  }
0xf5: {  	s2 =	sadd.s32 s0, s15;
	s0 =	smov.u32 s11;
	[sflag:s20] =	ssyncadd.s32 $0xFFFFFF80  }
0xf6: {  	[tilespmem:s21], [sflag:$0x3] =	stream.linear.gather [hbm4b:s2+s3], $0x80, $0x38;
	[tilespmem:$0x13A00] =	vst v63  }
0xf7: {  	_ =	swait.ge [sflag:s20], $0x80  }
0xf8: {  	[sflag:s20] =	ssyncset.done $0x0  }
0xf9: {  	[sflag:s20] =	ssyncadd.s32 $0xFFFFFF80  }
0xfa: {  	[tilespmem:s22], [sflag:$0x1] =	stream.indirect.gather [hbm4b:s5+s21], $0x40, s3, s21, $0xb8;
	[tilespmem:$0x13A00] =	vst v63  }
0xfb: {  	_ =	swait.ge [sflag:s28], $0x2000  }
.Ltmp3:
0xfc: {  	[sflag:s28] =	ssyncset.done $0x0;
	(pc) =	sbr.rel @p0 .LBB2_8-.Ltmp3, $4  }
0xfd: {  	[sflag:s28] =	ssyncadd.s32 $0xFFFFE000  }
0xfe: {  	[spmem:s1] =	stream.indirect.scatter.add.f32 [tilespmem:s25], [sflag:$0x3], $0x40, s24, s21, $0xb8;
	[tilespmem:$0x13A00] =	vst v63  }
0xff: {  	_ =	swait.ge [sflag:s20], $0x2000  }
0x100: {  	s2 =	smov.u32 s6;
	[sflag:s20] =	ssyncset.done $0x0  }
0x101: {  	s2 =	sadd.s32 s0, s18;
	[sflag:s20] =	ssyncadd.s32 $0xFFFFE000  }
0x102: {  	[tilespmem:s23], [sflag:$0x3] =	stream.linear.gather [hbm4b:s2+s3], $0x80, $0x38;
	[tilespmem:$0x13A00] =	vst v63  }
0x103: {  	_ =	swait.ge [sflag:s20], $0x80  }
0x104: {  	[sflag:s20] =	ssyncset.done $0x0  }
0x105: {  	s11 =	sadd.s32 s0, s17;
	[sflag:s20] =	ssyncadd.s32 $0xFFFFFF80  }
0x106: {  	[tilespmem:s24], [sflag:$0x3] =	stream.linear.gather [hbm4b:s11+s3], $0x80, $0x38;
	[tilespmem:$0x13A00] =	vst v63  }
0x107: {  	_ =	swait.ge [sflag:s20], $0x80  }
0x108: {  	[sflag:s20] =	ssyncset.done $0x0  }
0x109: {  	[sflag:s20] =	ssyncadd.s32 $0xFFFFFF80  }
0x10a: {  	[tilespmem:s25], [sflag:$0x2] =	stream.indirect.gather [hbm4b:s5+s21], $0x40, s23, s21, $0xb8;
	[tilespmem:$0x13A00] =	vst v63  }
0x10b: {  	_ =	swait.ge [sflag:s26], $0x2000  }
0x10c: {  	[sflag:s26] =	ssyncset.done $0x0  }
0x10d: {  	[sflag:s26] =	ssyncadd.s32 $0xFFFFE000  }
0x10e: {  	[spmem:s1] =	stream.indirect.scatter.add.f32 [tilespmem:s22], [sflag:$0x3], $0x40, s21, s21, $0xb8;
	[tilespmem:$0x13A00] =	vst v63  }
0x10f: {  	_ =	swait.ge [sflag:s20], $0x2000  }
0x110: {  	[sflag:s20] =	ssyncset.done $0x0  }
0x111: {  	s6 =	sadd.s32 s0, s16;
	[sflag:s20] =	ssyncadd.s32 $0xFFFFE000  }
0x112: {  	[tilespmem:s3], [sflag:$0x3] =	stream.linear.gather [hbm4b:s6+s3], $0x80, $0x38;
	[tilespmem:$0x13A00] =	vst v63  }
0x113: {  	_ =	swait.ge [sflag:s20], $0x80  }
0x114: {  	[sflag:s20] =	ssyncset.done $0x0  }
0x115: {  	s10 =	sadd.s32 s0, s15;
	[sflag:s20] =	ssyncadd.s32 $0xFFFFFF80  }
0x116: {  	[tilespmem:s21], [sflag:$0x3] =	stream.linear.gather [hbm4b:s10+s3], $0x80, $0x38;
	[tilespmem:$0x13A00] =	vst v63  }
0x117: {  	_ =	swait.ge [sflag:s20], $0x80  }
0x118: {  	[sflag:s20] =	ssyncset.done $0x0  }
0x119: {  	[sflag:s20] =	ssyncadd.s32 $0xFFFFFF80  }
0x11a: {  	[tilespmem:s22], [sflag:$0x1] =	stream.indirect.gather [hbm4b:s5+s21], $0x40, s3, s21, $0xb8;
	[tilespmem:$0x13A00] =	vst v63  }
0x11b: {  	_ =	swait.ge [sflag:s28], $0x2000  }
0x11c: {  	[sflag:s28] =	ssyncset.done $0x0  }
0x11d: {  	[sflag:s28] =	ssyncadd.s32 $0xFFFFE000  }
0x11e: {  	[spmem:s1] =	stream.indirect.scatter.add.f32 [tilespmem:s25], [sflag:$0x3], $0x40, s24, s21, $0xb8;
	[tilespmem:$0x13A00] =	vst v63  }
0x11f: {  	_ =	swait.ge [sflag:s20], $0x2000  }
0x120: {  	[sflag:s20] =	ssyncset.done $0x0  }
0x121: {  	[sflag:s20] =	ssyncadd.s32 $0xFFFFE000  }
0x122: {  	[tilespmem:s23], [sflag:$0x3] =	stream.linear.gather [hbm4b:s13+s3], $0x80, $0x38;
	[tilespmem:$0x13A00] =	vst v63  }
0x123: {  	_ =	swait.ge [sflag:s20], $0x80  }
0x124: {  	[sflag:s20] =	ssyncset.done $0x0  }
0x125: {  	[sflag:s20] =	ssyncadd.s32 $0xFFFFFF80  }
0x126: {  	[tilespmem:s24], [sflag:$0x3] =	stream.linear.gather [hbm4b:s14+s3], $0x80, $0x38;
	[tilespmem:$0x13A00] =	vst v63  }
0x127: {  	_ =	swait.ge [sflag:s20], $0x80  }
0x128: {  	[sflag:s20] =	ssyncset.done $0x0  }
0x129: {  	[sflag:s20] =	ssyncadd.s32 $0xFFFFFF80  }
0x12a: {  	[tilespmem:s25], [sflag:$0x2] =	stream.indirect.gather [hbm4b:s5+s21], $0x40, s23, s21, $0xb8;
	[tilespmem:$0x13A00] =	vst v63  }
0x12b: {  	_ =	swait.ge [sflag:s26], $0x2000  }
0x12c: {  	[sflag:s26] =	ssyncset.done $0x0  }
0x12d: {  	[sflag:s26] =	ssyncadd.s32 $0xFFFFE000  }
0x12e: {  	[spmem:s1] =	stream.indirect.scatter.add.f32 [tilespmem:s22], [sflag:$0x3], $0x40, s21, s21, $0xb8;
	[tilespmem:$0x13A00] =	vst v63  }
0x12f: {  	_ =	swait.ge [sflag:s20], $0x2000  }
0x130: {  	[sflag:s20] =	ssyncset.done $0x0  }
0x131: {  	[sflag:s20] =	ssyncadd.s32 $0xFFFFE000  }
0x132: {  	_ =	swait.ge [sflag:s28], $0x2000  }
0x133: {  	[sflag:s28] =	ssyncset.done $0x0  }
0x134: {  	[sflag:s28] =	ssyncadd.s32 $0xFFFFE000  }
0x135: {  	[spmem:s1] =	stream.indirect.scatter.add.f32 [tilespmem:s25], [sflag:$0x3], $0x40, s24, s21, $0xb8;
	[tilespmem:$0x13A00] =	vst v63  }
0x136: {  	_ =	swait.ge [sflag:s20], $0x2000  }
0x137: {  	[sflag:s20] =	ssyncset.done $0x0  }
0x138: {  	s29 =	sadd.s32 $0x1, s29;
	[sflag:s20] =	ssyncadd.s32 $0xFFFFE000  }
0x139: {  	p0 =	sne.s32 s29, s12;
	[bflag:$0x0] =	sbarrier.arrive $0xFFFF  }
.Ltmp4:
0x13a: {  	s11 =	rddreg [dreg:$0x5];
	(pc) =	sbr.rel @p0 .LBB2_1-.Ltmp4, $4  }
0x13b: {  	[hbm:s11], [sflag:s30] =	dma.local [spmem:s31], $0x1E00  }
0x13c: {  	_ =	swait.ge [sflag:s20], $0x1E00  }
0x13d: {  	[sflag:s20] =	ssyncset.done $0x0  }
0x13e: {  	[sflag:s20] =	ssyncadd.s32 $0xFFFFE200  }
0x13f: {  	_ =	sfence.sel $0x180000  }
0x140: {  	[bflag:$0x0] =	sbarrier.arrive $0xFFFF  }
0x141: {  	_ =	strace $0x9000004A  }
0x142: {  	s0 =	stileid.u32;
	[bflag:$0x2] =	sbarrier.arrive $0xFFFF  }
0x143: {  	p0 =	sne.s32 s0, $0x0;
	s0 =	rddreg [dreg:$0x2]  }
0x144: {  	s0 =	sadd.s32 @!p0 $0x100000, s0  }
0x145: {  	[sflag:s0] =	ssyncadd.tile.s32 @!p0 $0x1;
	_ =	shalt  }
.Lfunc_end2:
_tile_overlayer_lowered:
.L_overlay_start_2:
0x146: {  	(tag) =	ssettag $0x2  }
0x147: {  	s0 =	rddreg [dreg:$0x0];
	s2 =	stileid.u32  }
0x148: {  	s1 =	rddreg [dreg:$0x1];
	p0 =	sne.s32 s2, $0x0  }
0x149: {  	s3 =	rddreg [dreg:$0x2];
	[bflag:$0x3] =	sbarrier.arrive $0xFFFF;
	s2 =	simm.s32 @!p0 $0x1C03  }
0x14a: {  	[timem:s3], [sflag:s2] =	dma.local @!p0 [hbm:s0], s1  }
0x14b: {  	s0 =	simm.s32 @!p0 $0x3  }
0x14c: {  	_ =	swait.ge @!p0 [sflag:s0], s1  }
0x14d: {  	s1 =	ssub.s32 @!p0 $0x0, s1;
	[sflag:s0] =	ssyncset.done @!p0 $0x0  }
0x14e: {  	[sflag:s0] =	ssyncadd.s32 @!p0 s1  }
0x14f: {  	[bflag:$0x3] =	sbarrier.arrive $0xFFFF  }
0x150: {  	_ =	shalt  }

// kernel: kernel.18.cloned.1.call-start
scs
__scs_entry_jumppad:
0x0: {  	(pc) =	sbr.rel $0x88, $3  }
0x1: {  	(tag) =	ssettag $0x0;
	lr =	simm.s32 $0x1  }
0x2: {  	[smem:$0x3F91] =	sst lr;
	_ =	strace $0xD0000000  }
0x3: {  	_ = 	snop  }
0x4: {  	_ = 	snop  }
0x5: {  	_ = 	snop  }
0x6: {  	_ = 	snop  }
0x7: {  	_ = 	snop  }
__scs_overlays_trampoline_lowered:
0x8: {  	[smem:$0x3FA0] =	sst s0  }
0x9: {  	[smem:$0x3FA1] =	sst s1  }
0xa: {  	[smem:$0x3FA2] =	sst s2  }
0xb: {  	[smem:$0x3FA3] =	sst s3  }
0xc: {  	[smem:$0x3FA4] =	sst s4  }
0xd: {  	[smem:$0x3FA5] =	sst s5  }
0xe: {  	[smem:$0x3FA6] =	sst s6  }
0xf: {  	[smem:$0x3FA7] =	sst s7  }
0x10: {  	[smem:$0x3FA8] =	sst s8  }
0x11: {  	[smem:$0x3FA9] =	sst s9;
	s0 =	simm.s32 @!p0 $0x0  }
0x12: {  	s1 =	sld [smem:$0x3F8F];
	s0 =	simm.s32 @p0 $0x1  }
0x13: {  	[smem:$0x3FAA] =	sst s0;
	s0 =	simm.s32 @!p1 $0x0  }
0x14: {  	s2 =	sld [smem:$0x3F8E];
	s0 =	simm.s32 @p1 $0x1  }
0x15: {  	[smem:$0x3FAB] =	sst s0;
	s0 =	simm.s32 @!p2 $0x0  }
0x16: {  	s3 =	sld [smem:$0x3FDB];
	s0 =	simm.s32 @p2 $0x1  }
0x17: {  	s4 =	simm.s32 $0x1BF5;
	[smem:$0x3FAD] =	sst s0  }
0x18: {  	s0 =	sld [smem:$0x3F90];
	_ =	swait.ge [sflag:s4], $0x0  }
0x19: {  	s7 =	sld [smem:$0x3F91]  }
0x1a: {  	s8 =	sadd.s32 $0xFFFFE003, lr  }
0x1b: {  	s9 =	sadd.s32 $0xFFFFFEF7, lr;
	s5 =	simm.s32 $0xFFFFFFFF;
	p2 =	slt.u32 s8, $0xFFFFF086  }
0x1c: {  	p1 =	slt.u32 s9, $0xF7A;
	s5 =	simm.s32 @!p2 $0x0  }
0x1d: {  	s5 =	simm.s32 @p1 $0x1;
	p0 =	seq.s32 s7, s2  }
0x1e: {  	s7 =	smul.u32 @!p0 $0xF7A, s2;
	p2 =	seq.s32 @!p0 s5, $0x0  }
0x1f: {  	s9 =	smul.u32 $0xF7A, s1;
	s8 =	simm.s32 @!p0 $0x1BF5;
	p2 =	por !p2, p0  }
0x20: {  	[sflag:s8] =	ssyncset.s32 @!p0 $0xFFFFF086;
	s6 =	sadd.s32 @!p0 s3, s7;
	s7 =	simm.s32 @!p0 $0x108  }
0x21: {  	s3 =	sadd.s32 s3, s9;
	s6 =	sadd.s32 @!p0 $0x88, s6;
	s7 =	simm.s32 @p2 $0x1082  }
0x22: {  	[simem:s7], [sflag:s8] =	dma.local @!p0 [hbm:s6], $0xF7A  }
0x23: {  	s9 =	sor.u32 $0xD0000000, s2;
	s6 =	simm.s32 $0x108;
	_ =	swait.ge @!p0 [sflag:s8], $0x0  }
0x24: {  	s3 =	sadd.s32 $0x88, s3;
	s6 =	simm.s32 @!p1 $0x1082;
	[sflag:s4] =	ssyncset.s32 $0xFFFFF086  }
0x25: {  	[simem:s6], [sflag:s4] =	dma.local [hbm:s3], $0xF7A  }
0x26: {  	[smem:$0x3F91] =	sst s1;
	(tag) =	ssettag s2;
	_ =	strace s9  }
0x27: {  	s1 =	sld [smem:$0x3FA1]  }
0x28: {  	s2 =	sld [smem:$0x3FA2]  }
0x29: {  	s4 =	sld [smem:$0x3FA4]  }
0x2a: {  	p0 =	seq.s32 s5, $0x0;
	s5 =	sld [smem:$0x3FA5]  }
0x2b: {  	s6 =	sld [smem:$0x3FA6]  }
0x2c: {  	s7 =	sld [smem:$0x3FA7]  }
0x2d: {  	s3 =	simm.s32 $0x108;
	s8 =	sld [smem:$0x3FA8]  }
0x2e: {  	s3 =	simm.s32 @!p0 $0x1082;
	s9 =	sld [smem:$0x3FA9]  }
0x2f: {  	lr =	sadd.s32 s0, s3;
	s0 =	sld [smem:$0x3FA0]  }
0x30: {  	s3 =	sld [smem:$0x3FA3]  }
0x31: {  	[smem:$0x3FAC] =	sst s10  }
0x32: {  	s10 =	sld [smem:$0x3FAA];
	_ =	sdelay $0x3  }
0x33: {  	p0 =	seq.s32 s10, $0x1;
	s10 =	sld [smem:$0x3FAC];
	_ =	sdelay $0x3  }
0x34: {  	[smem:$0x3FAC] =	sst s10  }
0x35: {  	s10 =	sld [smem:$0x3FAB];
	_ =	sdelay $0x3  }
0x36: {  	p1 =	seq.s32 s10, $0x1;
	s10 =	sld [smem:$0x3FAC];
	_ =	sdelay $0x3  }
0x37: {  	[smem:$0x3FAC] =	sst s10  }
0x38: {  	s10 =	sld [smem:$0x3FAD]  }
0x39: {  	_ = 	snop;
	(pc) =	sbr.ind lr, $3  }
0x3a: {  	_ = 	snop  }
0x3b: {  	_ = 	snop  }
0x3c: {  	p2 =	seq.s32 s10, $0x1;
	s10 =	sld [smem:$0x3FAC]  }
0x3d: {  	_ =	shalt  }
0x3e: {  	_ =	shalt  }
0x3f: {  	_ =	shalt  }
0x40: {  	_ =	shalt  }
0x41: {  	_ =	shalt  }
0x42: {  	_ =	shalt  }
0x43: {  	_ =	shalt  }
0x44: {  	_ =	shalt  }
0x45: {  	_ =	shalt  }
0x46: {  	_ =	shalt  }
0x47: {  	_ =	shalt  }
0x48: {  	_ =	shalt  }
0x49: {  	_ =	shalt  }
0x4a: {  	_ =	shalt  }
0x4b: {  	_ =	shalt  }
0x4c: {  	_ =	shalt  }
0x4d: {  	_ =	shalt  }
0x4e: {  	_ =	shalt  }
0x4f: {  	_ =	shalt  }
0x50: {  	_ =	shalt  }
0x51: {  	_ =	shalt  }
0x52: {  	_ =	shalt  }
0x53: {  	_ =	shalt  }
0x54: {  	_ =	shalt  }
0x55: {  	_ =	shalt  }
0x56: {  	_ =	shalt  }
0x57: {  	_ =	shalt  }
0x58: {  	_ =	shalt  }
0x59: {  	_ =	shalt  }
0x5a: {  	_ =	shalt  }
0x5b: {  	_ =	shalt  }
0x5c: {  	_ =	shalt  }
0x5d: {  	_ =	shalt  }
0x5e: {  	_ =	shalt  }
0x5f: {  	_ =	shalt  }
0x60: {  	_ =	shalt  }
0x61: {  	_ =	shalt  }
0x62: {  	_ =	shalt  }
0x63: {  	_ =	shalt  }
0x64: {  	_ =	shalt  }
0x65: {  	_ =	shalt  }
0x66: {  	_ =	shalt  }
0x67: {  	_ =	shalt  }
0x68: {  	_ =	shalt  }
0x69: {  	_ =	shalt  }
0x6a: {  	_ =	shalt  }
0x6b: {  	_ =	shalt  }
0x6c: {  	_ =	shalt  }
0x6d: {  	_ =	shalt  }
0x6e: {  	_ =	shalt  }
0x6f: {  	_ =	shalt  }
0x70: {  	_ =	shalt  }
0x71: {  	_ =	shalt  }
0x72: {  	_ =	shalt  }
0x73: {  	_ =	shalt  }
0x74: {  	_ =	shalt  }
0x75: {  	_ =	shalt  }
0x76: {  	_ =	shalt  }
0x77: {  	_ =	shalt  }
0x78: {  	_ =	shalt  }
0x79: {  	_ =	shalt  }
0x7a: {  	_ =	shalt  }
0x7b: {  	_ =	shalt  }
0x7c: {  	_ =	shalt  }
0x7d: {  	_ =	shalt  }
0x7e: {  	_ =	shalt  }
0x7f: {  	_ =	shalt  }
0x80: {  	_ =	shalt  }
0x81: {  	_ =	shalt  }
0x82: {  	_ =	shalt  }
0x83: {  	_ =	shalt  }
0x84: {  	_ =	shalt  }
0x85: {  	_ =	shalt  }
0x86: {  	_ =	shalt  }
0x87: {  	_ =	shalt  }
.Lfunc_end0:
.L_simem_size_0:
called_computation.2_lowered:
.L_overlay_start_0:
0x88: {  	s2 =	sld [smem:$0x3FD9]  }
0x89: {  	s3 =	sld [smem:$0x3FFE];
	_ =	sdelay $0x1  }
0x8a: {  	s1 =	srdreg.scid  }
0x8b: {  	s0 =	sand.u32 $0x1, s1  }
0x8c: {  	s16 =	sshll.u32 s0, $0xA;
	s2 =	sadd.s32 s3, s2  }
0x8d: {  	s2 =	sadd.s32 s2, s16  }
0x8e: {  	[smem:$0x3FB8] =	sst s2  }
0x8f: {  	_ = 	snop  }
0x90: {  	(tm) =	ssettm $0x1  }
0x91: {  	s17 =	sld [smem:$0x3FFB];
	_ =	sdelay $0x3  }
0x92: {  	_ =	strace s17  }
0x93: {  	s2 =	sld [smem:$0x3FFC];
	_ =	sdelay $0x3  }
0x94: {  	_ =	strace s2  }
0x95: {  	s2 =	sld [smem:$0x3FFD];
	_ =	sdelay $0x3  }
0x96: {  	_ =	strace s2  }
0x97: {  	_ =	strace $0x8FFFFFFF  }
0x98: {  	s18 =	sld [smem:$0x3FDB];
	_ =	sdelay $0x1  }
0x99: {  	s19 =	simm.s32 $_scs_section_size  }
0x9a: {  	s4 =	simm.s32 $_size__tile_overlayer_lowered;
	s5 =	simm.s32 $_tile_overlayer_lowered  }
0x9b: {  	s22 =	simm.s32 $0x1BFF;
	s21 =	sshll.u32 s5, $0x1;
	s2 =	sadd.s32 s19, s18  }
0x9c: {  	s6 =	simm.s32 $0x0;
	s20 =	sshll.u32 s4, $0x1;
	s4 =	sadd.s32 s21, s2  }
0x9d: {  	[timem:s6], [sflag:s22] =	dma.local [hbm:s4], s20  }
0x9e: {  	_ =	swait.ge [sflag:s22], s20  }
0x9f: {  	s3 =	ssub.s32 $0x0, s20;
	[sflag:s22] =	ssyncset.done $0x0  }
0xa0: {  	[sflag:s22] =	ssyncadd.s32 s3;
	_ =	sdelay $0x1  }
0xa1: {  	s23 =	simm.s32 $0x1B8B  }
0xa2: {  	_ =	swait.ge [sflag:s23], $0x1  }
0xa3: {  	[sflag:s23] =	ssyncset.done $0x0  }
0xa4: {  	s25 =	simm.s32 $0x1B8E;
	s24 =	sld [smem:$0x3FFE];
	[sflag:s23] =	ssyncadd.s32 $0xFFFFFFFF  }
0xa5: {  	s26 =	simm.s32 $execute0_lowered;
	[smem:$0x3FD2] =	sst s25  }
0xa6: {  	s4 =	sshll.u32 s26, $0x1;
	_ =	strace $0x8000004C;
	[dreg:$0x1] =	wrdreg $0xFFFFFFFF  }
0xa7: {  	s28 =	simm.s32 $_size_execute0_lowered;
	s2 =	sadd.s32 s2, s4;
	[dreg:$0x0] =	wrdreg $0x0  }
0xa8: {  	s4 =	sshll.u32 s28, $0x1;
	[dreg:$0x2] =	wrdreg s2  }
0xa9: {  	[dreg:$0x3] =	wrdreg s4  }
0xaa: {  	[dreg:$0x4] =	wrdreg $0xC0  }
0xab: {  	_ =	task [dreg:s6], $0x5FFFF  }
0xac: {  	[dreg:$0x1] =	wrdreg $0xFFFFFFFF  }
0xad: {  	[dreg:$0x0] =	wrdreg $0x60  }
0xae: {  	[dreg:$0x2] =	wrdreg s24  }
0xaf: {  	[dreg:$0x3] =	wrdreg $0x4A000  }
0xb0: {  	[dreg:$0x4] =	wrdreg $0x9  }
0xb1: {  	_ =	task.clear_ibuf [dreg:s6], $0x5FFFF;
	_ =	strace $0x9000004C  }
0xb2: {  	s29 =	simm.s32 $0x9;
	_ =	strace $0x8000004E  }
0xb3: {  	_ =	swait.ge [sflag:s29], $0x1  }
0xb4: {  	[sflag:s29] =	ssyncadd.s32 $0xFFFFFFFF  }
0xb5: {  	_ =	strace $0x9000004E  }
0xb6: {  	_ =	sfence  }
0xb7: {  	s30 =	sld [smem:$0x0];
	_ =	sdelay $0x2  }
0xb8: {  	s31 =	sshll.u32 s1, $0xD;
	s1 =	sshrl.u32 s1, $0x2  }
0xb9: {  	s3 =	sand.u32 $0x4000, s31;
	s1 =	sadd.s32 s1, s30  }
0xba: {  	s0 =	sor.u32 s3, s0;
	s1 =	sshll.u32 s1, $0x11  }
0xbb: {  	s0 =	sor.u32 s1, s0  }
0xbc: {  	s0 =	sadd.s32 $0x8F2B, s0  }
0xbd: {  	[sflag:s0] =	ssyncadd.remote.s32 $0x1  }
0xbe: {  	_ =	sfence.sel $0xFFFF  }
0xbf: {  	[dreg:$0x0] =	wrdreg $0xFFFFFFFF;
	(pc) =	sbr.abs _section_cstart, $3  }
0xc0: {  	[dreg:$0x1] =	wrdreg $0xFFFFFFFF  }
0xc1: {  	_ =	task.clear_ibuf [dreg:s6], $0x2FFFF;
	_ =	strace $0x9FFFFFFF  }
0xc2: {  	(tm) =	ssettm $0x7FFFFFFF  }
0xc3: {  	_ =	shalt  }
tec
execute0_lowered:
.L_overlay_start_1:
0x0: {  	(tag) =	ssettag $0x1  }
0x1: {  	s0 =	rddreg [dreg:$0x0]  }
0x2: {  	s1 =	rddreg [dreg:$0x1];
	s3 =	simm.s32 $0x0  }
0x3: {  	s2 =	srdreg.scid;
	s11 =	stileid.u32;
	s19 =	simm.s32 $0x4200  }
0x4: {  	s28 =	simm.s32 $0x2;
	s29 =	simm.s32 $0x0;
	[smem:$0x7FF] =	sst s3  }
0x5: {  	s2 =	sand.u32 $0x1, s2;
	s7 =	smul.u32 $0xF000, s11;
	s4 =	sadd.s32 $0x123400, s0  }
0x6: {  	s5 =	sadd.s32 $0x105400, s0;
	s18 =	sadd.s32 $0xDC00, s0;
	s9 =	smul.u32 $0x3C000, s11  }
0x7: {  	s17 =	sadd.s32 $0x5000, s0;
	s20 =	sadd.s32 $0xC800, s0;
	s13 =	smul.u32 $0x1E00, s11  }
0x8: {  	s6 =	smul.u32 $0xF0000, s2;
	_ =	strace $0x8000004D;
	[dreg:$0x3] =	wrdreg s20  }
0x9: {  	s21 =	sshll.u32 s2, $0x4;
	s8 =	ssub.s32 $0x2, s2;
	s2 =	smul.u32 $0x1E000, s2  }
0xa: {  	s20 =	simm.s32 $0x3;
	s22 =	sshrl.u32 s8, $0x1;
	s23 =	sshrl.u32 s9, $0x2  }
0xb: {  	s6 =	sadd.s32 s7, s6;
	s7 =	sor.u32 s11, s21;
	s2 =	sadd.s32 s13, s2  }
0xc: {  	s21 =	simm.s32 $0x80;
	s6 =	sshrl.u32 s6, $0x3;
	s10 =	smul.u32 $0x1E00, s7  }
0xd: {  	s7 =	sadd.s32 s23, s1;
	s26 =	sor.u32 $0x100, s2;
	s2 =	sor.u32 $0x80, s2  }
0xe: {  	s23 =	simm.s32 $0x100;
	s0 =	sadd.s32 s6, s0;
	s6 =	ssub.s32 s8, s22  }
0xf: {  	s30 =	sshrl.u32 s26, $0x3;
	s31 =	sshrl.u32 s2, $0x3;
	s22 =	simm.s32 $0x200  }
0x10: {  	s26 =	simm.s32 $0x1;
	s12 =	sshrl.u32 s10, $0x3;
	s24 =	sadd.s32 $0x141400, s0  }
0x11: {  	s0 =	sadd.s32 $0x17D400, s0;
	s15 =	sadd.s32 s30, s17;
	s16 =	sadd.s32 s30, s18  }
0x12: {  	s8 =	sadd.s32 s18, s12;
	s9 =	sadd.s32 s17, s12;
	[dreg:$0x4] =	wrdreg s24  }
0x13: {  	[dreg:$0x5] =	wrdreg s0;
	s25 =	sadd.s32 $0x3B0, s12;
	s12 =	smax.u32 s6, $0x1  }
0x14: {  	s24 =	simm.s32 $0x180;
	s13 =	sadd.s32 s18, s25;
	s14 =	sadd.s32 s17, s25  }
0x15: {  	s17 =	sadd.s32 s31, s17;
	s18 =	sadd.s32 s31, s18;
	s25 =	simm.s32 $0x2200  }
.LBB2_1:
0x16: {  	s0 =	rddreg [dreg:$0x3]  }
0x17: {  	[tilespmem:s19], [sflag:$0x3] =	stream.linear.gather [hbm4b:s0+s3], $0x800, $0x38;
	[tilespmem:$0x13A00] =	vst v63  }
0x18: {  	_ =	swait.ge [sflag:s20], $0x800  }
0x19: {  	[sflag:s20] =	ssyncset.done $0x0  }
0x1a: {  	s31 =	sadd.s32 $0x0, s7;
	[sflag:s20] =	ssyncadd.s32 $0xFFFFF800  }
0x1b: {  	[spmem:s31] =	stream.linear.scatter [tilespmem:s19], [sflag:$0x3], $0x800, $0x38;
	[tilespmem:$0x13A00] =	vst v63  }
0x1c: {  	s0 =	simm.s32 $0x2000;
	_ =	swait.ge [sflag:s20], $0x800  }
.LBB2_2:
0x1d: {  	s2 =	sshra.s32 s0, $0x2;
	[sflag:s20] =	ssyncset.done $0x0;
	p0 =	sne.s32 s0, $0x3A000  }
.Ltmp0:
0x1e: {  	s2 =	sadd.s32 s2, s7;
	[sflag:s20] =	ssyncadd.s32 $0xFFFFF800;
	(pc) =	sbr.rel @p0 .LBB2_2-.Ltmp0, $3  }
0x1f: {  	[spmem:s2] =	stream.linear.scatter [tilespmem:s19], [sflag:$0x3], $0x800, $0x38;
	[tilespmem:$0x13A00] =	vst v63  }
0x20: {  	s0 =	sadd.s32 $0x2000, s0;
	_ =	sdelay $0x1  }
0x21: {  	_ =	swait.ge [sflag:s20], $0x800  }
0x22: {  	[sflag:s20] =	ssyncset.done $0x0  }
0x23: {  	[sflag:s20] =	ssyncadd.s32 $0xFFFFF800  }
0x24: {  	s0 =	simm.s32 $0x0;
	[bflag:$0x0] =	sbarrier.arrive $0xFFFF  }
0x25: {  	[tilespmem:s0], [sflag:$0x3] =	stream.linear.gather [hbm4b:s8+s0], $0x80, $0x38;
	[tilespmem:$0x13A00] =	vst v63  }
0x26: {  	_ =	swait.ge [sflag:s20], $0x80  }
0x27: {  	[sflag:s20] =	ssyncset.done $0x0  }
0x28: {  	[sflag:s20] =	ssyncadd.s32 $0xFFFFFF80  }
0x29: {  	[tilespmem:s21], [sflag:$0x3] =	stream.linear.gather [hbm4b:s9+s0], $0x80, $0x38;
	[tilespmem:$0x13A00] =	vst v63  }
0x2a: {  	_ =	swait.ge [sflag:s20], $0x80  }
0x2b: {  	[sflag:s20] =	ssyncset.done $0x0  }
0x2c: {  	[sflag:s20] =	ssyncadd.s32 $0xFFFFFF80  }
0x2d: {  	[tilespmem:s22], [sflag:$0x1] =	stream.indirect.gather [hbm4b:s4+s21], $0x40, s0, s21, $0xb8;
	[tilespmem:$0x13A00] =	vst v63  }
0x2e: {  	s6 =	sadd.s32 $0x0, s18  }
0x2f: {  	[tilespmem:s23], [sflag:$0x3] =	stream.linear.gather [hbm4b:s6+s3], $0x80, $0x38;
	[tilespmem:$0x13A00] =	vst v63  }
0x30: {  	_ =	swait.ge [sflag:s20], $0x80  }
0x31: {  	[sflag:s20] =	ssyncset.done $0x0  }
0x32: {  	s10 =	sadd.s32 $0x0, s17;
	[sflag:s20] =	ssyncadd.s32 $0xFFFFFF80  }
0x33: {  	[tilespmem:s24], [sflag:$0x3] =	stream.linear.gather [hbm4b:s10+s3], $0x80, $0x38;
	[tilespmem:$0x13A00] =	vst v63  }
0x34: {  	_ =	swait.ge [sflag:s20], $0x80  }
0x35: {  	[sflag:s20] =	ssyncset.done $0x0  }
0x36: {  	[sflag:s20] =	ssyncadd.s32 $0xFFFFFF80  }
0x37: {  	[tilespmem:s25], [sflag:$0x2] =	stream.indirect.gather [hbm4b:s4+s21], $0x40, s23, s21, $0xb8;
	[tilespmem:$0x13A00] =	vst v63  }
0x38: {  	_ =	swait.ge [sflag:s26], $0x2000  }
0x39: {  	[sflag:s26] =	ssyncset.done $0x0  }
0x3a: {  	[sflag:s26] =	ssyncadd.s32 $0xFFFFE000  }
0x3b: {  	[spmem:s1] =	stream.indirect.scatter.add.f32 [tilespmem:s22], [sflag:$0x3], $0x40, s21, s21, $0xb8;
	[tilespmem:$0x13A00] =	vst v63  }
0x3c: {  	_ =	swait.ge [sflag:s20], $0x2000  }
0x3d: {  	[sflag:s20] =	ssyncset.done $0x0  }
0x3e: {  	s11 =	sadd.s32 $0x0, s16;
	[sflag:s20] =	ssyncadd.s32 $0xFFFFE000  }
0x3f: {  	[tilespmem:s3], [sflag:$0x3] =	stream.linear.gather [hbm4b:s11+s3], $0x80, $0x38;
	[tilespmem:$0x13A00] =	vst v63  }
0x40: {  	_ =	swait.ge [sflag:s20], $0x80  }
0x41: {  	[sflag:s20] =	ssyncset.done $0x0  }
0x42: {  	s31 =	sadd.s32 $0x0, s15;
	[sflag:s20] =	ssyncadd.s32 $0xFFFFFF80  }
0x43: {  	[tilespmem:s21], [sflag:$0x3] =	stream.linear.gather [hbm4b:s31+s3], $0x80, $0x38;
	[tilespmem:$0x13A00] =	vst v63  }
0x44: {  	_ =	swait.ge [sflag:s20], $0x80  }
0x45: {  	[sflag:s20] =	ssyncset.done $0x0  }
0x46: {  	[sflag:s20] =	ssyncadd.s32 $0xFFFFFF80  }
0x47: {  	[tilespmem:s22], [sflag:$0x1] =	stream.indirect.gather [hbm4b:s4+s21], $0x40, s3, s21, $0xb8;
	[tilespmem:$0x13A00] =	vst v63  }
0x48: {  	_ =	swait.ge [sflag:s28], $0x2000  }
0x49: {  	[sflag:s28] =	ssyncset.done $0x0  }
0x4a: {  	[sflag:s28] =	ssyncadd.s32 $0xFFFFE000  }
0x4b: {  	[spmem:s1] =	stream.indirect.scatter.add.f32 [tilespmem:s25], [sflag:$0x3], $0x40, s24, s21, $0xb8;
	[tilespmem:$0x13A00] =	vst v63  }
0x4c: {  	_ =	swait.ge [sflag:s20], $0x2000  }
0x4d: {  	s30 =	simm.s32 $0x20;
	s2 =	simm.s32 $0x40;
	[sflag:s20] =	ssyncset.done $0x0  }
.LBB2_4:
0x4e: {  	s6 =	sadd.s32 s30, s18  }
0x4f: {  	[sflag:s20] =	ssyncadd.s32 $0xFFFFE000;
	s31 =	smov.u32 s2;
	s0 =	sadd.s32 $0x20, s2  }
0x50: {  	[tilespmem:s23], [sflag:$0x3] =	stream.linear.gather [hbm4b:s6+s3], $0x80, $0x38;
	[tilespmem:$0x13A00] =	vst v63  }
0x51: {  	p0 =	sne.s32 s2, $0x380;
	_ =	swait.ge [sflag:s20], $0x80  }
0x52: {  	[sflag:s20] =	ssyncset.done $0x0  }
0x53: {  	s2 =	sadd.s32 s30, s17;
	[sflag:s20] =	ssyncadd.s32 $0xFFFFFF80  }
0x54: {  	[tilespmem:s24], [sflag:$0x3] =	stream.linear.gather [hbm4b:s2+s3], $0x80, $0x38;
	[tilespmem:$0x13A00] =	vst v63  }
0x55: {  	_ =	swait.ge [sflag:s20], $0x80  }
0x56: {  	[sflag:s20] =	ssyncset.done $0x0  }
0x57: {  	[sflag:s20] =	ssyncadd.s32 $0xFFFFFF80  }
0x58: {  	[tilespmem:s25], [sflag:$0x2] =	stream.indirect.gather [hbm4b:s4+s21], $0x40, s23, s21, $0xb8;
	[tilespmem:$0x13A00] =	vst v63  }
0x59: {  	_ =	swait.ge [sflag:s26], $0x2000  }
0x5a: {  	[sflag:s26] =	ssyncset.done $0x0  }
0x5b: {  	[sflag:s26] =	ssyncadd.s32 $0xFFFFE000  }
0x5c: {  	[spmem:s1] =	stream.indirect.scatter.add.f32 [tilespmem:s22], [sflag:$0x3], $0x40, s21, s21, $0xb8;
	[tilespmem:$0x13A00] =	vst v63  }
0x5d: {  	_ =	swait.ge [sflag:s20], $0x2000  }
0x5e: {  	[sflag:s20] =	ssyncset.done $0x0  }
0x5f: {  	s2 =	sadd.s32 s30, s16;
	[sflag:s20] =	ssyncadd.s32 $0xFFFFE000  }
0x60: {  	[tilespmem:s3], [sflag:$0x3] =	stream.linear.gather [hbm4b:s2+s3], $0x80, $0x38;
	[tilespmem:$0x13A00] =	vst v63  }
0x61: {  	_ =	swait.ge [sflag:s20], $0x80  }
0x62: {  	[sflag:s20] =	ssyncset.done $0x0  }
0x63: {  	s2 =	sadd.s32 s30, s15;
	s30 =	smov.u32 s31;
	[sflag:s20] =	ssyncadd.s32 $0xFFFFFF80  }
0x64: {  	[tilespmem:s21], [sflag:$0x3] =	stream.linear.gather [hbm4b:s2+s3], $0x80, $0x38;
	[tilespmem:$0x13A00] =	vst v63  }
0x65: {  	_ =	swait.ge [sflag:s20], $0x80  }
0x66: {  	[sflag:s20] =	ssyncset.done $0x0  }
0x67: {  	[sflag:s20] =	ssyncadd.s32 $0xFFFFFF80  }
0x68: {  	[tilespmem:s22], [sflag:$0x1] =	stream.indirect.gather [hbm4b:s4+s21], $0x40, s3, s21, $0xb8;
	[tilespmem:$0x13A00] =	vst v63  }
0x69: {  	_ =	swait.ge [sflag:s28], $0x2000  }
.Ltmp1:
0x6a: {  	[sflag:s28] =	ssyncset.done $0x0;
	(pc) =	sbr.rel @p0 .LBB2_4-.Ltmp1, $4  }
0x6b: {  	[sflag:s28] =	ssyncadd.s32 $0xFFFFE000  }
0x6c: {  	[spmem:s1] =	stream.indirect.scatter.add.f32 [tilespmem:s25], [sflag:$0x3], $0x40, s24, s21, $0xb8;
	[tilespmem:$0x13A00] =	vst v63  }
0x6d: {  	_ =	swait.ge [sflag:s20], $0x2000  }
0x6e: {  	s2 =	smov.u32 s0;
	[sflag:s20] =	ssyncset.done $0x0  }
0x6f: {  	s0 =	sadd.s32 s30, s18;
	[sflag:s20] =	ssyncadd.s32 $0xFFFFE000  }
0x70: {  	[tilespmem:s23], [sflag:$0x3] =	stream.linear.gather [hbm4b:s0+s3], $0x80, $0x38;
	[tilespmem:$0x13A00] =	vst v63  }
0x71: {  	_ =	swait.ge [sflag:s20], $0x80  }
0x72: {  	[sflag:s20] =	ssyncset.done $0x0  }
0x73: {  	s6 =	sadd.s32 s30, s17;
	[sflag:s20] =	ssyncadd.s32 $0xFFFFFF80  }
0x74: {  	[tilespmem:s24], [sflag:$0x3] =	stream.linear.gather [hbm4b:s6+s3], $0x80, $0x38;
	[tilespmem:$0x13A00] =	vst v63  }
0x75: {  	_ =	swait.ge [sflag:s20], $0x80  }
0x76: {  	[sflag:s20] =	ssyncset.done $0x0  }
0x77: {  	[sflag:s20] =	ssyncadd.s32 $0xFFFFFF80  }
0x78: {  	[tilespmem:s25], [sflag:$0x2] =	stream.indirect.gather [hbm4b:s4+s21], $0x40, s23, s21, $0xb8;
	[tilespmem:$0x13A00] =	vst v63  }
0x79: {  	_ =	swait.ge [sflag:s26], $0x2000  }
0x7a: {  	[sflag:s26] =	ssyncset.done $0x0  }
0x7b: {  	[sflag:s26] =	ssyncadd.s32 $0xFFFFE000  }
0x7c: {  	[spmem:s1] =	stream.indirect.scatter.add.f32 [tilespmem:s22], [sflag:$0x3], $0x40, s21, s21, $0xb8;
	[tilespmem:$0x13A00] =	vst v63  }
0x7d: {  	_ =	swait.ge [sflag:s20], $0x2000  }
0x7e: {  	[sflag:s20] =	ssyncset.done $0x0  }
0x7f: {  	s10 =	sadd.s32 s30, s16;
	[sflag:s20] =	ssyncadd.s32 $0xFFFFE000  }
0x80: {  	[tilespmem:s3], [sflag:$0x3] =	stream.linear.gather [hbm4b:s10+s3], $0x80, $0x38;
	[tilespmem:$0x13A00] =	vst v63  }
0x81: {  	_ =	swait.ge [sflag:s20], $0x80  }
0x82: {  	[sflag:s20] =	ssyncset.done $0x0  }
0x83: {  	s11 =	sadd.s32 s30, s15;
	[sflag:s20] =	ssyncadd.s32 $0xFFFFFF80  }
0x84: {  	[tilespmem:s21], [sflag:$0x3] =	stream.linear.gather [hbm4b:s11+s3], $0x80, $0x38;
	[tilespmem:$0x13A00] =	vst v63  }
0x85: {  	_ =	swait.ge [sflag:s20], $0x80  }
0x86: {  	[sflag:s20] =	ssyncset.done $0x0  }
0x87: {  	[sflag:s20] =	ssyncadd.s32 $0xFFFFFF80  }
0x88: {  	[tilespmem:s22], [sflag:$0x1] =	stream.indirect.gather [hbm4b:s4+s21], $0x40, s3, s21, $0xb8;
	[tilespmem:$0x13A00] =	vst v63  }
0x89: {  	_ =	swait.ge [sflag:s28], $0x2000  }
0x8a: {  	[sflag:s28] =	ssyncset.done $0x0  }
0x8b: {  	[sflag:s28] =	ssyncadd.s32 $0xFFFFE000  }
0x8c: {  	[spmem:s1] =	stream.indirect.scatter.add.f32 [tilespmem:s25], [sflag:$0x3], $0x40, s24, s21, $0xb8;
	[tilespmem:$0x13A00] =	vst v63  }
0x8d: {  	_ =	swait.ge [sflag:s20], $0x2000  }
0x8e: {  	[sflag:s20] =	ssyncset.done $0x0  }
0x8f: {  	s2 =	simm.s32 $0x0;
	[sflag:s20] =	ssyncadd.s32 $0xFFFFE000  }
0x90: {  	[tilespmem:s23], [sflag:$0x3] =	stream.linear.gather [hbm4b:s13+s2], $0x80, $0x38;
	[tilespmem:$0x13A00] =	vst v63  }
0x91: {  	_ =	swait.ge [sflag:s20], $0x80  }
0x92: {  	[sflag:s20] =	ssyncset.done $0x0  }
0x93: {  	[sflag:s20] =	ssyncadd.s32 $0xFFFFFF80  }
0x94: {  	[tilespmem:s24], [sflag:$0x3] =	stream.linear.gather [hbm4b:s14+s2], $0x80, $0x38;
	[tilespmem:$0x13A00] =	vst v63  }
0x95: {  	_ =	swait.ge [sflag:s20], $0x80  }
0x96: {  	[sflag:s20] =	ssyncset.done $0x0  }
0x97: {  	[sflag:s20] =	ssyncadd.s32 $0xFFFFFF80  }
0x98: {  	[tilespmem:s25], [sflag:$0x2] =	stream.indirect.gather [hbm4b:s4+s21], $0x40, s23, s21, $0xb8;
	[tilespmem:$0x13A00] =	vst v63  }
0x99: {  	_ =	swait.ge [sflag:s26], $0x2000  }
0x9a: {  	[sflag:s26] =	ssyncset.done $0x0  }
0x9b: {  	[sflag:s26] =	ssyncadd.s32 $0xFFFFE000  }
0x9c: {  	[spmem:s1] =	stream.indirect.scatter.add.f32 [tilespmem:s22], [sflag:$0x3], $0x40, s21, s21, $0xb8;
	[tilespmem:$0x13A00] =	vst v63  }
0x9d: {  	_ =	swait.ge [sflag:s20], $0x2000  }
0x9e: {  	[sflag:s20] =	ssyncset.done $0x0  }
0x9f: {  	[sflag:s20] =	ssyncadd.s32 $0xFFFFE000  }
0xa0: {  	_ =	swait.ge [sflag:s28], $0x2000  }
0xa1: {  	[sflag:s28] =	ssyncset.done $0x0  }
0xa2: {  	[sflag:s28] =	ssyncadd.s32 $0xFFFFE000  }
0xa3: {  	[spmem:s1] =	stream.indirect.scatter.add.f32 [tilespmem:s25], [sflag:$0x3], $0x40, s24, s21, $0xb8;
	[tilespmem:$0x13A00] =	vst v63  }
0xa4: {  	_ =	swait.ge [sflag:s20], $0x2000  }
0xa5: {  	[sflag:s20] =	ssyncset.done $0x0  }
0xa6: {  	s6 =	stileid.u32;
	[sflag:s20] =	ssyncadd.s32 $0xFFFFE000  }
0xa7: {  	s0 =	sshll.u32 s6, $0x6;
	[bflag:$0x0] =	sbarrier.arrive $0xFFFF  }
0xa8: {  	s31 =	sshrl.u32 s7, $0x3;
	s30 =	sor.u32 $0x1C03, s0;
	s10 =	rddreg [dreg:$0x4]  }
0xa9: {  	[hbm:s10], [sflag:s30] =	dma.local [spmem:s31], $0x1E00  }
0xaa: {  	_ =	swait.ge [sflag:s20], $0x1E00  }
0xab: {  	[sflag:s20] =	ssyncset.done $0x0  }
0xac: {  	s11 =	sadd.s32 $0x0, s7;
	[sflag:s20] =	ssyncadd.s32 $0xFFFFE200  }
0xad: {  	[spmem:s11] =	stream.linear.scatter [tilespmem:s19], [sflag:$0x3], $0x800, $0x38;
	[tilespmem:$0x13A00] =	vst v63  }
0xae: {  	s0 =	simm.s32 $0x2000;
	_ =	swait.ge [sflag:s20], $0x800  }
.LBB2_6:
0xaf: {  	s2 =	sshra.s32 s0, $0x2;
	[sflag:s20] =	ssyncset.done $0x0;
	p0 =	sne.s32 s0, $0x3A000  }
.Ltmp2:
0xb0: {  	s2 =	sadd.s32 s2, s7;
	[sflag:s20] =	ssyncadd.s32 $0xFFFFF800;
	(pc) =	sbr.rel @p0 .LBB2_6-.Ltmp2, $3  }
0xb1: {  	[spmem:s2] =	stream.linear.scatter [tilespmem:s19], [sflag:$0x3], $0x800, $0x38;
	[tilespmem:$0x13A00] =	vst v63  }
0xb2: {  	s0 =	sadd.s32 $0x2000, s0;
	_ =	sdelay $0x1  }
0xb3: {  	_ =	swait.ge [sflag:s20], $0x800  }
0xb4: {  	[sflag:s20] =	ssyncset.done $0x0  }
0xb5: {  	[sflag:s20] =	ssyncadd.s32 $0xFFFFF800  }
0xb6: {  	s0 =	simm.s32 $0x0;
	[bflag:$0x0] =	sbarrier.arrive $0xFFFF  }
0xb7: {  	[tilespmem:s0], [sflag:$0x3] =	stream.linear.gather [hbm4b:s8+s0], $0x80, $0x38;
	[tilespmem:$0x13A00] =	vst v63  }
0xb8: {  	_ =	swait.ge [sflag:s20], $0x80  }
0xb9: {  	[sflag:s20] =	ssyncset.done $0x0  }
0xba: {  	[sflag:s20] =	ssyncadd.s32 $0xFFFFFF80  }
0xbb: {  	[tilespmem:s21], [sflag:$0x3] =	stream.linear.gather [hbm4b:s9+s0], $0x80, $0x38;
	[tilespmem:$0x13A00] =	vst v63  }
0xbc: {  	_ =	swait.ge [sflag:s20], $0x80  }
0xbd: {  	[sflag:s20] =	ssyncset.done $0x0  }
0xbe: {  	[sflag:s20] =	ssyncadd.s32 $0xFFFFFF80  }
0xbf: {  	[tilespmem:s22], [sflag:$0x1] =	stream.indirect.gather [hbm4b:s5+s21], $0x40, s0, s21, $0xb8;
	[tilespmem:$0x13A00] =	vst v63  }
0xc0: {  	s2 =	sadd.s32 $0x0, s18  }
0xc1: {  	[tilespmem:s23], [sflag:$0x3] =	stream.linear.gather [hbm4b:s2+s3], $0x80, $0x38;
	[tilespmem:$0x13A00] =	vst v63  }
0xc2: {  	_ =	swait.ge [sflag:s20], $0x80  }
0xc3: {  	[sflag:s20] =	ssyncset.done $0x0  }
0xc4: {  	s6 =	sadd.s32 $0x0, s17;
	[sflag:s20] =	ssyncadd.s32 $0xFFFFFF80  }
0xc5: {  	[tilespmem:s24], [sflag:$0x3] =	stream.linear.gather [hbm4b:s6+s3], $0x80, $0x38;
	[tilespmem:$0x13A00] =	vst v63  }
0xc6: {  	_ =	swait.ge [sflag:s20], $0x80  }
0xc7: {  	[sflag:s20] =	ssyncset.done $0x0  }
0xc8: {  	[sflag:s20] =	ssyncadd.s32 $0xFFFFFF80  }
0xc9: {  	[tilespmem:s25], [sflag:$0x2] =	stream.indirect.gather [hbm4b:s5+s21], $0x40, s23, s21, $0xb8;
	[tilespmem:$0x13A00] =	vst v63  }
0xca: {  	_ =	swait.ge [sflag:s26], $0x2000  }
0xcb: {  	[sflag:s26] =	ssyncset.done $0x0  }
0xcc: {  	[sflag:s26] =	ssyncadd.s32 $0xFFFFE000  }
0xcd: {  	[spmem:s1] =	stream.indirect.scatter.add.f32 [tilespmem:s22], [sflag:$0x3], $0x40, s21, s21, $0xb8;
	[tilespmem:$0x13A00] =	vst v63  }
0xce: {  	_ =	swait.ge [sflag:s20], $0x2000  }
0xcf: {  	[sflag:s20] =	ssyncset.done $0x0  }
0xd0: {  	s10 =	sadd.s32 $0x0, s16;
	[sflag:s20] =	ssyncadd.s32 $0xFFFFE000  }
0xd1: {  	[tilespmem:s3], [sflag:$0x3] =	stream.linear.gather [hbm4b:s10+s3], $0x80, $0x38;
	[tilespmem:$0x13A00] =	vst v63  }
0xd2: {  	_ =	swait.ge [sflag:s20], $0x80  }
0xd3: {  	[sflag:s20] =	ssyncset.done $0x0  }
0xd4: {  	s11 =	sadd.s32 $0x0, s15;
	[sflag:s20] =	ssyncadd.s32 $0xFFFFFF80  }
0xd5: {  	[tilespmem:s21], [sflag:$0x3] =	stream.linear.gather [hbm4b:s11+s3], $0x80, $0x38;
	[tilespmem:$0x13A00] =	vst v63  }
0xd6: {  	_ =	swait.ge [sflag:s20], $0x80  }
0xd7: {  	[sflag:s20] =	ssyncset.done $0x0  }
0xd8: {  	[sflag:s20] =	ssyncadd.s32 $0xFFFFFF80  }
0xd9: {  	[tilespmem:s22], [sflag:$0x1] =	stream.indirect.gather [hbm4b:s5+s21], $0x40, s3, s21, $0xb8;
	[tilespmem:$0x13A00] =	vst v63  }
0xda: {  	_ =	swait.ge [sflag:s28], $0x2000  }
0xdb: {  	[sflag:s28] =	ssyncset.done $0x0  }
0xdc: {  	[sflag:s28] =	ssyncadd.s32 $0xFFFFE000  }
0xdd: {  	[spmem:s1] =	stream.indirect.scatter.add.f32 [tilespmem:s25], [sflag:$0x3], $0x40, s24, s21, $0xb8;
	[tilespmem:$0x13A00] =	vst v63  }
0xde: {  	_ =	swait.ge [sflag:s20], $0x2000  }
0xdf: {  	s0 =	simm.s32 $0x20;
	s2 =	simm.s32 $0x40;
	[sflag:s20] =	ssyncset.done $0x0  }
.LBB2_8:
0xe0: {  	s10 =	sadd.s32 s0, s18  }
0xe1: {  	[sflag:s20] =	ssyncadd.s32 $0xFFFFE000;
	s11 =	smov.u32 s2;
	s6 =	sadd.s32 $0x20, s2  }
0xe2: {  	[tilespmem:s23], [sflag:$0x3] =	stream.linear.gather [hbm4b:s10+s3], $0x80, $0x38;
	[tilespmem:$0x13A00] =	vst v63  }
0xe3: {  	p0 =	sne.s32 s2, $0x380;
	_ =	swait.ge [sflag:s20], $0x80  }
0xe4: {  	[sflag:s20] =	ssyncset.done $0x0  }
0xe5: {  	s2 =	sadd.s32 s0, s17;
	[sflag:s20] =	ssyncadd.s32 $0xFFFFFF80  }
0xe6: {  	[tilespmem:s24], [sflag:$0x3] =	stream.linear.gather [hbm4b:s2+s3], $0x80, $0x38;
	[tilespmem:$0x13A00] =	vst v63  }
0xe7: {  	_ =	swait.ge [sflag:s20], $0x80  }
0xe8: {  	[sflag:s20] =	ssyncset.done $0x0  }
0xe9: {  	[sflag:s20] =	ssyncadd.s32 $0xFFFFFF80  }
0xea: {  	[tilespmem:s25], [sflag:$0x2] =	stream.indirect.gather [hbm4b:s5+s21], $0x40, s23, s21, $0xb8;
	[tilespmem:$0x13A00] =	vst v63  }
0xeb: {  	_ =	swait.ge [sflag:s26], $0x2000  }
0xec: {  	[sflag:s26] =	ssyncset.done $0x0  }
0xed: {  	[sflag:s26] =	ssyncadd.s32 $0xFFFFE000  }
0xee: {  	[spmem:s1] =	stream.indirect.scatter.add.f32 [tilespmem:s22], [sflag:$0x3], $0x40, s21, s21, $0xb8;
	[tilespmem:$0x13A00] =	vst v63  }
0xef: {  	_ =	swait.ge [sflag:s20], $0x2000  }
0xf0: {  	[sflag:s20] =	ssyncset.done $0x0  }
0xf1: {  	s2 =	sadd.s32 s0, s16;
	[sflag:s20] =	ssyncadd.s32 $0xFFFFE000  }
0xf2: {  	[tilespmem:s3], [sflag:$0x3] =	stream.linear.gather [hbm4b:s2+s3], $0x80, $0x38;
	[tilespmem:$0x13A00] =	vst v63  }
0xf3: {  	_ =	swait.ge [sflag:s20], $0x80  }
0xf4: {  	[sflag:s20] =	ssyncset.done $0x0  }
0xf5: {  	s2 =	sadd.s32 s0, s15;
	s0 =	smov.u32 s11;
	[sflag:s20] =	ssyncadd.s32 $0xFFFFFF80  }
0xf6: {  	[tilespmem:s21], [sflag:$0x3] =	stream.linear.gather [hbm4b:s2+s3], $0x80, $0x38;
	[tilespmem:$0x13A00] =	vst v63  }
0xf7: {  	_ =	swait.ge [sflag:s20], $0x80  }
0xf8: {  	[sflag:s20] =	ssyncset.done $0x0  }
0xf9: {  	[sflag:s20] =	ssyncadd.s32 $0xFFFFFF80  }
0xfa: {  	[tilespmem:s22], [sflag:$0x1] =	stream.indirect.gather [hbm4b:s5+s21], $0x40, s3, s21, $0xb8;
	[tilespmem:$0x13A00] =	vst v63  }
0xfb: {  	_ =	swait.ge [sflag:s28], $0x2000  }
.Ltmp3:
0xfc: {  	[sflag:s28] =	ssyncset.done $0x0;
	(pc) =	sbr.rel @p0 .LBB2_8-.Ltmp3, $4  }
0xfd: {  	[sflag:s28] =	ssyncadd.s32 $0xFFFFE000  }
0xfe: {  	[spmem:s1] =	stream.indirect.scatter.add.f32 [tilespmem:s25], [sflag:$0x3], $0x40, s24, s21, $0xb8;
	[tilespmem:$0x13A00] =	vst v63  }
0xff: {  	_ =	swait.ge [sflag:s20], $0x2000  }
0x100: {  	s2 =	smov.u32 s6;
	[sflag:s20] =	ssyncset.done $0x0  }
0x101: {  	s2 =	sadd.s32 s0, s18;
	[sflag:s20] =	ssyncadd.s32 $0xFFFFE000  }
0x102: {  	[tilespmem:s23], [sflag:$0x3] =	stream.linear.gather [hbm4b:s2+s3], $0x80, $0x38;
	[tilespmem:$0x13A00] =	vst v63  }
0x103: {  	_ =	swait.ge [sflag:s20], $0x80  }
0x104: {  	[sflag:s20] =	ssyncset.done $0x0  }
0x105: {  	s11 =	sadd.s32 s0, s17;
	[sflag:s20] =	ssyncadd.s32 $0xFFFFFF80  }
0x106: {  	[tilespmem:s24], [sflag:$0x3] =	stream.linear.gather [hbm4b:s11+s3], $0x80, $0x38;
	[tilespmem:$0x13A00] =	vst v63  }
0x107: {  	_ =	swait.ge [sflag:s20], $0x80  }
0x108: {  	[sflag:s20] =	ssyncset.done $0x0  }
0x109: {  	[sflag:s20] =	ssyncadd.s32 $0xFFFFFF80  }
0x10a: {  	[tilespmem:s25], [sflag:$0x2] =	stream.indirect.gather [hbm4b:s5+s21], $0x40, s23, s21, $0xb8;
	[tilespmem:$0x13A00] =	vst v63  }
0x10b: {  	_ =	swait.ge [sflag:s26], $0x2000  }
0x10c: {  	[sflag:s26] =	ssyncset.done $0x0  }
0x10d: {  	[sflag:s26] =	ssyncadd.s32 $0xFFFFE000  }
0x10e: {  	[spmem:s1] =	stream.indirect.scatter.add.f32 [tilespmem:s22], [sflag:$0x3], $0x40, s21, s21, $0xb8;
	[tilespmem:$0x13A00] =	vst v63  }
0x10f: {  	_ =	swait.ge [sflag:s20], $0x2000  }
0x110: {  	[sflag:s20] =	ssyncset.done $0x0  }
0x111: {  	s6 =	sadd.s32 s0, s16;
	[sflag:s20] =	ssyncadd.s32 $0xFFFFE000  }
0x112: {  	[tilespmem:s3], [sflag:$0x3] =	stream.linear.gather [hbm4b:s6+s3], $0x80, $0x38;
	[tilespmem:$0x13A00] =	vst v63  }
0x113: {  	_ =	swait.ge [sflag:s20], $0x80  }
0x114: {  	[sflag:s20] =	ssyncset.done $0x0  }
0x115: {  	s10 =	sadd.s32 s0, s15;
	[sflag:s20] =	ssyncadd.s32 $0xFFFFFF80  }
0x116: {  	[tilespmem:s21], [sflag:$0x3] =	stream.linear.gather [hbm4b:s10+s3], $0x80, $0x38;
	[tilespmem:$0x13A00] =	vst v63  }
0x117: {  	_ =	swait.ge [sflag:s20], $0x80  }
0x118: {  	[sflag:s20] =	ssyncset.done $0x0  }
0x119: {  	[sflag:s20] =	ssyncadd.s32 $0xFFFFFF80  }
0x11a: {  	[tilespmem:s22], [sflag:$0x1] =	stream.indirect.gather [hbm4b:s5+s21], $0x40, s3, s21, $0xb8;
	[tilespmem:$0x13A00] =	vst v63  }
0x11b: {  	_ =	swait.ge [sflag:s28], $0x2000  }
0x11c: {  	[sflag:s28] =	ssyncset.done $0x0  }
0x11d: {  	[sflag:s28] =	ssyncadd.s32 $0xFFFFE000  }
0x11e: {  	[spmem:s1] =	stream.indirect.scatter.add.f32 [tilespmem:s25], [sflag:$0x3], $0x40, s24, s21, $0xb8;
	[tilespmem:$0x13A00] =	vst v63  }
0x11f: {  	_ =	swait.ge [sflag:s20], $0x2000  }
0x120: {  	[sflag:s20] =	ssyncset.done $0x0  }
0x121: {  	[sflag:s20] =	ssyncadd.s32 $0xFFFFE000  }
0x122: {  	[tilespmem:s23], [sflag:$0x3] =	stream.linear.gather [hbm4b:s13+s3], $0x80, $0x38;
	[tilespmem:$0x13A00] =	vst v63  }
0x123: {  	_ =	swait.ge [sflag:s20], $0x80  }
0x124: {  	[sflag:s20] =	ssyncset.done $0x0  }
0x125: {  	[sflag:s20] =	ssyncadd.s32 $0xFFFFFF80  }
0x126: {  	[tilespmem:s24], [sflag:$0x3] =	stream.linear.gather [hbm4b:s14+s3], $0x80, $0x38;
	[tilespmem:$0x13A00] =	vst v63  }
0x127: {  	_ =	swait.ge [sflag:s20], $0x80  }
0x128: {  	[sflag:s20] =	ssyncset.done $0x0  }
0x129: {  	[sflag:s20] =	ssyncadd.s32 $0xFFFFFF80  }
0x12a: {  	[tilespmem:s25], [sflag:$0x2] =	stream.indirect.gather [hbm4b:s5+s21], $0x40, s23, s21, $0xb8;
	[tilespmem:$0x13A00] =	vst v63  }
0x12b: {  	_ =	swait.ge [sflag:s26], $0x2000  }
0x12c: {  	[sflag:s26] =	ssyncset.done $0x0  }
0x12d: {  	[sflag:s26] =	ssyncadd.s32 $0xFFFFE000  }
0x12e: {  	[spmem:s1] =	stream.indirect.scatter.add.f32 [tilespmem:s22], [sflag:$0x3], $0x40, s21, s21, $0xb8;
	[tilespmem:$0x13A00] =	vst v63  }
0x12f: {  	_ =	swait.ge [sflag:s20], $0x2000  }
0x130: {  	[sflag:s20] =	ssyncset.done $0x0  }
0x131: {  	[sflag:s20] =	ssyncadd.s32 $0xFFFFE000  }
0x132: {  	_ =	swait.ge [sflag:s28], $0x2000  }
0x133: {  	[sflag:s28] =	ssyncset.done $0x0  }
0x134: {  	[sflag:s28] =	ssyncadd.s32 $0xFFFFE000  }
0x135: {  	[spmem:s1] =	stream.indirect.scatter.add.f32 [tilespmem:s25], [sflag:$0x3], $0x40, s24, s21, $0xb8;
	[tilespmem:$0x13A00] =	vst v63  }
0x136: {  	_ =	swait.ge [sflag:s20], $0x2000  }
0x137: {  	[sflag:s20] =	ssyncset.done $0x0  }
0x138: {  	s29 =	sadd.s32 $0x1, s29;
	[sflag:s20] =	ssyncadd.s32 $0xFFFFE000  }
0x139: {  	p0 =	sne.s32 s29, s12;
	[bflag:$0x0] =	sbarrier.arrive $0xFFFF  }
.Ltmp4:
0x13a: {  	s11 =	rddreg [dreg:$0x5];
	(pc) =	sbr.rel @p0 .LBB2_1-.Ltmp4, $4  }
0x13b: {  	[hbm:s11], [sflag:s30] =	dma.local [spmem:s31], $0x1E00  }
0x13c: {  	_ =	swait.ge [sflag:s20], $0x1E00  }
0x13d: {  	[sflag:s20] =	ssyncset.done $0x0  }
0x13e: {  	[sflag:s20] =	ssyncadd.s32 $0xFFFFE200  }
0x13f: {  	_ =	sfence.sel $0x180000  }
0x140: {  	[bflag:$0x0] =	sbarrier.arrive $0xFFFF  }
0x141: {  	_ =	strace $0x9000004D  }
0x142: {  	s0 =	stileid.u32;
	[bflag:$0x2] =	sbarrier.arrive $0xFFFF  }
0x143: {  	p0 =	sne.s32 s0, $0x0;
	s0 =	rddreg [dreg:$0x2]  }
0x144: {  	s0 =	sadd.s32 @!p0 $0x100000, s0  }
0x145: {  	[sflag:s0] =	ssyncadd.tile.s32 @!p0 $0x1;
	_ =	shalt  }
.Lfunc_end2:
_tile_overlayer_lowered:
.L_overlay_start_2:
0x146: {  	(tag) =	ssettag $0x2  }
0x147: {  	s0 =	rddreg [dreg:$0x0];
	s2 =	stileid.u32  }
0x148: {  	s1 =	rddreg [dreg:$0x1];
	p0 =	sne.s32 s2, $0x0  }
0x149: {  	s3 =	rddreg [dreg:$0x2];
	[bflag:$0x3] =	sbarrier.arrive $0xFFFF;
	s2 =	simm.s32 @!p0 $0x1C03  }
0x14a: {  	[timem:s3], [sflag:s2] =	dma.local @!p0 [hbm:s0], s1  }
0x14b: {  	s0 =	simm.s32 @!p0 $0x3  }
0x14c: {  	_ =	swait.ge @!p0 [sflag:s0], s1  }
0x14d: {  	s1 =	ssub.s32 @!p0 $0x0, s1;
	[sflag:s0] =	ssyncset.done @!p0 $0x0  }
0x14e: {  	[sflag:s0] =	ssyncadd.s32 @!p0 s1  }
0x14f: {  	[bflag:$0x3] =	sbarrier.arrive $0xFFFF  }
0x150: {  	_ =	shalt  }

// kernel: kernel.21.cloned.1.call-start
scs
__scs_entry_jumppad:
0x0: {  	(pc) =	sbr.rel $0x88, $3  }
0x1: {  	(tag) =	ssettag $0x0;
	lr =	simm.s32 $0x1  }
0x2: {  	[smem:$0x3F91] =	sst lr;
	_ =	strace $0xD0000000  }
0x3: {  	_ = 	snop  }
0x4: {  	_ = 	snop  }
0x5: {  	_ = 	snop  }
0x6: {  	_ = 	snop  }
0x7: {  	_ = 	snop  }
__scs_overlays_trampoline_lowered:
0x8: {  	[smem:$0x3FA0] =	sst s0  }
0x9: {  	[smem:$0x3FA1] =	sst s1  }
0xa: {  	[smem:$0x3FA2] =	sst s2  }
0xb: {  	[smem:$0x3FA3] =	sst s3  }
0xc: {  	[smem:$0x3FA4] =	sst s4  }
0xd: {  	[smem:$0x3FA5] =	sst s5  }
0xe: {  	[smem:$0x3FA6] =	sst s6  }
0xf: {  	[smem:$0x3FA7] =	sst s7  }
0x10: {  	[smem:$0x3FA8] =	sst s8  }
0x11: {  	[smem:$0x3FA9] =	sst s9;
	s0 =	simm.s32 @!p0 $0x0  }
0x12: {  	s1 =	sld [smem:$0x3F8F];
	s0 =	simm.s32 @p0 $0x1  }
0x13: {  	[smem:$0x3FAA] =	sst s0;
	s0 =	simm.s32 @!p1 $0x0  }
0x14: {  	s2 =	sld [smem:$0x3F8E];
	s0 =	simm.s32 @p1 $0x1  }
0x15: {  	[smem:$0x3FAB] =	sst s0;
	s0 =	simm.s32 @!p2 $0x0  }
0x16: {  	s3 =	sld [smem:$0x3FDB];
	s0 =	simm.s32 @p2 $0x1  }
0x17: {  	s4 =	simm.s32 $0x1BF5;
	[smem:$0x3FAD] =	sst s0  }
0x18: {  	s0 =	sld [smem:$0x3F90];
	_ =	swait.ge [sflag:s4], $0x0  }
0x19: {  	s7 =	sld [smem:$0x3F91]  }
0x1a: {  	s8 =	sadd.s32 $0xFFFFE003, lr  }
0x1b: {  	s9 =	sadd.s32 $0xFFFFFEF7, lr;
	s5 =	simm.s32 $0xFFFFFFFF;
	p2 =	slt.u32 s8, $0xFFFFF086  }
0x1c: {  	p1 =	slt.u32 s9, $0xF7A;
	s5 =	simm.s32 @!p2 $0x0  }
0x1d: {  	s5 =	simm.s32 @p1 $0x1;
	p0 =	seq.s32 s7, s2  }
0x1e: {  	s7 =	smul.u32 @!p0 $0xF7A, s2;
	p2 =	seq.s32 @!p0 s5, $0x0  }
0x1f: {  	s9 =	smul.u32 $0xF7A, s1;
	s8 =	simm.s32 @!p0 $0x1BF5;
	p2 =	por !p2, p0  }
0x20: {  	[sflag:s8] =	ssyncset.s32 @!p0 $0xFFFFF086;
	s6 =	sadd.s32 @!p0 s3, s7;
	s7 =	simm.s32 @!p0 $0x108  }
0x21: {  	s3 =	sadd.s32 s3, s9;
	s6 =	sadd.s32 @!p0 $0x88, s6;
	s7 =	simm.s32 @p2 $0x1082  }
0x22: {  	[simem:s7], [sflag:s8] =	dma.local @!p0 [hbm:s6], $0xF7A  }
0x23: {  	s9 =	sor.u32 $0xD0000000, s2;
	s6 =	simm.s32 $0x108;
	_ =	swait.ge @!p0 [sflag:s8], $0x0  }
0x24: {  	s3 =	sadd.s32 $0x88, s3;
	s6 =	simm.s32 @!p1 $0x1082;
	[sflag:s4] =	ssyncset.s32 $0xFFFFF086  }
0x25: {  	[simem:s6], [sflag:s4] =	dma.local [hbm:s3], $0xF7A  }
0x26: {  	[smem:$0x3F91] =	sst s1;
	(tag) =	ssettag s2;
	_ =	strace s9  }
0x27: {  	s1 =	sld [smem:$0x3FA1]  }
0x28: {  	s2 =	sld [smem:$0x3FA2]  }
0x29: {  	s4 =	sld [smem:$0x3FA4]  }
0x2a: {  	p0 =	seq.s32 s5, $0x0;
	s5 =	sld [smem:$0x3FA5]  }
0x2b: {  	s6 =	sld [smem:$0x3FA6]  }
0x2c: {  	s7 =	sld [smem:$0x3FA7]  }
0x2d: {  	s3 =	simm.s32 $0x108;
	s8 =	sld [smem:$0x3FA8]  }
0x2e: {  	s3 =	simm.s32 @!p0 $0x1082;
	s9 =	sld [smem:$0x3FA9]  }
0x2f: {  	lr =	sadd.s32 s0, s3;
	s0 =	sld [smem:$0x3FA0]  }
0x30: {  	s3 =	sld [smem:$0x3FA3]  }
0x31: {  	[smem:$0x3FAC] =	sst s10  }
0x32: {  	s10 =	sld [smem:$0x3FAA];
	_ =	sdelay $0x3  }
0x33: {  	p0 =	seq.s32 s10, $0x1;
	s10 =	sld [smem:$0x3FAC];
	_ =	sdelay $0x3  }
0x34: {  	[smem:$0x3FAC] =	sst s10  }
0x35: {  	s10 =	sld [smem:$0x3FAB];
	_ =	sdelay $0x3  }
0x36: {  	p1 =	seq.s32 s10, $0x1;
	s10 =	sld [smem:$0x3FAC];
	_ =	sdelay $0x3  }
0x37: {  	[smem:$0x3FAC] =	sst s10  }
0x38: {  	s10 =	sld [smem:$0x3FAD]  }
0x39: {  	_ = 	snop;
	(pc) =	sbr.ind lr, $3  }
0x3a: {  	_ = 	snop  }
0x3b: {  	_ = 	snop  }
0x3c: {  	p2 =	seq.s32 s10, $0x1;
	s10 =	sld [smem:$0x3FAC]  }
0x3d: {  	_ =	shalt  }
0x3e: {  	_ =	shalt  }
0x3f: {  	_ =	shalt  }
0x40: {  	_ =	shalt  }
0x41: {  	_ =	shalt  }
0x42: {  	_ =	shalt  }
0x43: {  	_ =	shalt  }
0x44: {  	_ =	shalt  }
0x45: {  	_ =	shalt  }
0x46: {  	_ =	shalt  }
0x47: {  	_ =	shalt  }
0x48: {  	_ =	shalt  }
0x49: {  	_ =	shalt  }
0x4a: {  	_ =	shalt  }
0x4b: {  	_ =	shalt  }
0x4c: {  	_ =	shalt  }
0x4d: {  	_ =	shalt  }
0x4e: {  	_ =	shalt  }
0x4f: {  	_ =	shalt  }
0x50: {  	_ =	shalt  }
0x51: {  	_ =	shalt  }
0x52: {  	_ =	shalt  }
0x53: {  	_ =	shalt  }
0x54: {  	_ =	shalt  }
0x55: {  	_ =	shalt  }
0x56: {  	_ =	shalt  }
0x57: {  	_ =	shalt  }
0x58: {  	_ =	shalt  }
0x59: {  	_ =	shalt  }
0x5a: {  	_ =	shalt  }
0x5b: {  	_ =	shalt  }
0x5c: {  	_ =	shalt  }
0x5d: {  	_ =	shalt  }
0x5e: {  	_ =	shalt  }
0x5f: {  	_ =	shalt  }
0x60: {  	_ =	shalt  }
0x61: {  	_ =	shalt  }
0x62: {  	_ =	shalt  }
0x63: {  	_ =	shalt  }
0x64: {  	_ =	shalt  }
0x65: {  	_ =	shalt  }
0x66: {  	_ =	shalt  }
0x67: {  	_ =	shalt  }
0x68: {  	_ =	shalt  }
0x69: {  	_ =	shalt  }
0x6a: {  	_ =	shalt  }
0x6b: {  	_ =	shalt  }
0x6c: {  	_ =	shalt  }
0x6d: {  	_ =	shalt  }
0x6e: {  	_ =	shalt  }
0x6f: {  	_ =	shalt  }
0x70: {  	_ =	shalt  }
0x71: {  	_ =	shalt  }
0x72: {  	_ =	shalt  }
0x73: {  	_ =	shalt  }
0x74: {  	_ =	shalt  }
0x75: {  	_ =	shalt  }
0x76: {  	_ =	shalt  }
0x77: {  	_ =	shalt  }
0x78: {  	_ =	shalt  }
0x79: {  	_ =	shalt  }
0x7a: {  	_ =	shalt  }
0x7b: {  	_ =	shalt  }
0x7c: {  	_ =	shalt  }
0x7d: {  	_ =	shalt  }
0x7e: {  	_ =	shalt  }
0x7f: {  	_ =	shalt  }
0x80: {  	_ =	shalt  }
0x81: {  	_ =	shalt  }
0x82: {  	_ =	shalt  }
0x83: {  	_ =	shalt  }
0x84: {  	_ =	shalt  }
0x85: {  	_ =	shalt  }
0x86: {  	_ =	shalt  }
0x87: {  	_ =	shalt  }
.Lfunc_end0:
.L_simem_size_0:
called_computation.3_lowered:
.L_overlay_start_0:
0x88: {  	s2 =	sld [smem:$0x3FD9]  }
0x89: {  	s3 =	sld [smem:$0x3FFE];
	_ =	sdelay $0x1  }
0x8a: {  	s1 =	srdreg.scid  }
0x8b: {  	s0 =	sand.u32 $0x1, s1  }
0x8c: {  	s16 =	sshll.u32 s0, $0xA;
	s2 =	sadd.s32 s3, s2  }
0x8d: {  	s2 =	sadd.s32 s2, s16  }
0x8e: {  	[smem:$0x3FB8] =	sst s2  }
0x8f: {  	_ = 	snop  }
0x90: {  	(tm) =	ssettm $0x1  }
0x91: {  	s17 =	sld [smem:$0x3FFB];
	_ =	sdelay $0x3  }
0x92: {  	_ =	strace s17  }
0x93: {  	s2 =	sld [smem:$0x3FFC];
	_ =	sdelay $0x3  }
0x94: {  	_ =	strace s2  }
0x95: {  	s2 =	sld [smem:$0x3FFD];
	_ =	sdelay $0x3  }
0x96: {  	_ =	strace s2  }
0x97: {  	_ =	strace $0x8FFFFFFF  }
0x98: {  	s18 =	sld [smem:$0x3FDB];
	_ =	sdelay $0x1  }
0x99: {  	s19 =	simm.s32 $_scs_section_size  }
0x9a: {  	s4 =	simm.s32 $_size__tile_overlayer_lowered;
	s5 =	simm.s32 $_tile_overlayer_lowered  }
0x9b: {  	s22 =	simm.s32 $0x1BFF;
	s21 =	sshll.u32 s5, $0x1;
	s2 =	sadd.s32 s19, s18  }
0x9c: {  	s6 =	simm.s32 $0x0;
	s20 =	sshll.u32 s4, $0x1;
	s4 =	sadd.s32 s21, s2  }
0x9d: {  	[timem:s6], [sflag:s22] =	dma.local [hbm:s4], s20  }
0x9e: {  	_ =	swait.ge [sflag:s22], s20  }
0x9f: {  	s3 =	ssub.s32 $0x0, s20;
	[sflag:s22] =	ssyncset.done $0x0  }
0xa0: {  	[sflag:s22] =	ssyncadd.s32 s3;
	_ =	sdelay $0x1  }
0xa1: {  	s23 =	simm.s32 $0x1B8B  }
0xa2: {  	_ =	swait.ge [sflag:s23], $0x1  }
0xa3: {  	[sflag:s23] =	ssyncset.done $0x0  }
0xa4: {  	s25 =	simm.s32 $0x1B8E;
	s24 =	sld [smem:$0x3FFE];
	[sflag:s23] =	ssyncadd.s32 $0xFFFFFFFF  }
0xa5: {  	s26 =	simm.s32 $execute0_lowered;
	[smem:$0x3FD2] =	sst s25  }
0xa6: {  	s4 =	sshll.u32 s26, $0x1;
	_ =	strace $0x8000004F;
	[dreg:$0x1] =	wrdreg $0xFFFFFFFF  }
0xa7: {  	s28 =	simm.s32 $_size_execute0_lowered;
	s2 =	sadd.s32 s2, s4;
	[dreg:$0x0] =	wrdreg $0x0  }
0xa8: {  	s4 =	sshll.u32 s28, $0x1;
	[dreg:$0x2] =	wrdreg s2  }
0xa9: {  	[dreg:$0x3] =	wrdreg s4  }
0xaa: {  	[dreg:$0x4] =	wrdreg $0xC0  }
0xab: {  	_ =	task [dreg:s6], $0x5FFFF  }
0xac: {  	[dreg:$0x1] =	wrdreg $0xFFFFFFFF  }
0xad: {  	[dreg:$0x0] =	wrdreg $0x60  }
0xae: {  	[dreg:$0x2] =	wrdreg s24  }
0xaf: {  	[dreg:$0x3] =	wrdreg $0x4A000  }
0xb0: {  	[dreg:$0x4] =	wrdreg $0x9  }
0xb1: {  	_ =	task.clear_ibuf [dreg:s6], $0x5FFFF;
	_ =	strace $0x9000004F  }
0xb2: {  	s29 =	simm.s32 $0x9;
	_ =	strace $0x80000051  }
0xb3: {  	_ =	swait.ge [sflag:s29], $0x1  }
0xb4: {  	[sflag:s29] =	ssyncadd.s32 $0xFFFFFFFF  }
0xb5: {  	_ =	strace $0x90000051  }
0xb6: {  	_ =	sfence  }
0xb7: {  	s30 =	sld [smem:$0x0];
	_ =	sdelay $0x2  }
0xb8: {  	s31 =	sshll.u32 s1, $0xD;
	s1 =	sshrl.u32 s1, $0x2  }
0xb9: {  	s3 =	sand.u32 $0x4000, s31;
	s1 =	sadd.s32 s1, s30  }
0xba: {  	s0 =	sor.u32 s3, s0;
	s1 =	sshll.u32 s1, $0x11  }
0xbb: {  	s0 =	sor.u32 s1, s0  }
0xbc: {  	s0 =	sadd.s32 $0x8F2B, s0  }
0xbd: {  	[sflag:s0] =	ssyncadd.remote.s32 $0x1  }
0xbe: {  	_ =	sfence.sel $0xFFFF  }
0xbf: {  	[dreg:$0x0] =	wrdreg $0xFFFFFFFF;
	(pc) =	sbr.abs _section_cstart, $3  }
0xc0: {  	[dreg:$0x1] =	wrdreg $0xFFFFFFFF  }
0xc1: {  	_ =	task.clear_ibuf [dreg:s6], $0x2FFFF;
	_ =	strace $0x9FFFFFFF  }
0xc2: {  	(tm) =	ssettm $0x7FFFFFFF  }
0xc3: {  	_ =	shalt  }
tec
execute0_lowered:
.L_overlay_start_1:
0x0: {  	(tag) =	ssettag $0x1  }
0x1: {  	s0 =	rddreg [dreg:$0x0]  }
0x2: {  	s1 =	rddreg [dreg:$0x1];
	s3 =	simm.s32 $0x0  }
0x3: {  	s2 =	srdreg.scid;
	s11 =	stileid.u32;
	s19 =	simm.s32 $0x4200  }
0x4: {  	s28 =	simm.s32 $0x2;
	s29 =	simm.s32 $0x0;
	[smem:$0x7FF] =	sst s3  }
0x5: {  	s2 =	sand.u32 $0x1, s2;
	s7 =	smul.u32 $0xF000, s11;
	s4 =	sadd.s32 $0x15F400, s0  }
0x6: {  	s5 =	sadd.s32 $0x141400, s0;
	s18 =	sadd.s32 $0xDC00, s0;
	s9 =	smul.u32 $0x3C000, s11  }
0x7: {  	s17 =	sadd.s32 $0x5000, s0;
	s20 =	sadd.s32 $0xC800, s0;
	s13 =	smul.u32 $0x1E00, s11  }
0x8: {  	s6 =	smul.u32 $0xF0000, s2;
	_ =	strace $0x80000050;
	[dreg:$0x3] =	wrdreg s20  }
0x9: {  	s21 =	sshll.u32 s2, $0x4;
	s8 =	ssub.s32 $0x2, s2;
	s2 =	smul.u32 $0x1E000, s2  }
0xa: {  	s20 =	simm.s32 $0x3;
	s22 =	sshrl.u32 s8, $0x1;
	s23 =	sshrl.u32 s9, $0x2  }
0xb: {  	s6 =	sadd.s32 s7, s6;
	s7 =	sor.u32 s11, s21;
	s2 =	sadd.s32 s13, s2  }
0xc: {  	s21 =	simm.s32 $0x80;
	s6 =	sshrl.u32 s6, $0x3;
	s10 =	smul.u32 $0x1E00, s7  }
0xd: {  	s7 =	sadd.s32 s23, s1;
	s26 =	sor.u32 $0x100, s2;
	s2 =	sor.u32 $0x80, s2  }
0xe: {  	s23 =	simm.s32 $0x100;
	s0 =	sadd.s32 s6, s0;
	s6 =	ssub.s32 s8, s22  }
0xf: {  	s30 =	sshrl.u32 s26, $0x3;
	s31 =	sshrl.u32 s2, $0x3;
	s22 =	simm.s32 $0x200  }
0x10: {  	s26 =	simm.s32 $0x1;
	s12 =	sshrl.u32 s10, $0x3;
	s24 =	sadd.s32 $0x17D400, s0  }
0x11: {  	s0 =	sadd.s32 $0x1B9400, s0;
	s15 =	sadd.s32 s30, s17;
	s16 =	sadd.s32 s30, s18  }
0x12: {  	s8 =	sadd.s32 s18, s12;
	s9 =	sadd.s32 s17, s12;
	[dreg:$0x4] =	wrdreg s24  }
0x13: {  	[dreg:$0x5] =	wrdreg s0;
	s25 =	sadd.s32 $0x3B0, s12;
	s12 =	smax.u32 s6, $0x1  }
0x14: {  	s24 =	simm.s32 $0x180;
	s13 =	sadd.s32 s18, s25;
	s14 =	sadd.s32 s17, s25  }
0x15: {  	s17 =	sadd.s32 s31, s17;
	s18 =	sadd.s32 s31, s18;
	s25 =	simm.s32 $0x2200  }
.LBB2_1:
0x16: {  	s0 =	rddreg [dreg:$0x3]  }
0x17: {  	[tilespmem:s19], [sflag:$0x3] =	stream.linear.gather [hbm4b:s0+s3], $0x800, $0x38;
	[tilespmem:$0x13A00] =	vst v63  }
0x18: {  	_ =	swait.ge [sflag:s20], $0x800  }
0x19: {  	[sflag:s20] =	ssyncset.done $0x0  }
0x1a: {  	s31 =	sadd.s32 $0x0, s7;
	[sflag:s20] =	ssyncadd.s32 $0xFFFFF800  }
0x1b: {  	[spmem:s31] =	stream.linear.scatter [tilespmem:s19], [sflag:$0x3], $0x800, $0x38;
	[tilespmem:$0x13A00] =	vst v63  }
0x1c: {  	s0 =	simm.s32 $0x2000;
	_ =	swait.ge [sflag:s20], $0x800  }
.LBB2_2:
0x1d: {  	s2 =	sshra.s32 s0, $0x2;
	[sflag:s20] =	ssyncset.done $0x0;
	p0 =	sne.s32 s0, $0x3A000  }
.Ltmp0:
0x1e: {  	s2 =	sadd.s32 s2, s7;
	[sflag:s20] =	ssyncadd.s32 $0xFFFFF800;
	(pc) =	sbr.rel @p0 .LBB2_2-.Ltmp0, $3  }
0x1f: {  	[spmem:s2] =	stream.linear.scatter [tilespmem:s19], [sflag:$0x3], $0x800, $0x38;
	[tilespmem:$0x13A00] =	vst v63  }
0x20: {  	s0 =	sadd.s32 $0x2000, s0;
	_ =	sdelay $0x1  }
0x21: {  	_ =	swait.ge [sflag:s20], $0x800  }
0x22: {  	[sflag:s20] =	ssyncset.done $0x0  }
0x23: {  	[sflag:s20] =	ssyncadd.s32 $0xFFFFF800  }
0x24: {  	s0 =	simm.s32 $0x0;
	[bflag:$0x0] =	sbarrier.arrive $0xFFFF  }
0x25: {  	[tilespmem:s0], [sflag:$0x3] =	stream.linear.gather [hbm4b:s8+s0], $0x80, $0x38;
	[tilespmem:$0x13A00] =	vst v63  }
0x26: {  	_ =	swait.ge [sflag:s20], $0x80  }
0x27: {  	[sflag:s20] =	ssyncset.done $0x0  }
0x28: {  	[sflag:s20] =	ssyncadd.s32 $0xFFFFFF80  }
0x29: {  	[tilespmem:s21], [sflag:$0x3] =	stream.linear.gather [hbm4b:s9+s0], $0x80, $0x38;
	[tilespmem:$0x13A00] =	vst v63  }
0x2a: {  	_ =	swait.ge [sflag:s20], $0x80  }
0x2b: {  	[sflag:s20] =	ssyncset.done $0x0  }
0x2c: {  	[sflag:s20] =	ssyncadd.s32 $0xFFFFFF80  }
0x2d: {  	[tilespmem:s22], [sflag:$0x1] =	stream.indirect.gather [hbm4b:s4+s21], $0x40, s0, s21, $0xb8;
	[tilespmem:$0x13A00] =	vst v63  }
0x2e: {  	s6 =	sadd.s32 $0x0, s18  }
0x2f: {  	[tilespmem:s23], [sflag:$0x3] =	stream.linear.gather [hbm4b:s6+s3], $0x80, $0x38;
	[tilespmem:$0x13A00] =	vst v63  }
0x30: {  	_ =	swait.ge [sflag:s20], $0x80  }
0x31: {  	[sflag:s20] =	ssyncset.done $0x0  }
0x32: {  	s10 =	sadd.s32 $0x0, s17;
	[sflag:s20] =	ssyncadd.s32 $0xFFFFFF80  }
0x33: {  	[tilespmem:s24], [sflag:$0x3] =	stream.linear.gather [hbm4b:s10+s3], $0x80, $0x38;
	[tilespmem:$0x13A00] =	vst v63  }
0x34: {  	_ =	swait.ge [sflag:s20], $0x80  }
0x35: {  	[sflag:s20] =	ssyncset.done $0x0  }
0x36: {  	[sflag:s20] =	ssyncadd.s32 $0xFFFFFF80  }
0x37: {  	[tilespmem:s25], [sflag:$0x2] =	stream.indirect.gather [hbm4b:s4+s21], $0x40, s23, s21, $0xb8;
	[tilespmem:$0x13A00] =	vst v63  }
0x38: {  	_ =	swait.ge [sflag:s26], $0x2000  }
0x39: {  	[sflag:s26] =	ssyncset.done $0x0  }
0x3a: {  	[sflag:s26] =	ssyncadd.s32 $0xFFFFE000  }
0x3b: {  	[spmem:s1] =	stream.indirect.scatter.add.f32 [tilespmem:s22], [sflag:$0x3], $0x40, s21, s21, $0xb8;
	[tilespmem:$0x13A00] =	vst v63  }
0x3c: {  	_ =	swait.ge [sflag:s20], $0x2000  }
0x3d: {  	[sflag:s20] =	ssyncset.done $0x0  }
0x3e: {  	s11 =	sadd.s32 $0x0, s16;
	[sflag:s20] =	ssyncadd.s32 $0xFFFFE000  }
0x3f: {  	[tilespmem:s3], [sflag:$0x3] =	stream.linear.gather [hbm4b:s11+s3], $0x80, $0x38;
	[tilespmem:$0x13A00] =	vst v63  }
0x40: {  	_ =	swait.ge [sflag:s20], $0x80  }
0x41: {  	[sflag:s20] =	ssyncset.done $0x0  }
0x42: {  	s31 =	sadd.s32 $0x0, s15;
	[sflag:s20] =	ssyncadd.s32 $0xFFFFFF80  }
0x43: {  	[tilespmem:s21], [sflag:$0x3] =	stream.linear.gather [hbm4b:s31+s3], $0x80, $0x38;
	[tilespmem:$0x13A00] =	vst v63  }
0x44: {  	_ =	swait.ge [sflag:s20], $0x80  }
0x45: {  	[sflag:s20] =	ssyncset.done $0x0  }
0x46: {  	[sflag:s20] =	ssyncadd.s32 $0xFFFFFF80  }
0x47: {  	[tilespmem:s22], [sflag:$0x1] =	stream.indirect.gather [hbm4b:s4+s21], $0x40, s3, s21, $0xb8;
	[tilespmem:$0x13A00] =	vst v63  }
0x48: {  	_ =	swait.ge [sflag:s28], $0x2000  }
0x49: {  	[sflag:s28] =	ssyncset.done $0x0  }
0x4a: {  	[sflag:s28] =	ssyncadd.s32 $0xFFFFE000  }
0x4b: {  	[spmem:s1] =	stream.indirect.scatter.add.f32 [tilespmem:s25], [sflag:$0x3], $0x40, s24, s21, $0xb8;
	[tilespmem:$0x13A00] =	vst v63  }
0x4c: {  	_ =	swait.ge [sflag:s20], $0x2000  }
0x4d: {  	s30 =	simm.s32 $0x20;
	s2 =	simm.s32 $0x40;
	[sflag:s20] =	ssyncset.done $0x0  }
.LBB2_4:
0x4e: {  	s6 =	sadd.s32 s30, s18  }
0x4f: {  	[sflag:s20] =	ssyncadd.s32 $0xFFFFE000;
	s31 =	smov.u32 s2;
	s0 =	sadd.s32 $0x20, s2  }
0x50: {  	[tilespmem:s23], [sflag:$0x3] =	stream.linear.gather [hbm4b:s6+s3], $0x80, $0x38;
	[tilespmem:$0x13A00] =	vst v63  }
0x51: {  	p0 =	sne.s32 s2, $0x380;
	_ =	swait.ge [sflag:s20], $0x80  }
0x52: {  	[sflag:s20] =	ssyncset.done $0x0  }
0x53: {  	s2 =	sadd.s32 s30, s17;
	[sflag:s20] =	ssyncadd.s32 $0xFFFFFF80  }
0x54: {  	[tilespmem:s24], [sflag:$0x3] =	stream.linear.gather [hbm4b:s2+s3], $0x80, $0x38;
	[tilespmem:$0x13A00] =	vst v63  }
0x55: {  	_ =	swait.ge [sflag:s20], $0x80  }
0x56: {  	[sflag:s20] =	ssyncset.done $0x0  }
0x57: {  	[sflag:s20] =	ssyncadd.s32 $0xFFFFFF80  }
0x58: {  	[tilespmem:s25], [sflag:$0x2] =	stream.indirect.gather [hbm4b:s4+s21], $0x40, s23, s21, $0xb8;
	[tilespmem:$0x13A00] =	vst v63  }
0x59: {  	_ =	swait.ge [sflag:s26], $0x2000  }
0x5a: {  	[sflag:s26] =	ssyncset.done $0x0  }
0x5b: {  	[sflag:s26] =	ssyncadd.s32 $0xFFFFE000  }
0x5c: {  	[spmem:s1] =	stream.indirect.scatter.add.f32 [tilespmem:s22], [sflag:$0x3], $0x40, s21, s21, $0xb8;
	[tilespmem:$0x13A00] =	vst v63  }
0x5d: {  	_ =	swait.ge [sflag:s20], $0x2000  }
0x5e: {  	[sflag:s20] =	ssyncset.done $0x0  }
0x5f: {  	s2 =	sadd.s32 s30, s16;
	[sflag:s20] =	ssyncadd.s32 $0xFFFFE000  }
0x60: {  	[tilespmem:s3], [sflag:$0x3] =	stream.linear.gather [hbm4b:s2+s3], $0x80, $0x38;
	[tilespmem:$0x13A00] =	vst v63  }
0x61: {  	_ =	swait.ge [sflag:s20], $0x80  }
0x62: {  	[sflag:s20] =	ssyncset.done $0x0  }
0x63: {  	s2 =	sadd.s32 s30, s15;
	s30 =	smov.u32 s31;
	[sflag:s20] =	ssyncadd.s32 $0xFFFFFF80  }
0x64: {  	[tilespmem:s21], [sflag:$0x3] =	stream.linear.gather [hbm4b:s2+s3], $0x80, $0x38;
	[tilespmem:$0x13A00] =	vst v63  }
0x65: {  	_ =	swait.ge [sflag:s20], $0x80  }
0x66: {  	[sflag:s20] =	ssyncset.done $0x0  }
0x67: {  	[sflag:s20] =	ssyncadd.s32 $0xFFFFFF80  }
0x68: {  	[tilespmem:s22], [sflag:$0x1] =	stream.indirect.gather [hbm4b:s4+s21], $0x40, s3, s21, $0xb8;
	[tilespmem:$0x13A00] =	vst v63  }
0x69: {  	_ =	swait.ge [sflag:s28], $0x2000  }
.Ltmp1:
0x6a: {  	[sflag:s28] =	ssyncset.done $0x0;
	(pc) =	sbr.rel @p0 .LBB2_4-.Ltmp1, $4  }
0x6b: {  	[sflag:s28] =	ssyncadd.s32 $0xFFFFE000  }
0x6c: {  	[spmem:s1] =	stream.indirect.scatter.add.f32 [tilespmem:s25], [sflag:$0x3], $0x40, s24, s21, $0xb8;
	[tilespmem:$0x13A00] =	vst v63  }
0x6d: {  	_ =	swait.ge [sflag:s20], $0x2000  }
0x6e: {  	s2 =	smov.u32 s0;
	[sflag:s20] =	ssyncset.done $0x0  }
0x6f: {  	s0 =	sadd.s32 s30, s18;
	[sflag:s20] =	ssyncadd.s32 $0xFFFFE000  }
0x70: {  	[tilespmem:s23], [sflag:$0x3] =	stream.linear.gather [hbm4b:s0+s3], $0x80, $0x38;
	[tilespmem:$0x13A00] =	vst v63  }
0x71: {  	_ =	swait.ge [sflag:s20], $0x80  }
0x72: {  	[sflag:s20] =	ssyncset.done $0x0  }
0x73: {  	s6 =	sadd.s32 s30, s17;
	[sflag:s20] =	ssyncadd.s32 $0xFFFFFF80  }
0x74: {  	[tilespmem:s24], [sflag:$0x3] =	stream.linear.gather [hbm4b:s6+s3], $0x80, $0x38;
	[tilespmem:$0x13A00] =	vst v63  }
0x75: {  	_ =	swait.ge [sflag:s20], $0x80  }
0x76: {  	[sflag:s20] =	ssyncset.done $0x0  }
0x77: {  	[sflag:s20] =	ssyncadd.s32 $0xFFFFFF80  }
0x78: {  	[tilespmem:s25], [sflag:$0x2] =	stream.indirect.gather [hbm4b:s4+s21], $0x40, s23, s21, $0xb8;
	[tilespmem:$0x13A00] =	vst v63  }
0x79: {  	_ =	swait.ge [sflag:s26], $0x2000  }
0x7a: {  	[sflag:s26] =	ssyncset.done $0x0  }
0x7b: {  	[sflag:s26] =	ssyncadd.s32 $0xFFFFE000  }
0x7c: {  	[spmem:s1] =	stream.indirect.scatter.add.f32 [tilespmem:s22], [sflag:$0x3], $0x40, s21, s21, $0xb8;
	[tilespmem:$0x13A00] =	vst v63  }
0x7d: {  	_ =	swait.ge [sflag:s20], $0x2000  }
0x7e: {  	[sflag:s20] =	ssyncset.done $0x0  }
0x7f: {  	s10 =	sadd.s32 s30, s16;
	[sflag:s20] =	ssyncadd.s32 $0xFFFFE000  }
0x80: {  	[tilespmem:s3], [sflag:$0x3] =	stream.linear.gather [hbm4b:s10+s3], $0x80, $0x38;
	[tilespmem:$0x13A00] =	vst v63  }
0x81: {  	_ =	swait.ge [sflag:s20], $0x80  }
0x82: {  	[sflag:s20] =	ssyncset.done $0x0  }
0x83: {  	s11 =	sadd.s32 s30, s15;
	[sflag:s20] =	ssyncadd.s32 $0xFFFFFF80  }
0x84: {  	[tilespmem:s21], [sflag:$0x3] =	stream.linear.gather [hbm4b:s11+s3], $0x80, $0x38;
	[tilespmem:$0x13A00] =	vst v63  }
0x85: {  	_ =	swait.ge [sflag:s20], $0x80  }
0x86: {  	[sflag:s20] =	ssyncset.done $0x0  }
0x87: {  	[sflag:s20] =	ssyncadd.s32 $0xFFFFFF80  }
0x88: {  	[tilespmem:s22], [sflag:$0x1] =	stream.indirect.gather [hbm4b:s4+s21], $0x40, s3, s21, $0xb8;
	[tilespmem:$0x13A00] =	vst v63  }
0x89: {  	_ =	swait.ge [sflag:s28], $0x2000  }
0x8a: {  	[sflag:s28] =	ssyncset.done $0x0  }
0x8b: {  	[sflag:s28] =	ssyncadd.s32 $0xFFFFE000  }
0x8c: {  	[spmem:s1] =	stream.indirect.scatter.add.f32 [tilespmem:s25], [sflag:$0x3], $0x40, s24, s21, $0xb8;
	[tilespmem:$0x13A00] =	vst v63  }
0x8d: {  	_ =	swait.ge [sflag:s20], $0x2000  }
0x8e: {  	[sflag:s20] =	ssyncset.done $0x0  }
0x8f: {  	s2 =	simm.s32 $0x0;
	[sflag:s20] =	ssyncadd.s32 $0xFFFFE000  }
0x90: {  	[tilespmem:s23], [sflag:$0x3] =	stream.linear.gather [hbm4b:s13+s2], $0x80, $0x38;
	[tilespmem:$0x13A00] =	vst v63  }
0x91: {  	_ =	swait.ge [sflag:s20], $0x80  }
0x92: {  	[sflag:s20] =	ssyncset.done $0x0  }
0x93: {  	[sflag:s20] =	ssyncadd.s32 $0xFFFFFF80  }
0x94: {  	[tilespmem:s24], [sflag:$0x3] =	stream.linear.gather [hbm4b:s14+s2], $0x80, $0x38;
	[tilespmem:$0x13A00] =	vst v63  }
0x95: {  	_ =	swait.ge [sflag:s20], $0x80  }
0x96: {  	[sflag:s20] =	ssyncset.done $0x0  }
0x97: {  	[sflag:s20] =	ssyncadd.s32 $0xFFFFFF80  }
0x98: {  	[tilespmem:s25], [sflag:$0x2] =	stream.indirect.gather [hbm4b:s4+s21], $0x40, s23, s21, $0xb8;
	[tilespmem:$0x13A00] =	vst v63  }
0x99: {  	_ =	swait.ge [sflag:s26], $0x2000  }
0x9a: {  	[sflag:s26] =	ssyncset.done $0x0  }
0x9b: {  	[sflag:s26] =	ssyncadd.s32 $0xFFFFE000  }
0x9c: {  	[spmem:s1] =	stream.indirect.scatter.add.f32 [tilespmem:s22], [sflag:$0x3], $0x40, s21, s21, $0xb8;
	[tilespmem:$0x13A00] =	vst v63  }
0x9d: {  	_ =	swait.ge [sflag:s20], $0x2000  }
0x9e: {  	[sflag:s20] =	ssyncset.done $0x0  }
0x9f: {  	[sflag:s20] =	ssyncadd.s32 $0xFFFFE000  }
0xa0: {  	_ =	swait.ge [sflag:s28], $0x2000  }
0xa1: {  	[sflag:s28] =	ssyncset.done $0x0  }
0xa2: {  	[sflag:s28] =	ssyncadd.s32 $0xFFFFE000  }
0xa3: {  	[spmem:s1] =	stream.indirect.scatter.add.f32 [tilespmem:s25], [sflag:$0x3], $0x40, s24, s21, $0xb8;
	[tilespmem:$0x13A00] =	vst v63  }
0xa4: {  	_ =	swait.ge [sflag:s20], $0x2000  }
0xa5: {  	[sflag:s20] =	ssyncset.done $0x0  }
0xa6: {  	s6 =	stileid.u32;
	[sflag:s20] =	ssyncadd.s32 $0xFFFFE000  }
0xa7: {  	s0 =	sshll.u32 s6, $0x6;
	[bflag:$0x0] =	sbarrier.arrive $0xFFFF  }
0xa8: {  	s31 =	sshrl.u32 s7, $0x3;
	s30 =	sor.u32 $0x1C03, s0;
	s10 =	rddreg [dreg:$0x4]  }
0xa9: {  	[hbm:s10], [sflag:s30] =	dma.local [spmem:s31], $0x1E00  }
0xaa: {  	_ =	swait.ge [sflag:s20], $0x1E00  }
0xab: {  	[sflag:s20] =	ssyncset.done $0x0  }
0xac: {  	s11 =	sadd.s32 $0x0, s7;
	[sflag:s20] =	ssyncadd.s32 $0xFFFFE200  }
0xad: {  	[spmem:s11] =	stream.linear.scatter [tilespmem:s19], [sflag:$0x3], $0x800, $0x38;
	[tilespmem:$0x13A00] =	vst v63  }
0xae: {  	s0 =	simm.s32 $0x2000;
	_ =	swait.ge [sflag:s20], $0x800  }
.LBB2_6:
0xaf: {  	s2 =	sshra.s32 s0, $0x2;
	[sflag:s20] =	ssyncset.done $0x0;
	p0 =	sne.s32 s0, $0x3A000  }
.Ltmp2:
0xb0: {  	s2 =	sadd.s32 s2, s7;
	[sflag:s20] =	ssyncadd.s32 $0xFFFFF800;
	(pc) =	sbr.rel @p0 .LBB2_6-.Ltmp2, $3  }
0xb1: {  	[spmem:s2] =	stream.linear.scatter [tilespmem:s19], [sflag:$0x3], $0x800, $0x38;
	[tilespmem:$0x13A00] =	vst v63  }
0xb2: {  	s0 =	sadd.s32 $0x2000, s0;
	_ =	sdelay $0x1  }
0xb3: {  	_ =	swait.ge [sflag:s20], $0x800  }
0xb4: {  	[sflag:s20] =	ssyncset.done $0x0  }
0xb5: {  	[sflag:s20] =	ssyncadd.s32 $0xFFFFF800  }
0xb6: {  	s0 =	simm.s32 $0x0;
	[bflag:$0x0] =	sbarrier.arrive $0xFFFF  }
0xb7: {  	[tilespmem:s0], [sflag:$0x3] =	stream.linear.gather [hbm4b:s8+s0], $0x80, $0x38;
	[tilespmem:$0x13A00] =	vst v63  }
0xb8: {  	_ =	swait.ge [sflag:s20], $0x80  }
0xb9: {  	[sflag:s20] =	ssyncset.done $0x0  }
0xba: {  	[sflag:s20] =	ssyncadd.s32 $0xFFFFFF80  }
0xbb: {  	[tilespmem:s21], [sflag:$0x3] =	stream.linear.gather [hbm4b:s9+s0], $0x80, $0x38;
	[tilespmem:$0x13A00] =	vst v63  }
0xbc: {  	_ =	swait.ge [sflag:s20], $0x80  }
0xbd: {  	[sflag:s20] =	ssyncset.done $0x0  }
0xbe: {  	[sflag:s20] =	ssyncadd.s32 $0xFFFFFF80  }
0xbf: {  	[tilespmem:s22], [sflag:$0x1] =	stream.indirect.gather [hbm4b:s5+s21], $0x40, s0, s21, $0xb8;
	[tilespmem:$0x13A00] =	vst v63  }
0xc0: {  	s2 =	sadd.s32 $0x0, s18  }
0xc1: {  	[tilespmem:s23], [sflag:$0x3] =	stream.linear.gather [hbm4b:s2+s3], $0x80, $0x38;
	[tilespmem:$0x13A00] =	vst v63  }
0xc2: {  	_ =	swait.ge [sflag:s20], $0x80  }
0xc3: {  	[sflag:s20] =	ssyncset.done $0x0  }
0xc4: {  	s6 =	sadd.s32 $0x0, s17;
	[sflag:s20] =	ssyncadd.s32 $0xFFFFFF80  }
0xc5: {  	[tilespmem:s24], [sflag:$0x3] =	stream.linear.gather [hbm4b:s6+s3], $0x80, $0x38;
	[tilespmem:$0x13A00] =	vst v63  }
0xc6: {  	_ =	swait.ge [sflag:s20], $0x80  }
0xc7: {  	[sflag:s20] =	ssyncset.done $0x0  }
0xc8: {  	[sflag:s20] =	ssyncadd.s32 $0xFFFFFF80  }
0xc9: {  	[tilespmem:s25], [sflag:$0x2] =	stream.indirect.gather [hbm4b:s5+s21], $0x40, s23, s21, $0xb8;
	[tilespmem:$0x13A00] =	vst v63  }
0xca: {  	_ =	swait.ge [sflag:s26], $0x2000  }
0xcb: {  	[sflag:s26] =	ssyncset.done $0x0  }
0xcc: {  	[sflag:s26] =	ssyncadd.s32 $0xFFFFE000  }
0xcd: {  	[spmem:s1] =	stream.indirect.scatter.add.f32 [tilespmem:s22], [sflag:$0x3], $0x40, s21, s21, $0xb8;
	[tilespmem:$0x13A00] =	vst v63  }
0xce: {  	_ =	swait.ge [sflag:s20], $0x2000  }
0xcf: {  	[sflag:s20] =	ssyncset.done $0x0  }
0xd0: {  	s10 =	sadd.s32 $0x0, s16;
	[sflag:s20] =	ssyncadd.s32 $0xFFFFE000  }
0xd1: {  	[tilespmem:s3], [sflag:$0x3] =	stream.linear.gather [hbm4b:s10+s3], $0x80, $0x38;
	[tilespmem:$0x13A00] =	vst v63  }
0xd2: {  	_ =	swait.ge [sflag:s20], $0x80  }
0xd3: {  	[sflag:s20] =	ssyncset.done $0x0  }
0xd4: {  	s11 =	sadd.s32 $0x0, s15;
	[sflag:s20] =	ssyncadd.s32 $0xFFFFFF80  }
0xd5: {  	[tilespmem:s21], [sflag:$0x3] =	stream.linear.gather [hbm4b:s11+s3], $0x80, $0x38;
	[tilespmem:$0x13A00] =	vst v63  }
0xd6: {  	_ =	swait.ge [sflag:s20], $0x80  }
0xd7: {  	[sflag:s20] =	ssyncset.done $0x0  }
0xd8: {  	[sflag:s20] =	ssyncadd.s32 $0xFFFFFF80  }
0xd9: {  	[tilespmem:s22], [sflag:$0x1] =	stream.indirect.gather [hbm4b:s5+s21], $0x40, s3, s21, $0xb8;
	[tilespmem:$0x13A00] =	vst v63  }
0xda: {  	_ =	swait.ge [sflag:s28], $0x2000  }
0xdb: {  	[sflag:s28] =	ssyncset.done $0x0  }
0xdc: {  	[sflag:s28] =	ssyncadd.s32 $0xFFFFE000  }
0xdd: {  	[spmem:s1] =	stream.indirect.scatter.add.f32 [tilespmem:s25], [sflag:$0x3], $0x40, s24, s21, $0xb8;
	[tilespmem:$0x13A00] =	vst v63  }
0xde: {  	_ =	swait.ge [sflag:s20], $0x2000  }
0xdf: {  	s0 =	simm.s32 $0x20;
	s2 =	simm.s32 $0x40;
	[sflag:s20] =	ssyncset.done $0x0  }
.LBB2_8:
0xe0: {  	s10 =	sadd.s32 s0, s18  }
0xe1: {  	[sflag:s20] =	ssyncadd.s32 $0xFFFFE000;
	s11 =	smov.u32 s2;
	s6 =	sadd.s32 $0x20, s2  }
0xe2: {  	[tilespmem:s23], [sflag:$0x3] =	stream.linear.gather [hbm4b:s10+s3], $0x80, $0x38;
	[tilespmem:$0x13A00] =	vst v63  }
0xe3: {  	p0 =	sne.s32 s2, $0x380;
	_ =	swait.ge [sflag:s20], $0x80  }
0xe4: {  	[sflag:s20] =	ssyncset.done $0x0  }
0xe5: {  	s2 =	sadd.s32 s0, s17;
	[sflag:s20] =	ssyncadd.s32 $0xFFFFFF80  }
0xe6: {  	[tilespmem:s24], [sflag:$0x3] =	stream.linear.gather [hbm4b:s2+s3], $0x80, $0x38;
	[tilespmem:$0x13A00] =	vst v63  }
0xe7: {  	_ =	swait.ge [sflag:s20], $0x80  }
0xe8: {  	[sflag:s20] =	ssyncset.done $0x0  }
0xe9: {  	[sflag:s20] =	ssyncadd.s32 $0xFFFFFF80  }
0xea: {  	[tilespmem:s25], [sflag:$0x2] =	stream.indirect.gather [hbm4b:s5+s21], $0x40, s23, s21, $0xb8;
	[tilespmem:$0x13A00] =	vst v63  }
0xeb: {  	_ =	swait.ge [sflag:s26], $0x2000  }
0xec: {  	[sflag:s26] =	ssyncset.done $0x0  }
0xed: {  	[sflag:s26] =	ssyncadd.s32 $0xFFFFE000  }
0xee: {  	[spmem:s1] =	stream.indirect.scatter.add.f32 [tilespmem:s22], [sflag:$0x3], $0x40, s21, s21, $0xb8;
	[tilespmem:$0x13A00] =	vst v63  }
0xef: {  	_ =	swait.ge [sflag:s20], $0x2000  }
0xf0: {  	[sflag:s20] =	ssyncset.done $0x0  }
0xf1: {  	s2 =	sadd.s32 s0, s16;
	[sflag:s20] =	ssyncadd.s32 $0xFFFFE000  }
0xf2: {  	[tilespmem:s3], [sflag:$0x3] =	stream.linear.gather [hbm4b:s2+s3], $0x80, $0x38;
	[tilespmem:$0x13A00] =	vst v63  }
0xf3: {  	_ =	swait.ge [sflag:s20], $0x80  }
0xf4: {  	[sflag:s20] =	ssyncset.done $0x0  }
0xf5: {  	s2 =	sadd.s32 s0, s15;
	s0 =	smov.u32 s11;
	[sflag:s20] =	ssyncadd.s32 $0xFFFFFF80  }
0xf6: {  	[tilespmem:s21], [sflag:$0x3] =	stream.linear.gather [hbm4b:s2+s3], $0x80, $0x38;
	[tilespmem:$0x13A00] =	vst v63  }
0xf7: {  	_ =	swait.ge [sflag:s20], $0x80  }
0xf8: {  	[sflag:s20] =	ssyncset.done $0x0  }
0xf9: {  	[sflag:s20] =	ssyncadd.s32 $0xFFFFFF80  }
0xfa: {  	[tilespmem:s22], [sflag:$0x1] =	stream.indirect.gather [hbm4b:s5+s21], $0x40, s3, s21, $0xb8;
	[tilespmem:$0x13A00] =	vst v63  }
0xfb: {  	_ =	swait.ge [sflag:s28], $0x2000  }
.Ltmp3:
0xfc: {  	[sflag:s28] =	ssyncset.done $0x0;
	(pc) =	sbr.rel @p0 .LBB2_8-.Ltmp3, $4  }
0xfd: {  	[sflag:s28] =	ssyncadd.s32 $0xFFFFE000  }
0xfe: {  	[spmem:s1] =	stream.indirect.scatter.add.f32 [tilespmem:s25], [sflag:$0x3], $0x40, s24, s21, $0xb8;
	[tilespmem:$0x13A00] =	vst v63  }
0xff: {  	_ =	swait.ge [sflag:s20], $0x2000  }
0x100: {  	s2 =	smov.u32 s6;
	[sflag:s20] =	ssyncset.done $0x0  }
0x101: {  	s2 =	sadd.s32 s0, s18;
	[sflag:s20] =	ssyncadd.s32 $0xFFFFE000  }
0x102: {  	[tilespmem:s23], [sflag:$0x3] =	stream.linear.gather [hbm4b:s2+s3], $0x80, $0x38;
	[tilespmem:$0x13A00] =	vst v63  }
0x103: {  	_ =	swait.ge [sflag:s20], $0x80  }
0x104: {  	[sflag:s20] =	ssyncset.done $0x0  }
0x105: {  	s11 =	sadd.s32 s0, s17;
	[sflag:s20] =	ssyncadd.s32 $0xFFFFFF80  }
0x106: {  	[tilespmem:s24], [sflag:$0x3] =	stream.linear.gather [hbm4b:s11+s3], $0x80, $0x38;
	[tilespmem:$0x13A00] =	vst v63  }
0x107: {  	_ =	swait.ge [sflag:s20], $0x80  }
0x108: {  	[sflag:s20] =	ssyncset.done $0x0  }
0x109: {  	[sflag:s20] =	ssyncadd.s32 $0xFFFFFF80  }
0x10a: {  	[tilespmem:s25], [sflag:$0x2] =	stream.indirect.gather [hbm4b:s5+s21], $0x40, s23, s21, $0xb8;
	[tilespmem:$0x13A00] =	vst v63  }
0x10b: {  	_ =	swait.ge [sflag:s26], $0x2000  }
0x10c: {  	[sflag:s26] =	ssyncset.done $0x0  }
0x10d: {  	[sflag:s26] =	ssyncadd.s32 $0xFFFFE000  }
0x10e: {  	[spmem:s1] =	stream.indirect.scatter.add.f32 [tilespmem:s22], [sflag:$0x3], $0x40, s21, s21, $0xb8;
	[tilespmem:$0x13A00] =	vst v63  }
0x10f: {  	_ =	swait.ge [sflag:s20], $0x2000  }
0x110: {  	[sflag:s20] =	ssyncset.done $0x0  }
0x111: {  	s6 =	sadd.s32 s0, s16;
	[sflag:s20] =	ssyncadd.s32 $0xFFFFE000  }
0x112: {  	[tilespmem:s3], [sflag:$0x3] =	stream.linear.gather [hbm4b:s6+s3], $0x80, $0x38;
	[tilespmem:$0x13A00] =	vst v63  }
0x113: {  	_ =	swait.ge [sflag:s20], $0x80  }
0x114: {  	[sflag:s20] =	ssyncset.done $0x0  }
0x115: {  	s10 =	sadd.s32 s0, s15;
	[sflag:s20] =	ssyncadd.s32 $0xFFFFFF80  }
0x116: {  	[tilespmem:s21], [sflag:$0x3] =	stream.linear.gather [hbm4b:s10+s3], $0x80, $0x38;
	[tilespmem:$0x13A00] =	vst v63  }
0x117: {  	_ =	swait.ge [sflag:s20], $0x80  }
0x118: {  	[sflag:s20] =	ssyncset.done $0x0  }
0x119: {  	[sflag:s20] =	ssyncadd.s32 $0xFFFFFF80  }
0x11a: {  	[tilespmem:s22], [sflag:$0x1] =	stream.indirect.gather [hbm4b:s5+s21], $0x40, s3, s21, $0xb8;
	[tilespmem:$0x13A00] =	vst v63  }
0x11b: {  	_ =	swait.ge [sflag:s28], $0x2000  }
0x11c: {  	[sflag:s28] =	ssyncset.done $0x0  }
0x11d: {  	[sflag:s28] =	ssyncadd.s32 $0xFFFFE000  }
0x11e: {  	[spmem:s1] =	stream.indirect.scatter.add.f32 [tilespmem:s25], [sflag:$0x3], $0x40, s24, s21, $0xb8;
	[tilespmem:$0x13A00] =	vst v63  }
0x11f: {  	_ =	swait.ge [sflag:s20], $0x2000  }
0x120: {  	[sflag:s20] =	ssyncset.done $0x0  }
0x121: {  	[sflag:s20] =	ssyncadd.s32 $0xFFFFE000  }
0x122: {  	[tilespmem:s23], [sflag:$0x3] =	stream.linear.gather [hbm4b:s13+s3], $0x80, $0x38;
	[tilespmem:$0x13A00] =	vst v63  }
0x123: {  	_ =	swait.ge [sflag:s20], $0x80  }
0x124: {  	[sflag:s20] =	ssyncset.done $0x0  }
0x125: {  	[sflag:s20] =	ssyncadd.s32 $0xFFFFFF80  }
0x126: {  	[tilespmem:s24], [sflag:$0x3] =	stream.linear.gather [hbm4b:s14+s3], $0x80, $0x38;
	[tilespmem:$0x13A00] =	vst v63  }
0x127: {  	_ =	swait.ge [sflag:s20], $0x80  }
0x128: {  	[sflag:s20] =	ssyncset.done $0x0  }
0x129: {  	[sflag:s20] =	ssyncadd.s32 $0xFFFFFF80  }
0x12a: {  	[tilespmem:s25], [sflag:$0x2] =	stream.indirect.gather [hbm4b:s5+s21], $0x40, s23, s21, $0xb8;
	[tilespmem:$0x13A00] =	vst v63  }
0x12b: {  	_ =	swait.ge [sflag:s26], $0x2000  }
0x12c: {  	[sflag:s26] =	ssyncset.done $0x0  }
0x12d: {  	[sflag:s26] =	ssyncadd.s32 $0xFFFFE000  }
0x12e: {  	[spmem:s1] =	stream.indirect.scatter.add.f32 [tilespmem:s22], [sflag:$0x3], $0x40, s21, s21, $0xb8;
	[tilespmem:$0x13A00] =	vst v63  }
0x12f: {  	_ =	swait.ge [sflag:s20], $0x2000  }
0x130: {  	[sflag:s20] =	ssyncset.done $0x0  }
0x131: {  	[sflag:s20] =	ssyncadd.s32 $0xFFFFE000  }
0x132: {  	_ =	swait.ge [sflag:s28], $0x2000  }
0x133: {  	[sflag:s28] =	ssyncset.done $0x0  }
0x134: {  	[sflag:s28] =	ssyncadd.s32 $0xFFFFE000  }
0x135: {  	[spmem:s1] =	stream.indirect.scatter.add.f32 [tilespmem:s25], [sflag:$0x3], $0x40, s24, s21, $0xb8;
	[tilespmem:$0x13A00] =	vst v63  }
0x136: {  	_ =	swait.ge [sflag:s20], $0x2000  }
0x137: {  	[sflag:s20] =	ssyncset.done $0x0  }
0x138: {  	s29 =	sadd.s32 $0x1, s29;
	[sflag:s20] =	ssyncadd.s32 $0xFFFFE000  }
0x139: {  	p0 =	sne.s32 s29, s12;
	[bflag:$0x0] =	sbarrier.arrive $0xFFFF  }
.Ltmp4:
0x13a: {  	s11 =	rddreg [dreg:$0x5];
	(pc) =	sbr.rel @p0 .LBB2_1-.Ltmp4, $4  }
0x13b: {  	[hbm:s11], [sflag:s30] =	dma.local [spmem:s31], $0x1E00  }
0x13c: {  	_ =	swait.ge [sflag:s20], $0x1E00  }
0x13d: {  	[sflag:s20] =	ssyncset.done $0x0  }
0x13e: {  	[sflag:s20] =	ssyncadd.s32 $0xFFFFE200  }
0x13f: {  	_ =	sfence.sel $0x180000  }
0x140: {  	[bflag:$0x0] =	sbarrier.arrive $0xFFFF  }
0x141: {  	_ =	strace $0x90000050  }
0x142: {  	s0 =	stileid.u32;
	[bflag:$0x2] =	sbarrier.arrive $0xFFFF  }
0x143: {  	p0 =	sne.s32 s0, $0x0;
	s0 =	rddreg [dreg:$0x2]  }
0x144: {  	s0 =	sadd.s32 @!p0 $0x100000, s0  }
0x145: {  	[sflag:s0] =	ssyncadd.tile.s32 @!p0 $0x1;
	_ =	shalt  }
.Lfunc_end2:
_tile_overlayer_lowered:
.L_overlay_start_2:
0x146: {  	(tag) =	ssettag $0x2  }
0x147: {  	s0 =	rddreg [dreg:$0x0];
	s2 =	stileid.u32  }
0x148: {  	s1 =	rddreg [dreg:$0x1];
	p0 =	sne.s32 s2, $0x0  }
0x149: {  	s3 =	rddreg [dreg:$0x2];
	[bflag:$0x3] =	sbarrier.arrive $0xFFFF;
	s2 =	simm.s32 @!p0 $0x1C03  }
0x14a: {  	[timem:s3], [sflag:s2] =	dma.local @!p0 [hbm:s0], s1  }
0x14b: {  	s0 =	simm.s32 @!p0 $0x3  }
0x14c: {  	_ =	swait.ge @!p0 [sflag:s0], s1  }
0x14d: {  	s1 =	ssub.s32 @!p0 $0x0, s1;
	[sflag:s0] =	ssyncset.done @!p0 $0x0  }
0x14e: {  	[sflag:s0] =	ssyncadd.s32 @!p0 s1  }
0x14f: {  	[bflag:$0x3] =	sbarrier.arrive $0xFFFF  }
0x150: {  	_ =	shalt  }

// kernel: kernel.24.cloned.1.call-start
scs
__scs_entry_jumppad:
0x0: {  	(pc) =	sbr.rel $0x88, $3  }
0x1: {  	(tag) =	ssettag $0x0;
	lr =	simm.s32 $0x1  }
0x2: {  	[smem:$0x3F91] =	sst lr;
	_ =	strace $0xD0000000  }
0x3: {  	_ = 	snop  }
0x4: {  	_ = 	snop  }
0x5: {  	_ = 	snop  }
0x6: {  	_ = 	snop  }
0x7: {  	_ = 	snop  }
__scs_overlays_trampoline_lowered:
0x8: {  	[smem:$0x3FA0] =	sst s0  }
0x9: {  	[smem:$0x3FA1] =	sst s1  }
0xa: {  	[smem:$0x3FA2] =	sst s2  }
0xb: {  	[smem:$0x3FA3] =	sst s3  }
0xc: {  	[smem:$0x3FA4] =	sst s4  }
0xd: {  	[smem:$0x3FA5] =	sst s5  }
0xe: {  	[smem:$0x3FA6] =	sst s6  }
0xf: {  	[smem:$0x3FA7] =	sst s7  }
0x10: {  	[smem:$0x3FA8] =	sst s8  }
0x11: {  	[smem:$0x3FA9] =	sst s9;
	s0 =	simm.s32 @!p0 $0x0  }
0x12: {  	s1 =	sld [smem:$0x3F8F];
	s0 =	simm.s32 @p0 $0x1  }
0x13: {  	[smem:$0x3FAA] =	sst s0;
	s0 =	simm.s32 @!p1 $0x0  }
0x14: {  	s2 =	sld [smem:$0x3F8E];
	s0 =	simm.s32 @p1 $0x1  }
0x15: {  	[smem:$0x3FAB] =	sst s0;
	s0 =	simm.s32 @!p2 $0x0  }
0x16: {  	s3 =	sld [smem:$0x3FDB];
	s0 =	simm.s32 @p2 $0x1  }
0x17: {  	s4 =	simm.s32 $0x1BF5;
	[smem:$0x3FAD] =	sst s0  }
0x18: {  	s0 =	sld [smem:$0x3F90];
	_ =	swait.ge [sflag:s4], $0x0  }
0x19: {  	s7 =	sld [smem:$0x3F91]  }
0x1a: {  	s8 =	sadd.s32 $0xFFFFE003, lr  }
0x1b: {  	s9 =	sadd.s32 $0xFFFFFEF7, lr;
	s5 =	simm.s32 $0xFFFFFFFF;
	p2 =	slt.u32 s8, $0xFFFFF086  }
0x1c: {  	p1 =	slt.u32 s9, $0xF7A;
	s5 =	simm.s32 @!p2 $0x0  }
0x1d: {  	s5 =	simm.s32 @p1 $0x1;
	p0 =	seq.s32 s7, s2  }
0x1e: {  	s7 =	smul.u32 @!p0 $0xF7A, s2;
	p2 =	seq.s32 @!p0 s5, $0x0  }
0x1f: {  	s9 =	smul.u32 $0xF7A, s1;
	s8 =	simm.s32 @!p0 $0x1BF5;
	p2 =	por !p2, p0  }
0x20: {  	[sflag:s8] =	ssyncset.s32 @!p0 $0xFFFFF086;
	s6 =	sadd.s32 @!p0 s3, s7;
	s7 =	simm.s32 @!p0 $0x108  }
0x21: {  	s3 =	sadd.s32 s3, s9;
	s6 =	sadd.s32 @!p0 $0x88, s6;
	s7 =	simm.s32 @p2 $0x1082  }
0x22: {  	[simem:s7], [sflag:s8] =	dma.local @!p0 [hbm:s6], $0xF7A  }
0x23: {  	s9 =	sor.u32 $0xD0000000, s2;
	s6 =	simm.s32 $0x108;
	_ =	swait.ge @!p0 [sflag:s8], $0x0  }
0x24: {  	s3 =	sadd.s32 $0x88, s3;
	s6 =	simm.s32 @!p1 $0x1082;
	[sflag:s4] =	ssyncset.s32 $0xFFFFF086  }
0x25: {  	[simem:s6], [sflag:s4] =	dma.local [hbm:s3], $0xF7A  }
0x26: {  	[smem:$0x3F91] =	sst s1;
	(tag) =	ssettag s2;
	_ =	strace s9  }
0x27: {  	s1 =	sld [smem:$0x3FA1]  }
0x28: {  	s2 =	sld [smem:$0x3FA2]  }
0x29: {  	s4 =	sld [smem:$0x3FA4]  }
0x2a: {  	p0 =	seq.s32 s5, $0x0;
	s5 =	sld [smem:$0x3FA5]  }
0x2b: {  	s6 =	sld [smem:$0x3FA6]  }
0x2c: {  	s7 =	sld [smem:$0x3FA7]  }
0x2d: {  	s3 =	simm.s32 $0x108;
	s8 =	sld [smem:$0x3FA8]  }
0x2e: {  	s3 =	simm.s32 @!p0 $0x1082;
	s9 =	sld [smem:$0x3FA9]  }
0x2f: {  	lr =	sadd.s32 s0, s3;
	s0 =	sld [smem:$0x3FA0]  }
0x30: {  	s3 =	sld [smem:$0x3FA3]  }
0x31: {  	[smem:$0x3FAC] =	sst s10  }
0x32: {  	s10 =	sld [smem:$0x3FAA];
	_ =	sdelay $0x3  }
0x33: {  	p0 =	seq.s32 s10, $0x1;
	s10 =	sld [smem:$0x3FAC];
	_ =	sdelay $0x3  }
0x34: {  	[smem:$0x3FAC] =	sst s10  }
0x35: {  	s10 =	sld [smem:$0x3FAB];
	_ =	sdelay $0x3  }
0x36: {  	p1 =	seq.s32 s10, $0x1;
	s10 =	sld [smem:$0x3FAC];
	_ =	sdelay $0x3  }
0x37: {  	[smem:$0x3FAC] =	sst s10  }
0x38: {  	s10 =	sld [smem:$0x3FAD]  }
0x39: {  	_ = 	snop;
	(pc) =	sbr.ind lr, $3  }
0x3a: {  	_ = 	snop  }
0x3b: {  	_ = 	snop  }
0x3c: {  	p2 =	seq.s32 s10, $0x1;
	s10 =	sld [smem:$0x3FAC]  }
0x3d: {  	_ =	shalt  }
0x3e: {  	_ =	shalt  }
0x3f: {  	_ =	shalt  }
0x40: {  	_ =	shalt  }
0x41: {  	_ =	shalt  }
0x42: {  	_ =	shalt  }
0x43: {  	_ =	shalt  }
0x44: {  	_ =	shalt  }
0x45: {  	_ =	shalt  }
0x46: {  	_ =	shalt  }
0x47: {  	_ =	shalt  }
0x48: {  	_ =	shalt  }
0x49: {  	_ =	shalt  }
0x4a: {  	_ =	shalt  }
0x4b: {  	_ =	shalt  }
0x4c: {  	_ =	shalt  }
0x4d: {  	_ =	shalt  }
0x4e: {  	_ =	shalt  }
0x4f: {  	_ =	shalt  }
0x50: {  	_ =	shalt  }
0x51: {  	_ =	shalt  }
0x52: {  	_ =	shalt  }
0x53: {  	_ =	shalt  }
0x54: {  	_ =	shalt  }
0x55: {  	_ =	shalt  }
0x56: {  	_ =	shalt  }
0x57: {  	_ =	shalt  }
0x58: {  	_ =	shalt  }
0x59: {  	_ =	shalt  }
0x5a: {  	_ =	shalt  }
0x5b: {  	_ =	shalt  }
0x5c: {  	_ =	shalt  }
0x5d: {  	_ =	shalt  }
0x5e: {  	_ =	shalt  }
0x5f: {  	_ =	shalt  }
0x60: {  	_ =	shalt  }
0x61: {  	_ =	shalt  }
0x62: {  	_ =	shalt  }
0x63: {  	_ =	shalt  }
0x64: {  	_ =	shalt  }
0x65: {  	_ =	shalt  }
0x66: {  	_ =	shalt  }
0x67: {  	_ =	shalt  }
0x68: {  	_ =	shalt  }
0x69: {  	_ =	shalt  }
0x6a: {  	_ =	shalt  }
0x6b: {  	_ =	shalt  }
0x6c: {  	_ =	shalt  }
0x6d: {  	_ =	shalt  }
0x6e: {  	_ =	shalt  }
0x6f: {  	_ =	shalt  }
0x70: {  	_ =	shalt  }
0x71: {  	_ =	shalt  }
0x72: {  	_ =	shalt  }
0x73: {  	_ =	shalt  }
0x74: {  	_ =	shalt  }
0x75: {  	_ =	shalt  }
0x76: {  	_ =	shalt  }
0x77: {  	_ =	shalt  }
0x78: {  	_ =	shalt  }
0x79: {  	_ =	shalt  }
0x7a: {  	_ =	shalt  }
0x7b: {  	_ =	shalt  }
0x7c: {  	_ =	shalt  }
0x7d: {  	_ =	shalt  }
0x7e: {  	_ =	shalt  }
0x7f: {  	_ =	shalt  }
0x80: {  	_ =	shalt  }
0x81: {  	_ =	shalt  }
0x82: {  	_ =	shalt  }
0x83: {  	_ =	shalt  }
0x84: {  	_ =	shalt  }
0x85: {  	_ =	shalt  }
0x86: {  	_ =	shalt  }
0x87: {  	_ =	shalt  }
.Lfunc_end0:
.L_simem_size_0:
called_computation.4_lowered:
.L_overlay_start_0:
0x88: {  	s2 =	sld [smem:$0x3FD9]  }
0x89: {  	s3 =	sld [smem:$0x3FFE];
	_ =	sdelay $0x1  }
0x8a: {  	s1 =	srdreg.scid  }
0x8b: {  	s0 =	sand.u32 $0x1, s1  }
0x8c: {  	s16 =	sshll.u32 s0, $0xA;
	s2 =	sadd.s32 s3, s2  }
0x8d: {  	s2 =	sadd.s32 s2, s16  }
0x8e: {  	[smem:$0x3FB8] =	sst s2  }
0x8f: {  	_ = 	snop  }
0x90: {  	(tm) =	ssettm $0x1  }
0x91: {  	s17 =	sld [smem:$0x3FFB];
	_ =	sdelay $0x3  }
0x92: {  	_ =	strace s17  }
0x93: {  	s2 =	sld [smem:$0x3FFC];
	_ =	sdelay $0x3  }
0x94: {  	_ =	strace s2  }
0x95: {  	s2 =	sld [smem:$0x3FFD];
	_ =	sdelay $0x3  }
0x96: {  	_ =	strace s2  }
0x97: {  	_ =	strace $0x8FFFFFFF  }
0x98: {  	s18 =	sld [smem:$0x3FDB];
	_ =	sdelay $0x1  }
0x99: {  	s19 =	simm.s32 $_scs_section_size  }
0x9a: {  	s4 =	simm.s32 $_size__tile_overlayer_lowered;
	s5 =	simm.s32 $_tile_overlayer_lowered  }
0x9b: {  	s22 =	simm.s32 $0x1BFF;
	s21 =	sshll.u32 s5, $0x1;
	s2 =	sadd.s32 s19, s18  }
0x9c: {  	s6 =	simm.s32 $0x0;
	s20 =	sshll.u32 s4, $0x1;
	s4 =	sadd.s32 s21, s2  }
0x9d: {  	[timem:s6], [sflag:s22] =	dma.local [hbm:s4], s20  }
0x9e: {  	_ =	swait.ge [sflag:s22], s20  }
0x9f: {  	s3 =	ssub.s32 $0x0, s20;
	[sflag:s22] =	ssyncset.done $0x0  }
0xa0: {  	[sflag:s22] =	ssyncadd.s32 s3;
	_ =	sdelay $0x1  }
0xa1: {  	s23 =	simm.s32 $0x1B8B  }
0xa2: {  	_ =	swait.ge [sflag:s23], $0x1  }
0xa3: {  	[sflag:s23] =	ssyncset.done $0x0  }
0xa4: {  	s25 =	simm.s32 $0x1B8E;
	s24 =	sld [smem:$0x3FFE];
	[sflag:s23] =	ssyncadd.s32 $0xFFFFFFFF  }
0xa5: {  	s26 =	simm.s32 $execute0_lowered;
	[smem:$0x3FD2] =	sst s25  }
0xa6: {  	s4 =	sshll.u32 s26, $0x1;
	_ =	strace $0x80000052;
	[dreg:$0x1] =	wrdreg $0xFFFFFFFF  }
0xa7: {  	s28 =	simm.s32 $_size_execute0_lowered;
	s2 =	sadd.s32 s2, s4;
	[dreg:$0x0] =	wrdreg $0x0  }
0xa8: {  	s4 =	sshll.u32 s28, $0x1;
	[dreg:$0x2] =	wrdreg s2  }
0xa9: {  	[dreg:$0x3] =	wrdreg s4  }
0xaa: {  	[dreg:$0x4] =	wrdreg $0xC0  }
0xab: {  	_ =	task [dreg:s6], $0x5FFFF  }
0xac: {  	[dreg:$0x1] =	wrdreg $0xFFFFFFFF  }
0xad: {  	[dreg:$0x0] =	wrdreg $0x60  }
0xae: {  	[dreg:$0x2] =	wrdreg s24  }
0xaf: {  	[dreg:$0x3] =	wrdreg $0x7C00  }
0xb0: {  	[dreg:$0x4] =	wrdreg $0x9  }
0xb1: {  	_ =	task.clear_ibuf [dreg:s6], $0x5FFFF;
	_ =	strace $0x90000052  }
0xb2: {  	s29 =	simm.s32 $0x9;
	_ =	strace $0x80000054  }
0xb3: {  	_ =	swait.ge [sflag:s29], $0x1  }
0xb4: {  	[sflag:s29] =	ssyncadd.s32 $0xFFFFFFFF  }
0xb5: {  	_ =	strace $0x90000054  }
0xb6: {  	_ =	sfence  }
0xb7: {  	s30 =	sld [smem:$0x0];
	_ =	sdelay $0x2  }
0xb8: {  	s31 =	sshll.u32 s1, $0xD;
	s1 =	sshrl.u32 s1, $0x2  }
0xb9: {  	s3 =	sand.u32 $0x4000, s31;
	s1 =	sadd.s32 s1, s30  }
0xba: {  	s0 =	sor.u32 s3, s0;
	s1 =	sshll.u32 s1, $0x11  }
0xbb: {  	s0 =	sor.u32 s1, s0  }
0xbc: {  	s0 =	sadd.s32 $0x8F2B, s0  }
0xbd: {  	[sflag:s0] =	ssyncadd.remote.s32 $0x1  }
0xbe: {  	_ =	sfence.sel $0xFFFF  }
0xbf: {  	[dreg:$0x0] =	wrdreg $0xFFFFFFFF;
	(pc) =	sbr.abs _section_cstart, $3  }
0xc0: {  	[dreg:$0x1] =	wrdreg $0xFFFFFFFF  }
0xc1: {  	_ =	task.clear_ibuf [dreg:s6], $0x2FFFF;
	_ =	strace $0x9FFFFFFF  }
0xc2: {  	(tm) =	ssettm $0x7FFFFFFF  }
0xc3: {  	_ =	shalt  }
tec
execute0_lowered:
.L_overlay_start_1:
0x0: {  	(tag) =	ssettag $0x1  }
0x1: {  	s6 =	rddreg [dreg:$0x0]  }
0x2: {  	s2 =	rddreg [dreg:$0x1]  }
0x3: {  	s0 =	srdreg.scid;
	s1 =	rddreg [dreg:$0x2]  }
0x4: {  	s3 =	simm.s32 $0x0;
	s12 =	simm.s32 $0x2;
	s7 =	sand.u32 $0x1, s0  }
0x5: {  	s13 =	simm.s32 $0x80;
	s0 =	stileid.u32;
	s4 =	smul.u32 $0x12800, s7  }
0x6: {  	s14 =	simm.s32 $0x100;
	s15 =	simm.s32 $0x1;
	s5 =	smul.u32 $0x1280, s0  }
0x7: {  	s18 =	simm.s32 $0x0;
	[smem:$0x7FF] =	sst s3;
	s8 =	smul.u32 $0x2C00, s7  }
0x8: {  	s9 =	smul.u32 $0x2C0, s0;
	_ =	strace $0x80000053;
	s7 =	ssub.s32 $0x2, s7  }
0x9: {  	s30 =	smul.u32 $0xB00, s0;
	s16 =	sshll.u32 s0, $0x6;
	s31 =	sshrl.u32 s7, $0x1  }
0xa: {  	s16 =	sor.u32 $0x1C02, s16;
	s5 =	sadd.s32 s5, s4;
	s4 =	sadd.s32 $0x5000, s6  }
0xb: {  	s8 =	sadd.s32 s9, s8;
	s9 =	sshrl.u32 s30, $0x2;
	s5 =	sshrl.u32 s5, $0x3  }
0xc: {  	s11 =	ssub.s32 s7, s31;
	s8 =	sshrl.u32 s8, $0x3;
	s10 =	sadd.s32 s5, s6  }
0xd: {  	s5 =	sadd.s32 $0x8C00, s6;
	s8 =	sadd.s32 s8, s6;
	s6 =	sadd.s32 s9, s2  }
0xe: {  	s7 =	sadd.s32 $0x8E00, s8;
	s8 =	smax.u32 s11, $0x1;
	s9 =	sadd.s32 $0x1F9E00, s10  }
0xf: {  	s10 =	sadd.s32 $0x1F5400, s10;
	s11 =	simm.s32 $0x500;
	s17 =	sshrl.u32 s6, $0x3  }
.LBB2_1:
0x10: {  	[tilespmem:s11], [sflag:$0x2] =	stream.linear.gather [hbm4b:s5+s3], $0x2C0, $0x38;
	[tilespmem:$0xA80] =	vst v63  }
0x11: {  	_ =	swait.ge [sflag:s12], $0x2C0  }
0x12: {  	[sflag:s12] =	ssyncset.done $0x0  }
0x13: {  	[sflag:s12] =	ssyncadd.s32 $0xFFFFFD40  }
0x14: {  	[spmem:s6] =	stream.linear.scatter [tilespmem:s11], [sflag:$0x2], $0x2C0, $0x38;
	[tilespmem:$0xA80] =	vst v63  }
0x15: {  	_ =	swait.ge [sflag:s12], $0x2C0  }
0x16: {  	[sflag:s12] =	ssyncset.done $0x0  }
0x17: {  	[sflag:s12] =	ssyncadd.s32 $0xFFFFFD40  }
0x18: {  	s19 =	sadd.s32 $0x0, s10;
	[bflag:$0x0] =	sbarrier.arrive $0xFFFF  }
0x19: {  	[tilespmem:s3], [sflag:$0x2] =	stream.linear.gather [hbm4b:s19+s3], $0x80, $0x38;
	[tilespmem:$0xA80] =	vst v63  }
0x1a: {  	_ =	swait.ge [sflag:s12], $0x80  }
0x1b: {  	[sflag:s12] =	ssyncset.done $0x0  }
0x1c: {  	s31 =	sadd.s32 $0x0, s9;
	[sflag:s12] =	ssyncadd.s32 $0xFFFFFF80  }
0x1d: {  	[tilespmem:s13], [sflag:$0x2] =	stream.linear.gather [hbm4b:s31+s3], $0x80, $0x38;
	[tilespmem:$0xA80] =	vst v63  }
0x1e: {  	_ =	swait.ge [sflag:s12], $0x80  }
0x1f: {  	[sflag:s12] =	ssyncset.done $0x0  }
0x20: {  	[sflag:s12] =	ssyncadd.s32 $0xFFFFFF80  }
0x21: {  	[tilespmem:s14], [sflag:$0x1] =	stream.indirect.gather [hbm4b:s4+s13], $0x8, s3, s13, $0xb8;
	[tilespmem:$0xA80] =	vst v63  }
0x22: {  	_ =	swait.ge [sflag:s15], $0x400  }
0x23: {  	[sflag:s15] =	ssyncset.done $0x0  }
0x24: {  	[sflag:s15] =	ssyncadd.s32 $0xFFFFFC00  }
0x25: {  	[spmem:s2] =	stream.indirect.scatter.add.f32 [tilespmem:s14], [sflag:$0x2], $0x8, s13, s13, $0xb8;
	[tilespmem:$0xA80] =	vst v63  }
0x26: {  	_ =	swait.ge [sflag:s12], $0x400  }
0x27: {  	s20 =	simm.s32 $0x20;
	s19 =	simm.s32 $0x10;
	[sflag:s12] =	ssyncset.done $0x0  }
.LBB2_2:
0x28: {  	s21 =	sadd.s32 s19, s10  }
0x29: {  	[sflag:s12] =	ssyncadd.s32 $0xFFFFFC00;
	s22 =	smov.u32 s20;
	s23 =	sadd.s32 $0x10, s20  }
0x2a: {  	[tilespmem:s3], [sflag:$0x2] =	stream.linear.gather [hbm4b:s21+s3], $0x80, $0x38;
	[tilespmem:$0xA80] =	vst v63  }
0x2b: {  	p0 =	sne.s32 s20, $0x240;
	_ =	swait.ge [sflag:s12], $0x80  }
0x2c: {  	[sflag:s12] =	ssyncset.done $0x0  }
0x2d: {  	s20 =	sadd.s32 s19, s9;
	s19 =	smov.u32 s22;
	[sflag:s12] =	ssyncadd.s32 $0xFFFFFF80  }
0x2e: {  	[tilespmem:s13], [sflag:$0x2] =	stream.linear.gather [hbm4b:s20+s3], $0x80, $0x38;
	[tilespmem:$0xA80] =	vst v63  }
0x2f: {  	_ =	swait.ge [sflag:s12], $0x80  }
0x30: {  	[sflag:s12] =	ssyncset.done $0x0  }
0x31: {  	[sflag:s12] =	ssyncadd.s32 $0xFFFFFF80  }
0x32: {  	[tilespmem:s14], [sflag:$0x1] =	stream.indirect.gather [hbm4b:s4+s13], $0x8, s3, s13, $0xb8;
	[tilespmem:$0xA80] =	vst v63  }
0x33: {  	_ =	swait.ge [sflag:s15], $0x400  }
.Ltmp0:
0x34: {  	[sflag:s15] =	ssyncset.done $0x0;
	(pc) =	sbr.rel @p0 .LBB2_2-.Ltmp0, $4  }
0x35: {  	[sflag:s15] =	ssyncadd.s32 $0xFFFFFC00  }
0x36: {  	[spmem:s2] =	stream.indirect.scatter.add.f32 [tilespmem:s14], [sflag:$0x2], $0x8, s13, s13, $0xb8;
	[tilespmem:$0xA80] =	vst v63  }
0x37: {  	_ =	swait.ge [sflag:s12], $0x400  }
0x38: {  	s20 =	smov.u32 s23;
	[sflag:s12] =	ssyncset.done $0x0  }
0x39: {  	s20 =	sadd.s32 s19, s10;
	[sflag:s12] =	ssyncadd.s32 $0xFFFFFC00  }
0x3a: {  	[tilespmem:s3], [sflag:$0x2] =	stream.linear.gather [hbm4b:s20+s3], $0x80, $0x38;
	[tilespmem:$0xA80] =	vst v63  }
0x3b: {  	_ =	swait.ge [sflag:s12], $0x80  }
0x3c: {  	[sflag:s12] =	ssyncset.done $0x0  }
0x3d: {  	s31 =	sadd.s32 s19, s9;
	[sflag:s12] =	ssyncadd.s32 $0xFFFFFF80  }
0x3e: {  	[tilespmem:s13], [sflag:$0x2] =	stream.linear.gather [hbm4b:s31+s3], $0x80, $0x38;
	[tilespmem:$0xA80] =	vst v63  }
0x3f: {  	_ =	swait.ge [sflag:s12], $0x80  }
0x40: {  	[sflag:s12] =	ssyncset.done $0x0  }
0x41: {  	[sflag:s12] =	ssyncadd.s32 $0xFFFFFF80  }
0x42: {  	[tilespmem:s14], [sflag:$0x1] =	stream.indirect.gather [hbm4b:s4+s13], $0x8, s3, s13, $0xb8;
	[tilespmem:$0xA80] =	vst v63  }
0x43: {  	_ =	swait.ge [sflag:s15], $0x400  }
0x44: {  	[sflag:s15] =	ssyncset.done $0x0  }
0x45: {  	[sflag:s15] =	ssyncadd.s32 $0xFFFFFC00  }
0x46: {  	[spmem:s2] =	stream.indirect.scatter.add.f32 [tilespmem:s14], [sflag:$0x2], $0x8, s13, s13, $0xb8;
	[tilespmem:$0xA80] =	vst v63  }
0x47: {  	_ =	swait.ge [sflag:s12], $0x400  }
0x48: {  	s18 =	sadd.s32 $0x1, s18;
	[sflag:s12] =	ssyncset.done $0x0  }
0x49: {  	p0 =	sne.s32 s18, s8;
	[sflag:s12] =	ssyncadd.s32 $0xFFFFFC00  }
.Ltmp1:
0x4a: {  	[bflag:$0x0] =	sbarrier.arrive $0xFFFF;
	(pc) =	sbr.rel @p0 .LBB2_1-.Ltmp1, $4  }
0x4b: {  	[hbm:s7], [sflag:s16] =	dma.local [spmem:s17], $0x58  }
0x4c: {  	_ =	swait.ge [sflag:s12], $0x58  }
0x4d: {  	[sflag:s12] =	ssyncset.done $0x0  }
0x4e: {  	[sflag:s12] =	ssyncadd.s32 $0xFFFFFFA8  }
0x4f: {  	_ =	sfence.sel $0x180000  }
0x50: {  	[bflag:$0x0] =	sbarrier.arrive $0xFFFF  }
0x51: {  	p0 =	sne.s32 s0, $0x0;
	_ =	strace $0x90000053  }
0x52: {  	s0 =	sadd.s32 @!p0 $0x100000, s1;
	[bflag:$0x2] =	sbarrier.arrive $0xFFFF  }
0x53: {  	[sflag:s0] =	ssyncadd.tile.s32 @!p0 $0x1;
	_ =	shalt  }
.Lfunc_end2:
_tile_overlayer_lowered:
.L_overlay_start_2:
0x54: {  	(tag) =	ssettag $0x2  }
0x55: {  	s0 =	rddreg [dreg:$0x0];
	s2 =	stileid.u32  }
0x56: {  	s1 =	rddreg [dreg:$0x1];
	p0 =	sne.s32 s2, $0x0  }
0x57: {  	s3 =	rddreg [dreg:$0x2];
	[bflag:$0x3] =	sbarrier.arrive $0xFFFF;
	s2 =	simm.s32 @!p0 $0x1C02  }
0x58: {  	[timem:s3], [sflag:s2] =	dma.local @!p0 [hbm:s0], s1  }
0x59: {  	s0 =	simm.s32 @!p0 $0x2  }
0x5a: {  	_ =	swait.ge @!p0 [sflag:s0], s1  }
0x5b: {  	s1 =	ssub.s32 @!p0 $0x0, s1;
	[sflag:s0] =	ssyncset.done @!p0 $0x0  }
0x5c: {  	[sflag:s0] =	ssyncadd.s32 @!p0 s1  }
0x5d: {  	[bflag:$0x3] =	sbarrier.arrive $0xFFFF  }
0x5e: {  	_ =	shalt  }

</sc_bundles>
